<compile_context>
chip_gen: v7x
topology: tpu7x:2x2x1
jax: 0.10.2.dev20260603
libtpu: 0.0.44.dev20260713+nightly
codegen_flags: <defaults>
</compile_context>

<pallas_src>
import functools

import jax
import jax.numpy as jnp
from jax import lax
from jax.experimental import pallas as pl
from jax.experimental.pallas import tpu as pltpu
from jax.experimental.pallas import tpu_sc as plsc

F32 = jnp.float32
BF16 = jnp.bfloat16
C = 512
H = 9

_PAR = pltpu.CompilerParams(dimension_semantics=("parallel",))


def _dot(a, b):
    return jnp.dot(a, b, preferred_element_type=F32)


def _valid_mask(S, L, T):
    i = lax.broadcasted_iota(jnp.int32, (S, 1), 0)
    return lax.rem(i, jnp.int32(L)) < T


def _resblock_flat(fr, S, T, w1_ref, b1_ref, w2_ref, b2_ref, j, dil,
                   mask):
    h1 = jnp.maximum(fr[:], 0.0).astype(BF16)
    acc = b1_ref[0:1, :]
    for k in range(3):
        off = H - dil + k * dil
        acc = acc + _dot(h1[off:off + S, :], w1_ref[j, k])
    h2 = jnp.maximum(acc, 0.0).astype(BF16)
    y = fr[H:H + S, :] + b2_ref[0:1, :] + _dot(h2, w2_ref[j])
    fr[H:H + S, :] = jnp.where(mask, y, 0.0)


def _e0(x, w, b, B):
    n, T, Din = x.shape
    L = T + 2
    S = B * L

    def body(x_ref, w_ref, b_ref, o_ref, fr):
        fr[:] = jnp.zeros((S + 2, Din), BF16)
        for bb in range(B):
            fr[bb * L + 1:bb * L + 1 + T, :] = x_ref[bb].astype(BF16)
        acc = b_ref[0:1, :]
        for k in range(3):
            acc = acc + _dot(fr[k:k + S, :], w_ref[k])
        acc = jnp.maximum(acc, 0.0)
        for bb in range(B):
            o_ref[bb] = acc[bb * L:bb * L + T, :]

    return pl.pallas_call(
        body,
        grid=(n // B,),
        in_specs=[
            pl.BlockSpec((B, T, Din), lambda i: (i, 0, 0)),
            pl.BlockSpec(w.shape, lambda i: (0, 0, 0)),
            pl.BlockSpec(b.shape, lambda i: (0, 0)),
        ],
        out_specs=pl.BlockSpec((B, T, C), lambda i: (i, 0, 0)),
        out_shape=jax.ShapeDtypeStruct((n, T, C), F32),
        scratch_shapes=[pltpu.VMEM((S + 2, Din), BF16)],
        compiler_params=_PAR,
    )(x, w, b)


def _enc_stage(h2c, wd, bd, w1, b1, w2, b2, B, wo=None, bo=None):
    n, T, _ = h2c.shape
    L2 = T + 2
    S2 = B * L2
    L = T + 2 * H
    S = B * L

    def body(x_ref, wd_ref, bd_ref, w1_ref, b1_ref, w2_ref, b2_ref,
             *rest):
        if wo is not None:
            wo_ref, bo_ref, out_ref, pf, fr = rest
        else:
            out_ref, pf, fr = rest
        pf[:] = jnp.zeros((S2 + 2, 2 * C), BF16)
        for bb in range(B):
            pf[bb * L2 + 1:bb * L2 + 1 + T, :] = x_ref[bb].astype(BF16)
        acc = bd_ref[0:1, :]
        acc = acc + _dot(pf[0:S2, C:], wd_ref[0])
        acc = acc + _dot(pf[1:S2 + 1, :C], wd_ref[1])
        acc = acc + _dot(pf[1:S2 + 1, C:], wd_ref[2])
        acc = acc + _dot(pf[2:S2 + 2, :C], wd_ref[3])
        fr[:] = jnp.zeros((S + 2 * H, C), F32)
        for bb in range(B):
            fr[bb * L + H:bb * L + H + T, :] = \
                acc[bb * L2:bb * L2 + T, :]
        mask = _valid_mask(S, L, T)
        for j, dil in enumerate((1, 3, 9)):
            _resblock_flat(fr, S, T, w1_ref, b1_ref[j:j + 1],
                           w2_ref, b2_ref[j:j + 1], j, dil, mask)
        if wo is not None:
            f = jnp.asarray(fr[:]).astype(BF16)
            o = bo_ref[0:1, :]
            for k in range(3):
                o = o + _dot(f[H - 1 + k:H - 1 + k + S, :], wo_ref[k])
            for bb in range(B):
                out_ref[bb] = o[bb * L:bb * L + T, :]
        else:
            for bb in range(B):
                out_ref[bb] = fr[bb * L + H:bb * L + H + T, :]

    args = [h2c, wd, bd, w1, b1, w2, b2]
    if wo is not None:
        args += [wo, bo]
    in_specs = [pl.BlockSpec((B, T, 2 * C), lambda i: (i, 0, 0))]
    in_specs += [pl.BlockSpec(a.shape, lambda i, r=a.ndim: (0,) * r)
                 for a in args[1:]]
    return pl.pallas_call(
        body,
        grid=(n // B,),
        in_specs=in_specs,
        out_specs=pl.BlockSpec((B, T, C), lambda i: (i, 0, 0)),
        out_shape=jax.ShapeDtypeStruct((n, T, C), F32),
        scratch_shapes=[pltpu.VMEM((S2 + 2, 2 * C), BF16),
                        pltpu.VMEM((S + 2 * H, C), F32)],
        compiler_params=_PAR,
    )(*args)


def _vq(xe4, cbT):
    NT, G, _, D = xe4.shape
    K = cbT.shape[2]

    def body(xg_ref, cbT_ref, idx_ref, cm_ref):
        g = pl.program_id(0)
        X = xg_ref[:, 0, 0, :]
        Ct = cbT_ref[0]
        S = jnp.dot(X.astype(BF16), Ct.astype(BF16),
                    preferred_element_type=F32)
        cn = jnp.sum(Ct * Ct, axis=0, keepdims=True)
        d = cn - 2.0 * S
        m = jnp.min(d, axis=1, keepdims=True)
        iota = lax.broadcasted_iota(jnp.int32, (NT, K), 1)
        sel = jnp.where(d <= m, iota, jnp.int32(2 ** 30))
        idx = jnp.min(sel, axis=1, keepdims=True)
        idx_ref[:, 0, 0, :] = idx + g * K
        xn = jnp.sum(X * X)
        cm_ref[0] = (jnp.sum(m) + xn).reshape(1, 1)

    return pl.pallas_call(
        body,
        grid=(G,),
        in_specs=[
            pl.BlockSpec((NT, 1, 1, D), lambda g: (0, g, 0, 0)),
            pl.BlockSpec((1, D, K), lambda g: (g, 0, 0)),
        ],
        out_specs=[
            pl.BlockSpec((NT, 1, 1, 1), lambda g: (0, g, 0, 0)),
            pl.BlockSpec((1, 1, 1), lambda g: (g, 0, 0)),
        ],
        out_shape=[
            jax.ShapeDtypeStruct((NT, G, 1, 1), jnp.int32),
            jax.ShapeDtypeStruct((G, 1, 1), F32),
        ],
        compiler_params=_PAR,
    )(xe4, cbT)


def _sc_gather(cb2, idx):
    B, D = idx.shape[0], cb2.shape[1]
    NW = 32
    bpw = B // NW
    mesh = plsc.VectorSubcoreMesh(core_axis_name="c", subcore_axis_name="s")

    @functools.partial(
        pl.kernel, mesh=mesh,
        out_type=jax.ShapeDtypeStruct((B, D), F32),
        scratch_types=[
            pltpu.VMEM((bpw,), jnp.int32),
            pltpu.VMEM((bpw, D), F32),
            pltpu.SemaphoreType.DMA,
        ],
    )
    def k(cb_hbm, idx_hbm, out_hbm, idx_v, rows_v, sem):
        wid = lax.axis_index("s") * 2 + lax.axis_index("c")
        base = wid * bpw
        pltpu.sync_copy(idx_hbm.at[pl.ds(base, bpw)], idx_v)
        pltpu.async_copy(cb_hbm.at[idx_v], rows_v, sem).wait()
        pltpu.sync_copy(rows_v, out_hbm.at[pl.ds(base, bpw)])

    return k(cb2, idx)


def _dec_stage(xin, w0, b0, w1, b1, w2, b2, wu, bu, first_conv, B):
    n, T, _ = xin.shape
    L1 = T + 2
    S1 = B * L1
    L = T + 2 * H
    S = B * L

    def body(x_ref, *rest):
        if first_conv:
            w0_ref, b0_ref = rest[0], rest[1]
            rest = rest[2:]
            w1_ref, b1_ref, w2_ref, b2_ref, wu_ref, bu_ref, y_ref, qf, \
                fr = rest
        else:
            w1_ref, b1_ref, w2_ref, b2_ref, wu_ref, bu_ref, y_ref, \
                fr = rest
        fr[:] = jnp.zeros((S + 2 * H, C), F32)
        if first_conv:
            qf[:] = jnp.zeros((S1 + 2, C), BF16)
            for bb in range(B):
                qf[bb * L1 + 1:bb * L1 + 1 + T, :] = \
                    x_ref[bb].astype(BF16)
            acc = b0_ref[0:1, :]
            for k in range(3):
                acc = acc + _dot(qf[k:k + S1, :], w0_ref[k])
            acc = jnp.maximum(acc, 0.0)
            for bb in range(B):
                fr[bb * L + H:bb * L + H + T, :] = \
                    acc[bb * L1:bb * L1 + T, :]
        else:
            for bb in range(B):
                fr[bb * L + H:bb * L + H + T, :] = x_ref[bb]
        mask = _valid_mask(S, L, T)
        for j, dil in enumerate((9, 3, 1)):
            _resblock_flat(fr, S, T, w1_ref, b1_ref[j:j + 1],
                           w2_ref, b2_ref[j:j + 1], j, dil, mask)
        f = jnp.asarray(fr[:]).astype(BF16)
        fm1 = f[H - 1:H - 1 + S, :]
        f0 = f[H:H + S, :]
        fp1 = f[H + 1:H + 1 + S, :]
        ye = bu_ref[0:1, :] + _dot(fm1, wu_ref[0]) \
            + _dot(f0, wu_ref[1]) + _dot(f0, wu_ref[2])
        yo = bu_ref[0:1, :] + _dot(f0, wu_ref[0]) \
            + _dot(f0, wu_ref[1]) + _dot(fp1, wu_ref[2])
        y2 = jnp.concatenate([ye, yo], axis=1)
        for bb in range(B):
            y_ref[bb] = y2[bb * L:bb * L + T, :]

    args = [xin]
    if first_conv:
        args += [w0, b0]
    args += [w1, b1, w2, b2, wu, bu]
    in_specs = [pl.BlockSpec((B, T, C), lambda i: (i, 0, 0))]
    in_specs += [pl.BlockSpec(a.shape, lambda i, r=a.ndim: (0,) * r)
                 for a in args[1:]]
    scratch = [pltpu.VMEM((S1 + 2, C), BF16)] if first_conv else []
    scratch += [pltpu.VMEM((S + 2 * H, C), F32)]
    return pl.pallas_call(
        body,
        grid=(n // B,),
        in_specs=in_specs,
        out_specs=pl.BlockSpec((B, T, 2 * C), lambda i: (i, 0, 0)),
        out_shape=jax.ShapeDtypeStruct((n, T, 2 * C), F32),
        scratch_shapes=scratch,
        compiler_params=_PAR,
    )(*args)


def _dtail(x, w1, b1, w2, b2, B):
    n, T, _ = x.shape
    L = T + 2
    S = B * L
    Dout = w2.shape[2]

    def body(x_ref, w1_ref, b1_ref, w2_ref, b2_ref, o_ref, f1, f2):
        f1[:] = jnp.zeros((S + 2, C), BF16)
        for bb in range(B):
            f1[bb * L + 1:bb * L + 1 + T, :] = x_ref[bb].astype(BF16)
        acc = b1_ref[0:1, :]
        for k in range(3):
            acc = acc + _dot(f1[k:k + S, :], w1_ref[k])
        acc = jnp.maximum(acc, 0.0).astype(BF16)
        mask = _valid_mask(S, L, T)
        f2[:] = jnp.zeros((S + 2, C), BF16)
        f2[1:S + 1, :] = jnp.where(mask, acc, jnp.array(0.0, BF16))
        o = b2_ref[0:1, :]
        for k in range(3):
            o = o + _dot(f2[k:k + S, :], w2_ref[k])
        for bb in range(B):
            o_ref[bb] = o[bb * L:bb * L + T, :]

    return pl.pallas_call(
        body,
        grid=(n // B,),
        in_specs=[
            pl.BlockSpec((B, T, C), lambda i: (i, 0, 0)),
            pl.BlockSpec(w1.shape, lambda i: (0, 0, 0)),
            pl.BlockSpec(b1.shape, lambda i: (0, 0)),
            pl.BlockSpec(w2.shape, lambda i: (0, 0, 0)),
            pl.BlockSpec(b2.shape, lambda i: (0, 0)),
        ],
        out_specs=pl.BlockSpec((B, T, Dout), lambda i: (i, 0, 0)),
        out_shape=jax.ShapeDtypeStruct((n, T, Dout), F32),
        scratch_shapes=[pltpu.VMEM((S + 2, C), BF16),
                        pltpu.VMEM((S + 2, C), BF16)],
        compiler_params=_PAR,
    )(x, w1, b1, w2, b2)


def kernel(x, ew0, eb0, edw, edb, er1w, er1b, er2w, er2b, ewo, ebo, dw0,
           db0, dr1w, dr1b, dr2w, dr2b, duw, dub, dw1, db1, dw2, db2, cb):
    n = x.shape[0]
    b2d = lambda b: b.reshape(1, -1)
    tb = lambda w, perm: jnp.transpose(w.astype(BF16), perm)

    ew0_t = tb(ew0, (2, 1, 0))
    edw_t = tb(edw, (0, 3, 2, 1))
    er1w_t = tb(er1w, (0, 1, 4, 3, 2))
    er2w_t = tb(er2w[..., 0], (0, 1, 3, 2))
    ewo_t = tb(ewo, (2, 1, 0))
    dw0_t = tb(dw0, (2, 1, 0))
    dr1w_t = tb(dr1w, (0, 1, 4, 3, 2))
    dr2w_t = tb(dr2w[..., 0], (0, 1, 3, 2))
    up_w = tb(duw, (0, 3, 2, 1))
    dw1_t = tb(dw1, (2, 1, 0))
    dw2_t = tb(dw2, (2, 1, 0))
    cbT = jnp.transpose(cb, (0, 2, 1))

    h = _e0(x, ew0_t, b2d(eb0), 8)
    for i in range(3):
        h2c = h.reshape(n, h.shape[1] // 2, 2 * C)
        B = 8 if h2c.shape[1] >= 128 else 16
        h = _enc_stage(h2c, edw_t[i], b2d(edb[i]), er1w_t[i],
                       er1b[i], er2w_t[i], er2b[i], B,
                       wo=ewo_t if i == 2 else None,
                       bo=b2d(ebo) if i == 2 else None)

    nt = h.shape[0] * h.shape[1]
    xe4 = h.reshape(nt, 8, 1, 64)
    idx4, cm = _vq(xe4, cbT)
    commit = jnp.sum(cm) / (nt * C)
    cb_pad = jnp.pad(cb.reshape(-1, 64), ((0, 0), (0, 64)))
    q2 = _sc_gather(cb_pad, idx4.reshape(-1))
    q = q2[:, :64].reshape(n, -1, C)

    for i in range(3):
        first = i == 0
        xin = q if first else h
        B = 8 if xin.shape[1] >= 128 else 16
        y = _dec_stage(xin, dw0_t if first else None,
                       b2d(db0) if first else None,
                       dr1w_t[i], dr1b[i], dr2w_t[i], dr2b[i],
                       up_w[i], b2d(dub[i]), first, B)
        h = y.reshape(n, -1, C)
    x_out = _dtail(h, dw1_t, b2d(db1), dw2_t, b2d(db2), 8)
    return jnp.transpose(x_out, (0, 2, 1)), commit, jnp.array(1)

# --- scband reference (transcript-rebuilt; emitter-appended) ---
"""Pipeline reference for scband-rvqvae-71201967833981 (READ-ONLY COPY).

The authoritative reference and input builder live on the scoring server;
editing this copy changes nothing except your own understanding.
"""

import jax, jax.numpy as jnp
import numpy as np

def conv1d(x, w, b, stride=1, padding=0, dilation=1):
    y = jax.lax.conv_general_dilated(x, w, (stride,), [(padding, padding)], rhs_dilation=(dilation,), dimension_numbers=('NCH', 'OIH', 'NCH'))
    return y + b[None, :, None]

def resblock(x, w1, b1, w2, b2, dil):
    h = jax.nn.relu(x)
    h = conv1d(h, w1, b1, stride=1, padding=dil, dilation=dil)
    h = jax.nn.relu(h)
    h = conv1d(h, w2, b2, stride=1, padding=0)
    return x + h

def grouped_vq(xe, cb):
    N, T, C = xe.shape
    G, K, D = cb.shape
    xg = xe.reshape(N, T, G, D)
    d = jnp.sum(xg * xg, axis=-1)[..., None] + jnp.sum(cb * cb, axis=-1)[None, None] - 2.0 * jnp.einsum('ntgd,gkd->ntgk', xg, cb)
    idx = jnp.argmin(d, axis=-1)
    q = cb[jnp.arange(G)[None, None, :], idx]
    commit = jnp.mean((xg - jax.lax.stop_gradient(q)) ** 2)
    q_st = xg + jax.lax.stop_gradient(q - xg)
    return q_st.reshape(N, T, C), idx, commit

def _forward(x, ew0, eb0, edw, edb, er1w, er1b, er2w, er2b, ewo, ebo, dw0, db0, dr1w, dr1b, dr2w, dr2b, duw, dub, dw1, db1, dw2, db2, cb):
    down_t, depth, rate = 3, 3, 3
    h = jax.nn.relu(conv1d(jnp.transpose(x, (0, 2, 1)), ew0, eb0, padding=1))
    for i in range(down_t):
        h = conv1d(h, edw[i], edb[i], stride=2, padding=1)
        for j in range(depth):
            h = resblock(h, er1w[i, j], er1b[i, j], er2w[i, j], er2b[i, j], rate ** j)
    h = conv1d(h, ewo, ebo, padding=1)
    xe = jnp.transpose(h, (0, 2, 1))
    q, idx, commit = grouped_vq(xe, cb)
    h = jax.nn.relu(conv1d(jnp.transpose(q, (0, 2, 1)), dw0, db0, padding=1))
    for i in range(down_t):
        for j in range(depth):
            h = resblock(h, dr1w[i, j], dr1b[i, j], dr2w[i, j], dr2b[i, j], rate ** (depth - 1 - j))
        h = jnp.repeat(h, 2, axis=-1)
        h = conv1d(h, duw[i], dub[i], padding=1)
    h = jax.nn.relu(conv1d(h, dw1, db1, padding=1))
    x_out = conv1d(h, dw2, db2, padding=1)
    return x_out, commit

def setup_inputs(seed: int = 0):
    key = jax.random.key(seed)
    W, D_in, C = 512, 263, 512
    def p(i, shape):
        return jax.random.normal(jax.random.fold_in(key, i), shape, jnp.float32) * 0.02
    inp = {}
    inp['x'] = jax.random.normal(jax.random.fold_in(key, 100), (32, 256, D_in), jnp.float32)
    inp['ew0'] = p(1, (W, D_in, 3)); inp['eb0'] = jnp.zeros((W,), jnp.float32)
    inp['edw'] = p(2, (3, W, W, 4)); inp['edb'] = jnp.zeros((3, W), jnp.float32)
    inp['er1w'] = p(3, (3, 3, W, W, 3)); inp['er1b'] = jnp.zeros((3, 3, W), jnp.float32)
    inp['er2w'] = p(4, (3, 3, W, W, 1)); inp['er2b'] = jnp.zeros((3, 3, W), jnp.float32)
    inp['ewo'] = p(5, (C, W, 3)); inp['ebo'] = jnp.zeros((C,), jnp.float32)
    inp['dw0'] = p(6, (W, C, 3)); inp['db0'] = jnp.zeros((W,), jnp.float32)
    inp['dr1w'] = p(7, (3, 3, W, W, 3)); inp['dr1b'] = jnp.zeros((3, 3, W), jnp.float32)
    inp['dr2w'] = p(8, (3, 3, W, W, 1)); inp['dr2b'] = jnp.zeros((3, 3, W), jnp.float32)
    inp['duw'] = p(9, (3, W, W, 3)); inp['dub'] = jnp.zeros((3, W), jnp.float32)
    inp['dw1'] = p(10, (W, W, 3)); inp['db1'] = jnp.zeros((W,), jnp.float32)
    inp['dw2'] = p(11, (D_in, W, 3)); inp['db2'] = jnp.zeros((D_in,), jnp.float32)
    inp['cb'] = p(12, (8, 1024, 64))
    return inp

def reference(x, ew0, eb0, edw, edb, er1w, er1b, er2w, er2b, ewo, ebo, dw0, db0, dr1w, dr1b, dr2w, dr2b, duw, dub, dw1, db1, dw2, db2, cb):
    x_out, commit = _forward(x, ew0, eb0, edw, edb, er1w, er1b, er2w, er2b, ewo, ebo, dw0, db0, dr1w, dr1b, dr2w, dr2b, duw, dub, dw1, db1, dw2, db2, cb)
    return (x_out, commit, jnp.array(1))

if __name__ == "__main__":
    import jax
    _d = setup_inputs()
    print(jax.jit(kernel)(*tuple(_d.values())))

</pallas_src>

<mosaic_0001>
#map = affine_map<(d0, d1) -> (0, 0)>
#map1 = affine_map<(d0, d1) -> (0)>
module attributes {stable_mosaic.version = 14 : i64} {
  func.func @k(%arg0: i32, %arg1: i32, %arg2: memref<8192x128xf32, #tpu.memory_space<hbm>>, %arg3: memref<8192xi32, #tpu.memory_space<hbm>>, %arg4: memref<8192x128xf32, #tpu.memory_space<hbm>>, %arg5: memref<256xi32, #tpu.memory_space<vmem>>, %arg6: memref<256x128xf32, #tpu.memory_space<vmem>>, %arg7: memref<!tpu.dma_semaphore, #tpu.memory_space<semaphore_mem>>) attributes {dimension_semantics = [#tpu.dimension_semantics<core_parallel>, #tpu.dimension_semantics<subcore_parallel>], iteration_bounds = array<i64: 2, 16>, scalar_prefetch = 0 : i64, scratch_operands = 3 : i64, tpu.core_type = #tpu.core_type<sc_vector_subcore>, window_params = [{transform_indices = #map}, {transform_indices = #map1}, {transform_indices = #map}]} {
    %mul3A = arith.constant 2 : i32
    %mul3A_0 = arith.muli %arg1, %mul3A : i32
    %add3A = arith.addi %mul3A_0, %arg0 : i32
    %mul3A_1 = arith.constant 256 : i32
    %mul3A_2 = arith.muli %add3A, %mul3A_1 : i32
    "tpu.region"() ({
      %run_scoped3A = tpu.sem_alloc : memref<!tpu.dma_semaphore, #tpu.memory_space<semaphore_mem>>
      %dma_start3A_7 = tpu.memref_slice %arg3[%mul3A_2] : memref<8192xi32, #tpu.memory_space<hbm>> -> memref<256xi32, #tpu.memory_space<hbm>>
      %dma_start3A_8 = tpu.memref_slice %arg3[%mul3A_2] : memref<8192xi32, #tpu.memory_space<hbm>> -> memref<256xi32, #tpu.memory_space<hbm>>
      tpu.enqueue_dma source(%dma_start3A_8 : memref<256xi32, #tpu.memory_space<hbm>>) target(%arg5 : memref<256xi32, #tpu.memory_space<vmem>>) target_semaphore(%run_scoped3A : memref<!tpu.dma_semaphore, #tpu.memory_space<semaphore_mem>>)
      %dma_wait3A_9 = tpu.memref_slice %arg3[%mul3A_2] : memref<8192xi32, #tpu.memory_space<hbm>> -> memref<256xi32, #tpu.memory_space<hbm>>
      %dma_wait3A_10 = tpu.memref_slice %arg3[%mul3A_2] : memref<8192xi32, #tpu.memory_space<hbm>> -> memref<256xi32, #tpu.memory_space<hbm>>
      tpu.wait_dma2 semaphore(%run_scoped3A : memref<!tpu.dma_semaphore, #tpu.memory_space<semaphore_mem>>) src(%dma_wait3A_10 : memref<256xi32, #tpu.memory_space<hbm>>) dst(%arg5 : memref<256xi32, #tpu.memory_space<vmem>>)
      tpu.yield
    }) : () -> ()
    %dma_start3A = arith.constant 0 : i32
    %dma_start3A_3 = arith.constant 0 : i32
    %dma_start3A_4 = tpu.memref_slice %arg2[%dma_start3A, %dma_start3A_3] : memref<8192x128xf32, #tpu.memory_space<hbm>> -> memref<8192x128xf32, #tpu.memory_space<hbm>>
    tpu.enqueue_indirect_dma source(%dma_start3A_4 : memref<8192x128xf32, #tpu.memory_space<hbm>>) target(%arg6 : memref<256x128xf32, #tpu.memory_space<vmem>>) offsets(%arg5 : memref<256xi32, #tpu.memory_space<vmem>>) semaphore(%arg7 : memref<!tpu.dma_semaphore, #tpu.memory_space<semaphore_mem>>)
    %dma_wait3A = arith.constant 0 : i32
    %dma_wait3A_5 = arith.constant 0 : i32
    %dma_wait3A_6 = tpu.memref_slice %arg2[%dma_wait3A, %dma_wait3A_5] : memref<8192x128xf32, #tpu.memory_space<hbm>> -> memref<8192x128xf32, #tpu.memory_space<hbm>>
    tpu.wait_indirect_dma semaphore(%arg7 : memref<!tpu.dma_semaphore, #tpu.memory_space<semaphore_mem>>) src(%dma_wait3A_6 : memref<8192x128xf32, #tpu.memory_space<hbm>>) dst(%arg6 : memref<256x128xf32, #tpu.memory_space<vmem>>)
    "tpu.region"() ({
      %run_scoped3A = tpu.sem_alloc : memref<!tpu.dma_semaphore, #tpu.memory_space<semaphore_mem>>
      %dma_start3A_7 = arith.constant 0 : i32
      %dma_start3A_8 = tpu.memref_slice %arg4[%mul3A_2, %dma_start3A_7] : memref<8192x128xf32, #tpu.memory_space<hbm>> -> memref<256x128xf32, #tpu.memory_space<hbm>>
      %dma_start3A_9 = arith.constant 0 : i32
      %dma_start3A_10 = tpu.memref_slice %arg4[%mul3A_2, %dma_start3A_9] : memref<8192x128xf32, #tpu.memory_space<hbm>> -> memref<256x128xf32, #tpu.memory_space<hbm>>
      tpu.enqueue_dma source(%arg6 : memref<256x128xf32, #tpu.memory_space<vmem>>) target(%dma_start3A_10 : memref<256x128xf32, #tpu.memory_space<hbm>>) target_semaphore(%run_scoped3A : memref<!tpu.dma_semaphore, #tpu.memory_space<semaphore_mem>>)
      %dma_wait3A_11 = arith.constant 0 : i32
      %dma_wait3A_12 = tpu.memref_slice %arg4[%mul3A_2, %dma_wait3A_11] : memref<8192x128xf32, #tpu.memory_space<hbm>> -> memref<256x128xf32, #tpu.memory_space<hbm>>
      %dma_wait3A_13 = arith.constant 0 : i32
      %dma_wait3A_14 = tpu.memref_slice %arg4[%mul3A_2, %dma_wait3A_13] : memref<8192x128xf32, #tpu.memory_space<hbm>> -> memref<256x128xf32, #tpu.memory_space<hbm>>
      tpu.wait_dma2 semaphore(%run_scoped3A : memref<!tpu.dma_semaphore, #tpu.memory_space<semaphore_mem>>) src(%arg6 : memref<256x128xf32, #tpu.memory_space<vmem>>) dst(%dma_wait3A_14 : memref<256x128xf32, #tpu.memory_space<hbm>>)
      tpu.yield
    }) : () -> ()
    return
  }
}

module attributes {stable_mosaic.version = 14 : i64} {
  func.func @body(%arg0: i32, %arg1: memref<8x256x263xf32, #tpu.memory_space<vmem>>, %arg2: memref<3x263x512xbf16, #tpu.memory_space<vmem>>, %arg3: memref<1x512xf32, #tpu.memory_space<vmem>>, %arg4: memref<8x256x512xf32, #tpu.memory_space<vmem>>, %arg5: memref<2066x263xbf16, #tpu.memory_space<vmem>>) attributes {dimension_semantics = [#tpu.dimension_semantics<parallel>], iteration_bounds = array<i64: 4>, scalar_prefetch = 0 : i64, scratch_operands = 1 : i64, tpu.core_type = #tpu.core_type<tc>, window_params = [{transform_indices = @transform_0, window_bounds = array<i64: 8, 256, 263>}, {pipeline_mode = #tpu.pipeline_mode<synchronous>, transform_indices = @transform_1, window_bounds = array<i64: 3, 263, 512>}, {pipeline_mode = #tpu.pipeline_mode<synchronous>, transform_indices = @transform_2, window_bounds = array<i64: 1, 512>}, {transform_indices = @transform_3, window_bounds = array<i64: 8, 256, 512>}]} {
    %broadcast_in_dim3A = arith.constant 0.000000e+00 : bf16
    %broadcast_in_dim3A_0 = vector.broadcast %broadcast_in_dim3A : bf16 to vector<2066x263xbf16>
    %swap3A = arith.constant 0 : index
    %swap3A_1 = arith.constant 0 : index
    %swap3A_2 = vector.load %arg5[%swap3A, %swap3A_1] : memref<2066x263xbf16, #tpu.memory_space<vmem>>, vector<2066x263xbf16>
    tpu.vector_store %arg5[%swap3A, %swap3A_1], %broadcast_in_dim3A_0 {strides = array<i32>} : memref<2066x263xbf16, #tpu.memory_space<vmem>>, vector<2066x263xbf16>,
    %get3A = arith.constant 0 : index
    %get3A_3 = arith.constant 0 : index
    %get3A_4 = arith.constant 0 : index
    %get3A_5 = vector.load %arg1[%get3A, %get3A_3, %get3A_4] : memref<8x256x263xf32, #tpu.memory_space<vmem>>, vector<1x256x263xf32>
    %get3A_6 = vector.shape_cast %get3A_5 : vector<1x256x263xf32> to vector<256x263xf32>
    %convert_element_type3A = arith.truncf %get3A_6 : vector<256x263xf32> to vector<256x263xbf16>
    %swap3A_7 = arith.constant 1 : index
    %swap3A_8 = arith.constant 0 : index
    %swap3A_9 = vector.load %arg5[%swap3A_7, %swap3A_8] : memref<2066x263xbf16, #tpu.memory_space<vmem>>, vector<256x263xbf16>
    tpu.vector_store %arg5[%swap3A_7, %swap3A_8], %convert_element_type3A {strides = array<i32>} : memref<2066x263xbf16, #tpu.memory_space<vmem>>, vector<256x263xbf16>,
    %get3A_10 = arith.constant 1 : index
    %get3A_11 = arith.constant 0 : index
    %get3A_12 = arith.constant 0 : index
    %get3A_13 = vector.load %arg1[%get3A_10, %get3A_11, %get3A_12] : memref<8x256x263xf32, #tpu.memory_space<vmem>>, vector<1x256x263xf32>
    %get3A_14 = vector.shape_cast %get3A_13 : vector<1x256x263xf32> to vector<256x263xf32>
    %convert_element_type3A_15 = arith.truncf %get3A_14 : vector<256x263xf32> to vector<256x263xbf16>
    %swap3A_16 = arith.constant 259 : index
    %swap3A_17 = arith.constant 0 : index
    %swap3A_18 = vector.load %arg5[%swap3A_16, %swap3A_17] : memref<2066x263xbf16, #tpu.memory_space<vmem>>, vector<256x263xbf16>
    tpu.vector_store %arg5[%swap3A_16, %swap3A_17], %convert_element_type3A_15 {strides = array<i32>} : memref<2066x263xbf16, #tpu.memory_space<vmem>>, vector<256x263xbf16>,
    %get3A_19 = arith.constant 2 : index
    %get3A_20 = arith.constant 0 : index
    %get3A_21 = arith.constant 0 : index
    %get3A_22 = vector.load %arg1[%get3A_19, %get3A_20, %get3A_21] : memref<8x256x263xf32, #tpu.memory_space<vmem>>, vector<1x256x263xf32>
    %get3A_23 = vector.shape_cast %get3A_22 : vector<1x256x263xf32> to vector<256x263xf32>
    %convert_element_type3A_24 = arith.truncf %get3A_23 : vector<256x263xf32> to vector<256x263xbf16>
    %swap3A_25 = arith.constant 517 : index
    %swap3A_26 = arith.constant 0 : index
    %swap3A_27 = vector.load %arg5[%swap3A_25, %swap3A_26] : memref<2066x263xbf16, #tpu.memory_space<vmem>>, vector<256x263xbf16>
    tpu.vector_store %arg5[%swap3A_25, %swap3A_26], %convert_element_type3A_24 {strides = array<i32>} : memref<2066x263xbf16, #tpu.memory_space<vmem>>, vector<256x263xbf16>,
    %get3A_28 = arith.constant 3 : index
    %get3A_29 = arith.constant 0 : index
    %get3A_30 = arith.constant 0 : index
    %get3A_31 = vector.load %arg1[%get3A_28, %get3A_29, %get3A_30] : memref<8x256x263xf32, #tpu.memory_space<vmem>>, vector<1x256x263xf32>
    %get3A_32 = vector.shape_cast %get3A_31 : vector<1x256x263xf32> to vector<256x263xf32>
    %convert_element_type3A_33 = arith.truncf %get3A_32 : vector<256x263xf32> to vector<256x263xbf16>
    %swap3A_34 = arith.constant 775 : index
    %swap3A_35 = arith.constant 0 : index
    %swap3A_36 = vector.load %arg5[%swap3A_34, %swap3A_35] : memref<2066x263xbf16, #tpu.memory_space<vmem>>, vector<256x263xbf16>
    tpu.vector_store %arg5[%swap3A_34, %swap3A_35], %convert_element_type3A_33 {strides = array<i32>} : memref<2066x263xbf16, #tpu.memory_space<vmem>>, vector<256x263xbf16>,
    %get3A_37 = arith.constant 4 : index
    %get3A_38 = arith.constant 0 : index
    %get3A_39 = arith.constant 0 : index
    %get3A_40 = vector.load %arg1[%get3A_37, %get3A_38, %get3A_39] : memref<8x256x263xf32, #tpu.memory_space<vmem>>, vector<1x256x263xf32>
    %get3A_41 = vector.shape_cast %get3A_40 : vector<1x256x263xf32> to vector<256x263xf32>
    %convert_element_type3A_42 = arith.truncf %get3A_41 : vector<256x263xf32> to vector<256x263xbf16>
    %swap3A_43 = arith.constant 1033 : index
    %swap3A_44 = arith.constant 0 : index
    %swap3A_45 = vector.load %arg5[%swap3A_43, %swap3A_44] : memref<2066x263xbf16, #tpu.memory_space<vmem>>, vector<256x263xbf16>
    tpu.vector_store %arg5[%swap3A_43, %swap3A_44], %convert_element_type3A_42 {strides = array<i32>} : memref<2066x263xbf16, #tpu.memory_space<vmem>>, vector<256x263xbf16>,
    %get3A_46 = arith.constant 5 : index
    %get3A_47 = arith.constant 0 : index
    %get3A_48 = arith.constant 0 : index
    %get3A_49 = vector.load %arg1[%get3A_46, %get3A_47, %get3A_48] : memref<8x256x263xf32, #tpu.memory_space<vmem>>, vector<1x256x263xf32>
    %get3A_50 = vector.shape_cast %get3A_49 : vector<1x256x263xf32> to vector<256x263xf32>
    %convert_element_type3A_51 = arith.truncf %get3A_50 : vector<256x263xf32> to vector<256x263xbf16>
    %swap3A_52 = arith.constant 1291 : index
    %swap3A_53 = arith.constant 0 : index
    %swap3A_54 = vector.load %arg5[%swap3A_52, %swap3A_53] : memref<2066x263xbf16, #tpu.memory_space<vmem>>, vector<256x263xbf16>
    tpu.vector_store %arg5[%swap3A_52, %swap3A_53], %convert_element_type3A_51 {strides = array<i32>} : memref<2066x263xbf16, #tpu.memory_space<vmem>>, vector<256x263xbf16>,
    %get3A_55 = arith.constant 6 : index
    %get3A_56 = arith.constant 0 : index
    %get3A_57 = arith.constant 0 : index
    %get3A_58 = vector.load %arg1[%get3A_55, %get3A_56, %get3A_57] : memref<8x256x263xf32, #tpu.memory_space<vmem>>, vector<1x256x263xf32>
    %get3A_59 = vector.shape_cast %get3A_58 : vector<1x256x263xf32> to vector<256x263xf32>
    %convert_element_type3A_60 = arith.truncf %get3A_59 : vector<256x263xf32> to vector<256x263xbf16>
    %swap3A_61 = arith.constant 1549 : index
    %swap3A_62 = arith.constant 0 : index
    %swap3A_63 = vector.load %arg5[%swap3A_61, %swap3A_62] : memref<2066x263xbf16, #tpu.memory_space<vmem>>, vector<256x263xbf16>
    tpu.vector_store %arg5[%swap3A_61, %swap3A_62], %convert_element_type3A_60 {strides = array<i32>} : memref<2066x263xbf16, #tpu.memory_space<vmem>>, vector<256x263xbf16>,
    %get3A_64 = arith.constant 7 : index
    %get3A_65 = arith.constant 0 : index
    %get3A_66 = arith.constant 0 : index
    %get3A_67 = vector.load %arg1[%get3A_64, %get3A_65, %get3A_66] : memref<8x256x263xf32, #tpu.memory_space<vmem>>, vector<1x256x263xf32>
    %get3A_68 = vector.shape_cast %get3A_67 : vector<1x256x263xf32> to vector<256x263xf32>
    %convert_element_type3A_69 = arith.truncf %get3A_68 : vector<256x263xf32> to vector<256x263xbf16>
    %swap3A_70 = arith.constant 1807 : index
    %swap3A_71 = arith.constant 0 : index
    %swap3A_72 = vector.load %arg5[%swap3A_70, %swap3A_71] : memref<2066x263xbf16, #tpu.memory_space<vmem>>, vector<256x263xbf16>
    tpu.vector_store %arg5[%swap3A_70, %swap3A_71], %convert_element_type3A_69 {strides = array<i32>} : memref<2066x263xbf16, #tpu.memory_space<vmem>>, vector<256x263xbf16>,
    %get3A_73 = arith.constant 0 : index
    %get3A_74 = arith.constant 0 : index
    %get3A_75 = vector.load %arg3[%get3A_73, %get3A_74] : memref<1x512xf32, #tpu.memory_space<vmem>>, vector<1x512xf32>
    %get3A_76 = arith.constant 0 : index
    %get3A_77 = arith.constant 0 : index
    %get3A_78 = vector.load %arg5[%get3A_76, %get3A_77] : memref<2066x263xbf16, #tpu.memory_space<vmem>>, vector<2064x263xbf16>
    %get3A_79 = arith.constant 0 : index
    %get3A_80 = arith.constant 0 : index
    %get3A_81 = arith.constant 0 : index
    %get3A_82 = vector.load %arg2[%get3A_79, %get3A_80, %get3A_81] : memref<3x263x512xbf16, #tpu.memory_space<vmem>>, vector<1x263x512xbf16>
    %get3A_83 = vector.shape_cast %get3A_82 : vector<1x263x512xbf16> to vector<263x512xbf16>
    %dot_general3A = arith.constant dense<0.000000e+00> : vector<2064x512xf32>
    %dot_general3A_84 = tpu.matmul %get3A_78, %get3A_83, %dot_general3A {dimension_numbers = #tpu.dot_dimension_numbers<[1], [0], [0], [1], [0, 0, 1, 1], [], []>, transpose_lhs_hint = false} : vector<2064x263xbf16>, vector<263x512xbf16>, vector<2064x512xf32> -> vector<2064x512xf32>
    %add3A = vector.broadcast %get3A_75 : vector<1x512xf32> to vector<2064x512xf32>
    %add3A_85 = arith.addf %add3A, %dot_general3A_84 : vector<2064x512xf32>
    %get3A_86 = arith.constant 1 : index
    %get3A_87 = arith.constant 0 : index
    %get3A_88 = vector.load %arg5[%get3A_86, %get3A_87] : memref<2066x263xbf16, #tpu.memory_space<vmem>>, vector<2064x263xbf16>
    %get3A_89 = arith.constant 1 : index
    %get3A_90 = arith.constant 0 : index
    %get3A_91 = arith.constant 0 : index
    %get3A_92 = vector.load %arg2[%get3A_89, %get3A_90, %get3A_91] : memref<3x263x512xbf16, #tpu.memory_space<vmem>>, vector<1x263x512xbf16>
    %get3A_93 = vector.shape_cast %get3A_92 : vector<1x263x512xbf16> to vector<263x512xbf16>
    %dot_general3A_94 = arith.constant dense<0.000000e+00> : vector<2064x512xf32>
    %dot_general3A_95 = tpu.matmul %get3A_88, %get3A_93, %dot_general3A_94 {dimension_numbers = #tpu.dot_dimension_numbers<[1], [0], [0], [1], [0, 0, 1, 1], [], []>, transpose_lhs_hint = false} : vector<2064x263xbf16>, vector<263x512xbf16>, vector<2064x512xf32> -> vector<2064x512xf32>
    %add3A_96 = arith.addf %add3A_85, %dot_general3A_95 : vector<2064x512xf32>
    %get3A_97 = arith.constant 2 : index
    %get3A_98 = arith.constant 0 : index
    %get3A_99 = vector.load %arg5[%get3A_97, %get3A_98] : memref<2066x263xbf16, #tpu.memory_space<vmem>>, vector<2064x263xbf16>
    %get3A_100 = arith.constant 2 : index
    %get3A_101 = arith.constant 0 : index
    %get3A_102 = arith.constant 0 : index
    %get3A_103 = vector.load %arg2[%get3A_100, %get3A_101, %get3A_102] : memref<3x263x512xbf16, #tpu.memory_space<vmem>>, vector<1x263x512xbf16>
    %get3A_104 = vector.shape_cast %get3A_103 : vector<1x263x512xbf16> to vector<263x512xbf16>
    %dot_general3A_105 = arith.constant dense<0.000000e+00> : vector<2064x512xf32>
    %dot_general3A_106 = tpu.matmul %get3A_99, %get3A_104, %dot_general3A_105 {dimension_numbers = #tpu.dot_dimension_numbers<[1], [0], [0], [1], [0, 0, 1, 1], [], []>, transpose_lhs_hint = false} : vector<2064x263xbf16>, vector<263x512xbf16>, vector<2064x512xf32> -> vector<2064x512xf32>
    %add3A_107 = arith.addf %add3A_96, %dot_general3A_106 : vector<2064x512xf32>
    %max3A = arith.constant 0.000000e+00 : f32
    %max3A_108 = vector.broadcast %max3A : f32 to vector<2064x512xf32>
    %max3A_109 = arith.maximumf %add3A_107, %max3A_108 : vector<2064x512xf32>
    %slice3A = vector.extract_strided_slice %max3A_109 {offsets = [0, 0], sizes = [256, 512], strides = [1, 1]} : vector<2064x512xf32> to vector<256x512xf32>
    %swap3A_110 = arith.constant 0 : index
    %swap3A_111 = arith.constant 0 : index
    %swap3A_112 = arith.constant 0 : index
    %swap3A_113 = vector.load %arg4[%swap3A_110, %swap3A_111, %swap3A_112] : memref<8x256x512xf32, #tpu.memory_space<vmem>>, vector<1x256x512xf32>
    %swap3A_114 = vector.shape_cast %swap3A_113 : vector<1x256x512xf32> to vector<256x512xf32>
    %swap3A_115 = vector.shape_cast %slice3A : vector<256x512xf32> to vector<1x256x512xf32>
    tpu.vector_store %arg4[%swap3A_110, %swap3A_111, %swap3A_112], %swap3A_115 {strides = array<i32>} : memref<8x256x512xf32, #tpu.memory_space<vmem>>, vector<1x256x512xf32>,
    %slice3A_116 = vector.extract_strided_slice %max3A_109 {offsets = [258, 0], sizes = [256, 512], strides = [1, 1]} : vector<2064x512xf32> to vector<256x512xf32>
    %swap3A_117 = arith.constant 1 : index
    %swap3A_118 = arith.constant 0 : index
    %swap3A_119 = arith.constant 0 : index
    %swap3A_120 = vector.load %arg4[%swap3A_117, %swap3A_118, %swap3A_119] : memref<8x256x512xf32, #tpu.memory_space<vmem>>, vector<1x256x512xf32>
    %swap3A_121 = vector.shape_cast %swap3A_120 : vector<1x256x512xf32> to vector<256x512xf32>
    %swap3A_122 = vector.shape_cast %slice3A_116 : vector<256x512xf32> to vector<1x256x512xf32>
    tpu.vector_store %arg4[%swap3A_117, %swap3A_118, %swap3A_119], %swap3A_122 {strides = array<i32>} : memref<8x256x512xf32, #tpu.memory_space<vmem>>, vector<1x256x512xf32>,
    %slice3A_123 = vector.extract_strided_slice %max3A_109 {offsets = [516, 0], sizes = [256, 512], strides = [1, 1]} : vector<2064x512xf32> to vector<256x512xf32>
    %swap3A_124 = arith.constant 2 : index
    %swap3A_125 = arith.constant 0 : index
    %swap3A_126 = arith.constant 0 : index
    %swap3A_127 = vector.load %arg4[%swap3A_124, %swap3A_125, %swap3A_126] : memref<8x256x512xf32, #tpu.memory_space<vmem>>, vector<1x256x512xf32>
    %swap3A_128 = vector.shape_cast %swap3A_127 : vector<1x256x512xf32> to vector<256x512xf32>
    %swap3A_129 = vector.shape_cast %slice3A_123 : vector<256x512xf32> to vector<1x256x512xf32>
    tpu.vector_store %arg4[%swap3A_124, %swap3A_125, %swap3A_126], %swap3A_129 {strides = array<i32>} : memref<8x256x512xf32, #tpu.memory_space<vmem>>, vector<1x256x512xf32>,
    %slice3A_130 = vector.extract_strided_slice %max3A_109 {offsets = [774, 0], sizes = [256, 512], strides = [1, 1]} : vector<2064x512xf32> to vector<256x512xf32>
    %swap3A_131 = arith.constant 3 : index
    %swap3A_132 = arith.constant 0 : index
    %swap3A_133 = arith.constant 0 : index
    %swap3A_134 = vector.load %arg4[%swap3A_131, %swap3A_132, %swap3A_133] : memref<8x256x512xf32, #tpu.memory_space<vmem>>, vector<1x256x512xf32>
    %swap3A_135 = vector.shape_cast %swap3A_134 : vector<1x256x512xf32> to vector<256x512xf32>
    %swap3A_136 = vector.shape_cast %slice3A_130 : vector<256x512xf32> to vector<1x256x512xf32>
    tpu.vector_store %arg4[%swap3A_131, %swap3A_132, %swap3A_133], %swap3A_136 {strides = array<i32>} : memref<8x256x512xf32, #tpu.memory_space<vmem>>, vector<1x256x512xf32>,
    %slice3A_137 = vector.extract_strided_slice %max3A_109 {offsets = [1032, 0], sizes = [256, 512], strides = [1, 1]} : vector<2064x512xf32> to vector<256x512xf32>
    %swap3A_138 = arith.constant 4 : index
    %swap3A_139 = arith.constant 0 : index
    %swap3A_140 = arith.constant 0 : index
    %swap3A_141 = vector.load %arg4[%swap3A_138, %swap3A_139, %swap3A_140] : memref<8x256x512xf32, #tpu.memory_space<vmem>>, vector<1x256x512xf32>
    %swap3A_142 = vector.shape_cast %swap3A_141 : vector<1x256x512xf32> to vector<256x512xf32>
    %swap3A_143 = vector.shape_cast %slice3A_137 : vector<256x512xf32> to vector<1x256x512xf32>
    tpu.vector_store %arg4[%swap3A_138, %swap3A_139, %swap3A_140], %swap3A_143 {strides = array<i32>} : memref<8x256x512xf32, #tpu.memory_space<vmem>>, vector<1x256x512xf32>,
    %slice3A_144 = vector.extract_strided_slice %max3A_109 {offsets = [1290, 0], sizes = [256, 512], strides = [1, 1]} : vector<2064x512xf32> to vector<256x512xf32>
    %swap3A_145 = arith.constant 5 : index
    %swap3A_146 = arith.constant 0 : index
    %swap3A_147 = arith.constant 0 : index
    %swap3A_148 = vector.load %arg4[%swap3A_145, %swap3A_146, %swap3A_147] : memref<8x256x512xf32, #tpu.memory_space<vmem>>, vector<1x256x512xf32>
    %swap3A_149 = vector.shape_cast %swap3A_148 : vector<1x256x512xf32> to vector<256x512xf32>
    %swap3A_150 = vector.shape_cast %slice3A_144 : vector<256x512xf32> to vector<1x256x512xf32>
    tpu.vector_store %arg4[%swap3A_145, %swap3A_146, %swap3A_147], %swap3A_150 {strides = array<i32>} : memref<8x256x512xf32, #tpu.memory_space<vmem>>, vector<1x256x512xf32>,
    %slice3A_151 = vector.extract_strided_slice %max3A_109 {offsets = [1548, 0], sizes = [256, 512], strides = [1, 1]} : vector<2064x512xf32> to vector<256x512xf32>
    %swap3A_152 = arith.constant 6 : index
    %swap3A_153 = arith.constant 0 : index
    %swap3A_154 = arith.constant 0 : index
    %swap3A_155 = vector.load %arg4[%swap3A_152, %swap3A_153, %swap3A_154] : memref<8x256x512xf32, #tpu.memory_space<vmem>>, vector<1x256x512xf32>
    %swap3A_156 = vector.shape_cast %swap3A_155 : vector<1x256x512xf32> to vector<256x512xf32>
    %swap3A_157 = vector.shape_cast %slice3A_151 : vector<256x512xf32> to vector<1x256x512xf32>
    tpu.vector_store %arg4[%swap3A_152, %swap3A_153, %swap3A_154], %swap3A_157 {strides = array<i32>} : memref<8x256x512xf32, #tpu.memory_space<vmem>>, vector<1x256x512xf32>,
    %slice3A_158 = vector.extract_strided_slice %max3A_109 {offsets = [1806, 0], sizes = [256, 512], strides = [1, 1]} : vector<2064x512xf32> to vector<256x512xf32>
    %swap3A_159 = arith.constant 7 : index
    %swap3A_160 = arith.constant 0 : index
    %swap3A_161 = arith.constant 0 : index
    %swap3A_162 = vector.load %arg4[%swap3A_159, %swap3A_160, %swap3A_161] : memref<8x256x512xf32, #tpu.memory_space<vmem>>, vector<1x256x512xf32>
    %swap3A_163 = vector.shape_cast %swap3A_162 : vector<1x256x512xf32> to vector<256x512xf32>
    %swap3A_164 = vector.shape_cast %slice3A_158 : vector<256x512xf32> to vector<1x256x512xf32>
    tpu.vector_store %arg4[%swap3A_159, %swap3A_160, %swap3A_161], %swap3A_164 {strides = array<i32>} : memref<8x256x512xf32, #tpu.memory_space<vmem>>, vector<1x256x512xf32>,
    return
  }
  func.func @transform_0(%arg0: i32) -> (i32, i32, i32) {
    %c0_i32 = arith.constant 0 : i32
    %c0_i32_0 = arith.constant 0 : i32
    %c0_i32_1 = arith.constant 0 : i32
    return %arg0, %c0_i32, %c0_i32_0 : i32, i32, i32
  }
  func.func @transform_1(%arg0: i32) -> (i32, i32, i32) {
    %c0_i32 = arith.constant 0 : i32
    %c0_i32_0 = arith.constant 0 : i32
    %c0_i32_1 = arith.constant 0 : i32
    %c0_i32_2 = arith.constant 0 : i32
    return %c0_i32, %c0_i32_0, %c0_i32_1 : i32, i32, i32
  }
  func.func @transform_2(%arg0: i32) -> (i32, i32) {
    %c0_i32 = arith.constant 0 : i32
    %c0_i32_0 = arith.constant 0 : i32
    %c0_i32_1 = arith.constant 0 : i32
    return %c0_i32, %c0_i32_0 : i32, i32
  }
  func.func @transform_3(%arg0: i32) -> (i32, i32, i32) {
    %c0_i32 = arith.constant 0 : i32
    %c0_i32_0 = arith.constant 0 : i32
    %c0_i32_1 = arith.constant 0 : i32
    return %arg0, %c0_i32, %c0_i32_0 : i32, i32, i32
  }
}

module attributes {stable_mosaic.version = 14 : i64} {
  func.func @body(%arg0: i32, %arg1: memref<8x128x1024xf32, #tpu.memory_space<vmem>>, %arg2: memref<4x512x512xbf16, #tpu.memory_space<vmem>>, %arg3: memref<1x512xf32, #tpu.memory_space<vmem>>, %arg4: memref<3x3x512x512xbf16, #tpu.memory_space<vmem>>, %arg5: memref<3x512xf32, #tpu.memory_space<vmem>>, %arg6: memref<3x512x512xbf16, #tpu.memory_space<vmem>>, %arg7: memref<3x512xf32, #tpu.memory_space<vmem>>, %arg8: memref<8x128x512xf32, #tpu.memory_space<vmem>>, %arg9: memref<1042x1024xbf16, #tpu.memory_space<vmem>>, %arg10: memref<1186x512xf32, #tpu.memory_space<vmem>>) attributes {dimension_semantics = [#tpu.dimension_semantics<parallel>], iteration_bounds = array<i64: 4>, scalar_prefetch = 0 : i64, scratch_operands = 2 : i64, tpu.core_type = #tpu.core_type<tc>, window_params = [{transform_indices = @transform_0, window_bounds = array<i64: 8, 128, 1024>}, {pipeline_mode = #tpu.pipeline_mode<synchronous>, transform_indices = @transform_1, window_bounds = array<i64: 4, 512, 512>}, {pipeline_mode = #tpu.pipeline_mode<synchronous>, transform_indices = @transform_2, window_bounds = array<i64: 1, 512>}, {pipeline_mode = #tpu.pipeline_mode<synchronous>, transform_indices = @transform_3, window_bounds = array<i64: 3, 3, 512, 512>}, {pipeline_mode = #tpu.pipeline_mode<synchronous>, transform_indices = @transform_4, window_bounds = array<i64: 3, 512>}, {pipeline_mode = #tpu.pipeline_mode<synchronous>, transform_indices = @transform_5, window_bounds = array<i64: 3, 512, 512>}, {pipeline_mode = #tpu.pipeline_mode<synchronous>, transform_indices = @transform_6, window_bounds = array<i64: 3, 512>}, {transform_indices = @transform_7, window_bounds = array<i64: 8, 128, 512>}]} {
    %broadcast_in_dim3A = arith.constant 0.000000e+00 : bf16
    %broadcast_in_dim3A_0 = vector.broadcast %broadcast_in_dim3A : bf16 to vector<1042x1024xbf16>
    %swap3A = arith.constant 0 : index
    %swap3A_1 = arith.constant 0 : index
    %swap3A_2 = vector.load %arg9[%swap3A, %swap3A_1] : memref<1042x1024xbf16, #tpu.memory_space<vmem>>, vector<1042x1024xbf16>
    tpu.vector_store %arg9[%swap3A, %swap3A_1], %broadcast_in_dim3A_0 {strides = array<i32>} : memref<1042x1024xbf16, #tpu.memory_space<vmem>>, vector<1042x1024xbf16>,
    %get3A = arith.constant 0 : index
    %get3A_3 = arith.constant 0 : index
    %get3A_4 = arith.constant 0 : index
    %get3A_5 = vector.load %arg1[%get3A, %get3A_3, %get3A_4] : memref<8x128x1024xf32, #tpu.memory_space<vmem>>, vector<1x128x1024xf32>
    %get3A_6 = vector.shape_cast %get3A_5 : vector<1x128x1024xf32> to vector<128x1024xf32>
    %convert_element_type3A = arith.truncf %get3A_6 : vector<128x1024xf32> to vector<128x1024xbf16>
    %swap3A_7 = arith.constant 1 : index
    %swap3A_8 = arith.constant 0 : index
    %swap3A_9 = vector.load %arg9[%swap3A_7, %swap3A_8] : memref<1042x1024xbf16, #tpu.memory_space<vmem>>, vector<128x1024xbf16>
    tpu.vector_store %arg9[%swap3A_7, %swap3A_8], %convert_element_type3A {strides = array<i32>} : memref<1042x1024xbf16, #tpu.memory_space<vmem>>, vector<128x1024xbf16>,
    %get3A_10 = arith.constant 1 : index
    %get3A_11 = arith.constant 0 : index
    %get3A_12 = arith.constant 0 : index
    %get3A_13 = vector.load %arg1[%get3A_10, %get3A_11, %get3A_12] : memref<8x128x1024xf32, #tpu.memory_space<vmem>>, vector<1x128x1024xf32>
    %get3A_14 = vector.shape_cast %get3A_13 : vector<1x128x1024xf32> to vector<128x1024xf32>
    %convert_element_type3A_15 = arith.truncf %get3A_14 : vector<128x1024xf32> to vector<128x1024xbf16>
    %swap3A_16 = arith.constant 131 : index
    %swap3A_17 = arith.constant 0 : index
    %swap3A_18 = vector.load %arg9[%swap3A_16, %swap3A_17] : memref<1042x1024xbf16, #tpu.memory_space<vmem>>, vector<128x1024xbf16>
    tpu.vector_store %arg9[%swap3A_16, %swap3A_17], %convert_element_type3A_15 {strides = array<i32>} : memref<1042x1024xbf16, #tpu.memory_space<vmem>>, vector<128x1024xbf16>,
    %get3A_19 = arith.constant 2 : index
    %get3A_20 = arith.constant 0 : index
    %get3A_21 = arith.constant 0 : index
    %get3A_22 = vector.load %arg1[%get3A_19, %get3A_20, %get3A_21] : memref<8x128x1024xf32, #tpu.memory_space<vmem>>, vector<1x128x1024xf32>
    %get3A_23 = vector.shape_cast %get3A_22 : vector<1x128x1024xf32> to vector<128x1024xf32>
    %convert_element_type3A_24 = arith.truncf %get3A_23 : vector<128x1024xf32> to vector<128x1024xbf16>
    %swap3A_25 = arith.constant 261 : index
    %swap3A_26 = arith.constant 0 : index
    %swap3A_27 = vector.load %arg9[%swap3A_25, %swap3A_26] : memref<1042x1024xbf16, #tpu.memory_space<vmem>>, vector<128x1024xbf16>
    tpu.vector_store %arg9[%swap3A_25, %swap3A_26], %convert_element_type3A_24 {strides = array<i32>} : memref<1042x1024xbf16, #tpu.memory_space<vmem>>, vector<128x1024xbf16>,
    %get3A_28 = arith.constant 3 : index
    %get3A_29 = arith.constant 0 : index
    %get3A_30 = arith.constant 0 : index
    %get3A_31 = vector.load %arg1[%get3A_28, %get3A_29, %get3A_30] : memref<8x128x1024xf32, #tpu.memory_space<vmem>>, vector<1x128x1024xf32>
    %get3A_32 = vector.shape_cast %get3A_31 : vector<1x128x1024xf32> to vector<128x1024xf32>
    %convert_element_type3A_33 = arith.truncf %get3A_32 : vector<128x1024xf32> to vector<128x1024xbf16>
    %swap3A_34 = arith.constant 391 : index
    %swap3A_35 = arith.constant 0 : index
    %swap3A_36 = vector.load %arg9[%swap3A_34, %swap3A_35] : memref<1042x1024xbf16, #tpu.memory_space<vmem>>, vector<128x1024xbf16>
    tpu.vector_store %arg9[%swap3A_34, %swap3A_35], %convert_element_type3A_33 {strides = array<i32>} : memref<1042x1024xbf16, #tpu.memory_space<vmem>>, vector<128x1024xbf16>,
    %get3A_37 = arith.constant 4 : index
    %get3A_38 = arith.constant 0 : index
    %get3A_39 = arith.constant 0 : index
    %get3A_40 = vector.load %arg1[%get3A_37, %get3A_38, %get3A_39] : memref<8x128x1024xf32, #tpu.memory_space<vmem>>, vector<1x128x1024xf32>
    %get3A_41 = vector.shape_cast %get3A_40 : vector<1x128x1024xf32> to vector<128x1024xf32>
    %convert_element_type3A_42 = arith.truncf %get3A_41 : vector<128x1024xf32> to vector<128x1024xbf16>
    %swap3A_43 = arith.constant 521 : index
    %swap3A_44 = arith.constant 0 : index
    %swap3A_45 = vector.load %arg9[%swap3A_43, %swap3A_44] : memref<1042x1024xbf16, #tpu.memory_space<vmem>>, vector<128x1024xbf16>
    tpu.vector_store %arg9[%swap3A_43, %swap3A_44], %convert_element_type3A_42 {strides = array<i32>} : memref<1042x1024xbf16, #tpu.memory_space<vmem>>, vector<128x1024xbf16>,
    %get3A_46 = arith.constant 5 : index
    %get3A_47 = arith.constant 0 : index
    %get3A_48 = arith.constant 0 : index
    %get3A_49 = vector.load %arg1[%get3A_46, %get3A_47, %get3A_48] : memref<8x128x1024xf32, #tpu.memory_space<vmem>>, vector<1x128x1024xf32>
    %get3A_50 = vector.shape_cast %get3A_49 : vector<1x128x1024xf32> to vector<128x1024xf32>
    %convert_element_type3A_51 = arith.truncf %get3A_50 : vector<128x1024xf32> to vector<128x1024xbf16>
    %swap3A_52 = arith.constant 651 : index
    %swap3A_53 = arith.constant 0 : index
    %swap3A_54 = vector.load %arg9[%swap3A_52, %swap3A_53] : memref<1042x1024xbf16, #tpu.memory_space<vmem>>, vector<128x1024xbf16>
    tpu.vector_store %arg9[%swap3A_52, %swap3A_53], %convert_element_type3A_51 {strides = array<i32>} : memref<1042x1024xbf16, #tpu.memory_space<vmem>>, vector<128x1024xbf16>,
    %get3A_55 = arith.constant 6 : index
    %get3A_56 = arith.constant 0 : index
    %get3A_57 = arith.constant 0 : index
    %get3A_58 = vector.load %arg1[%get3A_55, %get3A_56, %get3A_57] : memref<8x128x1024xf32, #tpu.memory_space<vmem>>, vector<1x128x1024xf32>
    %get3A_59 = vector.shape_cast %get3A_58 : vector<1x128x1024xf32> to vector<128x1024xf32>
    %convert_element_type3A_60 = arith.truncf %get3A_59 : vector<128x1024xf32> to vector<128x1024xbf16>
    %swap3A_61 = arith.constant 781 : index
    %swap3A_62 = arith.constant 0 : index
    %swap3A_63 = vector.load %arg9[%swap3A_61, %swap3A_62] : memref<1042x1024xbf16, #tpu.memory_space<vmem>>, vector<128x1024xbf16>
    tpu.vector_store %arg9[%swap3A_61, %swap3A_62], %convert_element_type3A_60 {strides = array<i32>} : memref<1042x1024xbf16, #tpu.memory_space<vmem>>, vector<128x1024xbf16>,
    %get3A_64 = arith.constant 7 : index
    %get3A_65 = arith.constant 0 : index
    %get3A_66 = arith.constant 0 : index
    %get3A_67 = vector.load %arg1[%get3A_64, %get3A_65, %get3A_66] : memref<8x128x1024xf32, #tpu.memory_space<vmem>>, vector<1x128x1024xf32>
    %get3A_68 = vector.shape_cast %get3A_67 : vector<1x128x1024xf32> to vector<128x1024xf32>
    %convert_element_type3A_69 = arith.truncf %get3A_68 : vector<128x1024xf32> to vector<128x1024xbf16>
    %swap3A_70 = arith.constant 911 : index
    %swap3A_71 = arith.constant 0 : index
    %swap3A_72 = vector.load %arg9[%swap3A_70, %swap3A_71] : memref<1042x1024xbf16, #tpu.memory_space<vmem>>, vector<128x1024xbf16>
    tpu.vector_store %arg9[%swap3A_70, %swap3A_71], %convert_element_type3A_69 {strides = array<i32>} : memref<1042x1024xbf16, #tpu.memory_space<vmem>>, vector<128x1024xbf16>,
    %get3A_73 = arith.constant 0 : index
    %get3A_74 = arith.constant 0 : index
    %get3A_75 = vector.load %arg3[%get3A_73, %get3A_74] : memref<1x512xf32, #tpu.memory_space<vmem>>, vector<1x512xf32>
    %get3A_76 = arith.constant 0 : index
    %get3A_77 = arith.constant 512 : index
    %get3A_78 = vector.load %arg9[%get3A_76, %get3A_77] : memref<1042x1024xbf16, #tpu.memory_space<vmem>>, vector<1040x512xbf16>
    %get3A_79 = arith.constant 0 : index
    %get3A_80 = arith.constant 0 : index
    %get3A_81 = arith.constant 0 : index
    %get3A_82 = vector.load %arg2[%get3A_79, %get3A_80, %get3A_81] : memref<4x512x512xbf16, #tpu.memory_space<vmem>>, vector<1x512x512xbf16>
    %get3A_83 = vector.shape_cast %get3A_82 : vector<1x512x512xbf16> to vector<512x512xbf16>
    %dot_general3A = arith.constant dense<0.000000e+00> : vector<1040x512xf32>
    %dot_general3A_84 = tpu.matmul %get3A_78, %get3A_83, %dot_general3A {dimension_numbers = #tpu.dot_dimension_numbers<[1], [0], [0], [1], [0, 0, 1, 1], [], []>, transpose_lhs_hint = false} : vector<1040x512xbf16>, vector<512x512xbf16>, vector<1040x512xf32> -> vector<1040x512xf32>
    %add3A = vector.broadcast %get3A_75 : vector<1x512xf32> to vector<1040x512xf32>
    %add3A_85 = arith.addf %add3A, %dot_general3A_84 : vector<1040x512xf32>
    %get3A_86 = arith.constant 1 : index
    %get3A_87 = arith.constant 0 : index
    %get3A_88 = vector.load %arg9[%get3A_86, %get3A_87] : memref<1042x1024xbf16, #tpu.memory_space<vmem>>, vector<1040x512xbf16>
    %get3A_89 = arith.constant 1 : index
    %get3A_90 = arith.constant 0 : index
    %get3A_91 = arith.constant 0 : index
    %get3A_92 = vector.load %arg2[%get3A_89, %get3A_90, %get3A_91] : memref<4x512x512xbf16, #tpu.memory_space<vmem>>, vector<1x512x512xbf16>
    %get3A_93 = vector.shape_cast %get3A_92 : vector<1x512x512xbf16> to vector<512x512xbf16>
    %dot_general3A_94 = arith.constant dense<0.000000e+00> : vector<1040x512xf32>
    %dot_general3A_95 = tpu.matmul %get3A_88, %get3A_93, %dot_general3A_94 {dimension_numbers = #tpu.dot_dimension_numbers<[1], [0], [0], [1], [0, 0, 1, 1], [], []>, transpose_lhs_hint = false} : vector<1040x512xbf16>, vector<512x512xbf16>, vector<1040x512xf32> -> vector<1040x512xf32>
    %add3A_96 = arith.addf %add3A_85, %dot_general3A_95 : vector<1040x512xf32>
    %get3A_97 = arith.constant 1 : index
    %get3A_98 = arith.constant 512 : index
    %get3A_99 = vector.load %arg9[%get3A_97, %get3A_98] : memref<1042x1024xbf16, #tpu.memory_space<vmem>>, vector<1040x512xbf16>
    %get3A_100 = arith.constant 2 : index
    %get3A_101 = arith.constant 0 : index
    %get3A_102 = arith.constant 0 : index
    %get3A_103 = vector.load %arg2[%get3A_100, %get3A_101, %get3A_102] : memref<4x512x512xbf16, #tpu.memory_space<vmem>>, vector<1x512x512xbf16>
    %get3A_104 = vector.shape_cast %get3A_103 : vector<1x512x512xbf16> to vector<512x512xbf16>
    %dot_general3A_105 = arith.constant dense<0.000000e+00> : vector<1040x512xf32>
    %dot_general3A_106 = tpu.matmul %get3A_99, %get3A_104, %dot_general3A_105 {dimension_numbers = #tpu.dot_dimension_numbers<[1], [0], [0], [1], [0, 0, 1, 1], [], []>, transpose_lhs_hint = false} : vector<1040x512xbf16>, vector<512x512xbf16>, vector<1040x512xf32> -> vector<1040x512xf32>
    %add3A_107 = arith.addf %add3A_96, %dot_general3A_106 : vector<1040x512xf32>
    %get3A_108 = arith.constant 2 : index
    %get3A_109 = arith.constant 0 : index
    %get3A_110 = vector.load %arg9[%get3A_108, %get3A_109] : memref<1042x1024xbf16, #tpu.memory_space<vmem>>, vector<1040x512xbf16>
    %get3A_111 = arith.constant 3 : index
    %get3A_112 = arith.constant 0 : index
    %get3A_113 = arith.constant 0 : index
    %get3A_114 = vector.load %arg2[%get3A_111, %get3A_112, %get3A_113] : memref<4x512x512xbf16, #tpu.memory_space<vmem>>, vector<1x512x512xbf16>
    %get3A_115 = vector.shape_cast %get3A_114 : vector<1x512x512xbf16> to vector<512x512xbf16>
    %dot_general3A_116 = arith.constant dense<0.000000e+00> : vector<1040x512xf32>
    %dot_general3A_117 = tpu.matmul %get3A_110, %get3A_115, %dot_general3A_116 {dimension_numbers = #tpu.dot_dimension_numbers<[1], [0], [0], [1], [0, 0, 1, 1], [], []>, transpose_lhs_hint = false} : vector<1040x512xbf16>, vector<512x512xbf16>, vector<1040x512xf32> -> vector<1040x512xf32>
    %add3A_118 = arith.addf %add3A_107, %dot_general3A_117 : vector<1040x512xf32>
    %broadcast_in_dim3A_119 = arith.constant 0.000000e+00 : f32
    %broadcast_in_dim3A_120 = vector.broadcast %broadcast_in_dim3A_119 : f32 to vector<1186x512xf32>
    %swap3A_121 = arith.constant 0 : index
    %swap3A_122 = arith.constant 0 : index
    %swap3A_123 = vector.load %arg10[%swap3A_121, %swap3A_122] : memref<1186x512xf32, #tpu.memory_space<vmem>>, vector<1186x512xf32>
    tpu.vector_store %arg10[%swap3A_121, %swap3A_122], %broadcast_in_dim3A_120 {strides = array<i32>} : memref<1186x512xf32, #tpu.memory_space<vmem>>, vector<1186x512xf32>,
    %slice3A = vector.extract_strided_slice %add3A_118 {offsets = [0, 0], sizes = [128, 512], strides = [1, 1]} : vector<1040x512xf32> to vector<128x512xf32>
    %swap3A_124 = arith.constant 9 : index
    %swap3A_125 = arith.constant 0 : index
    %swap3A_126 = vector.load %arg10[%swap3A_124, %swap3A_125] : memref<1186x512xf32, #tpu.memory_space<vmem>>, vector<128x512xf32>
    tpu.vector_store %arg10[%swap3A_124, %swap3A_125], %slice3A {strides = array<i32>} : memref<1186x512xf32, #tpu.memory_space<vmem>>, vector<128x512xf32>,
    %slice3A_127 = vector.extract_strided_slice %add3A_118 {offsets = [130, 0], sizes = [128, 512], strides = [1, 1]} : vector<1040x512xf32> to vector<128x512xf32>
    %swap3A_128 = arith.constant 155 : index
    %swap3A_129 = arith.constant 0 : index
    %swap3A_130 = vector.load %arg10[%swap3A_128, %swap3A_129] : memref<1186x512xf32, #tpu.memory_space<vmem>>, vector<128x512xf32>
    tpu.vector_store %arg10[%swap3A_128, %swap3A_129], %slice3A_127 {strides = array<i32>} : memref<1186x512xf32, #tpu.memory_space<vmem>>, vector<128x512xf32>,
    %slice3A_131 = vector.extract_strided_slice %add3A_118 {offsets = [260, 0], sizes = [128, 512], strides = [1, 1]} : vector<1040x512xf32> to vector<128x512xf32>
    %swap3A_132 = arith.constant 301 : index
    %swap3A_133 = arith.constant 0 : index
    %swap3A_134 = vector.load %arg10[%swap3A_132, %swap3A_133] : memref<1186x512xf32, #tpu.memory_space<vmem>>, vector<128x512xf32>
    tpu.vector_store %arg10[%swap3A_132, %swap3A_133], %slice3A_131 {strides = array<i32>} : memref<1186x512xf32, #tpu.memory_space<vmem>>, vector<128x512xf32>,
    %slice3A_135 = vector.extract_strided_slice %add3A_118 {offsets = [390, 0], sizes = [128, 512], strides = [1, 1]} : vector<1040x512xf32> to vector<128x512xf32>
    %swap3A_136 = arith.constant 447 : index
    %swap3A_137 = arith.constant 0 : index
    %swap3A_138 = vector.load %arg10[%swap3A_136, %swap3A_137] : memref<1186x512xf32, #tpu.memory_space<vmem>>, vector<128x512xf32>
    tpu.vector_store %arg10[%swap3A_136, %swap3A_137], %slice3A_135 {strides = array<i32>} : memref<1186x512xf32, #tpu.memory_space<vmem>>, vector<128x512xf32>,
    %slice3A_139 = vector.extract_strided_slice %add3A_118 {offsets = [520, 0], sizes = [128, 512], strides = [1, 1]} : vector<1040x512xf32> to vector<128x512xf32>
    %swap3A_140 = arith.constant 593 : index
    %swap3A_141 = arith.constant 0 : index
    %swap3A_142 = vector.load %arg10[%swap3A_140, %swap3A_141] : memref<1186x512xf32, #tpu.memory_space<vmem>>, vector<128x512xf32>
    tpu.vector_store %arg10[%swap3A_140, %swap3A_141], %slice3A_139 {strides = array<i32>} : memref<1186x512xf32, #tpu.memory_space<vmem>>, vector<128x512xf32>,
    %slice3A_143 = vector.extract_strided_slice %add3A_118 {offsets = [650, 0], sizes = [128, 512], strides = [1, 1]} : vector<1040x512xf32> to vector<128x512xf32>
    %swap3A_144 = arith.constant 739 : index
    %swap3A_145 = arith.constant 0 : index
    %swap3A_146 = vector.load %arg10[%swap3A_144, %swap3A_145] : memref<1186x512xf32, #tpu.memory_space<vmem>>, vector<128x512xf32>
    tpu.vector_store %arg10[%swap3A_144, %swap3A_145], %slice3A_143 {strides = array<i32>} : memref<1186x512xf32, #tpu.memory_space<vmem>>, vector<128x512xf32>,
    %slice3A_147 = vector.extract_strided_slice %add3A_118 {offsets = [780, 0], sizes = [128, 512], strides = [1, 1]} : vector<1040x512xf32> to vector<128x512xf32>
    %swap3A_148 = arith.constant 885 : index
    %swap3A_149 = arith.constant 0 : index
    %swap3A_150 = vector.load %arg10[%swap3A_148, %swap3A_149] : memref<1186x512xf32, #tpu.memory_space<vmem>>, vector<128x512xf32>
    tpu.vector_store %arg10[%swap3A_148, %swap3A_149], %slice3A_147 {strides = array<i32>} : memref<1186x512xf32, #tpu.memory_space<vmem>>, vector<128x512xf32>,
    %slice3A_151 = vector.extract_strided_slice %add3A_118 {offsets = [910, 0], sizes = [128, 512], strides = [1, 1]} : vector<1040x512xf32> to vector<128x512xf32>
    %swap3A_152 = arith.constant 1031 : index
    %swap3A_153 = arith.constant 0 : index
    %swap3A_154 = vector.load %arg10[%swap3A_152, %swap3A_153] : memref<1186x512xf32, #tpu.memory_space<vmem>>, vector<128x512xf32>
    tpu.vector_store %arg10[%swap3A_152, %swap3A_153], %slice3A_151 {strides = array<i32>} : memref<1186x512xf32, #tpu.memory_space<vmem>>, vector<128x512xf32>,
    %iota3A = tpu.iota {dimensions = array<i32: 0>} : vector<1168x1xi32>
    %rem3A = arith.constant 146 : i32
    %rem3A_155 = vector.broadcast %rem3A : i32 to vector<1168x1xi32>
    %rem3A_156 = arith.remsi %iota3A, %rem3A_155 : vector<1168x1xi32>
    %lt3A = arith.constant 128 : i32
    %lt3A_157 = vector.broadcast %lt3A : i32 to vector<1168x1xi32>
    %lt3A_158 = arith.cmpi slt, %rem3A_156, %lt3A_157 : vector<1168x1xi32>
    %get3A_159 = arith.constant 0 : index
    %get3A_160 = arith.constant 0 : index
    %get3A_161 = vector.load %arg5[%get3A_159, %get3A_160] : memref<3x512xf32, #tpu.memory_space<vmem>>, vector<1x512xf32>
    %get3A_162 = arith.constant 0 : index
    %get3A_163 = arith.constant 0 : index
    %get3A_164 = vector.load %arg7[%get3A_162, %get3A_163] : memref<3x512xf32, #tpu.memory_space<vmem>>, vector<1x512xf32>
    %get3A_165 = arith.constant 0 : index
    %get3A_166 = arith.constant 0 : index
    %get3A_167 = vector.load %arg10[%get3A_165, %get3A_166] : memref<1186x512xf32, #tpu.memory_space<vmem>>, vector<1186x512xf32>
    %max3A = arith.constant 0.000000e+00 : f32
    %max3A_168 = vector.broadcast %max3A : f32 to vector<1186x512xf32>
    %max3A_169 = arith.maximumf %get3A_167, %max3A_168 : vector<1186x512xf32>
    %convert_element_type3A_170 = arith.truncf %max3A_169 : vector<1186x512xf32> to vector<1186x512xbf16>
    %slice3A_171 = vector.extract_strided_slice %convert_element_type3A_170 {offsets = [8, 0], sizes = [1168, 512], strides = [1, 1]} : vector<1186x512xbf16> to vector<1168x512xbf16>
    %get3A_172 = arith.constant 0 : index
    %get3A_173 = arith.constant 0 : index
    %get3A_174 = arith.constant 0 : index
    %get3A_175 = arith.constant 0 : index
    %get3A_176 = vector.load %arg4[%get3A_172, %get3A_173, %get3A_174, %get3A_175] : memref<3x3x512x512xbf16, #tpu.memory_space<vmem>>, vector<1x1x512x512xbf16>
    %get3A_177 = vector.shape_cast %get3A_176 : vector<1x1x512x512xbf16> to vector<512x512xbf16>
    %dot_general3A_178 = arith.constant dense<0.000000e+00> : vector<1168x512xf32>
    %dot_general3A_179 = tpu.matmul %slice3A_171, %get3A_177, %dot_general3A_178 {dimension_numbers = #tpu.dot_dimension_numbers<[1], [0], [0], [1], [0, 0, 1, 1], [], []>, transpose_lhs_hint = false} : vector<1168x512xbf16>, vector<512x512xbf16>, vector<1168x512xf32> -> vector<1168x512xf32>
    %add3A_180 = vector.broadcast %get3A_161 : vector<1x512xf32> to vector<1168x512xf32>
    %add3A_181 = arith.addf %add3A_180, %dot_general3A_179 : vector<1168x512xf32>
    %slice3A_182 = vector.extract_strided_slice %convert_element_type3A_170 {offsets = [9, 0], sizes = [1168, 512], strides = [1, 1]} : vector<1186x512xbf16> to vector<1168x512xbf16>
    %get3A_183 = arith.constant 0 : index
    %get3A_184 = arith.constant 1 : index
    %get3A_185 = arith.constant 0 : index
    %get3A_186 = arith.constant 0 : index
    %get3A_187 = vector.load %arg4[%get3A_183, %get3A_184, %get3A_185, %get3A_186] : memref<3x3x512x512xbf16, #tpu.memory_space<vmem>>, vector<1x1x512x512xbf16>
    %get3A_188 = vector.shape_cast %get3A_187 : vector<1x1x512x512xbf16> to vector<512x512xbf16>
    %dot_general3A_189 = arith.constant dense<0.000000e+00> : vector<1168x512xf32>
    %dot_general3A_190 = tpu.matmul %slice3A_182, %get3A_188, %dot_general3A_189 {dimension_numbers = #tpu.dot_dimension_numbers<[1], [0], [0], [1], [0, 0, 1, 1], [], []>, transpose_lhs_hint = false} : vector<1168x512xbf16>, vector<512x512xbf16>, vector<1168x512xf32> -> vector<1168x512xf32>
    %add3A_191 = arith.addf %add3A_181, %dot_general3A_190 : vector<1168x512xf32>
    %slice3A_192 = vector.extract_strided_slice %convert_element_type3A_170 {offsets = [10, 0], sizes = [1168, 512], strides = [1, 1]} : vector<1186x512xbf16> to vector<1168x512xbf16>
    %get3A_193 = arith.constant 0 : index
    %get3A_194 = arith.constant 2 : index
    %get3A_195 = arith.constant 0 : index
    %get3A_196 = arith.constant 0 : index
    %get3A_197 = vector.load %arg4[%get3A_193, %get3A_194, %get3A_195, %get3A_196] : memref<3x3x512x512xbf16, #tpu.memory_space<vmem>>, vector<1x1x512x512xbf16>
    %get3A_198 = vector.shape_cast %get3A_197 : vector<1x1x512x512xbf16> to vector<512x512xbf16>
    %dot_general3A_199 = arith.constant dense<0.000000e+00> : vector<1168x512xf32>
    %dot_general3A_200 = tpu.matmul %slice3A_192, %get3A_198, %dot_general3A_199 {dimension_numbers = #tpu.dot_dimension_numbers<[1], [0], [0], [1], [0, 0, 1, 1], [], []>, transpose_lhs_hint = false} : vector<1168x512xbf16>, vector<512x512xbf16>, vector<1168x512xf32> -> vector<1168x512xf32>
    %add3A_201 = arith.addf %add3A_191, %dot_general3A_200 : vector<1168x512xf32>
    %max3A_202 = arith.constant 0.000000e+00 : f32
    %max3A_203 = vector.broadcast %max3A_202 : f32 to vector<1168x512xf32>
    %max3A_204 = arith.maximumf %add3A_201, %max3A_203 : vector<1168x512xf32>
    %convert_element_type3A_205 = arith.truncf %max3A_204 : vector<1168x512xf32> to vector<1168x512xbf16>
    %get3A_206 = arith.constant 9 : index
    %get3A_207 = arith.constant 0 : index
    %get3A_208 = vector.load %arg10[%get3A_206, %get3A_207] : memref<1186x512xf32, #tpu.memory_space<vmem>>, vector<1168x512xf32>
    %add3A_209 = vector.broadcast %get3A_164 : vector<1x512xf32> to vector<1168x512xf32>
    %add3A_210 = arith.addf %get3A_208, %add3A_209 : vector<1168x512xf32>
    %get3A_211 = arith.constant 0 : index
    %get3A_212 = arith.constant 0 : index
    %get3A_213 = arith.constant 0 : index
    %get3A_214 = vector.load %arg6[%get3A_211, %get3A_212, %get3A_213] : memref<3x512x512xbf16, #tpu.memory_space<vmem>>, vector<1x512x512xbf16>
    %get3A_215 = vector.shape_cast %get3A_214 : vector<1x512x512xbf16> to vector<512x512xbf16>
    %dot_general3A_216 = arith.constant dense<0.000000e+00> : vector<1168x512xf32>
    %dot_general3A_217 = tpu.matmul %convert_element_type3A_205, %get3A_215, %dot_general3A_216 {dimension_numbers = #tpu.dot_dimension_numbers<[1], [0], [0], [1], [0, 0, 1, 1], [], []>, transpose_lhs_hint = false} : vector<1168x512xbf16>, vector<512x512xbf16>, vector<1168x512xf32> -> vector<1168x512xf32>
    %add3A_218 = arith.addf %add3A_210, %dot_general3A_217 : vector<1168x512xf32>
    %jit3A = arith.constant 0.000000e+00 : f32
    %broadcast_in_dim3A_219 = vector.shape_cast %lt3A_158 : vector<1168x1xi1> to vector<1168x1xi1>
    %broadcast_in_dim3A_220 = vector.broadcast %broadcast_in_dim3A_219 : vector<1168x1xi1> to vector<1168x512xi1>
    %broadcast_in_dim3A_221 = vector.broadcast %jit3A : f32 to vector<1168x512xf32>
    %select_n3A = arith.select %broadcast_in_dim3A_220, %add3A_218, %broadcast_in_dim3A_221 : vector<1168x512xi1>, vector<1168x512xf32>
    %swap3A_222 = arith.constant 9 : index
    %swap3A_223 = arith.constant 0 : index
    %swap3A_224 = vector.load %arg10[%swap3A_222, %swap3A_223] : memref<1186x512xf32, #tpu.memory_space<vmem>>, vector<1168x512xf32>
    tpu.vector_store %arg10[%swap3A_222, %swap3A_223], %select_n3A {strides = array<i32>} : memref<1186x512xf32, #tpu.memory_space<vmem>>, vector<1168x512xf32>,
    %get3A_225 = arith.constant 1 : index
    %get3A_226 = arith.constant 0 : index
    %get3A_227 = vector.load %arg5[%get3A_225, %get3A_226] : memref<3x512xf32, #tpu.memory_space<vmem>>, vector<1x512xf32>
    %get3A_228 = arith.constant 1 : index
    %get3A_229 = arith.constant 0 : index
    %get3A_230 = vector.load %arg7[%get3A_228, %get3A_229] : memref<3x512xf32, #tpu.memory_space<vmem>>, vector<1x512xf32>
    %get3A_231 = arith.constant 0 : index
    %get3A_232 = arith.constant 0 : index
    %get3A_233 = vector.load %arg10[%get3A_231, %get3A_232] : memref<1186x512xf32, #tpu.memory_space<vmem>>, vector<1186x512xf32>
    %max3A_234 = arith.constant 0.000000e+00 : f32
    %max3A_235 = vector.broadcast %max3A_234 : f32 to vector<1186x512xf32>
    %max3A_236 = arith.maximumf %get3A_233, %max3A_235 : vector<1186x512xf32>
    %convert_element_type3A_237 = arith.truncf %max3A_236 : vector<1186x512xf32> to vector<1186x512xbf16>
    %slice3A_238 = vector.extract_strided_slice %convert_element_type3A_237 {offsets = [6, 0], sizes = [1168, 512], strides = [1, 1]} : vector<1186x512xbf16> to vector<1168x512xbf16>
    %get3A_239 = arith.constant 1 : index
    %get3A_240 = arith.constant 0 : index
    %get3A_241 = arith.constant 0 : index
    %get3A_242 = arith.constant 0 : index
    %get3A_243 = vector.load %arg4[%get3A_239, %get3A_240, %get3A_241, %get3A_242] : memref<3x3x512x512xbf16, #tpu.memory_space<vmem>>, vector<1x1x512x512xbf16>
    %get3A_244 = vector.shape_cast %get3A_243 : vector<1x1x512x512xbf16> to vector<512x512xbf16>
    %dot_general3A_245 = arith.constant dense<0.000000e+00> : vector<1168x512xf32>
    %dot_general3A_246 = tpu.matmul %slice3A_238, %get3A_244, %dot_general3A_245 {dimension_numbers = #tpu.dot_dimension_numbers<[1], [0], [0], [1], [0, 0, 1, 1], [], []>, transpose_lhs_hint = false} : vector<1168x512xbf16>, vector<512x512xbf16>, vector<1168x512xf32> -> vector<1168x512xf32>
    %add3A_247 = vector.broadcast %get3A_227 : vector<1x512xf32> to vector<1168x512xf32>
    %add3A_248 = arith.addf %add3A_247, %dot_general3A_246 : vector<1168x512xf32>
    %slice3A_249 = vector.extract_strided_slice %convert_element_type3A_237 {offsets = [9, 0], sizes = [1168, 512], strides = [1, 1]} : vector<1186x512xbf16> to vector<1168x512xbf16>
    %get3A_250 = arith.constant 1 : index
    %get3A_251 = arith.constant 1 : index
    %get3A_252 = arith.constant 0 : index
    %get3A_253 = arith.constant 0 : index
    %get3A_254 = vector.load %arg4[%get3A_250, %get3A_251, %get3A_252, %get3A_253] : memref<3x3x512x512xbf16, #tpu.memory_space<vmem>>, vector<1x1x512x512xbf16>
    %get3A_255 = vector.shape_cast %get3A_254 : vector<1x1x512x512xbf16> to vector<512x512xbf16>
    %dot_general3A_256 = arith.constant dense<0.000000e+00> : vector<1168x512xf32>
    %dot_general3A_257 = tpu.matmul %slice3A_249, %get3A_255, %dot_general3A_256 {dimension_numbers = #tpu.dot_dimension_numbers<[1], [0], [0], [1], [0, 0, 1, 1], [], []>, transpose_lhs_hint = false} : vector<1168x512xbf16>, vector<512x512xbf16>, vector<1168x512xf32> -> vector<1168x512xf32>
    %add3A_258 = arith.addf %add3A_248, %dot_general3A_257 : vector<1168x512xf32>
    %slice3A_259 = vector.extract_strided_slice %convert_element_type3A_237 {offsets = [12, 0], sizes = [1168, 512], strides = [1, 1]} : vector<1186x512xbf16> to vector<1168x512xbf16>
    %get3A_260 = arith.constant 1 : index
    %get3A_261 = arith.constant 2 : index
    %get3A_262 = arith.constant 0 : index
    %get3A_263 = arith.constant 0 : index
    %get3A_264 = vector.load %arg4[%get3A_260, %get3A_261, %get3A_262, %get3A_263] : memref<3x3x512x512xbf16, #tpu.memory_space<vmem>>, vector<1x1x512x512xbf16>
    %get3A_265 = vector.shape_cast %get3A_264 : vector<1x1x512x512xbf16> to vector<512x512xbf16>
    %dot_general3A_266 = arith.constant dense<0.000000e+00> : vector<1168x512xf32>
    %dot_general3A_267 = tpu.matmul %slice3A_259, %get3A_265, %dot_general3A_266 {dimension_numbers = #tpu.dot_dimension_numbers<[1], [0], [0], [1], [0, 0, 1, 1], [], []>, transpose_lhs_hint = false} : vector<1168x512xbf16>, vector<512x512xbf16>, vector<1168x512xf32> -> vector<1168x512xf32>
    %add3A_268 = arith.addf %add3A_258, %dot_general3A_267 : vector<1168x512xf32>
    %max3A_269 = arith.constant 0.000000e+00 : f32
    %max3A_270 = vector.broadcast %max3A_269 : f32 to vector<1168x512xf32>
    %max3A_271 = arith.maximumf %add3A_268, %max3A_270 : vector<1168x512xf32>
    %convert_element_type3A_272 = arith.truncf %max3A_271 : vector<1168x512xf32> to vector<1168x512xbf16>
    %get3A_273 = arith.constant 9 : index
    %get3A_274 = arith.constant 0 : index
    %get3A_275 = vector.load %arg10[%get3A_273, %get3A_274] : memref<1186x512xf32, #tpu.memory_space<vmem>>, vector<1168x512xf32>
    %add3A_276 = vector.broadcast %get3A_230 : vector<1x512xf32> to vector<1168x512xf32>
    %add3A_277 = arith.addf %get3A_275, %add3A_276 : vector<1168x512xf32>
    %get3A_278 = arith.constant 1 : index
    %get3A_279 = arith.constant 0 : index
    %get3A_280 = arith.constant 0 : index
    %get3A_281 = vector.load %arg6[%get3A_278, %get3A_279, %get3A_280] : memref<3x512x512xbf16, #tpu.memory_space<vmem>>, vector<1x512x512xbf16>
    %get3A_282 = vector.shape_cast %get3A_281 : vector<1x512x512xbf16> to vector<512x512xbf16>
    %dot_general3A_283 = arith.constant dense<0.000000e+00> : vector<1168x512xf32>
    %dot_general3A_284 = tpu.matmul %convert_element_type3A_272, %get3A_282, %dot_general3A_283 {dimension_numbers = #tpu.dot_dimension_numbers<[1], [0], [0], [1], [0, 0, 1, 1], [], []>, transpose_lhs_hint = false} : vector<1168x512xbf16>, vector<512x512xbf16>, vector<1168x512xf32> -> vector<1168x512xf32>
    %add3A_285 = arith.addf %add3A_277, %dot_general3A_284 : vector<1168x512xf32>
    %jit3A_286 = arith.constant 0.000000e+00 : f32
    %broadcast_in_dim3A_287 = vector.shape_cast %lt3A_158 : vector<1168x1xi1> to vector<1168x1xi1>
    %broadcast_in_dim3A_288 = vector.broadcast %broadcast_in_dim3A_287 : vector<1168x1xi1> to vector<1168x512xi1>
    %broadcast_in_dim3A_289 = vector.broadcast %jit3A_286 : f32 to vector<1168x512xf32>
    %select_n3A_290 = arith.select %broadcast_in_dim3A_288, %add3A_285, %broadcast_in_dim3A_289 : vector<1168x512xi1>, vector<1168x512xf32>
    %swap3A_291 = arith.constant 9 : index
    %swap3A_292 = arith.constant 0 : index
    %swap3A_293 = vector.load %arg10[%swap3A_291, %swap3A_292] : memref<1186x512xf32, #tpu.memory_space<vmem>>, vector<1168x512xf32>
    tpu.vector_store %arg10[%swap3A_291, %swap3A_292], %select_n3A_290 {strides = array<i32>} : memref<1186x512xf32, #tpu.memory_space<vmem>>, vector<1168x512xf32>,
    %get3A_294 = arith.constant 2 : index
    %get3A_295 = arith.constant 0 : index
    %get3A_296 = vector.load %arg5[%get3A_294, %get3A_295] : memref<3x512xf32, #tpu.memory_space<vmem>>, vector<1x512xf32>
    %get3A_297 = arith.constant 2 : index
    %get3A_298 = arith.constant 0 : index
    %get3A_299 = vector.load %arg7[%get3A_297, %get3A_298] : memref<3x512xf32, #tpu.memory_space<vmem>>, vector<1x512xf32>
    %get3A_300 = arith.constant 0 : index
    %get3A_301 = arith.constant 0 : index
    %get3A_302 = vector.load %arg10[%get3A_300, %get3A_301] : memref<1186x512xf32, #tpu.memory_space<vmem>>, vector<1186x512xf32>
    %max3A_303 = arith.constant 0.000000e+00 : f32
    %max3A_304 = vector.broadcast %max3A_303 : f32 to vector<1186x512xf32>
    %max3A_305 = arith.maximumf %get3A_302, %max3A_304 : vector<1186x512xf32>
    %convert_element_type3A_306 = arith.truncf %max3A_305 : vector<1186x512xf32> to vector<1186x512xbf16>
    %slice3A_307 = vector.extract_strided_slice %convert_element_type3A_306 {offsets = [0, 0], sizes = [1168, 512], strides = [1, 1]} : vector<1186x512xbf16> to vector<1168x512xbf16>
    %get3A_308 = arith.constant 2 : index
    %get3A_309 = arith.constant 0 : index
    %get3A_310 = arith.constant 0 : index
    %get3A_311 = arith.constant 0 : index
    %get3A_312 = vector.load %arg4[%get3A_308, %get3A_309, %get3A_310, %get3A_311] : memref<3x3x512x512xbf16, #tpu.memory_space<vmem>>, vector<1x1x512x512xbf16>
    %get3A_313 = vector.shape_cast %get3A_312 : vector<1x1x512x512xbf16> to vector<512x512xbf16>
    %dot_general3A_314 = arith.constant dense<0.000000e+00> : vector<1168x512xf32>
    %dot_general3A_315 = tpu.matmul %slice3A_307, %get3A_313, %dot_general3A_314 {dimension_numbers = #tpu.dot_dimension_numbers<[1], [0], [0], [1], [0, 0, 1, 1], [], []>, transpose_lhs_hint = false} : vector<1168x512xbf16>, vector<512x512xbf16>, vector<1168x512xf32> -> vector<1168x512xf32>
    %add3A_316 = vector.broadcast %get3A_296 : vector<1x512xf32> to vector<1168x512xf32>
    %add3A_317 = arith.addf %add3A_316, %dot_general3A_315 : vector<1168x512xf32>
    %slice3A_318 = vector.extract_strided_slice %convert_element_type3A_306 {offsets = [9, 0], sizes = [1168, 512], strides = [1, 1]} : vector<1186x512xbf16> to vector<1168x512xbf16>
    %get3A_319 = arith.constant 2 : index
    %get3A_320 = arith.constant 1 : index
    %get3A_321 = arith.constant 0 : index
    %get3A_322 = arith.constant 0 : index
    %get3A_323 = vector.load %arg4[%get3A_319, %get3A_320, %get3A_321, %get3A_322] : memref<3x3x512x512xbf16, #tpu.memory_space<vmem>>, vector<1x1x512x512xbf16>
    %get3A_324 = vector.shape_cast %get3A_323 : vector<1x1x512x512xbf16> to vector<512x512xbf16>
    %dot_general3A_325 = arith.constant dense<0.000000e+00> : vector<1168x512xf32>
    %dot_general3A_326 = tpu.matmul %slice3A_318, %get3A_324, %dot_general3A_325 {dimension_numbers = #tpu.dot_dimension_numbers<[1], [0], [0], [1], [0, 0, 1, 1], [], []>, transpose_lhs_hint = false} : vector<1168x512xbf16>, vector<512x512xbf16>, vector<1168x512xf32> -> vector<1168x512xf32>
    %add3A_327 = arith.addf %add3A_317, %dot_general3A_326 : vector<1168x512xf32>
    %slice3A_328 = vector.extract_strided_slice %convert_element_type3A_306 {offsets = [18, 0], sizes = [1168, 512], strides = [1, 1]} : vector<1186x512xbf16> to vector<1168x512xbf16>
    %get3A_329 = arith.constant 2 : index
    %get3A_330 = arith.constant 2 : index
    %get3A_331 = arith.constant 0 : index
    %get3A_332 = arith.constant 0 : index
    %get3A_333 = vector.load %arg4[%get3A_329, %get3A_330, %get3A_331, %get3A_332] : memref<3x3x512x512xbf16, #tpu.memory_space<vmem>>, vector<1x1x512x512xbf16>
    %get3A_334 = vector.shape_cast %get3A_333 : vector<1x1x512x512xbf16> to vector<512x512xbf16>
    %dot_general3A_335 = arith.constant dense<0.000000e+00> : vector<1168x512xf32>
    %dot_general3A_336 = tpu.matmul %slice3A_328, %get3A_334, %dot_general3A_335 {dimension_numbers = #tpu.dot_dimension_numbers<[1], [0], [0], [1], [0, 0, 1, 1], [], []>, transpose_lhs_hint = false} : vector<1168x512xbf16>, vector<512x512xbf16>, vector<1168x512xf32> -> vector<1168x512xf32>
    %add3A_337 = arith.addf %add3A_327, %dot_general3A_336 : vector<1168x512xf32>
    %max3A_338 = arith.constant 0.000000e+00 : f32
    %max3A_339 = vector.broadcast %max3A_338 : f32 to vector<1168x512xf32>
    %max3A_340 = arith.maximumf %add3A_337, %max3A_339 : vector<1168x512xf32>
    %convert_element_type3A_341 = arith.truncf %max3A_340 : vector<1168x512xf32> to vector<1168x512xbf16>
    %get3A_342 = arith.constant 9 : index
    %get3A_343 = arith.constant 0 : index
    %get3A_344 = vector.load %arg10[%get3A_342, %get3A_343] : memref<1186x512xf32, #tpu.memory_space<vmem>>, vector<1168x512xf32>
    %add3A_345 = vector.broadcast %get3A_299 : vector<1x512xf32> to vector<1168x512xf32>
    %add3A_346 = arith.addf %get3A_344, %add3A_345 : vector<1168x512xf32>
    %get3A_347 = arith.constant 2 : index
    %get3A_348 = arith.constant 0 : index
    %get3A_349 = arith.constant 0 : index
    %get3A_350 = vector.load %arg6[%get3A_347, %get3A_348, %get3A_349] : memref<3x512x512xbf16, #tpu.memory_space<vmem>>, vector<1x512x512xbf16>
    %get3A_351 = vector.shape_cast %get3A_350 : vector<1x512x512xbf16> to vector<512x512xbf16>
    %dot_general3A_352 = arith.constant dense<0.000000e+00> : vector<1168x512xf32>
    %dot_general3A_353 = tpu.matmul %convert_element_type3A_341, %get3A_351, %dot_general3A_352 {dimension_numbers = #tpu.dot_dimension_numbers<[1], [0], [0], [1], [0, 0, 1, 1], [], []>, transpose_lhs_hint = false} : vector<1168x512xbf16>, vector<512x512xbf16>, vector<1168x512xf32> -> vector<1168x512xf32>
    %add3A_354 = arith.addf %add3A_346, %dot_general3A_353 : vector<1168x512xf32>
    %jit3A_355 = arith.constant 0.000000e+00 : f32
    %broadcast_in_dim3A_356 = vector.shape_cast %lt3A_158 : vector<1168x1xi1> to vector<1168x1xi1>
    %broadcast_in_dim3A_357 = vector.broadcast %broadcast_in_dim3A_356 : vector<1168x1xi1> to vector<1168x512xi1>
    %broadcast_in_dim3A_358 = vector.broadcast %jit3A_355 : f32 to vector<1168x512xf32>
    %select_n3A_359 = arith.select %broadcast_in_dim3A_357, %add3A_354, %broadcast_in_dim3A_358 : vector<1168x512xi1>, vector<1168x512xf32>
    %swap3A_360 = arith.constant 9 : index
    %swap3A_361 = arith.constant 0 : index
    %swap3A_362 = vector.load %arg10[%swap3A_360, %swap3A_361] : memref<1186x512xf32, #tpu.memory_space<vmem>>, vector<1168x512xf32>
    tpu.vector_store %arg10[%swap3A_360, %swap3A_361], %select_n3A_359 {strides = array<i32>} : memref<1186x512xf32, #tpu.memory_space<vmem>>, vector<1168x512xf32>,
    %get3A_363 = arith.constant 9 : index
    %get3A_364 = arith.constant 0 : index
    %get3A_365 = vector.load %arg10[%get3A_363, %get3A_364] : memref<1186x512xf32, #tpu.memory_space<vmem>>, vector<128x512xf32>
    %swap3A_366 = arith.constant 0 : index
    %swap3A_367 = arith.constant 0 : index
    %swap3A_368 = arith.constant 0 : index
    %swap3A_369 = vector.load %arg8[%swap3A_366, %swap3A_367, %swap3A_368] : memref<8x128x512xf32, #tpu.memory_space<vmem>>, vector<1x128x512xf32>
    %swap3A_370 = vector.shape_cast %swap3A_369 : vector<1x128x512xf32> to vector<128x512xf32>
    %swap3A_371 = vector.shape_cast %get3A_365 : vector<128x512xf32> to vector<1x128x512xf32>
    tpu.vector_store %arg8[%swap3A_366, %swap3A_367, %swap3A_368], %swap3A_371 {strides = array<i32>} : memref<8x128x512xf32, #tpu.memory_space<vmem>>, vector<1x128x512xf32>,
    %get3A_372 = arith.constant 155 : index
    %get3A_373 = arith.constant 0 : index
    %get3A_374 = vector.load %arg10[%get3A_372, %get3A_373] : memref<1186x512xf32, #tpu.memory_space<vmem>>, vector<128x512xf32>
    %swap3A_375 = arith.constant 1 : index
    %swap3A_376 = arith.constant 0 : index
    %swap3A_377 = arith.constant 0 : index
    %swap3A_378 = vector.load %arg8[%swap3A_375, %swap3A_376, %swap3A_377] : memref<8x128x512xf32, #tpu.memory_space<vmem>>, vector<1x128x512xf32>
    %swap3A_379 = vector.shape_cast %swap3A_378 : vector<1x128x512xf32> to vector<128x512xf32>
    %swap3A_380 = vector.shape_cast %get3A_374 : vector<128x512xf32> to vector<1x128x512xf32>
    tpu.vector_store %arg8[%swap3A_375, %swap3A_376, %swap3A_377], %swap3A_380 {strides = array<i32>} : memref<8x128x512xf32, #tpu.memory_space<vmem>>, vector<1x128x512xf32>,
    %get3A_381 = arith.constant 301 : index
    %get3A_382 = arith.constant 0 : index
    %get3A_383 = vector.load %arg10[%get3A_381, %get3A_382] : memref<1186x512xf32, #tpu.memory_space<vmem>>, vector<128x512xf32>
    %swap3A_384 = arith.constant 2 : index
    %swap3A_385 = arith.constant 0 : index
    %swap3A_386 = arith.constant 0 : index
    %swap3A_387 = vector.load %arg8[%swap3A_384, %swap3A_385, %swap3A_386] : memref<8x128x512xf32, #tpu.memory_space<vmem>>, vector<1x128x512xf32>
    %swap3A_388 = vector.shape_cast %swap3A_387 : vector<1x128x512xf32> to vector<128x512xf32>
    %swap3A_389 = vector.shape_cast %get3A_383 : vector<128x512xf32> to vector<1x128x512xf32>
    tpu.vector_store %arg8[%swap3A_384, %swap3A_385, %swap3A_386], %swap3A_389 {strides = array<i32>} : memref<8x128x512xf32, #tpu.memory_space<vmem>>, vector<1x128x512xf32>,
    %get3A_390 = arith.constant 447 : index
    %get3A_391 = arith.constant 0 : index
    %get3A_392 = vector.load %arg10[%get3A_390, %get3A_391] : memref<1186x512xf32, #tpu.memory_space<vmem>>, vector<128x512xf32>
    %swap3A_393 = arith.constant 3 : index
    %swap3A_394 = arith.constant 0 : index
    %swap3A_395 = arith.constant 0 : index
    %swap3A_396 = vector.load %arg8[%swap3A_393, %swap3A_394, %swap3A_395] : memref<8x128x512xf32, #tpu.memory_space<vmem>>, vector<1x128x512xf32>
    %swap3A_397 = vector.shape_cast %swap3A_396 : vector<1x128x512xf32> to vector<128x512xf32>
    %swap3A_398 = vector.shape_cast %get3A_392 : vector<128x512xf32> to vector<1x128x512xf32>
    tpu.vector_store %arg8[%swap3A_393, %swap3A_394, %swap3A_395], %swap3A_398 {strides = array<i32>} : memref<8x128x512xf32, #tpu.memory_space<vmem>>, vector<1x128x512xf32>,
    %get3A_399 = arith.constant 593 : index
    %get3A_400 = arith.constant 0 : index
    %get3A_401 = vector.load %arg10[%get3A_399, %get3A_400] : memref<1186x512xf32, #tpu.memory_space<vmem>>, vector<128x512xf32>
    %swap3A_402 = arith.constant 4 : index
    %swap3A_403 = arith.constant 0 : index
    %swap3A_404 = arith.constant 0 : index
    %swap3A_405 = vector.load %arg8[%swap3A_402, %swap3A_403, %swap3A_404] : memref<8x128x512xf32, #tpu.memory_space<vmem>>, vector<1x128x512xf32>
    %swap3A_406 = vector.shape_cast %swap3A_405 : vector<1x128x512xf32> to vector<128x512xf32>
    %swap3A_407 = vector.shape_cast %get3A_401 : vector<128x512xf32> to vector<1x128x512xf32>
    tpu.vector_store %arg8[%swap3A_402, %swap3A_403, %swap3A_404], %swap3A_407 {strides = array<i32>} : memref<8x128x512xf32, #tpu.memory_space<vmem>>, vector<1x128x512xf32>,
    %get3A_408 = arith.constant 739 : index
    %get3A_409 = arith.constant 0 : index
    %get3A_410 = vector.load %arg10[%get3A_408, %get3A_409] : memref<1186x512xf32, #tpu.memory_space<vmem>>, vector<128x512xf32>
    %swap3A_411 = arith.constant 5 : index
    %swap3A_412 = arith.constant 0 : index
    %swap3A_413 = arith.constant 0 : index
    %swap3A_414 = vector.load %arg8[%swap3A_411, %swap3A_412, %swap3A_413] : memref<8x128x512xf32, #tpu.memory_space<vmem>>, vector<1x128x512xf32>
    %swap3A_415 = vector.shape_cast %swap3A_414 : vector<1x128x512xf32> to vector<128x512xf32>
    %swap3A_416 = vector.shape_cast %get3A_410 : vector<128x512xf32> to vector<1x128x512xf32>
    tpu.vector_store %arg8[%swap3A_411, %swap3A_412, %swap3A_413], %swap3A_416 {strides = array<i32>} : memref<8x128x512xf32, #tpu.memory_space<vmem>>, vector<1x128x512xf32>,
    %get3A_417 = arith.constant 885 : index
    %get3A_418 = arith.constant 0 : index
    %get3A_419 = vector.load %arg10[%get3A_417, %get3A_418] : memref<1186x512xf32, #tpu.memory_space<vmem>>, vector<128x512xf32>
    %swap3A_420 = arith.constant 6 : index
    %swap3A_421 = arith.constant 0 : index
    %swap3A_422 = arith.constant 0 : index
    %swap3A_423 = vector.load %arg8[%swap3A_420, %swap3A_421, %swap3A_422] : memref<8x128x512xf32, #tpu.memory_space<vmem>>, vector<1x128x512xf32>
    %swap3A_424 = vector.shape_cast %swap3A_423 : vector<1x128x512xf32> to vector<128x512xf32>
    %swap3A_425 = vector.shape_cast %get3A_419 : vector<128x512xf32> to vector<1x128x512xf32>
    tpu.vector_store %arg8[%swap3A_420, %swap3A_421, %swap3A_422], %swap3A_425 {strides = array<i32>} : memref<8x128x512xf32, #tpu.memory_space<vmem>>, vector<1x128x512xf32>,
    %get3A_426 = arith.constant 1031 : index
    %get3A_427 = arith.constant 0 : index
    %get3A_428 = vector.load %arg10[%get3A_426, %get3A_427] : memref<1186x512xf32, #tpu.memory_space<vmem>>, vector<128x512xf32>
    %swap3A_429 = arith.constant 7 : index
    %swap3A_430 = arith.constant 0 : index
    %swap3A_431 = arith.constant 0 : index
    %swap3A_432 = vector.load %arg8[%swap3A_429, %swap3A_430, %swap3A_431] : memref<8x128x512xf32, #tpu.memory_space<vmem>>, vector<1x128x512xf32>
    %swap3A_433 = vector.shape_cast %swap3A_432 : vector<1x128x512xf32> to vector<128x512xf32>
    %swap3A_434 = vector.shape_cast %get3A_428 : vector<128x512xf32> to vector<1x128x512xf32>
    tpu.vector_store %arg8[%swap3A_429, %swap3A_430, %swap3A_431], %swap3A_434 {strides = array<i32>} : memref<8x128x512xf32, #tpu.memory_space<vmem>>, vector<1x128x512xf32>,
    return
  }
  func.func @transform_0(%arg0: i32) -> (i32, i32, i32) {
    %c0_i32 = arith.constant 0 : i32
    %c0_i32_0 = arith.constant 0 : i32
    %c0_i32_1 = arith.constant 0 : i32
    return %arg0, %c0_i32, %c0_i32_0 : i32, i32, i32
  }
  func.func @transform_1(%arg0: i32) -> (i32, i32, i32) {
    %c0_i32 = arith.constant 0 : i32
    %c0_i32_0 = arith.constant 0 : i32
    %c0_i32_1 = arith.constant 0 : i32
    %c0_i32_2 = arith.constant 0 : i32
    return %c0_i32, %c0_i32_0, %c0_i32_1 : i32, i32, i32
  }
  func.func @transform_2(%arg0: i32) -> (i32, i32) {
    %c0_i32 = arith.constant 0 : i32
    %c0_i32_0 = arith.constant 0 : i32
    %c0_i32_1 = arith.constant 0 : i32
    return %c0_i32, %c0_i32_0 : i32, i32
  }
  func.func @transform_3(%arg0: i32) -> (i32, i32, i32, i32) {
    %c0_i32 = arith.constant 0 : i32
    %c0_i32_0 = arith.constant 0 : i32
    %c0_i32_1 = arith.constant 0 : i32
    %c0_i32_2 = arith.constant 0 : i32
    %c0_i32_3 = arith.constant 0 : i32
    return %c0_i32, %c0_i32_0, %c0_i32_1, %c0_i32_2 : i32, i32, i32, i32
  }
  func.func @transform_4(%arg0: i32) -> (i32, i32) {
    %c0_i32 = arith.constant 0 : i32
    %c0_i32_0 = arith.constant 0 : i32
    %c0_i32_1 = arith.constant 0 : i32
    return %c0_i32, %c0_i32_0 : i32, i32
  }
  func.func @transform_5(%arg0: i32) -> (i32, i32, i32) {
    %c0_i32 = arith.constant 0 : i32
    %c0_i32_0 = arith.constant 0 : i32
    %c0_i32_1 = arith.constant 0 : i32
    %c0_i32_2 = arith.constant 0 : i32
    return %c0_i32, %c0_i32_0, %c0_i32_1 : i32, i32, i32
  }
  func.func @transform_6(%arg0: i32) -> (i32, i32) {
    %c0_i32 = arith.constant 0 : i32
    %c0_i32_0 = arith.constant 0 : i32
    %c0_i32_1 = arith.constant 0 : i32
    return %c0_i32, %c0_i32_0 : i32, i32
  }
  func.func @transform_7(%arg0: i32) -> (i32, i32, i32) {
    %c0_i32 = arith.constant 0 : i32
    %c0_i32_0 = arith.constant 0 : i32
    %c0_i32_1 = arith.constant 0 : i32
    return %arg0, %c0_i32, %c0_i32_0 : i32, i32, i32
  }
}

module attributes {stable_mosaic.version = 14 : i64} {
  func.func @body(%arg0: i32, %arg1: memref<16x64x1024xf32, #tpu.memory_space<vmem>>, %arg2: memref<4x512x512xbf16, #tpu.memory_space<vmem>>, %arg3: memref<1x512xf32, #tpu.memory_space<vmem>>, %arg4: memref<3x3x512x512xbf16, #tpu.memory_space<vmem>>, %arg5: memref<3x512xf32, #tpu.memory_space<vmem>>, %arg6: memref<3x512x512xbf16, #tpu.memory_space<vmem>>, %arg7: memref<3x512xf32, #tpu.memory_space<vmem>>, %arg8: memref<16x64x512xf32, #tpu.memory_space<vmem>>, %arg9: memref<1058x1024xbf16, #tpu.memory_space<vmem>>, %arg10: memref<1330x512xf32, #tpu.memory_space<vmem>>) attributes {dimension_semantics = [#tpu.dimension_semantics<parallel>], iteration_bounds = array<i64: 2>, scalar_prefetch = 0 : i64, scratch_operands = 2 : i64, tpu.core_type = #tpu.core_type<tc>, window_params = [{transform_indices = @transform_0, window_bounds = array<i64: 16, 64, 1024>}, {pipeline_mode = #tpu.pipeline_mode<synchronous>, transform_indices = @transform_1, window_bounds = array<i64: 4, 512, 512>}, {pipeline_mode = #tpu.pipeline_mode<synchronous>, transform_indices = @transform_2, window_bounds = array<i64: 1, 512>}, {pipeline_mode = #tpu.pipeline_mode<synchronous>, transform_indices = @transform_3, window_bounds = array<i64: 3, 3, 512, 512>}, {pipeline_mode = #tpu.pipeline_mode<synchronous>, transform_indices = @transform_4, window_bounds = array<i64: 3, 512>}, {pipeline_mode = #tpu.pipeline_mode<synchronous>, transform_indices = @transform_5, window_bounds = array<i64: 3, 512, 512>}, {pipeline_mode = #tpu.pipeline_mode<synchronous>, transform_indices = @transform_6, window_bounds = array<i64: 3, 512>}, {transform_indices = @transform_7, window_bounds = array<i64: 16, 64, 512>}]} {
    %broadcast_in_dim3A = arith.constant 0.000000e+00 : bf16
    %broadcast_in_dim3A_0 = vector.broadcast %broadcast_in_dim3A : bf16 to vector<1058x1024xbf16>
    %swap3A = arith.constant 0 : index
    %swap3A_1 = arith.constant 0 : index
    %swap3A_2 = vector.load %arg9[%swap3A, %swap3A_1] : memref<1058x1024xbf16, #tpu.memory_space<vmem>>, vector<1058x1024xbf16>
    tpu.vector_store %arg9[%swap3A, %swap3A_1], %broadcast_in_dim3A_0 {strides = array<i32>} : memref<1058x1024xbf16, #tpu.memory_space<vmem>>, vector<1058x1024xbf16>,
    %get3A = arith.constant 0 : index
    %get3A_3 = arith.constant 0 : index
    %get3A_4 = arith.constant 0 : index
    %get3A_5 = vector.load %arg1[%get3A, %get3A_3, %get3A_4] : memref<16x64x1024xf32, #tpu.memory_space<vmem>>, vector<1x64x1024xf32>
    %get3A_6 = vector.shape_cast %get3A_5 : vector<1x64x1024xf32> to vector<64x1024xf32>
    %convert_element_type3A = arith.truncf %get3A_6 : vector<64x1024xf32> to vector<64x1024xbf16>
    %swap3A_7 = arith.constant 1 : index
    %swap3A_8 = arith.constant 0 : index
    %swap3A_9 = vector.load %arg9[%swap3A_7, %swap3A_8] : memref<1058x1024xbf16, #tpu.memory_space<vmem>>, vector<64x1024xbf16>
    tpu.vector_store %arg9[%swap3A_7, %swap3A_8], %convert_element_type3A {strides = array<i32>} : memref<1058x1024xbf16, #tpu.memory_space<vmem>>, vector<64x1024xbf16>,
    %get3A_10 = arith.constant 1 : index
    %get3A_11 = arith.constant 0 : index
    %get3A_12 = arith.constant 0 : index
    %get3A_13 = vector.load %arg1[%get3A_10, %get3A_11, %get3A_12] : memref<16x64x1024xf32, #tpu.memory_space<vmem>>, vector<1x64x1024xf32>
    %get3A_14 = vector.shape_cast %get3A_13 : vector<1x64x1024xf32> to vector<64x1024xf32>
    %convert_element_type3A_15 = arith.truncf %get3A_14 : vector<64x1024xf32> to vector<64x1024xbf16>
    %swap3A_16 = arith.constant 67 : index
    %swap3A_17 = arith.constant 0 : index
    %swap3A_18 = vector.load %arg9[%swap3A_16, %swap3A_17] : memref<1058x1024xbf16, #tpu.memory_space<vmem>>, vector<64x1024xbf16>
    tpu.vector_store %arg9[%swap3A_16, %swap3A_17], %convert_element_type3A_15 {strides = array<i32>} : memref<1058x1024xbf16, #tpu.memory_space<vmem>>, vector<64x1024xbf16>,
    %get3A_19 = arith.constant 2 : index
    %get3A_20 = arith.constant 0 : index
    %get3A_21 = arith.constant 0 : index
    %get3A_22 = vector.load %arg1[%get3A_19, %get3A_20, %get3A_21] : memref<16x64x1024xf32, #tpu.memory_space<vmem>>, vector<1x64x1024xf32>
    %get3A_23 = vector.shape_cast %get3A_22 : vector<1x64x1024xf32> to vector<64x1024xf32>
    %convert_element_type3A_24 = arith.truncf %get3A_23 : vector<64x1024xf32> to vector<64x1024xbf16>
    %swap3A_25 = arith.constant 133 : index
    %swap3A_26 = arith.constant 0 : index
    %swap3A_27 = vector.load %arg9[%swap3A_25, %swap3A_26] : memref<1058x1024xbf16, #tpu.memory_space<vmem>>, vector<64x1024xbf16>
    tpu.vector_store %arg9[%swap3A_25, %swap3A_26], %convert_element_type3A_24 {strides = array<i32>} : memref<1058x1024xbf16, #tpu.memory_space<vmem>>, vector<64x1024xbf16>,
    %get3A_28 = arith.constant 3 : index
    %get3A_29 = arith.constant 0 : index
    %get3A_30 = arith.constant 0 : index
    %get3A_31 = vector.load %arg1[%get3A_28, %get3A_29, %get3A_30] : memref<16x64x1024xf32, #tpu.memory_space<vmem>>, vector<1x64x1024xf32>
    %get3A_32 = vector.shape_cast %get3A_31 : vector<1x64x1024xf32> to vector<64x1024xf32>
    %convert_element_type3A_33 = arith.truncf %get3A_32 : vector<64x1024xf32> to vector<64x1024xbf16>
    %swap3A_34 = arith.constant 199 : index
    %swap3A_35 = arith.constant 0 : index
    %swap3A_36 = vector.load %arg9[%swap3A_34, %swap3A_35] : memref<1058x1024xbf16, #tpu.memory_space<vmem>>, vector<64x1024xbf16>
    tpu.vector_store %arg9[%swap3A_34, %swap3A_35], %convert_element_type3A_33 {strides = array<i32>} : memref<1058x1024xbf16, #tpu.memory_space<vmem>>, vector<64x1024xbf16>,
    %get3A_37 = arith.constant 4 : index
    %get3A_38 = arith.constant 0 : index
    %get3A_39 = arith.constant 0 : index
    %get3A_40 = vector.load %arg1[%get3A_37, %get3A_38, %get3A_39] : memref<16x64x1024xf32, #tpu.memory_space<vmem>>, vector<1x64x1024xf32>
    %get3A_41 = vector.shape_cast %get3A_40 : vector<1x64x1024xf32> to vector<64x1024xf32>
    %convert_element_type3A_42 = arith.truncf %get3A_41 : vector<64x1024xf32> to vector<64x1024xbf16>
    %swap3A_43 = arith.constant 265 : index
    %swap3A_44 = arith.constant 0 : index
    %swap3A_45 = vector.load %arg9[%swap3A_43, %swap3A_44] : memref<1058x1024xbf16, #tpu.memory_space<vmem>>, vector<64x1024xbf16>
    tpu.vector_store %arg9[%swap3A_43, %swap3A_44], %convert_element_type3A_42 {strides = array<i32>} : memref<1058x1024xbf16, #tpu.memory_space<vmem>>, vector<64x1024xbf16>,
    %get3A_46 = arith.constant 5 : index
    %get3A_47 = arith.constant 0 : index
    %get3A_48 = arith.constant 0 : index
    %get3A_49 = vector.load %arg1[%get3A_46, %get3A_47, %get3A_48] : memref<16x64x1024xf32, #tpu.memory_space<vmem>>, vector<1x64x1024xf32>
    %get3A_50 = vector.shape_cast %get3A_49 : vector<1x64x1024xf32> to vector<64x1024xf32>
    %convert_element_type3A_51 = arith.truncf %get3A_50 : vector<64x1024xf32> to vector<64x1024xbf16>
    %swap3A_52 = arith.constant 331 : index
    %swap3A_53 = arith.constant 0 : index
    %swap3A_54 = vector.load %arg9[%swap3A_52, %swap3A_53] : memref<1058x1024xbf16, #tpu.memory_space<vmem>>, vector<64x1024xbf16>
    tpu.vector_store %arg9[%swap3A_52, %swap3A_53], %convert_element_type3A_51 {strides = array<i32>} : memref<1058x1024xbf16, #tpu.memory_space<vmem>>, vector<64x1024xbf16>,
    %get3A_55 = arith.constant 6 : index
    %get3A_56 = arith.constant 0 : index
    %get3A_57 = arith.constant 0 : index
    %get3A_58 = vector.load %arg1[%get3A_55, %get3A_56, %get3A_57] : memref<16x64x1024xf32, #tpu.memory_space<vmem>>, vector<1x64x1024xf32>
    %get3A_59 = vector.shape_cast %get3A_58 : vector<1x64x1024xf32> to vector<64x1024xf32>
    %convert_element_type3A_60 = arith.truncf %get3A_59 : vector<64x1024xf32> to vector<64x1024xbf16>
    %swap3A_61 = arith.constant 397 : index
    %swap3A_62 = arith.constant 0 : index
    %swap3A_63 = vector.load %arg9[%swap3A_61, %swap3A_62] : memref<1058x1024xbf16, #tpu.memory_space<vmem>>, vector<64x1024xbf16>
    tpu.vector_store %arg9[%swap3A_61, %swap3A_62], %convert_element_type3A_60 {strides = array<i32>} : memref<1058x1024xbf16, #tpu.memory_space<vmem>>, vector<64x1024xbf16>,
    %get3A_64 = arith.constant 7 : index
    %get3A_65 = arith.constant 0 : index
    %get3A_66 = arith.constant 0 : index
    %get3A_67 = vector.load %arg1[%get3A_64, %get3A_65, %get3A_66] : memref<16x64x1024xf32, #tpu.memory_space<vmem>>, vector<1x64x1024xf32>
    %get3A_68 = vector.shape_cast %get3A_67 : vector<1x64x1024xf32> to vector<64x1024xf32>
    %convert_element_type3A_69 = arith.truncf %get3A_68 : vector<64x1024xf32> to vector<64x1024xbf16>
    %swap3A_70 = arith.constant 463 : index
    %swap3A_71 = arith.constant 0 : index
    %swap3A_72 = vector.load %arg9[%swap3A_70, %swap3A_71] : memref<1058x1024xbf16, #tpu.memory_space<vmem>>, vector<64x1024xbf16>
    tpu.vector_store %arg9[%swap3A_70, %swap3A_71], %convert_element_type3A_69 {strides = array<i32>} : memref<1058x1024xbf16, #tpu.memory_space<vmem>>, vector<64x1024xbf16>,
    %get3A_73 = arith.constant 8 : index
    %get3A_74 = arith.constant 0 : index
    %get3A_75 = arith.constant 0 : index
    %get3A_76 = vector.load %arg1[%get3A_73, %get3A_74, %get3A_75] : memref<16x64x1024xf32, #tpu.memory_space<vmem>>, vector<1x64x1024xf32>
    %get3A_77 = vector.shape_cast %get3A_76 : vector<1x64x1024xf32> to vector<64x1024xf32>
    %convert_element_type3A_78 = arith.truncf %get3A_77 : vector<64x1024xf32> to vector<64x1024xbf16>
    %swap3A_79 = arith.constant 529 : index
    %swap3A_80 = arith.constant 0 : index
    %swap3A_81 = vector.load %arg9[%swap3A_79, %swap3A_80] : memref<1058x1024xbf16, #tpu.memory_space<vmem>>, vector<64x1024xbf16>
    tpu.vector_store %arg9[%swap3A_79, %swap3A_80], %convert_element_type3A_78 {strides = array<i32>} : memref<1058x1024xbf16, #tpu.memory_space<vmem>>, vector<64x1024xbf16>,
    %get3A_82 = arith.constant 9 : index
    %get3A_83 = arith.constant 0 : index
    %get3A_84 = arith.constant 0 : index
    %get3A_85 = vector.load %arg1[%get3A_82, %get3A_83, %get3A_84] : memref<16x64x1024xf32, #tpu.memory_space<vmem>>, vector<1x64x1024xf32>
    %get3A_86 = vector.shape_cast %get3A_85 : vector<1x64x1024xf32> to vector<64x1024xf32>
    %convert_element_type3A_87 = arith.truncf %get3A_86 : vector<64x1024xf32> to vector<64x1024xbf16>
    %swap3A_88 = arith.constant 595 : index
    %swap3A_89 = arith.constant 0 : index
    %swap3A_90 = vector.load %arg9[%swap3A_88, %swap3A_89] : memref<1058x1024xbf16, #tpu.memory_space<vmem>>, vector<64x1024xbf16>
    tpu.vector_store %arg9[%swap3A_88, %swap3A_89], %convert_element_type3A_87 {strides = array<i32>} : memref<1058x1024xbf16, #tpu.memory_space<vmem>>, vector<64x1024xbf16>,
    %get3A_91 = arith.constant 10 : index
    %get3A_92 = arith.constant 0 : index
    %get3A_93 = arith.constant 0 : index
    %get3A_94 = vector.load %arg1[%get3A_91, %get3A_92, %get3A_93] : memref<16x64x1024xf32, #tpu.memory_space<vmem>>, vector<1x64x1024xf32>
    %get3A_95 = vector.shape_cast %get3A_94 : vector<1x64x1024xf32> to vector<64x1024xf32>
    %convert_element_type3A_96 = arith.truncf %get3A_95 : vector<64x1024xf32> to vector<64x1024xbf16>
    %swap3A_97 = arith.constant 661 : index
    %swap3A_98 = arith.constant 0 : index
    %swap3A_99 = vector.load %arg9[%swap3A_97, %swap3A_98] : memref<1058x1024xbf16, #tpu.memory_space<vmem>>, vector<64x1024xbf16>
    tpu.vector_store %arg9[%swap3A_97, %swap3A_98], %convert_element_type3A_96 {strides = array<i32>} : memref<1058x1024xbf16, #tpu.memory_space<vmem>>, vector<64x1024xbf16>,
    %get3A_100 = arith.constant 11 : index
    %get3A_101 = arith.constant 0 : index
    %get3A_102 = arith.constant 0 : index
    %get3A_103 = vector.load %arg1[%get3A_100, %get3A_101, %get3A_102] : memref<16x64x1024xf32, #tpu.memory_space<vmem>>, vector<1x64x1024xf32>
    %get3A_104 = vector.shape_cast %get3A_103 : vector<1x64x1024xf32> to vector<64x1024xf32>
    %convert_element_type3A_105 = arith.truncf %get3A_104 : vector<64x1024xf32> to vector<64x1024xbf16>
    %swap3A_106 = arith.constant 727 : index
    %swap3A_107 = arith.constant 0 : index
    %swap3A_108 = vector.load %arg9[%swap3A_106, %swap3A_107] : memref<1058x1024xbf16, #tpu.memory_space<vmem>>, vector<64x1024xbf16>
    tpu.vector_store %arg9[%swap3A_106, %swap3A_107], %convert_element_type3A_105 {strides = array<i32>} : memref<1058x1024xbf16, #tpu.memory_space<vmem>>, vector<64x1024xbf16>,
    %get3A_109 = arith.constant 12 : index
    %get3A_110 = arith.constant 0 : index
    %get3A_111 = arith.constant 0 : index
    %get3A_112 = vector.load %arg1[%get3A_109, %get3A_110, %get3A_111] : memref<16x64x1024xf32, #tpu.memory_space<vmem>>, vector<1x64x1024xf32>
    %get3A_113 = vector.shape_cast %get3A_112 : vector<1x64x1024xf32> to vector<64x1024xf32>
    %convert_element_type3A_114 = arith.truncf %get3A_113 : vector<64x1024xf32> to vector<64x1024xbf16>
    %swap3A_115 = arith.constant 793 : index
    %swap3A_116 = arith.constant 0 : index
    %swap3A_117 = vector.load %arg9[%swap3A_115, %swap3A_116] : memref<1058x1024xbf16, #tpu.memory_space<vmem>>, vector<64x1024xbf16>
    tpu.vector_store %arg9[%swap3A_115, %swap3A_116], %convert_element_type3A_114 {strides = array<i32>} : memref<1058x1024xbf16, #tpu.memory_space<vmem>>, vector<64x1024xbf16>,
    %get3A_118 = arith.constant 13 : index
    %get3A_119 = arith.constant 0 : index
    %get3A_120 = arith.constant 0 : index
    %get3A_121 = vector.load %arg1[%get3A_118, %get3A_119, %get3A_120] : memref<16x64x1024xf32, #tpu.memory_space<vmem>>, vector<1x64x1024xf32>
    %get3A_122 = vector.shape_cast %get3A_121 : vector<1x64x1024xf32> to vector<64x1024xf32>
    %convert_element_type3A_123 = arith.truncf %get3A_122 : vector<64x1024xf32> to vector<64x1024xbf16>
    %swap3A_124 = arith.constant 859 : index
    %swap3A_125 = arith.constant 0 : index
    %swap3A_126 = vector.load %arg9[%swap3A_124, %swap3A_125] : memref<1058x1024xbf16, #tpu.memory_space<vmem>>, vector<64x1024xbf16>
    tpu.vector_store %arg9[%swap3A_124, %swap3A_125], %convert_element_type3A_123 {strides = array<i32>} : memref<1058x1024xbf16, #tpu.memory_space<vmem>>, vector<64x1024xbf16>,
    %get3A_127 = arith.constant 14 : index
    %get3A_128 = arith.constant 0 : index
    %get3A_129 = arith.constant 0 : index
    %get3A_130 = vector.load %arg1[%get3A_127, %get3A_128, %get3A_129] : memref<16x64x1024xf32, #tpu.memory_space<vmem>>, vector<1x64x1024xf32>
    %get3A_131 = vector.shape_cast %get3A_130 : vector<1x64x1024xf32> to vector<64x1024xf32>
    %convert_element_type3A_132 = arith.truncf %get3A_131 : vector<64x1024xf32> to vector<64x1024xbf16>
    %swap3A_133 = arith.constant 925 : index
    %swap3A_134 = arith.constant 0 : index
    %swap3A_135 = vector.load %arg9[%swap3A_133, %swap3A_134] : memref<1058x1024xbf16, #tpu.memory_space<vmem>>, vector<64x1024xbf16>
    tpu.vector_store %arg9[%swap3A_133, %swap3A_134], %convert_element_type3A_132 {strides = array<i32>} : memref<1058x1024xbf16, #tpu.memory_space<vmem>>, vector<64x1024xbf16>,
    %get3A_136 = arith.constant 15 : index
    %get3A_137 = arith.constant 0 : index
    %get3A_138 = arith.constant 0 : index
    %get3A_139 = vector.load %arg1[%get3A_136, %get3A_137, %get3A_138] : memref<16x64x1024xf32, #tpu.memory_space<vmem>>, vector<1x64x1024xf32>
    %get3A_140 = vector.shape_cast %get3A_139 : vector<1x64x1024xf32> to vector<64x1024xf32>
    %convert_element_type3A_141 = arith.truncf %get3A_140 : vector<64x1024xf32> to vector<64x1024xbf16>
    %swap3A_142 = arith.constant 991 : index
    %swap3A_143 = arith.constant 0 : index
    %swap3A_144 = vector.load %arg9[%swap3A_142, %swap3A_143] : memref<1058x1024xbf16, #tpu.memory_space<vmem>>, vector<64x1024xbf16>
    tpu.vector_store %arg9[%swap3A_142, %swap3A_143], %convert_element_type3A_141 {strides = array<i32>} : memref<1058x1024xbf16, #tpu.memory_space<vmem>>, vector<64x1024xbf16>,
    %get3A_145 = arith.constant 0 : index
    %get3A_146 = arith.constant 0 : index
    %get3A_147 = vector.load %arg3[%get3A_145, %get3A_146] : memref<1x512xf32, #tpu.memory_space<vmem>>, vector<1x512xf32>
    %get3A_148 = arith.constant 0 : index
    %get3A_149 = arith.constant 512 : index
    %get3A_150 = vector.load %arg9[%get3A_148, %get3A_149] : memref<1058x1024xbf16, #tpu.memory_space<vmem>>, vector<1056x512xbf16>
    %get3A_151 = arith.constant 0 : index
    %get3A_152 = arith.constant 0 : index
    %get3A_153 = arith.constant 0 : index
    %get3A_154 = vector.load %arg2[%get3A_151, %get3A_152, %get3A_153] : memref<4x512x512xbf16, #tpu.memory_space<vmem>>, vector<1x512x512xbf16>
    %get3A_155 = vector.shape_cast %get3A_154 : vector<1x512x512xbf16> to vector<512x512xbf16>
    %dot_general3A = arith.constant dense<0.000000e+00> : vector<1056x512xf32>
    %dot_general3A_156 = tpu.matmul %get3A_150, %get3A_155, %dot_general3A {dimension_numbers = #tpu.dot_dimension_numbers<[1], [0], [0], [1], [0, 0, 1, 1], [], []>, transpose_lhs_hint = false} : vector<1056x512xbf16>, vector<512x512xbf16>, vector<1056x512xf32> -> vector<1056x512xf32>
    %add3A = vector.broadcast %get3A_147 : vector<1x512xf32> to vector<1056x512xf32>
    %add3A_157 = arith.addf %add3A, %dot_general3A_156 : vector<1056x512xf32>
    %get3A_158 = arith.constant 1 : index
    %get3A_159 = arith.constant 0 : index
    %get3A_160 = vector.load %arg9[%get3A_158, %get3A_159] : memref<1058x1024xbf16, #tpu.memory_space<vmem>>, vector<1056x512xbf16>
    %get3A_161 = arith.constant 1 : index
    %get3A_162 = arith.constant 0 : index
    %get3A_163 = arith.constant 0 : index
    %get3A_164 = vector.load %arg2[%get3A_161, %get3A_162, %get3A_163] : memref<4x512x512xbf16, #tpu.memory_space<vmem>>, vector<1x512x512xbf16>
    %get3A_165 = vector.shape_cast %get3A_164 : vector<1x512x512xbf16> to vector<512x512xbf16>
    %dot_general3A_166 = arith.constant dense<0.000000e+00> : vector<1056x512xf32>
    %dot_general3A_167 = tpu.matmul %get3A_160, %get3A_165, %dot_general3A_166 {dimension_numbers = #tpu.dot_dimension_numbers<[1], [0], [0], [1], [0, 0, 1, 1], [], []>, transpose_lhs_hint = false} : vector<1056x512xbf16>, vector<512x512xbf16>, vector<1056x512xf32> -> vector<1056x512xf32>
    %add3A_168 = arith.addf %add3A_157, %dot_general3A_167 : vector<1056x512xf32>
    %get3A_169 = arith.constant 1 : index
    %get3A_170 = arith.constant 512 : index
    %get3A_171 = vector.load %arg9[%get3A_169, %get3A_170] : memref<1058x1024xbf16, #tpu.memory_space<vmem>>, vector<1056x512xbf16>
    %get3A_172 = arith.constant 2 : index
    %get3A_173 = arith.constant 0 : index
    %get3A_174 = arith.constant 0 : index
    %get3A_175 = vector.load %arg2[%get3A_172, %get3A_173, %get3A_174] : memref<4x512x512xbf16, #tpu.memory_space<vmem>>, vector<1x512x512xbf16>
    %get3A_176 = vector.shape_cast %get3A_175 : vector<1x512x512xbf16> to vector<512x512xbf16>
    %dot_general3A_177 = arith.constant dense<0.000000e+00> : vector<1056x512xf32>
    %dot_general3A_178 = tpu.matmul %get3A_171, %get3A_176, %dot_general3A_177 {dimension_numbers = #tpu.dot_dimension_numbers<[1], [0], [0], [1], [0, 0, 1, 1], [], []>, transpose_lhs_hint = false} : vector<1056x512xbf16>, vector<512x512xbf16>, vector<1056x512xf32> -> vector<1056x512xf32>
    %add3A_179 = arith.addf %add3A_168, %dot_general3A_178 : vector<1056x512xf32>
    %get3A_180 = arith.constant 2 : index
    %get3A_181 = arith.constant 0 : index
    %get3A_182 = vector.load %arg9[%get3A_180, %get3A_181] : memref<1058x1024xbf16, #tpu.memory_space<vmem>>, vector<1056x512xbf16>
    %get3A_183 = arith.constant 3 : index
    %get3A_184 = arith.constant 0 : index
    %get3A_185 = arith.constant 0 : index
    %get3A_186 = vector.load %arg2[%get3A_183, %get3A_184, %get3A_185] : memref<4x512x512xbf16, #tpu.memory_space<vmem>>, vector<1x512x512xbf16>
    %get3A_187 = vector.shape_cast %get3A_186 : vector<1x512x512xbf16> to vector<512x512xbf16>
    %dot_general3A_188 = arith.constant dense<0.000000e+00> : vector<1056x512xf32>
    %dot_general3A_189 = tpu.matmul %get3A_182, %get3A_187, %dot_general3A_188 {dimension_numbers = #tpu.dot_dimension_numbers<[1], [0], [0], [1], [0, 0, 1, 1], [], []>, transpose_lhs_hint = false} : vector<1056x512xbf16>, vector<512x512xbf16>, vector<1056x512xf32> -> vector<1056x512xf32>
    %add3A_190 = arith.addf %add3A_179, %dot_general3A_189 : vector<1056x512xf32>
    %broadcast_in_dim3A_191 = arith.constant 0.000000e+00 : f32
    %broadcast_in_dim3A_192 = vector.broadcast %broadcast_in_dim3A_191 : f32 to vector<1330x512xf32>
    %swap3A_193 = arith.constant 0 : index
    %swap3A_194 = arith.constant 0 : index
    %swap3A_195 = vector.load %arg10[%swap3A_193, %swap3A_194] : memref<1330x512xf32, #tpu.memory_space<vmem>>, vector<1330x512xf32>
    tpu.vector_store %arg10[%swap3A_193, %swap3A_194], %broadcast_in_dim3A_192 {strides = array<i32>} : memref<1330x512xf32, #tpu.memory_space<vmem>>, vector<1330x512xf32>,
    %slice3A = vector.extract_strided_slice %add3A_190 {offsets = [0, 0], sizes = [64, 512], strides = [1, 1]} : vector<1056x512xf32> to vector<64x512xf32>
    %swap3A_196 = arith.constant 9 : index
    %swap3A_197 = arith.constant 0 : index
    %swap3A_198 = vector.load %arg10[%swap3A_196, %swap3A_197] : memref<1330x512xf32, #tpu.memory_space<vmem>>, vector<64x512xf32>
    tpu.vector_store %arg10[%swap3A_196, %swap3A_197], %slice3A {strides = array<i32>} : memref<1330x512xf32, #tpu.memory_space<vmem>>, vector<64x512xf32>,
    %slice3A_199 = vector.extract_strided_slice %add3A_190 {offsets = [66, 0], sizes = [64, 512], strides = [1, 1]} : vector<1056x512xf32> to vector<64x512xf32>
    %swap3A_200 = arith.constant 91 : index
    %swap3A_201 = arith.constant 0 : index
    %swap3A_202 = vector.load %arg10[%swap3A_200, %swap3A_201] : memref<1330x512xf32, #tpu.memory_space<vmem>>, vector<64x512xf32>
    tpu.vector_store %arg10[%swap3A_200, %swap3A_201], %slice3A_199 {strides = array<i32>} : memref<1330x512xf32, #tpu.memory_space<vmem>>, vector<64x512xf32>,
    %slice3A_203 = vector.extract_strided_slice %add3A_190 {offsets = [132, 0], sizes = [64, 512], strides = [1, 1]} : vector<1056x512xf32> to vector<64x512xf32>
    %swap3A_204 = arith.constant 173 : index
    %swap3A_205 = arith.constant 0 : index
    %swap3A_206 = vector.load %arg10[%swap3A_204, %swap3A_205] : memref<1330x512xf32, #tpu.memory_space<vmem>>, vector<64x512xf32>
    tpu.vector_store %arg10[%swap3A_204, %swap3A_205], %slice3A_203 {strides = array<i32>} : memref<1330x512xf32, #tpu.memory_space<vmem>>, vector<64x512xf32>,
    %slice3A_207 = vector.extract_strided_slice %add3A_190 {offsets = [198, 0], sizes = [64, 512], strides = [1, 1]} : vector<1056x512xf32> to vector<64x512xf32>
    %swap3A_208 = arith.constant 255 : index
    %swap3A_209 = arith.constant 0 : index
    %swap3A_210 = vector.load %arg10[%swap3A_208, %swap3A_209] : memref<1330x512xf32, #tpu.memory_space<vmem>>, vector<64x512xf32>
    tpu.vector_store %arg10[%swap3A_208, %swap3A_209], %slice3A_207 {strides = array<i32>} : memref<1330x512xf32, #tpu.memory_space<vmem>>, vector<64x512xf32>,
    %slice3A_211 = vector.extract_strided_slice %add3A_190 {offsets = [264, 0], sizes = [64, 512], strides = [1, 1]} : vector<1056x512xf32> to vector<64x512xf32>
    %swap3A_212 = arith.constant 337 : index
    %swap3A_213 = arith.constant 0 : index
    %swap3A_214 = vector.load %arg10[%swap3A_212, %swap3A_213] : memref<1330x512xf32, #tpu.memory_space<vmem>>, vector<64x512xf32>
    tpu.vector_store %arg10[%swap3A_212, %swap3A_213], %slice3A_211 {strides = array<i32>} : memref<1330x512xf32, #tpu.memory_space<vmem>>, vector<64x512xf32>,
    %slice3A_215 = vector.extract_strided_slice %add3A_190 {offsets = [330, 0], sizes = [64, 512], strides = [1, 1]} : vector<1056x512xf32> to vector<64x512xf32>
    %swap3A_216 = arith.constant 419 : index
    %swap3A_217 = arith.constant 0 : index
    %swap3A_218 = vector.load %arg10[%swap3A_216, %swap3A_217] : memref<1330x512xf32, #tpu.memory_space<vmem>>, vector<64x512xf32>
    tpu.vector_store %arg10[%swap3A_216, %swap3A_217], %slice3A_215 {strides = array<i32>} : memref<1330x512xf32, #tpu.memory_space<vmem>>, vector<64x512xf32>,
    %slice3A_219 = vector.extract_strided_slice %add3A_190 {offsets = [396, 0], sizes = [64, 512], strides = [1, 1]} : vector<1056x512xf32> to vector<64x512xf32>
    %swap3A_220 = arith.constant 501 : index
    %swap3A_221 = arith.constant 0 : index
    %swap3A_222 = vector.load %arg10[%swap3A_220, %swap3A_221] : memref<1330x512xf32, #tpu.memory_space<vmem>>, vector<64x512xf32>
    tpu.vector_store %arg10[%swap3A_220, %swap3A_221], %slice3A_219 {strides = array<i32>} : memref<1330x512xf32, #tpu.memory_space<vmem>>, vector<64x512xf32>,
    %slice3A_223 = vector.extract_strided_slice %add3A_190 {offsets = [462, 0], sizes = [64, 512], strides = [1, 1]} : vector<1056x512xf32> to vector<64x512xf32>
    %swap3A_224 = arith.constant 583 : index
    %swap3A_225 = arith.constant 0 : index
    %swap3A_226 = vector.load %arg10[%swap3A_224, %swap3A_225] : memref<1330x512xf32, #tpu.memory_space<vmem>>, vector<64x512xf32>
    tpu.vector_store %arg10[%swap3A_224, %swap3A_225], %slice3A_223 {strides = array<i32>} : memref<1330x512xf32, #tpu.memory_space<vmem>>, vector<64x512xf32>,
    %slice3A_227 = vector.extract_strided_slice %add3A_190 {offsets = [528, 0], sizes = [64, 512], strides = [1, 1]} : vector<1056x512xf32> to vector<64x512xf32>
    %swap3A_228 = arith.constant 665 : index
    %swap3A_229 = arith.constant 0 : index
    %swap3A_230 = vector.load %arg10[%swap3A_228, %swap3A_229] : memref<1330x512xf32, #tpu.memory_space<vmem>>, vector<64x512xf32>
    tpu.vector_store %arg10[%swap3A_228, %swap3A_229], %slice3A_227 {strides = array<i32>} : memref<1330x512xf32, #tpu.memory_space<vmem>>, vector<64x512xf32>,
    %slice3A_231 = vector.extract_strided_slice %add3A_190 {offsets = [594, 0], sizes = [64, 512], strides = [1, 1]} : vector<1056x512xf32> to vector<64x512xf32>
    %swap3A_232 = arith.constant 747 : index
    %swap3A_233 = arith.constant 0 : index
    %swap3A_234 = vector.load %arg10[%swap3A_232, %swap3A_233] : memref<1330x512xf32, #tpu.memory_space<vmem>>, vector<64x512xf32>
    tpu.vector_store %arg10[%swap3A_232, %swap3A_233], %slice3A_231 {strides = array<i32>} : memref<1330x512xf32, #tpu.memory_space<vmem>>, vector<64x512xf32>,
    %slice3A_235 = vector.extract_strided_slice %add3A_190 {offsets = [660, 0], sizes = [64, 512], strides = [1, 1]} : vector<1056x512xf32> to vector<64x512xf32>
    %swap3A_236 = arith.constant 829 : index
    %swap3A_237 = arith.constant 0 : index
    %swap3A_238 = vector.load %arg10[%swap3A_236, %swap3A_237] : memref<1330x512xf32, #tpu.memory_space<vmem>>, vector<64x512xf32>
    tpu.vector_store %arg10[%swap3A_236, %swap3A_237], %slice3A_235 {strides = array<i32>} : memref<1330x512xf32, #tpu.memory_space<vmem>>, vector<64x512xf32>,
    %slice3A_239 = vector.extract_strided_slice %add3A_190 {offsets = [726, 0], sizes = [64, 512], strides = [1, 1]} : vector<1056x512xf32> to vector<64x512xf32>
    %swap3A_240 = arith.constant 911 : index
    %swap3A_241 = arith.constant 0 : index
    %swap3A_242 = vector.load %arg10[%swap3A_240, %swap3A_241] : memref<1330x512xf32, #tpu.memory_space<vmem>>, vector<64x512xf32>
    tpu.vector_store %arg10[%swap3A_240, %swap3A_241], %slice3A_239 {strides = array<i32>} : memref<1330x512xf32, #tpu.memory_space<vmem>>, vector<64x512xf32>,
    %slice3A_243 = vector.extract_strided_slice %add3A_190 {offsets = [792, 0], sizes = [64, 512], strides = [1, 1]} : vector<1056x512xf32> to vector<64x512xf32>
    %swap3A_244 = arith.constant 993 : index
    %swap3A_245 = arith.constant 0 : index
    %swap3A_246 = vector.load %arg10[%swap3A_244, %swap3A_245] : memref<1330x512xf32, #tpu.memory_space<vmem>>, vector<64x512xf32>
    tpu.vector_store %arg10[%swap3A_244, %swap3A_245], %slice3A_243 {strides = array<i32>} : memref<1330x512xf32, #tpu.memory_space<vmem>>, vector<64x512xf32>,
    %slice3A_247 = vector.extract_strided_slice %add3A_190 {offsets = [858, 0], sizes = [64, 512], strides = [1, 1]} : vector<1056x512xf32> to vector<64x512xf32>
    %swap3A_248 = arith.constant 1075 : index
    %swap3A_249 = arith.constant 0 : index
    %swap3A_250 = vector.load %arg10[%swap3A_248, %swap3A_249] : memref<1330x512xf32, #tpu.memory_space<vmem>>, vector<64x512xf32>
    tpu.vector_store %arg10[%swap3A_248, %swap3A_249], %slice3A_247 {strides = array<i32>} : memref<1330x512xf32, #tpu.memory_space<vmem>>, vector<64x512xf32>,
    %slice3A_251 = vector.extract_strided_slice %add3A_190 {offsets = [924, 0], sizes = [64, 512], strides = [1, 1]} : vector<1056x512xf32> to vector<64x512xf32>
    %swap3A_252 = arith.constant 1157 : index
    %swap3A_253 = arith.constant 0 : index
    %swap3A_254 = vector.load %arg10[%swap3A_252, %swap3A_253] : memref<1330x512xf32, #tpu.memory_space<vmem>>, vector<64x512xf32>
    tpu.vector_store %arg10[%swap3A_252, %swap3A_253], %slice3A_251 {strides = array<i32>} : memref<1330x512xf32, #tpu.memory_space<vmem>>, vector<64x512xf32>,
    %slice3A_255 = vector.extract_strided_slice %add3A_190 {offsets = [990, 0], sizes = [64, 512], strides = [1, 1]} : vector<1056x512xf32> to vector<64x512xf32>
    %swap3A_256 = arith.constant 1239 : index
    %swap3A_257 = arith.constant 0 : index
    %swap3A_258 = vector.load %arg10[%swap3A_256, %swap3A_257] : memref<1330x512xf32, #tpu.memory_space<vmem>>, vector<64x512xf32>
    tpu.vector_store %arg10[%swap3A_256, %swap3A_257], %slice3A_255 {strides = array<i32>} : memref<1330x512xf32, #tpu.memory_space<vmem>>, vector<64x512xf32>,
    %iota3A = tpu.iota {dimensions = array<i32: 0>} : vector<1312x1xi32>
    %rem3A = arith.constant 82 : i32
    %rem3A_259 = vector.broadcast %rem3A : i32 to vector<1312x1xi32>
    %rem3A_260 = arith.remsi %iota3A, %rem3A_259 : vector<1312x1xi32>
    %lt3A = arith.constant 64 : i32
    %lt3A_261 = vector.broadcast %lt3A : i32 to vector<1312x1xi32>
    %lt3A_262 = arith.cmpi slt, %rem3A_260, %lt3A_261 : vector<1312x1xi32>
    %get3A_263 = arith.constant 0 : index
    %get3A_264 = arith.constant 0 : index
    %get3A_265 = vector.load %arg5[%get3A_263, %get3A_264] : memref<3x512xf32, #tpu.memory_space<vmem>>, vector<1x512xf32>
    %get3A_266 = arith.constant 0 : index
    %get3A_267 = arith.constant 0 : index
    %get3A_268 = vector.load %arg7[%get3A_266, %get3A_267] : memref<3x512xf32, #tpu.memory_space<vmem>>, vector<1x512xf32>
    %get3A_269 = arith.constant 0 : index
    %get3A_270 = arith.constant 0 : index
    %get3A_271 = vector.load %arg10[%get3A_269, %get3A_270] : memref<1330x512xf32, #tpu.memory_space<vmem>>, vector<1330x512xf32>
    %max3A = arith.constant 0.000000e+00 : f32
    %max3A_272 = vector.broadcast %max3A : f32 to vector<1330x512xf32>
    %max3A_273 = arith.maximumf %get3A_271, %max3A_272 : vector<1330x512xf32>
    %convert_element_type3A_274 = arith.truncf %max3A_273 : vector<1330x512xf32> to vector<1330x512xbf16>
    %slice3A_275 = vector.extract_strided_slice %convert_element_type3A_274 {offsets = [8, 0], sizes = [1312, 512], strides = [1, 1]} : vector<1330x512xbf16> to vector<1312x512xbf16>
    %get3A_276 = arith.constant 0 : index
    %get3A_277 = arith.constant 0 : index
    %get3A_278 = arith.constant 0 : index
    %get3A_279 = arith.constant 0 : index
    %get3A_280 = vector.load %arg4[%get3A_276, %get3A_277, %get3A_278, %get3A_279] : memref<3x3x512x512xbf16, #tpu.memory_space<vmem>>, vector<1x1x512x512xbf16>
    %get3A_281 = vector.shape_cast %get3A_280 : vector<1x1x512x512xbf16> to vector<512x512xbf16>
    %dot_general3A_282 = arith.constant dense<0.000000e+00> : vector<1312x512xf32>
    %dot_general3A_283 = tpu.matmul %slice3A_275, %get3A_281, %dot_general3A_282 {dimension_numbers = #tpu.dot_dimension_numbers<[1], [0], [0], [1], [0, 0, 1, 1], [], []>, transpose_lhs_hint = false} : vector<1312x512xbf16>, vector<512x512xbf16>, vector<1312x512xf32> -> vector<1312x512xf32>
    %add3A_284 = vector.broadcast %get3A_265 : vector<1x512xf32> to vector<1312x512xf32>
    %add3A_285 = arith.addf %add3A_284, %dot_general3A_283 : vector<1312x512xf32>
    %slice3A_286 = vector.extract_strided_slice %convert_element_type3A_274 {offsets = [9, 0], sizes = [1312, 512], strides = [1, 1]} : vector<1330x512xbf16> to vector<1312x512xbf16>
    %get3A_287 = arith.constant 0 : index
    %get3A_288 = arith.constant 1 : index
    %get3A_289 = arith.constant 0 : index
    %get3A_290 = arith.constant 0 : index
    %get3A_291 = vector.load %arg4[%get3A_287, %get3A_288, %get3A_289, %get3A_290] : memref<3x3x512x512xbf16, #tpu.memory_space<vmem>>, vector<1x1x512x512xbf16>
    %get3A_292 = vector.shape_cast %get3A_291 : vector<1x1x512x512xbf16> to vector<512x512xbf16>
    %dot_general3A_293 = arith.constant dense<0.000000e+00> : vector<1312x512xf32>
    %dot_general3A_294 = tpu.matmul %slice3A_286, %get3A_292, %dot_general3A_293 {dimension_numbers = #tpu.dot_dimension_numbers<[1], [0], [0], [1], [0, 0, 1, 1], [], []>, transpose_lhs_hint = false} : vector<1312x512xbf16>, vector<512x512xbf16>, vector<1312x512xf32> -> vector<1312x512xf32>
    %add3A_295 = arith.addf %add3A_285, %dot_general3A_294 : vector<1312x512xf32>
    %slice3A_296 = vector.extract_strided_slice %convert_element_type3A_274 {offsets = [10, 0], sizes = [1312, 512], strides = [1, 1]} : vector<1330x512xbf16> to vector<1312x512xbf16>
    %get3A_297 = arith.constant 0 : index
    %get3A_298 = arith.constant 2 : index
    %get3A_299 = arith.constant 0 : index
    %get3A_300 = arith.constant 0 : index
    %get3A_301 = vector.load %arg4[%get3A_297, %get3A_298, %get3A_299, %get3A_300] : memref<3x3x512x512xbf16, #tpu.memory_space<vmem>>, vector<1x1x512x512xbf16>
    %get3A_302 = vector.shape_cast %get3A_301 : vector<1x1x512x512xbf16> to vector<512x512xbf16>
    %dot_general3A_303 = arith.constant dense<0.000000e+00> : vector<1312x512xf32>
    %dot_general3A_304 = tpu.matmul %slice3A_296, %get3A_302, %dot_general3A_303 {dimension_numbers = #tpu.dot_dimension_numbers<[1], [0], [0], [1], [0, 0, 1, 1], [], []>, transpose_lhs_hint = false} : vector<1312x512xbf16>, vector<512x512xbf16>, vector<1312x512xf32> -> vector<1312x512xf32>
    %add3A_305 = arith.addf %add3A_295, %dot_general3A_304 : vector<1312x512xf32>
    %max3A_306 = arith.constant 0.000000e+00 : f32
    %max3A_307 = vector.broadcast %max3A_306 : f32 to vector<1312x512xf32>
    %max3A_308 = arith.maximumf %add3A_305, %max3A_307 : vector<1312x512xf32>
    %convert_element_type3A_309 = arith.truncf %max3A_308 : vector<1312x512xf32> to vector<1312x512xbf16>
    %get3A_310 = arith.constant 9 : index
    %get3A_311 = arith.constant 0 : index
    %get3A_312 = vector.load %arg10[%get3A_310, %get3A_311] : memref<1330x512xf32, #tpu.memory_space<vmem>>, vector<1312x512xf32>
    %add3A_313 = vector.broadcast %get3A_268 : vector<1x512xf32> to vector<1312x512xf32>
    %add3A_314 = arith.addf %get3A_312, %add3A_313 : vector<1312x512xf32>
    %get3A_315 = arith.constant 0 : index
    %get3A_316 = arith.constant 0 : index
    %get3A_317 = arith.constant 0 : index
    %get3A_318 = vector.load %arg6[%get3A_315, %get3A_316, %get3A_317] : memref<3x512x512xbf16, #tpu.memory_space<vmem>>, vector<1x512x512xbf16>
    %get3A_319 = vector.shape_cast %get3A_318 : vector<1x512x512xbf16> to vector<512x512xbf16>
    %dot_general3A_320 = arith.constant dense<0.000000e+00> : vector<1312x512xf32>
    %dot_general3A_321 = tpu.matmul %convert_element_type3A_309, %get3A_319, %dot_general3A_320 {dimension_numbers = #tpu.dot_dimension_numbers<[1], [0], [0], [1], [0, 0, 1, 1], [], []>, transpose_lhs_hint = false} : vector<1312x512xbf16>, vector<512x512xbf16>, vector<1312x512xf32> -> vector<1312x512xf32>
    %add3A_322 = arith.addf %add3A_314, %dot_general3A_321 : vector<1312x512xf32>
    %jit3A = arith.constant 0.000000e+00 : f32
    %broadcast_in_dim3A_323 = vector.shape_cast %lt3A_262 : vector<1312x1xi1> to vector<1312x1xi1>
    %broadcast_in_dim3A_324 = vector.broadcast %broadcast_in_dim3A_323 : vector<1312x1xi1> to vector<1312x512xi1>
    %broadcast_in_dim3A_325 = vector.broadcast %jit3A : f32 to vector<1312x512xf32>
    %select_n3A = arith.select %broadcast_in_dim3A_324, %add3A_322, %broadcast_in_dim3A_325 : vector<1312x512xi1>, vector<1312x512xf32>
    %swap3A_326 = arith.constant 9 : index
    %swap3A_327 = arith.constant 0 : index
    %swap3A_328 = vector.load %arg10[%swap3A_326, %swap3A_327] : memref<1330x512xf32, #tpu.memory_space<vmem>>, vector<1312x512xf32>
    tpu.vector_store %arg10[%swap3A_326, %swap3A_327], %select_n3A {strides = array<i32>} : memref<1330x512xf32, #tpu.memory_space<vmem>>, vector<1312x512xf32>,
    %get3A_329 = arith.constant 1 : index
    %get3A_330 = arith.constant 0 : index
    %get3A_331 = vector.load %arg5[%get3A_329, %get3A_330] : memref<3x512xf32, #tpu.memory_space<vmem>>, vector<1x512xf32>
    %get3A_332 = arith.constant 1 : index
    %get3A_333 = arith.constant 0 : index
    %get3A_334 = vector.load %arg7[%get3A_332, %get3A_333] : memref<3x512xf32, #tpu.memory_space<vmem>>, vector<1x512xf32>
    %get3A_335 = arith.constant 0 : index
    %get3A_336 = arith.constant 0 : index
    %get3A_337 = vector.load %arg10[%get3A_335, %get3A_336] : memref<1330x512xf32, #tpu.memory_space<vmem>>, vector<1330x512xf32>
    %max3A_338 = arith.constant 0.000000e+00 : f32
    %max3A_339 = vector.broadcast %max3A_338 : f32 to vector<1330x512xf32>
    %max3A_340 = arith.maximumf %get3A_337, %max3A_339 : vector<1330x512xf32>
    %convert_element_type3A_341 = arith.truncf %max3A_340 : vector<1330x512xf32> to vector<1330x512xbf16>
    %slice3A_342 = vector.extract_strided_slice %convert_element_type3A_341 {offsets = [6, 0], sizes = [1312, 512], strides = [1, 1]} : vector<1330x512xbf16> to vector<1312x512xbf16>
    %get3A_343 = arith.constant 1 : index
    %get3A_344 = arith.constant 0 : index
    %get3A_345 = arith.constant 0 : index
    %get3A_346 = arith.constant 0 : index
    %get3A_347 = vector.load %arg4[%get3A_343, %get3A_344, %get3A_345, %get3A_346] : memref<3x3x512x512xbf16, #tpu.memory_space<vmem>>, vector<1x1x512x512xbf16>
    %get3A_348 = vector.shape_cast %get3A_347 : vector<1x1x512x512xbf16> to vector<512x512xbf16>
    %dot_general3A_349 = arith.constant dense<0.000000e+00> : vector<1312x512xf32>
    %dot_general3A_350 = tpu.matmul %slice3A_342, %get3A_348, %dot_general3A_349 {dimension_numbers = #tpu.dot_dimension_numbers<[1], [0], [0], [1], [0, 0, 1, 1], [], []>, transpose_lhs_hint = false} : vector<1312x512xbf16>, vector<512x512xbf16>, vector<1312x512xf32> -> vector<1312x512xf32>
    %add3A_351 = vector.broadcast %get3A_331 : vector<1x512xf32> to vector<1312x512xf32>
    %add3A_352 = arith.addf %add3A_351, %dot_general3A_350 : vector<1312x512xf32>
    %slice3A_353 = vector.extract_strided_slice %convert_element_type3A_341 {offsets = [9, 0], sizes = [1312, 512], strides = [1, 1]} : vector<1330x512xbf16> to vector<1312x512xbf16>
    %get3A_354 = arith.constant 1 : index
    %get3A_355 = arith.constant 1 : index
    %get3A_356 = arith.constant 0 : index
    %get3A_357 = arith.constant 0 : index
    %get3A_358 = vector.load %arg4[%get3A_354, %get3A_355, %get3A_356, %get3A_357] : memref<3x3x512x512xbf16, #tpu.memory_space<vmem>>, vector<1x1x512x512xbf16>
    %get3A_359 = vector.shape_cast %get3A_358 : vector<1x1x512x512xbf16> to vector<512x512xbf16>
    %dot_general3A_360 = arith.constant dense<0.000000e+00> : vector<1312x512xf32>
    %dot_general3A_361 = tpu.matmul %slice3A_353, %get3A_359, %dot_general3A_360 {dimension_numbers = #tpu.dot_dimension_numbers<[1], [0], [0], [1], [0, 0, 1, 1], [], []>, transpose_lhs_hint = false} : vector<1312x512xbf16>, vector<512x512xbf16>, vector<1312x512xf32> -> vector<1312x512xf32>
    %add3A_362 = arith.addf %add3A_352, %dot_general3A_361 : vector<1312x512xf32>
    %slice3A_363 = vector.extract_strided_slice %convert_element_type3A_341 {offsets = [12, 0], sizes = [1312, 512], strides = [1, 1]} : vector<1330x512xbf16> to vector<1312x512xbf16>
    %get3A_364 = arith.constant 1 : index
    %get3A_365 = arith.constant 2 : index
    %get3A_366 = arith.constant 0 : index
    %get3A_367 = arith.constant 0 : index
    %get3A_368 = vector.load %arg4[%get3A_364, %get3A_365, %get3A_366, %get3A_367] : memref<3x3x512x512xbf16, #tpu.memory_space<vmem>>, vector<1x1x512x512xbf16>
    %get3A_369 = vector.shape_cast %get3A_368 : vector<1x1x512x512xbf16> to vector<512x512xbf16>
    %dot_general3A_370 = arith.constant dense<0.000000e+00> : vector<1312x512xf32>
    %dot_general3A_371 = tpu.matmul %slice3A_363, %get3A_369, %dot_general3A_370 {dimension_numbers = #tpu.dot_dimension_numbers<[1], [0], [0], [1], [0, 0, 1, 1], [], []>, transpose_lhs_hint = false} : vector<1312x512xbf16>, vector<512x512xbf16>, vector<1312x512xf32> -> vector<1312x512xf32>
    %add3A_372 = arith.addf %add3A_362, %dot_general3A_371 : vector<1312x512xf32>
    %max3A_373 = arith.constant 0.000000e+00 : f32
    %max3A_374 = vector.broadcast %max3A_373 : f32 to vector<1312x512xf32>
    %max3A_375 = arith.maximumf %add3A_372, %max3A_374 : vector<1312x512xf32>
    %convert_element_type3A_376 = arith.truncf %max3A_375 : vector<1312x512xf32> to vector<1312x512xbf16>
    %get3A_377 = arith.constant 9 : index
    %get3A_378 = arith.constant 0 : index
    %get3A_379 = vector.load %arg10[%get3A_377, %get3A_378] : memref<1330x512xf32, #tpu.memory_space<vmem>>, vector<1312x512xf32>
    %add3A_380 = vector.broadcast %get3A_334 : vector<1x512xf32> to vector<1312x512xf32>
    %add3A_381 = arith.addf %get3A_379, %add3A_380 : vector<1312x512xf32>
    %get3A_382 = arith.constant 1 : index
    %get3A_383 = arith.constant 0 : index
    %get3A_384 = arith.constant 0 : index
    %get3A_385 = vector.load %arg6[%get3A_382, %get3A_383, %get3A_384] : memref<3x512x512xbf16, #tpu.memory_space<vmem>>, vector<1x512x512xbf16>
    %get3A_386 = vector.shape_cast %get3A_385 : vector<1x512x512xbf16> to vector<512x512xbf16>
    %dot_general3A_387 = arith.constant dense<0.000000e+00> : vector<1312x512xf32>
    %dot_general3A_388 = tpu.matmul %convert_element_type3A_376, %get3A_386, %dot_general3A_387 {dimension_numbers = #tpu.dot_dimension_numbers<[1], [0], [0], [1], [0, 0, 1, 1], [], []>, transpose_lhs_hint = false} : vector<1312x512xbf16>, vector<512x512xbf16>, vector<1312x512xf32> -> vector<1312x512xf32>
    %add3A_389 = arith.addf %add3A_381, %dot_general3A_388 : vector<1312x512xf32>
    %jit3A_390 = arith.constant 0.000000e+00 : f32
    %broadcast_in_dim3A_391 = vector.shape_cast %lt3A_262 : vector<1312x1xi1> to vector<1312x1xi1>
    %broadcast_in_dim3A_392 = vector.broadcast %broadcast_in_dim3A_391 : vector<1312x1xi1> to vector<1312x512xi1>
    %broadcast_in_dim3A_393 = vector.broadcast %jit3A_390 : f32 to vector<1312x512xf32>
    %select_n3A_394 = arith.select %broadcast_in_dim3A_392, %add3A_389, %broadcast_in_dim3A_393 : vector<1312x512xi1>, vector<1312x512xf32>
    %swap3A_395 = arith.constant 9 : index
    %swap3A_396 = arith.constant 0 : index
    %swap3A_397 = vector.load %arg10[%swap3A_395, %swap3A_396] : memref<1330x512xf32, #tpu.memory_space<vmem>>, vector<1312x512xf32>
    tpu.vector_store %arg10[%swap3A_395, %swap3A_396], %select_n3A_394 {strides = array<i32>} : memref<1330x512xf32, #tpu.memory_space<vmem>>, vector<1312x512xf32>,
    %get3A_398 = arith.constant 2 : index
    %get3A_399 = arith.constant 0 : index
    %get3A_400 = vector.load %arg5[%get3A_398, %get3A_399] : memref<3x512xf32, #tpu.memory_space<vmem>>, vector<1x512xf32>
    %get3A_401 = arith.constant 2 : index
    %get3A_402 = arith.constant 0 : index
    %get3A_403 = vector.load %arg7[%get3A_401, %get3A_402] : memref<3x512xf32, #tpu.memory_space<vmem>>, vector<1x512xf32>
    %get3A_404 = arith.constant 0 : index
    %get3A_405 = arith.constant 0 : index
    %get3A_406 = vector.load %arg10[%get3A_404, %get3A_405] : memref<1330x512xf32, #tpu.memory_space<vmem>>, vector<1330x512xf32>
    %max3A_407 = arith.constant 0.000000e+00 : f32
    %max3A_408 = vector.broadcast %max3A_407 : f32 to vector<1330x512xf32>
    %max3A_409 = arith.maximumf %get3A_406, %max3A_408 : vector<1330x512xf32>
    %convert_element_type3A_410 = arith.truncf %max3A_409 : vector<1330x512xf32> to vector<1330x512xbf16>
    %slice3A_411 = vector.extract_strided_slice %convert_element_type3A_410 {offsets = [0, 0], sizes = [1312, 512], strides = [1, 1]} : vector<1330x512xbf16> to vector<1312x512xbf16>
    %get3A_412 = arith.constant 2 : index
    %get3A_413 = arith.constant 0 : index
    %get3A_414 = arith.constant 0 : index
    %get3A_415 = arith.constant 0 : index
    %get3A_416 = vector.load %arg4[%get3A_412, %get3A_413, %get3A_414, %get3A_415] : memref<3x3x512x512xbf16, #tpu.memory_space<vmem>>, vector<1x1x512x512xbf16>
    %get3A_417 = vector.shape_cast %get3A_416 : vector<1x1x512x512xbf16> to vector<512x512xbf16>
    %dot_general3A_418 = arith.constant dense<0.000000e+00> : vector<1312x512xf32>
    %dot_general3A_419 = tpu.matmul %slice3A_411, %get3A_417, %dot_general3A_418 {dimension_numbers = #tpu.dot_dimension_numbers<[1], [0], [0], [1], [0, 0, 1, 1], [], []>, transpose_lhs_hint = false} : vector<1312x512xbf16>, vector<512x512xbf16>, vector<1312x512xf32> -> vector<1312x512xf32>
    %add3A_420 = vector.broadcast %get3A_400 : vector<1x512xf32> to vector<1312x512xf32>
    %add3A_421 = arith.addf %add3A_420, %dot_general3A_419 : vector<1312x512xf32>
    %slice3A_422 = vector.extract_strided_slice %convert_element_type3A_410 {offsets = [9, 0], sizes = [1312, 512], strides = [1, 1]} : vector<1330x512xbf16> to vector<1312x512xbf16>
    %get3A_423 = arith.constant 2 : index
    %get3A_424 = arith.constant 1 : index
    %get3A_425 = arith.constant 0 : index
    %get3A_426 = arith.constant 0 : index
    %get3A_427 = vector.load %arg4[%get3A_423, %get3A_424, %get3A_425, %get3A_426] : memref<3x3x512x512xbf16, #tpu.memory_space<vmem>>, vector<1x1x512x512xbf16>
    %get3A_428 = vector.shape_cast %get3A_427 : vector<1x1x512x512xbf16> to vector<512x512xbf16>
    %dot_general3A_429 = arith.constant dense<0.000000e+00> : vector<1312x512xf32>
    %dot_general3A_430 = tpu.matmul %slice3A_422, %get3A_428, %dot_general3A_429 {dimension_numbers = #tpu.dot_dimension_numbers<[1], [0], [0], [1], [0, 0, 1, 1], [], []>, transpose_lhs_hint = false} : vector<1312x512xbf16>, vector<512x512xbf16>, vector<1312x512xf32> -> vector<1312x512xf32>
    %add3A_431 = arith.addf %add3A_421, %dot_general3A_430 : vector<1312x512xf32>
    %slice3A_432 = vector.extract_strided_slice %convert_element_type3A_410 {offsets = [18, 0], sizes = [1312, 512], strides = [1, 1]} : vector<1330x512xbf16> to vector<1312x512xbf16>
    %get3A_433 = arith.constant 2 : index
    %get3A_434 = arith.constant 2 : index
    %get3A_435 = arith.constant 0 : index
    %get3A_436 = arith.constant 0 : index
    %get3A_437 = vector.load %arg4[%get3A_433, %get3A_434, %get3A_435, %get3A_436] : memref<3x3x512x512xbf16, #tpu.memory_space<vmem>>, vector<1x1x512x512xbf16>
    %get3A_438 = vector.shape_cast %get3A_437 : vector<1x1x512x512xbf16> to vector<512x512xbf16>
    %dot_general3A_439 = arith.constant dense<0.000000e+00> : vector<1312x512xf32>
    %dot_general3A_440 = tpu.matmul %slice3A_432, %get3A_438, %dot_general3A_439 {dimension_numbers = #tpu.dot_dimension_numbers<[1], [0], [0], [1], [0, 0, 1, 1], [], []>, transpose_lhs_hint = false} : vector<1312x512xbf16>, vector<512x512xbf16>, vector<1312x512xf32> -> vector<1312x512xf32>
    %add3A_441 = arith.addf %add3A_431, %dot_general3A_440 : vector<1312x512xf32>
    %max3A_442 = arith.constant 0.000000e+00 : f32
    %max3A_443 = vector.broadcast %max3A_442 : f32 to vector<1312x512xf32>
    %max3A_444 = arith.maximumf %add3A_441, %max3A_443 : vector<1312x512xf32>
    %convert_element_type3A_445 = arith.truncf %max3A_444 : vector<1312x512xf32> to vector<1312x512xbf16>
    %get3A_446 = arith.constant 9 : index
    %get3A_447 = arith.constant 0 : index
    %get3A_448 = vector.load %arg10[%get3A_446, %get3A_447] : memref<1330x512xf32, #tpu.memory_space<vmem>>, vector<1312x512xf32>
    %add3A_449 = vector.broadcast %get3A_403 : vector<1x512xf32> to vector<1312x512xf32>
    %add3A_450 = arith.addf %get3A_448, %add3A_449 : vector<1312x512xf32>
    %get3A_451 = arith.constant 2 : index
    %get3A_452 = arith.constant 0 : index
    %get3A_453 = arith.constant 0 : index
    %get3A_454 = vector.load %arg6[%get3A_451, %get3A_452, %get3A_453] : memref<3x512x512xbf16, #tpu.memory_space<vmem>>, vector<1x512x512xbf16>
    %get3A_455 = vector.shape_cast %get3A_454 : vector<1x512x512xbf16> to vector<512x512xbf16>
    %dot_general3A_456 = arith.constant dense<0.000000e+00> : vector<1312x512xf32>
    %dot_general3A_457 = tpu.matmul %convert_element_type3A_445, %get3A_455, %dot_general3A_456 {dimension_numbers = #tpu.dot_dimension_numbers<[1], [0], [0], [1], [0, 0, 1, 1], [], []>, transpose_lhs_hint = false} : vector<1312x512xbf16>, vector<512x512xbf16>, vector<1312x512xf32> -> vector<1312x512xf32>
    %add3A_458 = arith.addf %add3A_450, %dot_general3A_457 : vector<1312x512xf32>
    %jit3A_459 = arith.constant 0.000000e+00 : f32
    %broadcast_in_dim3A_460 = vector.shape_cast %lt3A_262 : vector<1312x1xi1> to vector<1312x1xi1>
    %broadcast_in_dim3A_461 = vector.broadcast %broadcast_in_dim3A_460 : vector<1312x1xi1> to vector<1312x512xi1>
    %broadcast_in_dim3A_462 = vector.broadcast %jit3A_459 : f32 to vector<1312x512xf32>
    %select_n3A_463 = arith.select %broadcast_in_dim3A_461, %add3A_458, %broadcast_in_dim3A_462 : vector<1312x512xi1>, vector<1312x512xf32>
    %swap3A_464 = arith.constant 9 : index
    %swap3A_465 = arith.constant 0 : index
    %swap3A_466 = vector.load %arg10[%swap3A_464, %swap3A_465] : memref<1330x512xf32, #tpu.memory_space<vmem>>, vector<1312x512xf32>
    tpu.vector_store %arg10[%swap3A_464, %swap3A_465], %select_n3A_463 {strides = array<i32>} : memref<1330x512xf32, #tpu.memory_space<vmem>>, vector<1312x512xf32>,
    %get3A_467 = arith.constant 9 : index
    %get3A_468 = arith.constant 0 : index
    %get3A_469 = vector.load %arg10[%get3A_467, %get3A_468] : memref<1330x512xf32, #tpu.memory_space<vmem>>, vector<64x512xf32>
    %swap3A_470 = arith.constant 0 : index
    %swap3A_471 = arith.constant 0 : index
    %swap3A_472 = arith.constant 0 : index
    %swap3A_473 = vector.load %arg8[%swap3A_470, %swap3A_471, %swap3A_472] : memref<16x64x512xf32, #tpu.memory_space<vmem>>, vector<1x64x512xf32>
    %swap3A_474 = vector.shape_cast %swap3A_473 : vector<1x64x512xf32> to vector<64x512xf32>
    %swap3A_475 = vector.shape_cast %get3A_469 : vector<64x512xf32> to vector<1x64x512xf32>
    tpu.vector_store %arg8[%swap3A_470, %swap3A_471, %swap3A_472], %swap3A_475 {strides = array<i32>} : memref<16x64x512xf32, #tpu.memory_space<vmem>>, vector<1x64x512xf32>,
    %get3A_476 = arith.constant 91 : index
    %get3A_477 = arith.constant 0 : index
    %get3A_478 = vector.load %arg10[%get3A_476, %get3A_477] : memref<1330x512xf32, #tpu.memory_space<vmem>>, vector<64x512xf32>
    %swap3A_479 = arith.constant 1 : index
    %swap3A_480 = arith.constant 0 : index
    %swap3A_481 = arith.constant 0 : index
    %swap3A_482 = vector.load %arg8[%swap3A_479, %swap3A_480, %swap3A_481] : memref<16x64x512xf32, #tpu.memory_space<vmem>>, vector<1x64x512xf32>
    %swap3A_483 = vector.shape_cast %swap3A_482 : vector<1x64x512xf32> to vector<64x512xf32>
    %swap3A_484 = vector.shape_cast %get3A_478 : vector<64x512xf32> to vector<1x64x512xf32>
    tpu.vector_store %arg8[%swap3A_479, %swap3A_480, %swap3A_481], %swap3A_484 {strides = array<i32>} : memref<16x64x512xf32, #tpu.memory_space<vmem>>, vector<1x64x512xf32>,
    %get3A_485 = arith.constant 173 : index
    %get3A_486 = arith.constant 0 : index
    %get3A_487 = vector.load %arg10[%get3A_485, %get3A_486] : memref<1330x512xf32, #tpu.memory_space<vmem>>, vector<64x512xf32>
    %swap3A_488 = arith.constant 2 : index
    %swap3A_489 = arith.constant 0 : index
    %swap3A_490 = arith.constant 0 : index
    %swap3A_491 = vector.load %arg8[%swap3A_488, %swap3A_489, %swap3A_490] : memref<16x64x512xf32, #tpu.memory_space<vmem>>, vector<1x64x512xf32>
    %swap3A_492 = vector.shape_cast %swap3A_491 : vector<1x64x512xf32> to vector<64x512xf32>
    %swap3A_493 = vector.shape_cast %get3A_487 : vector<64x512xf32> to vector<1x64x512xf32>
    tpu.vector_store %arg8[%swap3A_488, %swap3A_489, %swap3A_490], %swap3A_493 {strides = array<i32>} : memref<16x64x512xf32, #tpu.memory_space<vmem>>, vector<1x64x512xf32>,
    %get3A_494 = arith.constant 255 : index
    %get3A_495 = arith.constant 0 : index
    %get3A_496 = vector.load %arg10[%get3A_494, %get3A_495] : memref<1330x512xf32, #tpu.memory_space<vmem>>, vector<64x512xf32>
    %swap3A_497 = arith.constant 3 : index
    %swap3A_498 = arith.constant 0 : index
    %swap3A_499 = arith.constant 0 : index
    %swap3A_500 = vector.load %arg8[%swap3A_497, %swap3A_498, %swap3A_499] : memref<16x64x512xf32, #tpu.memory_space<vmem>>, vector<1x64x512xf32>
    %swap3A_501 = vector.shape_cast %swap3A_500 : vector<1x64x512xf32> to vector<64x512xf32>
    %swap3A_502 = vector.shape_cast %get3A_496 : vector<64x512xf32> to vector<1x64x512xf32>
    tpu.vector_store %arg8[%swap3A_497, %swap3A_498, %swap3A_499], %swap3A_502 {strides = array<i32>} : memref<16x64x512xf32, #tpu.memory_space<vmem>>, vector<1x64x512xf32>,
    %get3A_503 = arith.constant 337 : index
    %get3A_504 = arith.constant 0 : index
    %get3A_505 = vector.load %arg10[%get3A_503, %get3A_504] : memref<1330x512xf32, #tpu.memory_space<vmem>>, vector<64x512xf32>
    %swap3A_506 = arith.constant 4 : index
    %swap3A_507 = arith.constant 0 : index
    %swap3A_508 = arith.constant 0 : index
    %swap3A_509 = vector.load %arg8[%swap3A_506, %swap3A_507, %swap3A_508] : memref<16x64x512xf32, #tpu.memory_space<vmem>>, vector<1x64x512xf32>
    %swap3A_510 = vector.shape_cast %swap3A_509 : vector<1x64x512xf32> to vector<64x512xf32>
    %swap3A_511 = vector.shape_cast %get3A_505 : vector<64x512xf32> to vector<1x64x512xf32>
    tpu.vector_store %arg8[%swap3A_506, %swap3A_507, %swap3A_508], %swap3A_511 {strides = array<i32>} : memref<16x64x512xf32, #tpu.memory_space<vmem>>, vector<1x64x512xf32>,
    %get3A_512 = arith.constant 419 : index
    %get3A_513 = arith.constant 0 : index
    %get3A_514 = vector.load %arg10[%get3A_512, %get3A_513] : memref<1330x512xf32, #tpu.memory_space<vmem>>, vector<64x512xf32>
    %swap3A_515 = arith.constant 5 : index
    %swap3A_516 = arith.constant 0 : index
    %swap3A_517 = arith.constant 0 : index
    %swap3A_518 = vector.load %arg8[%swap3A_515, %swap3A_516, %swap3A_517] : memref<16x64x512xf32, #tpu.memory_space<vmem>>, vector<1x64x512xf32>
    %swap3A_519 = vector.shape_cast %swap3A_518 : vector<1x64x512xf32> to vector<64x512xf32>
    %swap3A_520 = vector.shape_cast %get3A_514 : vector<64x512xf32> to vector<1x64x512xf32>
    tpu.vector_store %arg8[%swap3A_515, %swap3A_516, %swap3A_517], %swap3A_520 {strides = array<i32>} : memref<16x64x512xf32, #tpu.memory_space<vmem>>, vector<1x64x512xf32>,
    %get3A_521 = arith.constant 501 : index
    %get3A_522 = arith.constant 0 : index
    %get3A_523 = vector.load %arg10[%get3A_521, %get3A_522] : memref<1330x512xf32, #tpu.memory_space<vmem>>, vector<64x512xf32>
    %swap3A_524 = arith.constant 6 : index
    %swap3A_525 = arith.constant 0 : index
    %swap3A_526 = arith.constant 0 : index
    %swap3A_527 = vector.load %arg8[%swap3A_524, %swap3A_525, %swap3A_526] : memref<16x64x512xf32, #tpu.memory_space<vmem>>, vector<1x64x512xf32>
    %swap3A_528 = vector.shape_cast %swap3A_527 : vector<1x64x512xf32> to vector<64x512xf32>
    %swap3A_529 = vector.shape_cast %get3A_523 : vector<64x512xf32> to vector<1x64x512xf32>
    tpu.vector_store %arg8[%swap3A_524, %swap3A_525, %swap3A_526], %swap3A_529 {strides = array<i32>} : memref<16x64x512xf32, #tpu.memory_space<vmem>>, vector<1x64x512xf32>,
    %get3A_530 = arith.constant 583 : index
    %get3A_531 = arith.constant 0 : index
    %get3A_532 = vector.load %arg10[%get3A_530, %get3A_531] : memref<1330x512xf32, #tpu.memory_space<vmem>>, vector<64x512xf32>
    %swap3A_533 = arith.constant 7 : index
    %swap3A_534 = arith.constant 0 : index
    %swap3A_535 = arith.constant 0 : index
    %swap3A_536 = vector.load %arg8[%swap3A_533, %swap3A_534, %swap3A_535] : memref<16x64x512xf32, #tpu.memory_space<vmem>>, vector<1x64x512xf32>
    %swap3A_537 = vector.shape_cast %swap3A_536 : vector<1x64x512xf32> to vector<64x512xf32>
    %swap3A_538 = vector.shape_cast %get3A_532 : vector<64x512xf32> to vector<1x64x512xf32>
    tpu.vector_store %arg8[%swap3A_533, %swap3A_534, %swap3A_535], %swap3A_538 {strides = array<i32>} : memref<16x64x512xf32, #tpu.memory_space<vmem>>, vector<1x64x512xf32>,
    %get3A_539 = arith.constant 665 : index
    %get3A_540 = arith.constant 0 : index
    %get3A_541 = vector.load %arg10[%get3A_539, %get3A_540] : memref<1330x512xf32, #tpu.memory_space<vmem>>, vector<64x512xf32>
    %swap3A_542 = arith.constant 8 : index
    %swap3A_543 = arith.constant 0 : index
    %swap3A_544 = arith.constant 0 : index
    %swap3A_545 = vector.load %arg8[%swap3A_542, %swap3A_543, %swap3A_544] : memref<16x64x512xf32, #tpu.memory_space<vmem>>, vector<1x64x512xf32>
    %swap3A_546 = vector.shape_cast %swap3A_545 : vector<1x64x512xf32> to vector<64x512xf32>
    %swap3A_547 = vector.shape_cast %get3A_541 : vector<64x512xf32> to vector<1x64x512xf32>
    tpu.vector_store %arg8[%swap3A_542, %swap3A_543, %swap3A_544], %swap3A_547 {strides = array<i32>} : memref<16x64x512xf32, #tpu.memory_space<vmem>>, vector<1x64x512xf32>,
    %get3A_548 = arith.constant 747 : index
    %get3A_549 = arith.constant 0 : index
    %get3A_550 = vector.load %arg10[%get3A_548, %get3A_549] : memref<1330x512xf32, #tpu.memory_space<vmem>>, vector<64x512xf32>
    %swap3A_551 = arith.constant 9 : index
    %swap3A_552 = arith.constant 0 : index
    %swap3A_553 = arith.constant 0 : index
    %swap3A_554 = vector.load %arg8[%swap3A_551, %swap3A_552, %swap3A_553] : memref<16x64x512xf32, #tpu.memory_space<vmem>>, vector<1x64x512xf32>
    %swap3A_555 = vector.shape_cast %swap3A_554 : vector<1x64x512xf32> to vector<64x512xf32>
    %swap3A_556 = vector.shape_cast %get3A_550 : vector<64x512xf32> to vector<1x64x512xf32>
    tpu.vector_store %arg8[%swap3A_551, %swap3A_552, %swap3A_553], %swap3A_556 {strides = array<i32>} : memref<16x64x512xf32, #tpu.memory_space<vmem>>, vector<1x64x512xf32>,
    %get3A_557 = arith.constant 829 : index
    %get3A_558 = arith.constant 0 : index
    %get3A_559 = vector.load %arg10[%get3A_557, %get3A_558] : memref<1330x512xf32, #tpu.memory_space<vmem>>, vector<64x512xf32>
    %swap3A_560 = arith.constant 10 : index
    %swap3A_561 = arith.constant 0 : index
    %swap3A_562 = arith.constant 0 : index
    %swap3A_563 = vector.load %arg8[%swap3A_560, %swap3A_561, %swap3A_562] : memref<16x64x512xf32, #tpu.memory_space<vmem>>, vector<1x64x512xf32>
    %swap3A_564 = vector.shape_cast %swap3A_563 : vector<1x64x512xf32> to vector<64x512xf32>
    %swap3A_565 = vector.shape_cast %get3A_559 : vector<64x512xf32> to vector<1x64x512xf32>
    tpu.vector_store %arg8[%swap3A_560, %swap3A_561, %swap3A_562], %swap3A_565 {strides = array<i32>} : memref<16x64x512xf32, #tpu.memory_space<vmem>>, vector<1x64x512xf32>,
    %get3A_566 = arith.constant 911 : index
    %get3A_567 = arith.constant 0 : index
    %get3A_568 = vector.load %arg10[%get3A_566, %get3A_567] : memref<1330x512xf32, #tpu.memory_space<vmem>>, vector<64x512xf32>
    %swap3A_569 = arith.constant 11 : index
    %swap3A_570 = arith.constant 0 : index
    %swap3A_571 = arith.constant 0 : index
    %swap3A_572 = vector.load %arg8[%swap3A_569, %swap3A_570, %swap3A_571] : memref<16x64x512xf32, #tpu.memory_space<vmem>>, vector<1x64x512xf32>
    %swap3A_573 = vector.shape_cast %swap3A_572 : vector<1x64x512xf32> to vector<64x512xf32>
    %swap3A_574 = vector.shape_cast %get3A_568 : vector<64x512xf32> to vector<1x64x512xf32>
    tpu.vector_store %arg8[%swap3A_569, %swap3A_570, %swap3A_571], %swap3A_574 {strides = array<i32>} : memref<16x64x512xf32, #tpu.memory_space<vmem>>, vector<1x64x512xf32>,
    %get3A_575 = arith.constant 993 : index
    %get3A_576 = arith.constant 0 : index
    %get3A_577 = vector.load %arg10[%get3A_575, %get3A_576] : memref<1330x512xf32, #tpu.memory_space<vmem>>, vector<64x512xf32>
    %swap3A_578 = arith.constant 12 : index
    %swap3A_579 = arith.constant 0 : index
    %swap3A_580 = arith.constant 0 : index
    %swap3A_581 = vector.load %arg8[%swap3A_578, %swap3A_579, %swap3A_580] : memref<16x64x512xf32, #tpu.memory_space<vmem>>, vector<1x64x512xf32>
    %swap3A_582 = vector.shape_cast %swap3A_581 : vector<1x64x512xf32> to vector<64x512xf32>
    %swap3A_583 = vector.shape_cast %get3A_577 : vector<64x512xf32> to vector<1x64x512xf32>
    tpu.vector_store %arg8[%swap3A_578, %swap3A_579, %swap3A_580], %swap3A_583 {strides = array<i32>} : memref<16x64x512xf32, #tpu.memory_space<vmem>>, vector<1x64x512xf32>,
    %get3A_584 = arith.constant 1075 : index
    %get3A_585 = arith.constant 0 : index
    %get3A_586 = vector.load %arg10[%get3A_584, %get3A_585] : memref<1330x512xf32, #tpu.memory_space<vmem>>, vector<64x512xf32>
    %swap3A_587 = arith.constant 13 : index
    %swap3A_588 = arith.constant 0 : index
    %swap3A_589 = arith.constant 0 : index
    %swap3A_590 = vector.load %arg8[%swap3A_587, %swap3A_588, %swap3A_589] : memref<16x64x512xf32, #tpu.memory_space<vmem>>, vector<1x64x512xf32>
    %swap3A_591 = vector.shape_cast %swap3A_590 : vector<1x64x512xf32> to vector<64x512xf32>
    %swap3A_592 = vector.shape_cast %get3A_586 : vector<64x512xf32> to vector<1x64x512xf32>
    tpu.vector_store %arg8[%swap3A_587, %swap3A_588, %swap3A_589], %swap3A_592 {strides = array<i32>} : memref<16x64x512xf32, #tpu.memory_space<vmem>>, vector<1x64x512xf32>,
    %get3A_593 = arith.constant 1157 : index
    %get3A_594 = arith.constant 0 : index
    %get3A_595 = vector.load %arg10[%get3A_593, %get3A_594] : memref<1330x512xf32, #tpu.memory_space<vmem>>, vector<64x512xf32>
    %swap3A_596 = arith.constant 14 : index
    %swap3A_597 = arith.constant 0 : index
    %swap3A_598 = arith.constant 0 : index
    %swap3A_599 = vector.load %arg8[%swap3A_596, %swap3A_597, %swap3A_598] : memref<16x64x512xf32, #tpu.memory_space<vmem>>, vector<1x64x512xf32>
    %swap3A_600 = vector.shape_cast %swap3A_599 : vector<1x64x512xf32> to vector<64x512xf32>
    %swap3A_601 = vector.shape_cast %get3A_595 : vector<64x512xf32> to vector<1x64x512xf32>
    tpu.vector_store %arg8[%swap3A_596, %swap3A_597, %swap3A_598], %swap3A_601 {strides = array<i32>} : memref<16x64x512xf32, #tpu.memory_space<vmem>>, vector<1x64x512xf32>,
    %get3A_602 = arith.constant 1239 : index
    %get3A_603 = arith.constant 0 : index
    %get3A_604 = vector.load %arg10[%get3A_602, %get3A_603] : memref<1330x512xf32, #tpu.memory_space<vmem>>, vector<64x512xf32>
    %swap3A_605 = arith.constant 15 : index
    %swap3A_606 = arith.constant 0 : index
    %swap3A_607 = arith.constant 0 : index
    %swap3A_608 = vector.load %arg8[%swap3A_605, %swap3A_606, %swap3A_607] : memref<16x64x512xf32, #tpu.memory_space<vmem>>, vector<1x64x512xf32>
    %swap3A_609 = vector.shape_cast %swap3A_608 : vector<1x64x512xf32> to vector<64x512xf32>
    %swap3A_610 = vector.shape_cast %get3A_604 : vector<64x512xf32> to vector<1x64x512xf32>
    tpu.vector_store %arg8[%swap3A_605, %swap3A_606, %swap3A_607], %swap3A_610 {strides = array<i32>} : memref<16x64x512xf32, #tpu.memory_space<vmem>>, vector<1x64x512xf32>,
    return
  }
  func.func @transform_0(%arg0: i32) -> (i32, i32, i32) {
    %c0_i32 = arith.constant 0 : i32
    %c0_i32_0 = arith.constant 0 : i32
    %c0_i32_1 = arith.constant 0 : i32
    return %arg0, %c0_i32, %c0_i32_0 : i32, i32, i32
  }
  func.func @transform_1(%arg0: i32) -> (i32, i32, i32) {
    %c0_i32 = arith.constant 0 : i32
    %c0_i32_0 = arith.constant 0 : i32
    %c0_i32_1 = arith.constant 0 : i32
    %c0_i32_2 = arith.constant 0 : i32
    return %c0_i32, %c0_i32_0, %c0_i32_1 : i32, i32, i32
  }
  func.func @transform_2(%arg0: i32) -> (i32, i32) {
    %c0_i32 = arith.constant 0 : i32
    %c0_i32_0 = arith.constant 0 : i32
    %c0_i32_1 = arith.constant 0 : i32
    return %c0_i32, %c0_i32_0 : i32, i32
  }
  func.func @transform_3(%arg0: i32) -> (i32, i32, i32, i32) {
    %c0_i32 = arith.constant 0 : i32
    %c0_i32_0 = arith.constant 0 : i32
    %c0_i32_1 = arith.constant 0 : i32
    %c0_i32_2 = arith.constant 0 : i32
    %c0_i32_3 = arith.constant 0 : i32
    return %c0_i32, %c0_i32_0, %c0_i32_1, %c0_i32_2 : i32, i32, i32, i32
  }
  func.func @transform_4(%arg0: i32) -> (i32, i32) {
    %c0_i32 = arith.constant 0 : i32
    %c0_i32_0 = arith.constant 0 : i32
    %c0_i32_1 = arith.constant 0 : i32
    return %c0_i32, %c0_i32_0 : i32, i32
  }
  func.func @transform_5(%arg0: i32) -> (i32, i32, i32) {
    %c0_i32 = arith.constant 0 : i32
    %c0_i32_0 = arith.constant 0 : i32
    %c0_i32_1 = arith.constant 0 : i32
    %c0_i32_2 = arith.constant 0 : i32
    return %c0_i32, %c0_i32_0, %c0_i32_1 : i32, i32, i32
  }
  func.func @transform_6(%arg0: i32) -> (i32, i32) {
    %c0_i32 = arith.constant 0 : i32
    %c0_i32_0 = arith.constant 0 : i32
    %c0_i32_1 = arith.constant 0 : i32
    return %c0_i32, %c0_i32_0 : i32, i32
  }
  func.func @transform_7(%arg0: i32) -> (i32, i32, i32) {
    %c0_i32 = arith.constant 0 : i32
    %c0_i32_0 = arith.constant 0 : i32
    %c0_i32_1 = arith.constant 0 : i32
    return %arg0, %c0_i32, %c0_i32_0 : i32, i32, i32
  }
}

module attributes {stable_mosaic.version = 14 : i64} {
  func.func @body(%arg0: i32, %arg1: memref<16x32x1024xf32, #tpu.memory_space<vmem>>, %arg2: memref<4x512x512xbf16, #tpu.memory_space<vmem>>, %arg3: memref<1x512xf32, #tpu.memory_space<vmem>>, %arg4: memref<3x3x512x512xbf16, #tpu.memory_space<vmem>>, %arg5: memref<3x512xf32, #tpu.memory_space<vmem>>, %arg6: memref<3x512x512xbf16, #tpu.memory_space<vmem>>, %arg7: memref<3x512xf32, #tpu.memory_space<vmem>>, %arg8: memref<3x512x512xbf16, #tpu.memory_space<vmem>>, %arg9: memref<1x512xf32, #tpu.memory_space<vmem>>, %arg10: memref<16x32x512xf32, #tpu.memory_space<vmem>>, %arg11: memref<546x1024xbf16, #tpu.memory_space<vmem>>, %arg12: memref<818x512xf32, #tpu.memory_space<vmem>>) attributes {dimension_semantics = [#tpu.dimension_semantics<parallel>], iteration_bounds = array<i64: 2>, scalar_prefetch = 0 : i64, scratch_operands = 2 : i64, tpu.core_type = #tpu.core_type<tc>, window_params = [{transform_indices = @transform_0, window_bounds = array<i64: 16, 32, 1024>}, {pipeline_mode = #tpu.pipeline_mode<synchronous>, transform_indices = @transform_1, window_bounds = array<i64: 4, 512, 512>}, {pipeline_mode = #tpu.pipeline_mode<synchronous>, transform_indices = @transform_2, window_bounds = array<i64: 1, 512>}, {pipeline_mode = #tpu.pipeline_mode<synchronous>, transform_indices = @transform_3, window_bounds = array<i64: 3, 3, 512, 512>}, {pipeline_mode = #tpu.pipeline_mode<synchronous>, transform_indices = @transform_4, window_bounds = array<i64: 3, 512>}, {pipeline_mode = #tpu.pipeline_mode<synchronous>, transform_indices = @transform_5, window_bounds = array<i64: 3, 512, 512>}, {pipeline_mode = #tpu.pipeline_mode<synchronous>, transform_indices = @transform_6, window_bounds = array<i64: 3, 512>}, {pipeline_mode = #tpu.pipeline_mode<synchronous>, transform_indices = @transform_7, window_bounds = array<i64: 3, 512, 512>}, {pipeline_mode = #tpu.pipeline_mode<synchronous>, transform_indices = @transform_8, window_bounds = array<i64: 1, 512>}, {transform_indices = @transform_9, window_bounds = array<i64: 16, 32, 512>}]} {
    %broadcast_in_dim3A = arith.constant 0.000000e+00 : bf16
    %broadcast_in_dim3A_0 = vector.broadcast %broadcast_in_dim3A : bf16 to vector<546x1024xbf16>
    %swap3A = arith.constant 0 : index
    %swap3A_1 = arith.constant 0 : index
    %swap3A_2 = vector.load %arg11[%swap3A, %swap3A_1] : memref<546x1024xbf16, #tpu.memory_space<vmem>>, vector<546x1024xbf16>
    tpu.vector_store %arg11[%swap3A, %swap3A_1], %broadcast_in_dim3A_0 {strides = array<i32>} : memref<546x1024xbf16, #tpu.memory_space<vmem>>, vector<546x1024xbf16>,
    %get3A = arith.constant 0 : index
    %get3A_3 = arith.constant 0 : index
    %get3A_4 = arith.constant 0 : index
    %get3A_5 = vector.load %arg1[%get3A, %get3A_3, %get3A_4] : memref<16x32x1024xf32, #tpu.memory_space<vmem>>, vector<1x32x1024xf32>
    %get3A_6 = vector.shape_cast %get3A_5 : vector<1x32x1024xf32> to vector<32x1024xf32>
    %convert_element_type3A = arith.truncf %get3A_6 : vector<32x1024xf32> to vector<32x1024xbf16>
    %swap3A_7 = arith.constant 1 : index
    %swap3A_8 = arith.constant 0 : index
    %swap3A_9 = vector.load %arg11[%swap3A_7, %swap3A_8] : memref<546x1024xbf16, #tpu.memory_space<vmem>>, vector<32x1024xbf16>
    tpu.vector_store %arg11[%swap3A_7, %swap3A_8], %convert_element_type3A {strides = array<i32>} : memref<546x1024xbf16, #tpu.memory_space<vmem>>, vector<32x1024xbf16>,
    %get3A_10 = arith.constant 1 : index
    %get3A_11 = arith.constant 0 : index
    %get3A_12 = arith.constant 0 : index
    %get3A_13 = vector.load %arg1[%get3A_10, %get3A_11, %get3A_12] : memref<16x32x1024xf32, #tpu.memory_space<vmem>>, vector<1x32x1024xf32>
    %get3A_14 = vector.shape_cast %get3A_13 : vector<1x32x1024xf32> to vector<32x1024xf32>
    %convert_element_type3A_15 = arith.truncf %get3A_14 : vector<32x1024xf32> to vector<32x1024xbf16>
    %swap3A_16 = arith.constant 35 : index
    %swap3A_17 = arith.constant 0 : index
    %swap3A_18 = vector.load %arg11[%swap3A_16, %swap3A_17] : memref<546x1024xbf16, #tpu.memory_space<vmem>>, vector<32x1024xbf16>
    tpu.vector_store %arg11[%swap3A_16, %swap3A_17], %convert_element_type3A_15 {strides = array<i32>} : memref<546x1024xbf16, #tpu.memory_space<vmem>>, vector<32x1024xbf16>,
    %get3A_19 = arith.constant 2 : index
    %get3A_20 = arith.constant 0 : index
    %get3A_21 = arith.constant 0 : index
    %get3A_22 = vector.load %arg1[%get3A_19, %get3A_20, %get3A_21] : memref<16x32x1024xf32, #tpu.memory_space<vmem>>, vector<1x32x1024xf32>
    %get3A_23 = vector.shape_cast %get3A_22 : vector<1x32x1024xf32> to vector<32x1024xf32>
    %convert_element_type3A_24 = arith.truncf %get3A_23 : vector<32x1024xf32> to vector<32x1024xbf16>
    %swap3A_25 = arith.constant 69 : index
    %swap3A_26 = arith.constant 0 : index
    %swap3A_27 = vector.load %arg11[%swap3A_25, %swap3A_26] : memref<546x1024xbf16, #tpu.memory_space<vmem>>, vector<32x1024xbf16>
    tpu.vector_store %arg11[%swap3A_25, %swap3A_26], %convert_element_type3A_24 {strides = array<i32>} : memref<546x1024xbf16, #tpu.memory_space<vmem>>, vector<32x1024xbf16>,
    %get3A_28 = arith.constant 3 : index
    %get3A_29 = arith.constant 0 : index
    %get3A_30 = arith.constant 0 : index
    %get3A_31 = vector.load %arg1[%get3A_28, %get3A_29, %get3A_30] : memref<16x32x1024xf32, #tpu.memory_space<vmem>>, vector<1x32x1024xf32>
    %get3A_32 = vector.shape_cast %get3A_31 : vector<1x32x1024xf32> to vector<32x1024xf32>
    %convert_element_type3A_33 = arith.truncf %get3A_32 : vector<32x1024xf32> to vector<32x1024xbf16>
    %swap3A_34 = arith.constant 103 : index
    %swap3A_35 = arith.constant 0 : index
    %swap3A_36 = vector.load %arg11[%swap3A_34, %swap3A_35] : memref<546x1024xbf16, #tpu.memory_space<vmem>>, vector<32x1024xbf16>
    tpu.vector_store %arg11[%swap3A_34, %swap3A_35], %convert_element_type3A_33 {strides = array<i32>} : memref<546x1024xbf16, #tpu.memory_space<vmem>>, vector<32x1024xbf16>,
    %get3A_37 = arith.constant 4 : index
    %get3A_38 = arith.constant 0 : index
    %get3A_39 = arith.constant 0 : index
    %get3A_40 = vector.load %arg1[%get3A_37, %get3A_38, %get3A_39] : memref<16x32x1024xf32, #tpu.memory_space<vmem>>, vector<1x32x1024xf32>
    %get3A_41 = vector.shape_cast %get3A_40 : vector<1x32x1024xf32> to vector<32x1024xf32>
    %convert_element_type3A_42 = arith.truncf %get3A_41 : vector<32x1024xf32> to vector<32x1024xbf16>
    %swap3A_43 = arith.constant 137 : index
    %swap3A_44 = arith.constant 0 : index
    %swap3A_45 = vector.load %arg11[%swap3A_43, %swap3A_44] : memref<546x1024xbf16, #tpu.memory_space<vmem>>, vector<32x1024xbf16>
    tpu.vector_store %arg11[%swap3A_43, %swap3A_44], %convert_element_type3A_42 {strides = array<i32>} : memref<546x1024xbf16, #tpu.memory_space<vmem>>, vector<32x1024xbf16>,
    %get3A_46 = arith.constant 5 : index
    %get3A_47 = arith.constant 0 : index
    %get3A_48 = arith.constant 0 : index
    %get3A_49 = vector.load %arg1[%get3A_46, %get3A_47, %get3A_48] : memref<16x32x1024xf32, #tpu.memory_space<vmem>>, vector<1x32x1024xf32>
    %get3A_50 = vector.shape_cast %get3A_49 : vector<1x32x1024xf32> to vector<32x1024xf32>
    %convert_element_type3A_51 = arith.truncf %get3A_50 : vector<32x1024xf32> to vector<32x1024xbf16>
    %swap3A_52 = arith.constant 171 : index
    %swap3A_53 = arith.constant 0 : index
    %swap3A_54 = vector.load %arg11[%swap3A_52, %swap3A_53] : memref<546x1024xbf16, #tpu.memory_space<vmem>>, vector<32x1024xbf16>
    tpu.vector_store %arg11[%swap3A_52, %swap3A_53], %convert_element_type3A_51 {strides = array<i32>} : memref<546x1024xbf16, #tpu.memory_space<vmem>>, vector<32x1024xbf16>,
    %get3A_55 = arith.constant 6 : index
    %get3A_56 = arith.constant 0 : index
    %get3A_57 = arith.constant 0 : index
    %get3A_58 = vector.load %arg1[%get3A_55, %get3A_56, %get3A_57] : memref<16x32x1024xf32, #tpu.memory_space<vmem>>, vector<1x32x1024xf32>
    %get3A_59 = vector.shape_cast %get3A_58 : vector<1x32x1024xf32> to vector<32x1024xf32>
    %convert_element_type3A_60 = arith.truncf %get3A_59 : vector<32x1024xf32> to vector<32x1024xbf16>
    %swap3A_61 = arith.constant 205 : index
    %swap3A_62 = arith.constant 0 : index
    %swap3A_63 = vector.load %arg11[%swap3A_61, %swap3A_62] : memref<546x1024xbf16, #tpu.memory_space<vmem>>, vector<32x1024xbf16>
    tpu.vector_store %arg11[%swap3A_61, %swap3A_62], %convert_element_type3A_60 {strides = array<i32>} : memref<546x1024xbf16, #tpu.memory_space<vmem>>, vector<32x1024xbf16>,
    %get3A_64 = arith.constant 7 : index
    %get3A_65 = arith.constant 0 : index
    %get3A_66 = arith.constant 0 : index
    %get3A_67 = vector.load %arg1[%get3A_64, %get3A_65, %get3A_66] : memref<16x32x1024xf32, #tpu.memory_space<vmem>>, vector<1x32x1024xf32>
    %get3A_68 = vector.shape_cast %get3A_67 : vector<1x32x1024xf32> to vector<32x1024xf32>
    %convert_element_type3A_69 = arith.truncf %get3A_68 : vector<32x1024xf32> to vector<32x1024xbf16>
    %swap3A_70 = arith.constant 239 : index
    %swap3A_71 = arith.constant 0 : index
    %swap3A_72 = vector.load %arg11[%swap3A_70, %swap3A_71] : memref<546x1024xbf16, #tpu.memory_space<vmem>>, vector<32x1024xbf16>
    tpu.vector_store %arg11[%swap3A_70, %swap3A_71], %convert_element_type3A_69 {strides = array<i32>} : memref<546x1024xbf16, #tpu.memory_space<vmem>>, vector<32x1024xbf16>,
    %get3A_73 = arith.constant 8 : index
    %get3A_74 = arith.constant 0 : index
    %get3A_75 = arith.constant 0 : index
    %get3A_76 = vector.load %arg1[%get3A_73, %get3A_74, %get3A_75] : memref<16x32x1024xf32, #tpu.memory_space<vmem>>, vector<1x32x1024xf32>
    %get3A_77 = vector.shape_cast %get3A_76 : vector<1x32x1024xf32> to vector<32x1024xf32>
    %convert_element_type3A_78 = arith.truncf %get3A_77 : vector<32x1024xf32> to vector<32x1024xbf16>
    %swap3A_79 = arith.constant 273 : index
    %swap3A_80 = arith.constant 0 : index
    %swap3A_81 = vector.load %arg11[%swap3A_79, %swap3A_80] : memref<546x1024xbf16, #tpu.memory_space<vmem>>, vector<32x1024xbf16>
    tpu.vector_store %arg11[%swap3A_79, %swap3A_80], %convert_element_type3A_78 {strides = array<i32>} : memref<546x1024xbf16, #tpu.memory_space<vmem>>, vector<32x1024xbf16>,
    %get3A_82 = arith.constant 9 : index
    %get3A_83 = arith.constant 0 : index
    %get3A_84 = arith.constant 0 : index
    %get3A_85 = vector.load %arg1[%get3A_82, %get3A_83, %get3A_84] : memref<16x32x1024xf32, #tpu.memory_space<vmem>>, vector<1x32x1024xf32>
    %get3A_86 = vector.shape_cast %get3A_85 : vector<1x32x1024xf32> to vector<32x1024xf32>
    %convert_element_type3A_87 = arith.truncf %get3A_86 : vector<32x1024xf32> to vector<32x1024xbf16>
    %swap3A_88 = arith.constant 307 : index
    %swap3A_89 = arith.constant 0 : index
    %swap3A_90 = vector.load %arg11[%swap3A_88, %swap3A_89] : memref<546x1024xbf16, #tpu.memory_space<vmem>>, vector<32x1024xbf16>
    tpu.vector_store %arg11[%swap3A_88, %swap3A_89], %convert_element_type3A_87 {strides = array<i32>} : memref<546x1024xbf16, #tpu.memory_space<vmem>>, vector<32x1024xbf16>,
    %get3A_91 = arith.constant 10 : index
    %get3A_92 = arith.constant 0 : index
    %get3A_93 = arith.constant 0 : index
    %get3A_94 = vector.load %arg1[%get3A_91, %get3A_92, %get3A_93] : memref<16x32x1024xf32, #tpu.memory_space<vmem>>, vector<1x32x1024xf32>
    %get3A_95 = vector.shape_cast %get3A_94 : vector<1x32x1024xf32> to vector<32x1024xf32>
    %convert_element_type3A_96 = arith.truncf %get3A_95 : vector<32x1024xf32> to vector<32x1024xbf16>
    %swap3A_97 = arith.constant 341 : index
    %swap3A_98 = arith.constant 0 : index
    %swap3A_99 = vector.load %arg11[%swap3A_97, %swap3A_98] : memref<546x1024xbf16, #tpu.memory_space<vmem>>, vector<32x1024xbf16>
    tpu.vector_store %arg11[%swap3A_97, %swap3A_98], %convert_element_type3A_96 {strides = array<i32>} : memref<546x1024xbf16, #tpu.memory_space<vmem>>, vector<32x1024xbf16>,
    %get3A_100 = arith.constant 11 : index
    %get3A_101 = arith.constant 0 : index
    %get3A_102 = arith.constant 0 : index
    %get3A_103 = vector.load %arg1[%get3A_100, %get3A_101, %get3A_102] : memref<16x32x1024xf32, #tpu.memory_space<vmem>>, vector<1x32x1024xf32>
    %get3A_104 = vector.shape_cast %get3A_103 : vector<1x32x1024xf32> to vector<32x1024xf32>
    %convert_element_type3A_105 = arith.truncf %get3A_104 : vector<32x1024xf32> to vector<32x1024xbf16>
    %swap3A_106 = arith.constant 375 : index
    %swap3A_107 = arith.constant 0 : index
    %swap3A_108 = vector.load %arg11[%swap3A_106, %swap3A_107] : memref<546x1024xbf16, #tpu.memory_space<vmem>>, vector<32x1024xbf16>
    tpu.vector_store %arg11[%swap3A_106, %swap3A_107], %convert_element_type3A_105 {strides = array<i32>} : memref<546x1024xbf16, #tpu.memory_space<vmem>>, vector<32x1024xbf16>,
    %get3A_109 = arith.constant 12 : index
    %get3A_110 = arith.constant 0 : index
    %get3A_111 = arith.constant 0 : index
    %get3A_112 = vector.load %arg1[%get3A_109, %get3A_110, %get3A_111] : memref<16x32x1024xf32, #tpu.memory_space<vmem>>, vector<1x32x1024xf32>
    %get3A_113 = vector.shape_cast %get3A_112 : vector<1x32x1024xf32> to vector<32x1024xf32>
    %convert_element_type3A_114 = arith.truncf %get3A_113 : vector<32x1024xf32> to vector<32x1024xbf16>
    %swap3A_115 = arith.constant 409 : index
    %swap3A_116 = arith.constant 0 : index
    %swap3A_117 = vector.load %arg11[%swap3A_115, %swap3A_116] : memref<546x1024xbf16, #tpu.memory_space<vmem>>, vector<32x1024xbf16>
    tpu.vector_store %arg11[%swap3A_115, %swap3A_116], %convert_element_type3A_114 {strides = array<i32>} : memref<546x1024xbf16, #tpu.memory_space<vmem>>, vector<32x1024xbf16>,
    %get3A_118 = arith.constant 13 : index
    %get3A_119 = arith.constant 0 : index
    %get3A_120 = arith.constant 0 : index
    %get3A_121 = vector.load %arg1[%get3A_118, %get3A_119, %get3A_120] : memref<16x32x1024xf32, #tpu.memory_space<vmem>>, vector<1x32x1024xf32>
    %get3A_122 = vector.shape_cast %get3A_121 : vector<1x32x1024xf32> to vector<32x1024xf32>
    %convert_element_type3A_123 = arith.truncf %get3A_122 : vector<32x1024xf32> to vector<32x1024xbf16>
    %swap3A_124 = arith.constant 443 : index
    %swap3A_125 = arith.constant 0 : index
    %swap3A_126 = vector.load %arg11[%swap3A_124, %swap3A_125] : memref<546x1024xbf16, #tpu.memory_space<vmem>>, vector<32x1024xbf16>
    tpu.vector_store %arg11[%swap3A_124, %swap3A_125], %convert_element_type3A_123 {strides = array<i32>} : memref<546x1024xbf16, #tpu.memory_space<vmem>>, vector<32x1024xbf16>,
    %get3A_127 = arith.constant 14 : index
    %get3A_128 = arith.constant 0 : index
    %get3A_129 = arith.constant 0 : index
    %get3A_130 = vector.load %arg1[%get3A_127, %get3A_128, %get3A_129] : memref<16x32x1024xf32, #tpu.memory_space<vmem>>, vector<1x32x1024xf32>
    %get3A_131 = vector.shape_cast %get3A_130 : vector<1x32x1024xf32> to vector<32x1024xf32>
    %convert_element_type3A_132 = arith.truncf %get3A_131 : vector<32x1024xf32> to vector<32x1024xbf16>
    %swap3A_133 = arith.constant 477 : index
    %swap3A_134 = arith.constant 0 : index
    %swap3A_135 = vector.load %arg11[%swap3A_133, %swap3A_134] : memref<546x1024xbf16, #tpu.memory_space<vmem>>, vector<32x1024xbf16>
    tpu.vector_store %arg11[%swap3A_133, %swap3A_134], %convert_element_type3A_132 {strides = array<i32>} : memref<546x1024xbf16, #tpu.memory_space<vmem>>, vector<32x1024xbf16>,
    %get3A_136 = arith.constant 15 : index
    %get3A_137 = arith.constant 0 : index
    %get3A_138 = arith.constant 0 : index
    %get3A_139 = vector.load %arg1[%get3A_136, %get3A_137, %get3A_138] : memref<16x32x1024xf32, #tpu.memory_space<vmem>>, vector<1x32x1024xf32>
    %get3A_140 = vector.shape_cast %get3A_139 : vector<1x32x1024xf32> to vector<32x1024xf32>
    %convert_element_type3A_141 = arith.truncf %get3A_140 : vector<32x1024xf32> to vector<32x1024xbf16>
    %swap3A_142 = arith.constant 511 : index
    %swap3A_143 = arith.constant 0 : index
    %swap3A_144 = vector.load %arg11[%swap3A_142, %swap3A_143] : memref<546x1024xbf16, #tpu.memory_space<vmem>>, vector<32x1024xbf16>
    tpu.vector_store %arg11[%swap3A_142, %swap3A_143], %convert_element_type3A_141 {strides = array<i32>} : memref<546x1024xbf16, #tpu.memory_space<vmem>>, vector<32x1024xbf16>,
    %get3A_145 = arith.constant 0 : index
    %get3A_146 = arith.constant 0 : index
    %get3A_147 = vector.load %arg3[%get3A_145, %get3A_146] : memref<1x512xf32, #tpu.memory_space<vmem>>, vector<1x512xf32>
    %get3A_148 = arith.constant 0 : index
    %get3A_149 = arith.constant 512 : index
    %get3A_150 = vector.load %arg11[%get3A_148, %get3A_149] : memref<546x1024xbf16, #tpu.memory_space<vmem>>, vector<544x512xbf16>
    %get3A_151 = arith.constant 0 : index
    %get3A_152 = arith.constant 0 : index
    %get3A_153 = arith.constant 0 : index
    %get3A_154 = vector.load %arg2[%get3A_151, %get3A_152, %get3A_153] : memref<4x512x512xbf16, #tpu.memory_space<vmem>>, vector<1x512x512xbf16>
    %get3A_155 = vector.shape_cast %get3A_154 : vector<1x512x512xbf16> to vector<512x512xbf16>
    %dot_general3A = arith.constant dense<0.000000e+00> : vector<544x512xf32>
    %dot_general3A_156 = tpu.matmul %get3A_150, %get3A_155, %dot_general3A {dimension_numbers = #tpu.dot_dimension_numbers<[1], [0], [0], [1], [0, 0, 1, 1], [], []>, transpose_lhs_hint = false} : vector<544x512xbf16>, vector<512x512xbf16>, vector<544x512xf32> -> vector<544x512xf32>
    %add3A = vector.broadcast %get3A_147 : vector<1x512xf32> to vector<544x512xf32>
    %add3A_157 = arith.addf %add3A, %dot_general3A_156 : vector<544x512xf32>
    %get3A_158 = arith.constant 1 : index
    %get3A_159 = arith.constant 0 : index
    %get3A_160 = vector.load %arg11[%get3A_158, %get3A_159] : memref<546x1024xbf16, #tpu.memory_space<vmem>>, vector<544x512xbf16>
    %get3A_161 = arith.constant 1 : index
    %get3A_162 = arith.constant 0 : index
    %get3A_163 = arith.constant 0 : index
    %get3A_164 = vector.load %arg2[%get3A_161, %get3A_162, %get3A_163] : memref<4x512x512xbf16, #tpu.memory_space<vmem>>, vector<1x512x512xbf16>
    %get3A_165 = vector.shape_cast %get3A_164 : vector<1x512x512xbf16> to vector<512x512xbf16>
    %dot_general3A_166 = arith.constant dense<0.000000e+00> : vector<544x512xf32>
    %dot_general3A_167 = tpu.matmul %get3A_160, %get3A_165, %dot_general3A_166 {dimension_numbers = #tpu.dot_dimension_numbers<[1], [0], [0], [1], [0, 0, 1, 1], [], []>, transpose_lhs_hint = false} : vector<544x512xbf16>, vector<512x512xbf16>, vector<544x512xf32> -> vector<544x512xf32>
    %add3A_168 = arith.addf %add3A_157, %dot_general3A_167 : vector<544x512xf32>
    %get3A_169 = arith.constant 1 : index
    %get3A_170 = arith.constant 512 : index
    %get3A_171 = vector.load %arg11[%get3A_169, %get3A_170] : memref<546x1024xbf16, #tpu.memory_space<vmem>>, vector<544x512xbf16>
    %get3A_172 = arith.constant 2 : index
    %get3A_173 = arith.constant 0 : index
    %get3A_174 = arith.constant 0 : index
    %get3A_175 = vector.load %arg2[%get3A_172, %get3A_173, %get3A_174] : memref<4x512x512xbf16, #tpu.memory_space<vmem>>, vector<1x512x512xbf16>
    %get3A_176 = vector.shape_cast %get3A_175 : vector<1x512x512xbf16> to vector<512x512xbf16>
    %dot_general3A_177 = arith.constant dense<0.000000e+00> : vector<544x512xf32>
    %dot_general3A_178 = tpu.matmul %get3A_171, %get3A_176, %dot_general3A_177 {dimension_numbers = #tpu.dot_dimension_numbers<[1], [0], [0], [1], [0, 0, 1, 1], [], []>, transpose_lhs_hint = false} : vector<544x512xbf16>, vector<512x512xbf16>, vector<544x512xf32> -> vector<544x512xf32>
    %add3A_179 = arith.addf %add3A_168, %dot_general3A_178 : vector<544x512xf32>
    %get3A_180 = arith.constant 2 : index
    %get3A_181 = arith.constant 0 : index
    %get3A_182 = vector.load %arg11[%get3A_180, %get3A_181] : memref<546x1024xbf16, #tpu.memory_space<vmem>>, vector<544x512xbf16>
    %get3A_183 = arith.constant 3 : index
    %get3A_184 = arith.constant 0 : index
    %get3A_185 = arith.constant 0 : index
    %get3A_186 = vector.load %arg2[%get3A_183, %get3A_184, %get3A_185] : memref<4x512x512xbf16, #tpu.memory_space<vmem>>, vector<1x512x512xbf16>
    %get3A_187 = vector.shape_cast %get3A_186 : vector<1x512x512xbf16> to vector<512x512xbf16>
    %dot_general3A_188 = arith.constant dense<0.000000e+00> : vector<544x512xf32>
    %dot_general3A_189 = tpu.matmul %get3A_182, %get3A_187, %dot_general3A_188 {dimension_numbers = #tpu.dot_dimension_numbers<[1], [0], [0], [1], [0, 0, 1, 1], [], []>, transpose_lhs_hint = false} : vector<544x512xbf16>, vector<512x512xbf16>, vector<544x512xf32> -> vector<544x512xf32>
    %add3A_190 = arith.addf %add3A_179, %dot_general3A_189 : vector<544x512xf32>
    %broadcast_in_dim3A_191 = arith.constant 0.000000e+00 : f32
    %broadcast_in_dim3A_192 = vector.broadcast %broadcast_in_dim3A_191 : f32 to vector<818x512xf32>
    %swap3A_193 = arith.constant 0 : index
    %swap3A_194 = arith.constant 0 : index
    %swap3A_195 = vector.load %arg12[%swap3A_193, %swap3A_194] : memref<818x512xf32, #tpu.memory_space<vmem>>, vector<818x512xf32>
    tpu.vector_store %arg12[%swap3A_193, %swap3A_194], %broadcast_in_dim3A_192 {strides = array<i32>} : memref<818x512xf32, #tpu.memory_space<vmem>>, vector<818x512xf32>,
    %slice3A = vector.extract_strided_slice %add3A_190 {offsets = [0, 0], sizes = [32, 512], strides = [1, 1]} : vector<544x512xf32> to vector<32x512xf32>
    %swap3A_196 = arith.constant 9 : index
    %swap3A_197 = arith.constant 0 : index
    %swap3A_198 = vector.load %arg12[%swap3A_196, %swap3A_197] : memref<818x512xf32, #tpu.memory_space<vmem>>, vector<32x512xf32>
    tpu.vector_store %arg12[%swap3A_196, %swap3A_197], %slice3A {strides = array<i32>} : memref<818x512xf32, #tpu.memory_space<vmem>>, vector<32x512xf32>,
    %slice3A_199 = vector.extract_strided_slice %add3A_190 {offsets = [34, 0], sizes = [32, 512], strides = [1, 1]} : vector<544x512xf32> to vector<32x512xf32>
    %swap3A_200 = arith.constant 59 : index
    %swap3A_201 = arith.constant 0 : index
    %swap3A_202 = vector.load %arg12[%swap3A_200, %swap3A_201] : memref<818x512xf32, #tpu.memory_space<vmem>>, vector<32x512xf32>
    tpu.vector_store %arg12[%swap3A_200, %swap3A_201], %slice3A_199 {strides = array<i32>} : memref<818x512xf32, #tpu.memory_space<vmem>>, vector<32x512xf32>,
    %slice3A_203 = vector.extract_strided_slice %add3A_190 {offsets = [68, 0], sizes = [32, 512], strides = [1, 1]} : vector<544x512xf32> to vector<32x512xf32>
    %swap3A_204 = arith.constant 109 : index
    %swap3A_205 = arith.constant 0 : index
    %swap3A_206 = vector.load %arg12[%swap3A_204, %swap3A_205] : memref<818x512xf32, #tpu.memory_space<vmem>>, vector<32x512xf32>
    tpu.vector_store %arg12[%swap3A_204, %swap3A_205], %slice3A_203 {strides = array<i32>} : memref<818x512xf32, #tpu.memory_space<vmem>>, vector<32x512xf32>,
    %slice3A_207 = vector.extract_strided_slice %add3A_190 {offsets = [102, 0], sizes = [32, 512], strides = [1, 1]} : vector<544x512xf32> to vector<32x512xf32>
    %swap3A_208 = arith.constant 159 : index
    %swap3A_209 = arith.constant 0 : index
    %swap3A_210 = vector.load %arg12[%swap3A_208, %swap3A_209] : memref<818x512xf32, #tpu.memory_space<vmem>>, vector<32x512xf32>
    tpu.vector_store %arg12[%swap3A_208, %swap3A_209], %slice3A_207 {strides = array<i32>} : memref<818x512xf32, #tpu.memory_space<vmem>>, vector<32x512xf32>,
    %slice3A_211 = vector.extract_strided_slice %add3A_190 {offsets = [136, 0], sizes = [32, 512], strides = [1, 1]} : vector<544x512xf32> to vector<32x512xf32>
    %swap3A_212 = arith.constant 209 : index
    %swap3A_213 = arith.constant 0 : index
    %swap3A_214 = vector.load %arg12[%swap3A_212, %swap3A_213] : memref<818x512xf32, #tpu.memory_space<vmem>>, vector<32x512xf32>
    tpu.vector_store %arg12[%swap3A_212, %swap3A_213], %slice3A_211 {strides = array<i32>} : memref<818x512xf32, #tpu.memory_space<vmem>>, vector<32x512xf32>,
    %slice3A_215 = vector.extract_strided_slice %add3A_190 {offsets = [170, 0], sizes = [32, 512], strides = [1, 1]} : vector<544x512xf32> to vector<32x512xf32>
    %swap3A_216 = arith.constant 259 : index
    %swap3A_217 = arith.constant 0 : index
    %swap3A_218 = vector.load %arg12[%swap3A_216, %swap3A_217] : memref<818x512xf32, #tpu.memory_space<vmem>>, vector<32x512xf32>
    tpu.vector_store %arg12[%swap3A_216, %swap3A_217], %slice3A_215 {strides = array<i32>} : memref<818x512xf32, #tpu.memory_space<vmem>>, vector<32x512xf32>,
    %slice3A_219 = vector.extract_strided_slice %add3A_190 {offsets = [204, 0], sizes = [32, 512], strides = [1, 1]} : vector<544x512xf32> to vector<32x512xf32>
    %swap3A_220 = arith.constant 309 : index
    %swap3A_221 = arith.constant 0 : index
    %swap3A_222 = vector.load %arg12[%swap3A_220, %swap3A_221] : memref<818x512xf32, #tpu.memory_space<vmem>>, vector<32x512xf32>
    tpu.vector_store %arg12[%swap3A_220, %swap3A_221], %slice3A_219 {strides = array<i32>} : memref<818x512xf32, #tpu.memory_space<vmem>>, vector<32x512xf32>,
    %slice3A_223 = vector.extract_strided_slice %add3A_190 {offsets = [238, 0], sizes = [32, 512], strides = [1, 1]} : vector<544x512xf32> to vector<32x512xf32>
    %swap3A_224 = arith.constant 359 : index
    %swap3A_225 = arith.constant 0 : index
    %swap3A_226 = vector.load %arg12[%swap3A_224, %swap3A_225] : memref<818x512xf32, #tpu.memory_space<vmem>>, vector<32x512xf32>
    tpu.vector_store %arg12[%swap3A_224, %swap3A_225], %slice3A_223 {strides = array<i32>} : memref<818x512xf32, #tpu.memory_space<vmem>>, vector<32x512xf32>,
    %slice3A_227 = vector.extract_strided_slice %add3A_190 {offsets = [272, 0], sizes = [32, 512], strides = [1, 1]} : vector<544x512xf32> to vector<32x512xf32>
    %swap3A_228 = arith.constant 409 : index
    %swap3A_229 = arith.constant 0 : index
    %swap3A_230 = vector.load %arg12[%swap3A_228, %swap3A_229] : memref<818x512xf32, #tpu.memory_space<vmem>>, vector<32x512xf32>
    tpu.vector_store %arg12[%swap3A_228, %swap3A_229], %slice3A_227 {strides = array<i32>} : memref<818x512xf32, #tpu.memory_space<vmem>>, vector<32x512xf32>,
    %slice3A_231 = vector.extract_strided_slice %add3A_190 {offsets = [306, 0], sizes = [32, 512], strides = [1, 1]} : vector<544x512xf32> to vector<32x512xf32>
    %swap3A_232 = arith.constant 459 : index
    %swap3A_233 = arith.constant 0 : index
    %swap3A_234 = vector.load %arg12[%swap3A_232, %swap3A_233] : memref<818x512xf32, #tpu.memory_space<vmem>>, vector<32x512xf32>
    tpu.vector_store %arg12[%swap3A_232, %swap3A_233], %slice3A_231 {strides = array<i32>} : memref<818x512xf32, #tpu.memory_space<vmem>>, vector<32x512xf32>,
    %slice3A_235 = vector.extract_strided_slice %add3A_190 {offsets = [340, 0], sizes = [32, 512], strides = [1, 1]} : vector<544x512xf32> to vector<32x512xf32>
    %swap3A_236 = arith.constant 509 : index
    %swap3A_237 = arith.constant 0 : index
    %swap3A_238 = vector.load %arg12[%swap3A_236, %swap3A_237] : memref<818x512xf32, #tpu.memory_space<vmem>>, vector<32x512xf32>
    tpu.vector_store %arg12[%swap3A_236, %swap3A_237], %slice3A_235 {strides = array<i32>} : memref<818x512xf32, #tpu.memory_space<vmem>>, vector<32x512xf32>,
    %slice3A_239 = vector.extract_strided_slice %add3A_190 {offsets = [374, 0], sizes = [32, 512], strides = [1, 1]} : vector<544x512xf32> to vector<32x512xf32>
    %swap3A_240 = arith.constant 559 : index
    %swap3A_241 = arith.constant 0 : index
    %swap3A_242 = vector.load %arg12[%swap3A_240, %swap3A_241] : memref<818x512xf32, #tpu.memory_space<vmem>>, vector<32x512xf32>
    tpu.vector_store %arg12[%swap3A_240, %swap3A_241], %slice3A_239 {strides = array<i32>} : memref<818x512xf32, #tpu.memory_space<vmem>>, vector<32x512xf32>,
    %slice3A_243 = vector.extract_strided_slice %add3A_190 {offsets = [408, 0], sizes = [32, 512], strides = [1, 1]} : vector<544x512xf32> to vector<32x512xf32>
    %swap3A_244 = arith.constant 609 : index
    %swap3A_245 = arith.constant 0 : index
    %swap3A_246 = vector.load %arg12[%swap3A_244, %swap3A_245] : memref<818x512xf32, #tpu.memory_space<vmem>>, vector<32x512xf32>
    tpu.vector_store %arg12[%swap3A_244, %swap3A_245], %slice3A_243 {strides = array<i32>} : memref<818x512xf32, #tpu.memory_space<vmem>>, vector<32x512xf32>,
    %slice3A_247 = vector.extract_strided_slice %add3A_190 {offsets = [442, 0], sizes = [32, 512], strides = [1, 1]} : vector<544x512xf32> to vector<32x512xf32>
    %swap3A_248 = arith.constant 659 : index
    %swap3A_249 = arith.constant 0 : index
    %swap3A_250 = vector.load %arg12[%swap3A_248, %swap3A_249] : memref<818x512xf32, #tpu.memory_space<vmem>>, vector<32x512xf32>
    tpu.vector_store %arg12[%swap3A_248, %swap3A_249], %slice3A_247 {strides = array<i32>} : memref<818x512xf32, #tpu.memory_space<vmem>>, vector<32x512xf32>,
    %slice3A_251 = vector.extract_strided_slice %add3A_190 {offsets = [476, 0], sizes = [32, 512], strides = [1, 1]} : vector<544x512xf32> to vector<32x512xf32>
    %swap3A_252 = arith.constant 709 : index
    %swap3A_253 = arith.constant 0 : index
    %swap3A_254 = vector.load %arg12[%swap3A_252, %swap3A_253] : memref<818x512xf32, #tpu.memory_space<vmem>>, vector<32x512xf32>
    tpu.vector_store %arg12[%swap3A_252, %swap3A_253], %slice3A_251 {strides = array<i32>} : memref<818x512xf32, #tpu.memory_space<vmem>>, vector<32x512xf32>,
    %slice3A_255 = vector.extract_strided_slice %add3A_190 {offsets = [510, 0], sizes = [32, 512], strides = [1, 1]} : vector<544x512xf32> to vector<32x512xf32>
    %swap3A_256 = arith.constant 759 : index
    %swap3A_257 = arith.constant 0 : index
    %swap3A_258 = vector.load %arg12[%swap3A_256, %swap3A_257] : memref<818x512xf32, #tpu.memory_space<vmem>>, vector<32x512xf32>
    tpu.vector_store %arg12[%swap3A_256, %swap3A_257], %slice3A_255 {strides = array<i32>} : memref<818x512xf32, #tpu.memory_space<vmem>>, vector<32x512xf32>,
    %iota3A = tpu.iota {dimensions = array<i32: 0>} : vector<800x1xi32>
    %rem3A = arith.constant 50 : i32
    %rem3A_259 = vector.broadcast %rem3A : i32 to vector<800x1xi32>
    %rem3A_260 = arith.remsi %iota3A, %rem3A_259 : vector<800x1xi32>
    %lt3A = arith.constant 32 : i32
    %lt3A_261 = vector.broadcast %lt3A : i32 to vector<800x1xi32>
    %lt3A_262 = arith.cmpi slt, %rem3A_260, %lt3A_261 : vector<800x1xi32>
    %get3A_263 = arith.constant 0 : index
    %get3A_264 = arith.constant 0 : index
    %get3A_265 = vector.load %arg5[%get3A_263, %get3A_264] : memref<3x512xf32, #tpu.memory_space<vmem>>, vector<1x512xf32>
    %get3A_266 = arith.constant 0 : index
    %get3A_267 = arith.constant 0 : index
    %get3A_268 = vector.load %arg7[%get3A_266, %get3A_267] : memref<3x512xf32, #tpu.memory_space<vmem>>, vector<1x512xf32>
    %get3A_269 = arith.constant 0 : index
    %get3A_270 = arith.constant 0 : index
    %get3A_271 = vector.load %arg12[%get3A_269, %get3A_270] : memref<818x512xf32, #tpu.memory_space<vmem>>, vector<818x512xf32>
    %max3A = arith.constant 0.000000e+00 : f32
    %max3A_272 = vector.broadcast %max3A : f32 to vector<818x512xf32>
    %max3A_273 = arith.maximumf %get3A_271, %max3A_272 : vector<818x512xf32>
    %convert_element_type3A_274 = arith.truncf %max3A_273 : vector<818x512xf32> to vector<818x512xbf16>
    %slice3A_275 = vector.extract_strided_slice %convert_element_type3A_274 {offsets = [8, 0], sizes = [800, 512], strides = [1, 1]} : vector<818x512xbf16> to vector<800x512xbf16>
    %get3A_276 = arith.constant 0 : index
    %get3A_277 = arith.constant 0 : index
    %get3A_278 = arith.constant 0 : index
    %get3A_279 = arith.constant 0 : index
    %get3A_280 = vector.load %arg4[%get3A_276, %get3A_277, %get3A_278, %get3A_279] : memref<3x3x512x512xbf16, #tpu.memory_space<vmem>>, vector<1x1x512x512xbf16>
    %get3A_281 = vector.shape_cast %get3A_280 : vector<1x1x512x512xbf16> to vector<512x512xbf16>
    %dot_general3A_282 = arith.constant dense<0.000000e+00> : vector<800x512xf32>
    %dot_general3A_283 = tpu.matmul %slice3A_275, %get3A_281, %dot_general3A_282 {dimension_numbers = #tpu.dot_dimension_numbers<[1], [0], [0], [1], [0, 0, 1, 1], [], []>, transpose_lhs_hint = false} : vector<800x512xbf16>, vector<512x512xbf16>, vector<800x512xf32> -> vector<800x512xf32>
    %add3A_284 = vector.broadcast %get3A_265 : vector<1x512xf32> to vector<800x512xf32>
    %add3A_285 = arith.addf %add3A_284, %dot_general3A_283 : vector<800x512xf32>
    %slice3A_286 = vector.extract_strided_slice %convert_element_type3A_274 {offsets = [9, 0], sizes = [800, 512], strides = [1, 1]} : vector<818x512xbf16> to vector<800x512xbf16>
    %get3A_287 = arith.constant 0 : index
    %get3A_288 = arith.constant 1 : index
    %get3A_289 = arith.constant 0 : index
    %get3A_290 = arith.constant 0 : index
    %get3A_291 = vector.load %arg4[%get3A_287, %get3A_288, %get3A_289, %get3A_290] : memref<3x3x512x512xbf16, #tpu.memory_space<vmem>>, vector<1x1x512x512xbf16>
    %get3A_292 = vector.shape_cast %get3A_291 : vector<1x1x512x512xbf16> to vector<512x512xbf16>
    %dot_general3A_293 = arith.constant dense<0.000000e+00> : vector<800x512xf32>
    %dot_general3A_294 = tpu.matmul %slice3A_286, %get3A_292, %dot_general3A_293 {dimension_numbers = #tpu.dot_dimension_numbers<[1], [0], [0], [1], [0, 0, 1, 1], [], []>, transpose_lhs_hint = false} : vector<800x512xbf16>, vector<512x512xbf16>, vector<800x512xf32> -> vector<800x512xf32>
    %add3A_295 = arith.addf %add3A_285, %dot_general3A_294 : vector<800x512xf32>
    %slice3A_296 = vector.extract_strided_slice %convert_element_type3A_274 {offsets = [10, 0], sizes = [800, 512], strides = [1, 1]} : vector<818x512xbf16> to vector<800x512xbf16>
    %get3A_297 = arith.constant 0 : index
    %get3A_298 = arith.constant 2 : index
    %get3A_299 = arith.constant 0 : index
    %get3A_300 = arith.constant 0 : index
    %get3A_301 = vector.load %arg4[%get3A_297, %get3A_298, %get3A_299, %get3A_300] : memref<3x3x512x512xbf16, #tpu.memory_space<vmem>>, vector<1x1x512x512xbf16>
    %get3A_302 = vector.shape_cast %get3A_301 : vector<1x1x512x512xbf16> to vector<512x512xbf16>
    %dot_general3A_303 = arith.constant dense<0.000000e+00> : vector<800x512xf32>
    %dot_general3A_304 = tpu.matmul %slice3A_296, %get3A_302, %dot_general3A_303 {dimension_numbers = #tpu.dot_dimension_numbers<[1], [0], [0], [1], [0, 0, 1, 1], [], []>, transpose_lhs_hint = false} : vector<800x512xbf16>, vector<512x512xbf16>, vector<800x512xf32> -> vector<800x512xf32>
    %add3A_305 = arith.addf %add3A_295, %dot_general3A_304 : vector<800x512xf32>
    %max3A_306 = arith.constant 0.000000e+00 : f32
    %max3A_307 = vector.broadcast %max3A_306 : f32 to vector<800x512xf32>
    %max3A_308 = arith.maximumf %add3A_305, %max3A_307 : vector<800x512xf32>
    %convert_element_type3A_309 = arith.truncf %max3A_308 : vector<800x512xf32> to vector<800x512xbf16>
    %get3A_310 = arith.constant 9 : index
    %get3A_311 = arith.constant 0 : index
    %get3A_312 = vector.load %arg12[%get3A_310, %get3A_311] : memref<818x512xf32, #tpu.memory_space<vmem>>, vector<800x512xf32>
    %add3A_313 = vector.broadcast %get3A_268 : vector<1x512xf32> to vector<800x512xf32>
    %add3A_314 = arith.addf %get3A_312, %add3A_313 : vector<800x512xf32>
    %get3A_315 = arith.constant 0 : index
    %get3A_316 = arith.constant 0 : index
    %get3A_317 = arith.constant 0 : index
    %get3A_318 = vector.load %arg6[%get3A_315, %get3A_316, %get3A_317] : memref<3x512x512xbf16, #tpu.memory_space<vmem>>, vector<1x512x512xbf16>
    %get3A_319 = vector.shape_cast %get3A_318 : vector<1x512x512xbf16> to vector<512x512xbf16>
    %dot_general3A_320 = arith.constant dense<0.000000e+00> : vector<800x512xf32>
    %dot_general3A_321 = tpu.matmul %convert_element_type3A_309, %get3A_319, %dot_general3A_320 {dimension_numbers = #tpu.dot_dimension_numbers<[1], [0], [0], [1], [0, 0, 1, 1], [], []>, transpose_lhs_hint = false} : vector<800x512xbf16>, vector<512x512xbf16>, vector<800x512xf32> -> vector<800x512xf32>
    %add3A_322 = arith.addf %add3A_314, %dot_general3A_321 : vector<800x512xf32>
    %jit3A = arith.constant 0.000000e+00 : f32
    %broadcast_in_dim3A_323 = vector.shape_cast %lt3A_262 : vector<800x1xi1> to vector<800x1xi1>
    %broadcast_in_dim3A_324 = vector.broadcast %broadcast_in_dim3A_323 : vector<800x1xi1> to vector<800x512xi1>
    %broadcast_in_dim3A_325 = vector.broadcast %jit3A : f32 to vector<800x512xf32>
    %select_n3A = arith.select %broadcast_in_dim3A_324, %add3A_322, %broadcast_in_dim3A_325 : vector<800x512xi1>, vector<800x512xf32>
    %swap3A_326 = arith.constant 9 : index
    %swap3A_327 = arith.constant 0 : index
    %swap3A_328 = vector.load %arg12[%swap3A_326, %swap3A_327] : memref<818x512xf32, #tpu.memory_space<vmem>>, vector<800x512xf32>
    tpu.vector_store %arg12[%swap3A_326, %swap3A_327], %select_n3A {strides = array<i32>} : memref<818x512xf32, #tpu.memory_space<vmem>>, vector<800x512xf32>,
    %get3A_329 = arith.constant 1 : index
    %get3A_330 = arith.constant 0 : index
    %get3A_331 = vector.load %arg5[%get3A_329, %get3A_330] : memref<3x512xf32, #tpu.memory_space<vmem>>, vector<1x512xf32>
    %get3A_332 = arith.constant 1 : index
    %get3A_333 = arith.constant 0 : index
    %get3A_334 = vector.load %arg7[%get3A_332, %get3A_333] : memref<3x512xf32, #tpu.memory_space<vmem>>, vector<1x512xf32>
    %get3A_335 = arith.constant 0 : index
    %get3A_336 = arith.constant 0 : index
    %get3A_337 = vector.load %arg12[%get3A_335, %get3A_336] : memref<818x512xf32, #tpu.memory_space<vmem>>, vector<818x512xf32>
    %max3A_338 = arith.constant 0.000000e+00 : f32
    %max3A_339 = vector.broadcast %max3A_338 : f32 to vector<818x512xf32>
    %max3A_340 = arith.maximumf %get3A_337, %max3A_339 : vector<818x512xf32>
    %convert_element_type3A_341 = arith.truncf %max3A_340 : vector<818x512xf32> to vector<818x512xbf16>
    %slice3A_342 = vector.extract_strided_slice %convert_element_type3A_341 {offsets = [6, 0], sizes = [800, 512], strides = [1, 1]} : vector<818x512xbf16> to vector<800x512xbf16>
    %get3A_343 = arith.constant 1 : index
    %get3A_344 = arith.constant 0 : index
    %get3A_345 = arith.constant 0 : index
    %get3A_346 = arith.constant 0 : index
    %get3A_347 = vector.load %arg4[%get3A_343, %get3A_344, %get3A_345, %get3A_346] : memref<3x3x512x512xbf16, #tpu.memory_space<vmem>>, vector<1x1x512x512xbf16>
    %get3A_348 = vector.shape_cast %get3A_347 : vector<1x1x512x512xbf16> to vector<512x512xbf16>
    %dot_general3A_349 = arith.constant dense<0.000000e+00> : vector<800x512xf32>
    %dot_general3A_350 = tpu.matmul %slice3A_342, %get3A_348, %dot_general3A_349 {dimension_numbers = #tpu.dot_dimension_numbers<[1], [0], [0], [1], [0, 0, 1, 1], [], []>, transpose_lhs_hint = false} : vector<800x512xbf16>, vector<512x512xbf16>, vector<800x512xf32> -> vector<800x512xf32>
    %add3A_351 = vector.broadcast %get3A_331 : vector<1x512xf32> to vector<800x512xf32>
    %add3A_352 = arith.addf %add3A_351, %dot_general3A_350 : vector<800x512xf32>
    %slice3A_353 = vector.extract_strided_slice %convert_element_type3A_341 {offsets = [9, 0], sizes = [800, 512], strides = [1, 1]} : vector<818x512xbf16> to vector<800x512xbf16>
    %get3A_354 = arith.constant 1 : index
    %get3A_355 = arith.constant 1 : index
    %get3A_356 = arith.constant 0 : index
    %get3A_357 = arith.constant 0 : index
    %get3A_358 = vector.load %arg4[%get3A_354, %get3A_355, %get3A_356, %get3A_357] : memref<3x3x512x512xbf16, #tpu.memory_space<vmem>>, vector<1x1x512x512xbf16>
    %get3A_359 = vector.shape_cast %get3A_358 : vector<1x1x512x512xbf16> to vector<512x512xbf16>
    %dot_general3A_360 = arith.constant dense<0.000000e+00> : vector<800x512xf32>
    %dot_general3A_361 = tpu.matmul %slice3A_353, %get3A_359, %dot_general3A_360 {dimension_numbers = #tpu.dot_dimension_numbers<[1], [0], [0], [1], [0, 0, 1, 1], [], []>, transpose_lhs_hint = false} : vector<800x512xbf16>, vector<512x512xbf16>, vector<800x512xf32> -> vector<800x512xf32>
    %add3A_362 = arith.addf %add3A_352, %dot_general3A_361 : vector<800x512xf32>
    %slice3A_363 = vector.extract_strided_slice %convert_element_type3A_341 {offsets = [12, 0], sizes = [800, 512], strides = [1, 1]} : vector<818x512xbf16> to vector<800x512xbf16>
    %get3A_364 = arith.constant 1 : index
    %get3A_365 = arith.constant 2 : index
    %get3A_366 = arith.constant 0 : index
    %get3A_367 = arith.constant 0 : index
    %get3A_368 = vector.load %arg4[%get3A_364, %get3A_365, %get3A_366, %get3A_367] : memref<3x3x512x512xbf16, #tpu.memory_space<vmem>>, vector<1x1x512x512xbf16>
    %get3A_369 = vector.shape_cast %get3A_368 : vector<1x1x512x512xbf16> to vector<512x512xbf16>
    %dot_general3A_370 = arith.constant dense<0.000000e+00> : vector<800x512xf32>
    %dot_general3A_371 = tpu.matmul %slice3A_363, %get3A_369, %dot_general3A_370 {dimension_numbers = #tpu.dot_dimension_numbers<[1], [0], [0], [1], [0, 0, 1, 1], [], []>, transpose_lhs_hint = false} : vector<800x512xbf16>, vector<512x512xbf16>, vector<800x512xf32> -> vector<800x512xf32>
    %add3A_372 = arith.addf %add3A_362, %dot_general3A_371 : vector<800x512xf32>
    %max3A_373 = arith.constant 0.000000e+00 : f32
    %max3A_374 = vector.broadcast %max3A_373 : f32 to vector<800x512xf32>
    %max3A_375 = arith.maximumf %add3A_372, %max3A_374 : vector<800x512xf32>
    %convert_element_type3A_376 = arith.truncf %max3A_375 : vector<800x512xf32> to vector<800x512xbf16>
    %get3A_377 = arith.constant 9 : index
    %get3A_378 = arith.constant 0 : index
    %get3A_379 = vector.load %arg12[%get3A_377, %get3A_378] : memref<818x512xf32, #tpu.memory_space<vmem>>, vector<800x512xf32>
    %add3A_380 = vector.broadcast %get3A_334 : vector<1x512xf32> to vector<800x512xf32>
    %add3A_381 = arith.addf %get3A_379, %add3A_380 : vector<800x512xf32>
    %get3A_382 = arith.constant 1 : index
    %get3A_383 = arith.constant 0 : index
    %get3A_384 = arith.constant 0 : index
    %get3A_385 = vector.load %arg6[%get3A_382, %get3A_383, %get3A_384] : memref<3x512x512xbf16, #tpu.memory_space<vmem>>, vector<1x512x512xbf16>
    %get3A_386 = vector.shape_cast %get3A_385 : vector<1x512x512xbf16> to vector<512x512xbf16>
    %dot_general3A_387 = arith.constant dense<0.000000e+00> : vector<800x512xf32>
    %dot_general3A_388 = tpu.matmul %convert_element_type3A_376, %get3A_386, %dot_general3A_387 {dimension_numbers = #tpu.dot_dimension_numbers<[1], [0], [0], [1], [0, 0, 1, 1], [], []>, transpose_lhs_hint = false} : vector<800x512xbf16>, vector<512x512xbf16>, vector<800x512xf32> -> vector<800x512xf32>
    %add3A_389 = arith.addf %add3A_381, %dot_general3A_388 : vector<800x512xf32>
    %jit3A_390 = arith.constant 0.000000e+00 : f32
    %broadcast_in_dim3A_391 = vector.shape_cast %lt3A_262 : vector<800x1xi1> to vector<800x1xi1>
    %broadcast_in_dim3A_392 = vector.broadcast %broadcast_in_dim3A_391 : vector<800x1xi1> to vector<800x512xi1>
    %broadcast_in_dim3A_393 = vector.broadcast %jit3A_390 : f32 to vector<800x512xf32>
    %select_n3A_394 = arith.select %broadcast_in_dim3A_392, %add3A_389, %broadcast_in_dim3A_393 : vector<800x512xi1>, vector<800x512xf32>
    %swap3A_395 = arith.constant 9 : index
    %swap3A_396 = arith.constant 0 : index
    %swap3A_397 = vector.load %arg12[%swap3A_395, %swap3A_396] : memref<818x512xf32, #tpu.memory_space<vmem>>, vector<800x512xf32>
    tpu.vector_store %arg12[%swap3A_395, %swap3A_396], %select_n3A_394 {strides = array<i32>} : memref<818x512xf32, #tpu.memory_space<vmem>>, vector<800x512xf32>,
    %get3A_398 = arith.constant 2 : index
    %get3A_399 = arith.constant 0 : index
    %get3A_400 = vector.load %arg5[%get3A_398, %get3A_399] : memref<3x512xf32, #tpu.memory_space<vmem>>, vector<1x512xf32>
    %get3A_401 = arith.constant 2 : index
    %get3A_402 = arith.constant 0 : index
    %get3A_403 = vector.load %arg7[%get3A_401, %get3A_402] : memref<3x512xf32, #tpu.memory_space<vmem>>, vector<1x512xf32>
    %get3A_404 = arith.constant 0 : index
    %get3A_405 = arith.constant 0 : index
    %get3A_406 = vector.load %arg12[%get3A_404, %get3A_405] : memref<818x512xf32, #tpu.memory_space<vmem>>, vector<818x512xf32>
    %max3A_407 = arith.constant 0.000000e+00 : f32
    %max3A_408 = vector.broadcast %max3A_407 : f32 to vector<818x512xf32>
    %max3A_409 = arith.maximumf %get3A_406, %max3A_408 : vector<818x512xf32>
    %convert_element_type3A_410 = arith.truncf %max3A_409 : vector<818x512xf32> to vector<818x512xbf16>
    %slice3A_411 = vector.extract_strided_slice %convert_element_type3A_410 {offsets = [0, 0], sizes = [800, 512], strides = [1, 1]} : vector<818x512xbf16> to vector<800x512xbf16>
    %get3A_412 = arith.constant 2 : index
    %get3A_413 = arith.constant 0 : index
    %get3A_414 = arith.constant 0 : index
    %get3A_415 = arith.constant 0 : index
    %get3A_416 = vector.load %arg4[%get3A_412, %get3A_413, %get3A_414, %get3A_415] : memref<3x3x512x512xbf16, #tpu.memory_space<vmem>>, vector<1x1x512x512xbf16>
    %get3A_417 = vector.shape_cast %get3A_416 : vector<1x1x512x512xbf16> to vector<512x512xbf16>
    %dot_general3A_418 = arith.constant dense<0.000000e+00> : vector<800x512xf32>
    %dot_general3A_419 = tpu.matmul %slice3A_411, %get3A_417, %dot_general3A_418 {dimension_numbers = #tpu.dot_dimension_numbers<[1], [0], [0], [1], [0, 0, 1, 1], [], []>, transpose_lhs_hint = false} : vector<800x512xbf16>, vector<512x512xbf16>, vector<800x512xf32> -> vector<800x512xf32>
    %add3A_420 = vector.broadcast %get3A_400 : vector<1x512xf32> to vector<800x512xf32>
    %add3A_421 = arith.addf %add3A_420, %dot_general3A_419 : vector<800x512xf32>
    %slice3A_422 = vector.extract_strided_slice %convert_element_type3A_410 {offsets = [9, 0], sizes = [800, 512], strides = [1, 1]} : vector<818x512xbf16> to vector<800x512xbf16>
    %get3A_423 = arith.constant 2 : index
    %get3A_424 = arith.constant 1 : index
    %get3A_425 = arith.constant 0 : index
    %get3A_426 = arith.constant 0 : index
    %get3A_427 = vector.load %arg4[%get3A_423, %get3A_424, %get3A_425, %get3A_426] : memref<3x3x512x512xbf16, #tpu.memory_space<vmem>>, vector<1x1x512x512xbf16>
    %get3A_428 = vector.shape_cast %get3A_427 : vector<1x1x512x512xbf16> to vector<512x512xbf16>
    %dot_general3A_429 = arith.constant dense<0.000000e+00> : vector<800x512xf32>
    %dot_general3A_430 = tpu.matmul %slice3A_422, %get3A_428, %dot_general3A_429 {dimension_numbers = #tpu.dot_dimension_numbers<[1], [0], [0], [1], [0, 0, 1, 1], [], []>, transpose_lhs_hint = false} : vector<800x512xbf16>, vector<512x512xbf16>, vector<800x512xf32> -> vector<800x512xf32>
    %add3A_431 = arith.addf %add3A_421, %dot_general3A_430 : vector<800x512xf32>
    %slice3A_432 = vector.extract_strided_slice %convert_element_type3A_410 {offsets = [18, 0], sizes = [800, 512], strides = [1, 1]} : vector<818x512xbf16> to vector<800x512xbf16>
    %get3A_433 = arith.constant 2 : index
    %get3A_434 = arith.constant 2 : index
    %get3A_435 = arith.constant 0 : index
    %get3A_436 = arith.constant 0 : index
    %get3A_437 = vector.load %arg4[%get3A_433, %get3A_434, %get3A_435, %get3A_436] : memref<3x3x512x512xbf16, #tpu.memory_space<vmem>>, vector<1x1x512x512xbf16>
    %get3A_438 = vector.shape_cast %get3A_437 : vector<1x1x512x512xbf16> to vector<512x512xbf16>
    %dot_general3A_439 = arith.constant dense<0.000000e+00> : vector<800x512xf32>
    %dot_general3A_440 = tpu.matmul %slice3A_432, %get3A_438, %dot_general3A_439 {dimension_numbers = #tpu.dot_dimension_numbers<[1], [0], [0], [1], [0, 0, 1, 1], [], []>, transpose_lhs_hint = false} : vector<800x512xbf16>, vector<512x512xbf16>, vector<800x512xf32> -> vector<800x512xf32>
    %add3A_441 = arith.addf %add3A_431, %dot_general3A_440 : vector<800x512xf32>
    %max3A_442 = arith.constant 0.000000e+00 : f32
    %max3A_443 = vector.broadcast %max3A_442 : f32 to vector<800x512xf32>
    %max3A_444 = arith.maximumf %add3A_441, %max3A_443 : vector<800x512xf32>
    %convert_element_type3A_445 = arith.truncf %max3A_444 : vector<800x512xf32> to vector<800x512xbf16>
    %get3A_446 = arith.constant 9 : index
    %get3A_447 = arith.constant 0 : index
    %get3A_448 = vector.load %arg12[%get3A_446, %get3A_447] : memref<818x512xf32, #tpu.memory_space<vmem>>, vector<800x512xf32>
    %add3A_449 = vector.broadcast %get3A_403 : vector<1x512xf32> to vector<800x512xf32>
    %add3A_450 = arith.addf %get3A_448, %add3A_449 : vector<800x512xf32>
    %get3A_451 = arith.constant 2 : index
    %get3A_452 = arith.constant 0 : index
    %get3A_453 = arith.constant 0 : index
    %get3A_454 = vector.load %arg6[%get3A_451, %get3A_452, %get3A_453] : memref<3x512x512xbf16, #tpu.memory_space<vmem>>, vector<1x512x512xbf16>
    %get3A_455 = vector.shape_cast %get3A_454 : vector<1x512x512xbf16> to vector<512x512xbf16>
    %dot_general3A_456 = arith.constant dense<0.000000e+00> : vector<800x512xf32>
    %dot_general3A_457 = tpu.matmul %convert_element_type3A_445, %get3A_455, %dot_general3A_456 {dimension_numbers = #tpu.dot_dimension_numbers<[1], [0], [0], [1], [0, 0, 1, 1], [], []>, transpose_lhs_hint = false} : vector<800x512xbf16>, vector<512x512xbf16>, vector<800x512xf32> -> vector<800x512xf32>
    %add3A_458 = arith.addf %add3A_450, %dot_general3A_457 : vector<800x512xf32>
    %jit3A_459 = arith.constant 0.000000e+00 : f32
    %broadcast_in_dim3A_460 = vector.shape_cast %lt3A_262 : vector<800x1xi1> to vector<800x1xi1>
    %broadcast_in_dim3A_461 = vector.broadcast %broadcast_in_dim3A_460 : vector<800x1xi1> to vector<800x512xi1>
    %broadcast_in_dim3A_462 = vector.broadcast %jit3A_459 : f32 to vector<800x512xf32>
    %select_n3A_463 = arith.select %broadcast_in_dim3A_461, %add3A_458, %broadcast_in_dim3A_462 : vector<800x512xi1>, vector<800x512xf32>
    %swap3A_464 = arith.constant 9 : index
    %swap3A_465 = arith.constant 0 : index
    %swap3A_466 = vector.load %arg12[%swap3A_464, %swap3A_465] : memref<818x512xf32, #tpu.memory_space<vmem>>, vector<800x512xf32>
    tpu.vector_store %arg12[%swap3A_464, %swap3A_465], %select_n3A_463 {strides = array<i32>} : memref<818x512xf32, #tpu.memory_space<vmem>>, vector<800x512xf32>,
    %get3A_467 = arith.constant 0 : index
    %get3A_468 = arith.constant 0 : index
    %get3A_469 = vector.load %arg12[%get3A_467, %get3A_468] : memref<818x512xf32, #tpu.memory_space<vmem>>, vector<818x512xf32>
    %convert_element_type3A_470 = arith.truncf %get3A_469 : vector<818x512xf32> to vector<818x512xbf16>
    %get3A_471 = arith.constant 0 : index
    %get3A_472 = arith.constant 0 : index
    %get3A_473 = vector.load %arg9[%get3A_471, %get3A_472] : memref<1x512xf32, #tpu.memory_space<vmem>>, vector<1x512xf32>
    %slice3A_474 = vector.extract_strided_slice %convert_element_type3A_470 {offsets = [8, 0], sizes = [800, 512], strides = [1, 1]} : vector<818x512xbf16> to vector<800x512xbf16>
    %get3A_475 = arith.constant 0 : index
    %get3A_476 = arith.constant 0 : index
    %get3A_477 = arith.constant 0 : index
    %get3A_478 = vector.load %arg8[%get3A_475, %get3A_476, %get3A_477] : memref<3x512x512xbf16, #tpu.memory_space<vmem>>, vector<1x512x512xbf16>
    %get3A_479 = vector.shape_cast %get3A_478 : vector<1x512x512xbf16> to vector<512x512xbf16>
    %dot_general3A_480 = arith.constant dense<0.000000e+00> : vector<800x512xf32>
    %dot_general3A_481 = tpu.matmul %slice3A_474, %get3A_479, %dot_general3A_480 {dimension_numbers = #tpu.dot_dimension_numbers<[1], [0], [0], [1], [0, 0, 1, 1], [], []>, transpose_lhs_hint = false} : vector<800x512xbf16>, vector<512x512xbf16>, vector<800x512xf32> -> vector<800x512xf32>
    %add3A_482 = vector.broadcast %get3A_473 : vector<1x512xf32> to vector<800x512xf32>
    %add3A_483 = arith.addf %add3A_482, %dot_general3A_481 : vector<800x512xf32>
    %slice3A_484 = vector.extract_strided_slice %convert_element_type3A_470 {offsets = [9, 0], sizes = [800, 512], strides = [1, 1]} : vector<818x512xbf16> to vector<800x512xbf16>
    %get3A_485 = arith.constant 1 : index
    %get3A_486 = arith.constant 0 : index
    %get3A_487 = arith.constant 0 : index
    %get3A_488 = vector.load %arg8[%get3A_485, %get3A_486, %get3A_487] : memref<3x512x512xbf16, #tpu.memory_space<vmem>>, vector<1x512x512xbf16>
    %get3A_489 = vector.shape_cast %get3A_488 : vector<1x512x512xbf16> to vector<512x512xbf16>
    %dot_general3A_490 = arith.constant dense<0.000000e+00> : vector<800x512xf32>
    %dot_general3A_491 = tpu.matmul %slice3A_484, %get3A_489, %dot_general3A_490 {dimension_numbers = #tpu.dot_dimension_numbers<[1], [0], [0], [1], [0, 0, 1, 1], [], []>, transpose_lhs_hint = false} : vector<800x512xbf16>, vector<512x512xbf16>, vector<800x512xf32> -> vector<800x512xf32>
    %add3A_492 = arith.addf %add3A_483, %dot_general3A_491 : vector<800x512xf32>
    %slice3A_493 = vector.extract_strided_slice %convert_element_type3A_470 {offsets = [10, 0], sizes = [800, 512], strides = [1, 1]} : vector<818x512xbf16> to vector<800x512xbf16>
    %get3A_494 = arith.constant 2 : index
    %get3A_495 = arith.constant 0 : index
    %get3A_496 = arith.constant 0 : index
    %get3A_497 = vector.load %arg8[%get3A_494, %get3A_495, %get3A_496] : memref<3x512x512xbf16, #tpu.memory_space<vmem>>, vector<1x512x512xbf16>
    %get3A_498 = vector.shape_cast %get3A_497 : vector<1x512x512xbf16> to vector<512x512xbf16>
    %dot_general3A_499 = arith.constant dense<0.000000e+00> : vector<800x512xf32>
    %dot_general3A_500 = tpu.matmul %slice3A_493, %get3A_498, %dot_general3A_499 {dimension_numbers = #tpu.dot_dimension_numbers<[1], [0], [0], [1], [0, 0, 1, 1], [], []>, transpose_lhs_hint = false} : vector<800x512xbf16>, vector<512x512xbf16>, vector<800x512xf32> -> vector<800x512xf32>
    %add3A_501 = arith.addf %add3A_492, %dot_general3A_500 : vector<800x512xf32>
    %slice3A_502 = vector.extract_strided_slice %add3A_501 {offsets = [0, 0], sizes = [32, 512], strides = [1, 1]} : vector<800x512xf32> to vector<32x512xf32>
    %swap3A_503 = arith.constant 0 : index
    %swap3A_504 = arith.constant 0 : index
    %swap3A_505 = arith.constant 0 : index
    %swap3A_506 = vector.load %arg10[%swap3A_503, %swap3A_504, %swap3A_505] : memref<16x32x512xf32, #tpu.memory_space<vmem>>, vector<1x32x512xf32>
    %swap3A_507 = vector.shape_cast %swap3A_506 : vector<1x32x512xf32> to vector<32x512xf32>
    %swap3A_508 = vector.shape_cast %slice3A_502 : vector<32x512xf32> to vector<1x32x512xf32>
    tpu.vector_store %arg10[%swap3A_503, %swap3A_504, %swap3A_505], %swap3A_508 {strides = array<i32>} : memref<16x32x512xf32, #tpu.memory_space<vmem>>, vector<1x32x512xf32>,
    %slice3A_509 = vector.extract_strided_slice %add3A_501 {offsets = [50, 0], sizes = [32, 512], strides = [1, 1]} : vector<800x512xf32> to vector<32x512xf32>
    %swap3A_510 = arith.constant 1 : index
    %swap3A_511 = arith.constant 0 : index
    %swap3A_512 = arith.constant 0 : index
    %swap3A_513 = vector.load %arg10[%swap3A_510, %swap3A_511, %swap3A_512] : memref<16x32x512xf32, #tpu.memory_space<vmem>>, vector<1x32x512xf32>
    %swap3A_514 = vector.shape_cast %swap3A_513 : vector<1x32x512xf32> to vector<32x512xf32>
    %swap3A_515 = vector.shape_cast %slice3A_509 : vector<32x512xf32> to vector<1x32x512xf32>
    tpu.vector_store %arg10[%swap3A_510, %swap3A_511, %swap3A_512], %swap3A_515 {strides = array<i32>} : memref<16x32x512xf32, #tpu.memory_space<vmem>>, vector<1x32x512xf32>,
    %slice3A_516 = vector.extract_strided_slice %add3A_501 {offsets = [100, 0], sizes = [32, 512], strides = [1, 1]} : vector<800x512xf32> to vector<32x512xf32>
    %swap3A_517 = arith.constant 2 : index
    %swap3A_518 = arith.constant 0 : index
    %swap3A_519 = arith.constant 0 : index
    %swap3A_520 = vector.load %arg10[%swap3A_517, %swap3A_518, %swap3A_519] : memref<16x32x512xf32, #tpu.memory_space<vmem>>, vector<1x32x512xf32>
    %swap3A_521 = vector.shape_cast %swap3A_520 : vector<1x32x512xf32> to vector<32x512xf32>
    %swap3A_522 = vector.shape_cast %slice3A_516 : vector<32x512xf32> to vector<1x32x512xf32>
    tpu.vector_store %arg10[%swap3A_517, %swap3A_518, %swap3A_519], %swap3A_522 {strides = array<i32>} : memref<16x32x512xf32, #tpu.memory_space<vmem>>, vector<1x32x512xf32>,
    %slice3A_523 = vector.extract_strided_slice %add3A_501 {offsets = [150, 0], sizes = [32, 512], strides = [1, 1]} : vector<800x512xf32> to vector<32x512xf32>
    %swap3A_524 = arith.constant 3 : index
    %swap3A_525 = arith.constant 0 : index
    %swap3A_526 = arith.constant 0 : index
    %swap3A_527 = vector.load %arg10[%swap3A_524, %swap3A_525, %swap3A_526] : memref<16x32x512xf32, #tpu.memory_space<vmem>>, vector<1x32x512xf32>
    %swap3A_528 = vector.shape_cast %swap3A_527 : vector<1x32x512xf32> to vector<32x512xf32>
    %swap3A_529 = vector.shape_cast %slice3A_523 : vector<32x512xf32> to vector<1x32x512xf32>
    tpu.vector_store %arg10[%swap3A_524, %swap3A_525, %swap3A_526], %swap3A_529 {strides = array<i32>} : memref<16x32x512xf32, #tpu.memory_space<vmem>>, vector<1x32x512xf32>,
    %slice3A_530 = vector.extract_strided_slice %add3A_501 {offsets = [200, 0], sizes = [32, 512], strides = [1, 1]} : vector<800x512xf32> to vector<32x512xf32>
    %swap3A_531 = arith.constant 4 : index
    %swap3A_532 = arith.constant 0 : index
    %swap3A_533 = arith.constant 0 : index
    %swap3A_534 = vector.load %arg10[%swap3A_531, %swap3A_532, %swap3A_533] : memref<16x32x512xf32, #tpu.memory_space<vmem>>, vector<1x32x512xf32>
    %swap3A_535 = vector.shape_cast %swap3A_534 : vector<1x32x512xf32> to vector<32x512xf32>
    %swap3A_536 = vector.shape_cast %slice3A_530 : vector<32x512xf32> to vector<1x32x512xf32>
    tpu.vector_store %arg10[%swap3A_531, %swap3A_532, %swap3A_533], %swap3A_536 {strides = array<i32>} : memref<16x32x512xf32, #tpu.memory_space<vmem>>, vector<1x32x512xf32>,
    %slice3A_537 = vector.extract_strided_slice %add3A_501 {offsets = [250, 0], sizes = [32, 512], strides = [1, 1]} : vector<800x512xf32> to vector<32x512xf32>
    %swap3A_538 = arith.constant 5 : index
    %swap3A_539 = arith.constant 0 : index
    %swap3A_540 = arith.constant 0 : index
    %swap3A_541 = vector.load %arg10[%swap3A_538, %swap3A_539, %swap3A_540] : memref<16x32x512xf32, #tpu.memory_space<vmem>>, vector<1x32x512xf32>
    %swap3A_542 = vector.shape_cast %swap3A_541 : vector<1x32x512xf32> to vector<32x512xf32>
    %swap3A_543 = vector.shape_cast %slice3A_537 : vector<32x512xf32> to vector<1x32x512xf32>
    tpu.vector_store %arg10[%swap3A_538, %swap3A_539, %swap3A_540], %swap3A_543 {strides = array<i32>} : memref<16x32x512xf32, #tpu.memory_space<vmem>>, vector<1x32x512xf32>,
    %slice3A_544 = vector.extract_strided_slice %add3A_501 {offsets = [300, 0], sizes = [32, 512], strides = [1, 1]} : vector<800x512xf32> to vector<32x512xf32>
    %swap3A_545 = arith.constant 6 : index
    %swap3A_546 = arith.constant 0 : index
    %swap3A_547 = arith.constant 0 : index
    %swap3A_548 = vector.load %arg10[%swap3A_545, %swap3A_546, %swap3A_547] : memref<16x32x512xf32, #tpu.memory_space<vmem>>, vector<1x32x512xf32>
    %swap3A_549 = vector.shape_cast %swap3A_548 : vector<1x32x512xf32> to vector<32x512xf32>
    %swap3A_550 = vector.shape_cast %slice3A_544 : vector<32x512xf32> to vector<1x32x512xf32>
    tpu.vector_store %arg10[%swap3A_545, %swap3A_546, %swap3A_547], %swap3A_550 {strides = array<i32>} : memref<16x32x512xf32, #tpu.memory_space<vmem>>, vector<1x32x512xf32>,
    %slice3A_551 = vector.extract_strided_slice %add3A_501 {offsets = [350, 0], sizes = [32, 512], strides = [1, 1]} : vector<800x512xf32> to vector<32x512xf32>
    %swap3A_552 = arith.constant 7 : index
    %swap3A_553 = arith.constant 0 : index
    %swap3A_554 = arith.constant 0 : index
    %swap3A_555 = vector.load %arg10[%swap3A_552, %swap3A_553, %swap3A_554] : memref<16x32x512xf32, #tpu.memory_space<vmem>>, vector<1x32x512xf32>
    %swap3A_556 = vector.shape_cast %swap3A_555 : vector<1x32x512xf32> to vector<32x512xf32>
    %swap3A_557 = vector.shape_cast %slice3A_551 : vector<32x512xf32> to vector<1x32x512xf32>
    tpu.vector_store %arg10[%swap3A_552, %swap3A_553, %swap3A_554], %swap3A_557 {strides = array<i32>} : memref<16x32x512xf32, #tpu.memory_space<vmem>>, vector<1x32x512xf32>,
    %slice3A_558 = vector.extract_strided_slice %add3A_501 {offsets = [400, 0], sizes = [32, 512], strides = [1, 1]} : vector<800x512xf32> to vector<32x512xf32>
    %swap3A_559 = arith.constant 8 : index
    %swap3A_560 = arith.constant 0 : index
    %swap3A_561 = arith.constant 0 : index
    %swap3A_562 = vector.load %arg10[%swap3A_559, %swap3A_560, %swap3A_561] : memref<16x32x512xf32, #tpu.memory_space<vmem>>, vector<1x32x512xf32>
    %swap3A_563 = vector.shape_cast %swap3A_562 : vector<1x32x512xf32> to vector<32x512xf32>
    %swap3A_564 = vector.shape_cast %slice3A_558 : vector<32x512xf32> to vector<1x32x512xf32>
    tpu.vector_store %arg10[%swap3A_559, %swap3A_560, %swap3A_561], %swap3A_564 {strides = array<i32>} : memref<16x32x512xf32, #tpu.memory_space<vmem>>, vector<1x32x512xf32>,
    %slice3A_565 = vector.extract_strided_slice %add3A_501 {offsets = [450, 0], sizes = [32, 512], strides = [1, 1]} : vector<800x512xf32> to vector<32x512xf32>
    %swap3A_566 = arith.constant 9 : index
    %swap3A_567 = arith.constant 0 : index
    %swap3A_568 = arith.constant 0 : index
    %swap3A_569 = vector.load %arg10[%swap3A_566, %swap3A_567, %swap3A_568] : memref<16x32x512xf32, #tpu.memory_space<vmem>>, vector<1x32x512xf32>
    %swap3A_570 = vector.shape_cast %swap3A_569 : vector<1x32x512xf32> to vector<32x512xf32>
    %swap3A_571 = vector.shape_cast %slice3A_565 : vector<32x512xf32> to vector<1x32x512xf32>
    tpu.vector_store %arg10[%swap3A_566, %swap3A_567, %swap3A_568], %swap3A_571 {strides = array<i32>} : memref<16x32x512xf32, #tpu.memory_space<vmem>>, vector<1x32x512xf32>,
    %slice3A_572 = vector.extract_strided_slice %add3A_501 {offsets = [500, 0], sizes = [32, 512], strides = [1, 1]} : vector<800x512xf32> to vector<32x512xf32>
    %swap3A_573 = arith.constant 10 : index
    %swap3A_574 = arith.constant 0 : index
    %swap3A_575 = arith.constant 0 : index
    %swap3A_576 = vector.load %arg10[%swap3A_573, %swap3A_574, %swap3A_575] : memref<16x32x512xf32, #tpu.memory_space<vmem>>, vector<1x32x512xf32>
    %swap3A_577 = vector.shape_cast %swap3A_576 : vector<1x32x512xf32> to vector<32x512xf32>
    %swap3A_578 = vector.shape_cast %slice3A_572 : vector<32x512xf32> to vector<1x32x512xf32>
    tpu.vector_store %arg10[%swap3A_573, %swap3A_574, %swap3A_575], %swap3A_578 {strides = array<i32>} : memref<16x32x512xf32, #tpu.memory_space<vmem>>, vector<1x32x512xf32>,
    %slice3A_579 = vector.extract_strided_slice %add3A_501 {offsets = [550, 0], sizes = [32, 512], strides = [1, 1]} : vector<800x512xf32> to vector<32x512xf32>
    %swap3A_580 = arith.constant 11 : index
    %swap3A_581 = arith.constant 0 : index
    %swap3A_582 = arith.constant 0 : index
    %swap3A_583 = vector.load %arg10[%swap3A_580, %swap3A_581, %swap3A_582] : memref<16x32x512xf32, #tpu.memory_space<vmem>>, vector<1x32x512xf32>
    %swap3A_584 = vector.shape_cast %swap3A_583 : vector<1x32x512xf32> to vector<32x512xf32>
    %swap3A_585 = vector.shape_cast %slice3A_579 : vector<32x512xf32> to vector<1x32x512xf32>
    tpu.vector_store %arg10[%swap3A_580, %swap3A_581, %swap3A_582], %swap3A_585 {strides = array<i32>} : memref<16x32x512xf32, #tpu.memory_space<vmem>>, vector<1x32x512xf32>,
    %slice3A_586 = vector.extract_strided_slice %add3A_501 {offsets = [600, 0], sizes = [32, 512], strides = [1, 1]} : vector<800x512xf32> to vector<32x512xf32>
    %swap3A_587 = arith.constant 12 : index
    %swap3A_588 = arith.constant 0 : index
    %swap3A_589 = arith.constant 0 : index
    %swap3A_590 = vector.load %arg10[%swap3A_587, %swap3A_588, %swap3A_589] : memref<16x32x512xf32, #tpu.memory_space<vmem>>, vector<1x32x512xf32>
    %swap3A_591 = vector.shape_cast %swap3A_590 : vector<1x32x512xf32> to vector<32x512xf32>
    %swap3A_592 = vector.shape_cast %slice3A_586 : vector<32x512xf32> to vector<1x32x512xf32>
    tpu.vector_store %arg10[%swap3A_587, %swap3A_588, %swap3A_589], %swap3A_592 {strides = array<i32>} : memref<16x32x512xf32, #tpu.memory_space<vmem>>, vector<1x32x512xf32>,
    %slice3A_593 = vector.extract_strided_slice %add3A_501 {offsets = [650, 0], sizes = [32, 512], strides = [1, 1]} : vector<800x512xf32> to vector<32x512xf32>
    %swap3A_594 = arith.constant 13 : index
    %swap3A_595 = arith.constant 0 : index
    %swap3A_596 = arith.constant 0 : index
    %swap3A_597 = vector.load %arg10[%swap3A_594, %swap3A_595, %swap3A_596] : memref<16x32x512xf32, #tpu.memory_space<vmem>>, vector<1x32x512xf32>
    %swap3A_598 = vector.shape_cast %swap3A_597 : vector<1x32x512xf32> to vector<32x512xf32>
    %swap3A_599 = vector.shape_cast %slice3A_593 : vector<32x512xf32> to vector<1x32x512xf32>
    tpu.vector_store %arg10[%swap3A_594, %swap3A_595, %swap3A_596], %swap3A_599 {strides = array<i32>} : memref<16x32x512xf32, #tpu.memory_space<vmem>>, vector<1x32x512xf32>,
    %slice3A_600 = vector.extract_strided_slice %add3A_501 {offsets = [700, 0], sizes = [32, 512], strides = [1, 1]} : vector<800x512xf32> to vector<32x512xf32>
    %swap3A_601 = arith.constant 14 : index
    %swap3A_602 = arith.constant 0 : index
    %swap3A_603 = arith.constant 0 : index
    %swap3A_604 = vector.load %arg10[%swap3A_601, %swap3A_602, %swap3A_603] : memref<16x32x512xf32, #tpu.memory_space<vmem>>, vector<1x32x512xf32>
    %swap3A_605 = vector.shape_cast %swap3A_604 : vector<1x32x512xf32> to vector<32x512xf32>
    %swap3A_606 = vector.shape_cast %slice3A_600 : vector<32x512xf32> to vector<1x32x512xf32>
    tpu.vector_store %arg10[%swap3A_601, %swap3A_602, %swap3A_603], %swap3A_606 {strides = array<i32>} : memref<16x32x512xf32, #tpu.memory_space<vmem>>, vector<1x32x512xf32>,
    %slice3A_607 = vector.extract_strided_slice %add3A_501 {offsets = [750, 0], sizes = [32, 512], strides = [1, 1]} : vector<800x512xf32> to vector<32x512xf32>
    %swap3A_608 = arith.constant 15 : index
    %swap3A_609 = arith.constant 0 : index
    %swap3A_610 = arith.constant 0 : index
    %swap3A_611 = vector.load %arg10[%swap3A_608, %swap3A_609, %swap3A_610] : memref<16x32x512xf32, #tpu.memory_space<vmem>>, vector<1x32x512xf32>
    %swap3A_612 = vector.shape_cast %swap3A_611 : vector<1x32x512xf32> to vector<32x512xf32>
    %swap3A_613 = vector.shape_cast %slice3A_607 : vector<32x512xf32> to vector<1x32x512xf32>
    tpu.vector_store %arg10[%swap3A_608, %swap3A_609, %swap3A_610], %swap3A_613 {strides = array<i32>} : memref<16x32x512xf32, #tpu.memory_space<vmem>>, vector<1x32x512xf32>,
    return
  }
  func.func @transform_0(%arg0: i32) -> (i32, i32, i32) {
    %c0_i32 = arith.constant 0 : i32
    %c0_i32_0 = arith.constant 0 : i32
    %c0_i32_1 = arith.constant 0 : i32
    return %arg0, %c0_i32, %c0_i32_0 : i32, i32, i32
  }
  func.func @transform_1(%arg0: i32) -> (i32, i32, i32) {
    %c0_i32 = arith.constant 0 : i32
    %c0_i32_0 = arith.constant 0 : i32
    %c0_i32_1 = arith.constant 0 : i32
    %c0_i32_2 = arith.constant 0 : i32
    return %c0_i32, %c0_i32_0, %c0_i32_1 : i32, i32, i32
  }
  func.func @transform_2(%arg0: i32) -> (i32, i32) {
    %c0_i32 = arith.constant 0 : i32
    %c0_i32_0 = arith.constant 0 : i32
    %c0_i32_1 = arith.constant 0 : i32
    return %c0_i32, %c0_i32_0 : i32, i32
  }
  func.func @transform_3(%arg0: i32) -> (i32, i32, i32, i32) {
    %c0_i32 = arith.constant 0 : i32
    %c0_i32_0 = arith.constant 0 : i32
    %c0_i32_1 = arith.constant 0 : i32
    %c0_i32_2 = arith.constant 0 : i32
    %c0_i32_3 = arith.constant 0 : i32
    return %c0_i32, %c0_i32_0, %c0_i32_1, %c0_i32_2 : i32, i32, i32, i32
  }
  func.func @transform_4(%arg0: i32) -> (i32, i32) {
    %c0_i32 = arith.constant 0 : i32
    %c0_i32_0 = arith.constant 0 : i32
    %c0_i32_1 = arith.constant 0 : i32
    return %c0_i32, %c0_i32_0 : i32, i32
  }
  func.func @transform_5(%arg0: i32) -> (i32, i32, i32) {
    %c0_i32 = arith.constant 0 : i32
    %c0_i32_0 = arith.constant 0 : i32
    %c0_i32_1 = arith.constant 0 : i32
    %c0_i32_2 = arith.constant 0 : i32
    return %c0_i32, %c0_i32_0, %c0_i32_1 : i32, i32, i32
  }
  func.func @transform_6(%arg0: i32) -> (i32, i32) {
    %c0_i32 = arith.constant 0 : i32
    %c0_i32_0 = arith.constant 0 : i32
    %c0_i32_1 = arith.constant 0 : i32
    return %c0_i32, %c0_i32_0 : i32, i32
  }
  func.func @transform_7(%arg0: i32) -> (i32, i32, i32) {
    %c0_i32 = arith.constant 0 : i32
    %c0_i32_0 = arith.constant 0 : i32
    %c0_i32_1 = arith.constant 0 : i32
    %c0_i32_2 = arith.constant 0 : i32
    return %c0_i32, %c0_i32_0, %c0_i32_1 : i32, i32, i32
  }
  func.func @transform_8(%arg0: i32) -> (i32, i32) {
    %c0_i32 = arith.constant 0 : i32
    %c0_i32_0 = arith.constant 0 : i32
    %c0_i32_1 = arith.constant 0 : i32
    return %c0_i32, %c0_i32_0 : i32, i32
  }
  func.func @transform_9(%arg0: i32) -> (i32, i32, i32) {
    %c0_i32 = arith.constant 0 : i32
    %c0_i32_0 = arith.constant 0 : i32
    %c0_i32_1 = arith.constant 0 : i32
    return %arg0, %c0_i32, %c0_i32_0 : i32, i32, i32
  }
}

module attributes {stable_mosaic.version = 14 : i64} {
  func.func @body(%arg0: i32, %arg1: memref<1024x1x1x64xf32, #tpu.memory_space<vmem>>, %arg2: memref<1x64x1024xf32, #tpu.memory_space<vmem>>, %arg3: memref<1024x1x1x1xi32, #tpu.memory_space<vmem>>, %arg4: memref<1x1x1xf32, #tpu.memory_space<vmem>>) attributes {dimension_semantics = [#tpu.dimension_semantics<parallel>], iteration_bounds = array<i64: 8>, scalar_prefetch = 0 : i64, scratch_operands = 0 : i64, tpu.core_type = #tpu.core_type<tc>, window_params = [{transform_indices = @transform_0, window_bounds = array<i64: 1024, 1, 1, 64>}, {transform_indices = @transform_1, window_bounds = array<i64: 1, 64, 1024>}, {transform_indices = @transform_2, window_bounds = array<i64: 1024, 1, 1, 1>}, {transform_indices = @transform_3, window_bounds = array<i64: 1, 1, 1>}]} {
    %get3A = arith.constant 0 : index
    %get3A_0 = arith.constant 0 : index
    %get3A_1 = arith.constant 0 : index
    %get3A_2 = arith.constant 0 : index
    %get3A_3 = vector.load %arg1[%get3A, %get3A_0, %get3A_1, %get3A_2] : memref<1024x1x1x64xf32, #tpu.memory_space<vmem>>, vector<1024x1x1x64xf32>
    %get3A_4 = vector.shape_cast %get3A_3 : vector<1024x1x1x64xf32> to vector<1024x64xf32>
    %get3A_5 = arith.constant 0 : index
    %get3A_6 = arith.constant 0 : index
    %get3A_7 = arith.constant 0 : index
    %get3A_8 = vector.load %arg2[%get3A_5, %get3A_6, %get3A_7] : memref<1x64x1024xf32, #tpu.memory_space<vmem>>, vector<1x64x1024xf32>
    %get3A_9 = vector.shape_cast %get3A_8 : vector<1x64x1024xf32> to vector<64x1024xf32>
    %convert_element_type3A = arith.truncf %get3A_4 : vector<1024x64xf32> to vector<1024x64xbf16>
    %convert_element_type3A_10 = arith.truncf %get3A_9 : vector<64x1024xf32> to vector<64x1024xbf16>
    %dot_general3A = arith.constant dense<0.000000e+00> : vector<1024x1024xf32>
    %dot_general3A_11 = tpu.matmul %convert_element_type3A, %convert_element_type3A_10, %dot_general3A {dimension_numbers = #tpu.dot_dimension_numbers<[1], [0], [0], [1], [0, 0, 1, 1], [], []>, transpose_lhs_hint = false} : vector<1024x64xbf16>, vector<64x1024xbf16>, vector<1024x1024xf32> -> vector<1024x1024xf32>
    %mul3A = arith.mulf %get3A_9, %get3A_9 : vector<64x1024xf32>
    %reduce_sum3A = arith.constant dense<0.000000e+00> : vector<1024xf32>
    %reduce_sum3A_12 = vector.multi_reduction <add>, %mul3A, %reduce_sum3A [0] : vector<64x1024xf32> to vector<1024xf32>
    %broadcast_in_dim3A = vector.shape_cast %reduce_sum3A_12 : vector<1024xf32> to vector<1x1024xf32>
    %mul3A_13 = arith.constant 2.000000e+00 : f32
    %mul3A_14 = vector.broadcast %mul3A_13 : f32 to vector<1024x1024xf32>
    %mul3A_15 = arith.mulf %mul3A_14, %dot_general3A_11 : vector<1024x1024xf32>
    %sub3A = vector.broadcast %broadcast_in_dim3A : vector<1x1024xf32> to vector<1024x1024xf32>
    %sub3A_16 = arith.subf %sub3A, %mul3A_15 : vector<1024x1024xf32>
    %reduce_min3A = arith.constant dense<0x7F800000> : vector<1024xf32>
    %reduce_min3A_17 = vector.multi_reduction <minimumf>, %sub3A_16, %reduce_min3A [1] : vector<1024x1024xf32> to vector<1024xf32>
    %broadcast_in_dim3A_18 = vector.shape_cast %reduce_min3A_17 : vector<1024xf32> to vector<1024x1xf32>
    %iota3A = tpu.iota {dimensions = array<i32: 1>} : vector<1024x1024xi32>
    %le3A = vector.broadcast %broadcast_in_dim3A_18 : vector<1024x1xf32> to vector<1024x1024xf32>
    %le3A_19 = arith.cmpf ole, %sub3A_16, %le3A : vector<1024x1024xf32>
    %jit3A = arith.constant 1073741824 : i32
    %broadcast_in_dim3A_20 = vector.broadcast %jit3A : i32 to vector<1024x1024xi32>
    %select_n3A = arith.select %le3A_19, %iota3A, %broadcast_in_dim3A_20 : vector<1024x1024xi1>, vector<1024x1024xi32>
    %reduce_min3A_21 = arith.constant dense<2147483647> : vector<1024xi32>
    %reduce_min3A_22 = vector.multi_reduction <minsi>, %select_n3A, %reduce_min3A_21 [1] : vector<1024x1024xi32> to vector<1024xi32>
    %broadcast_in_dim3A_23 = vector.shape_cast %reduce_min3A_22 : vector<1024xi32> to vector<1024x1xi32>
    %mul3A_24 = arith.constant 1024 : i32
    %mul3A_25 = arith.muli %arg0, %mul3A_24 : i32
    %add3A = vector.broadcast %mul3A_25 : i32 to vector<1024x1xi32>
    %add3A_26 = arith.addi %broadcast_in_dim3A_23, %add3A : vector<1024x1xi32>
    %swap3A = arith.constant 0 : index
    %swap3A_27 = arith.constant 0 : index
    %swap3A_28 = arith.constant 0 : index
    %swap3A_29 = arith.constant 0 : index
    %swap3A_30 = vector.load %arg3[%swap3A, %swap3A_27, %swap3A_28, %swap3A_29] : memref<1024x1x1x1xi32, #tpu.memory_space<vmem>>, vector<1024x1x1x1xi32>
    %swap3A_31 = vector.shape_cast %swap3A_30 : vector<1024x1x1x1xi32> to vector<1024x1xi32>
    %swap3A_32 = vector.shape_cast %add3A_26 : vector<1024x1xi32> to vector<1024x1x1x1xi32>
    tpu.vector_store %arg3[%swap3A, %swap3A_27, %swap3A_28, %swap3A_29], %swap3A_32 {strides = array<i32>} : memref<1024x1x1x1xi32, #tpu.memory_space<vmem>>, vector<1024x1x1x1xi32>,
    %mul3A_33 = arith.mulf %get3A_4, %get3A_4 : vector<1024x64xf32>
    %reduce_sum3A_34 = vector.shape_cast %mul3A_33 : vector<1024x64xf32> to vector<1x1024x64xf32>
    %reduce_sum3A_35 = arith.constant dense<0.000000e+00> : vector<1xf32>
    %reduce_sum3A_36 = vector.multi_reduction <add>, %reduce_sum3A_34, %reduce_sum3A_35 [1, 2] : vector<1x1024x64xf32> to vector<1xf32>
    %reduce_sum3A_37 = vector.shape_cast %reduce_sum3A_36 : vector<1xf32> to vector<1x1x1xf32>
    %reduce_sum3A_38 = vector.extract %reduce_sum3A_37[0, 0, 0] : f32 from vector<1x1x1xf32>
    %reduce_sum3A_39 = vector.shape_cast %broadcast_in_dim3A_18 : vector<1024x1xf32> to vector<1x1024x1xf32>
    %reduce_sum3A_40 = arith.constant dense<0.000000e+00> : vector<1xf32>
    %reduce_sum3A_41 = vector.multi_reduction <add>, %reduce_sum3A_39, %reduce_sum3A_40 [1, 2] : vector<1x1024x1xf32> to vector<1xf32>
    %reduce_sum3A_42 = vector.shape_cast %reduce_sum3A_41 : vector<1xf32> to vector<1x1x1xf32>
    %reduce_sum3A_43 = vector.extract %reduce_sum3A_42[0, 0, 0] : f32 from vector<1x1x1xf32>
    %add3A_44 = arith.addf %reduce_sum3A_43, %reduce_sum3A_38 : f32
    %reshape3A = vector.broadcast %add3A_44 : f32 to vector<1x1xf32>
    %swap3A_45 = arith.constant 0 : index
    %swap3A_46 = arith.constant 0 : index
    %swap3A_47 = arith.constant 0 : index
    %swap3A_48 = vector.load %arg4[%swap3A_45, %swap3A_46, %swap3A_47] : memref<1x1x1xf32, #tpu.memory_space<vmem>>, vector<1x1x1xf32>
    %swap3A_49 = vector.shape_cast %swap3A_48 : vector<1x1x1xf32> to vector<1x1xf32>
    %swap3A_50 = vector.shape_cast %reshape3A : vector<1x1xf32> to vector<1x1x1xf32>
    tpu.vector_store %arg4[%swap3A_45, %swap3A_46, %swap3A_47], %swap3A_50 {strides = array<i32>} : memref<1x1x1xf32, #tpu.memory_space<vmem>>, vector<1x1x1xf32>,
    return
  }
  func.func @transform_0(%arg0: i32) -> (i32, i32, i32, i32) {
    %c0_i32 = arith.constant 0 : i32
    %c0_i32_0 = arith.constant 0 : i32
    %c0_i32_1 = arith.constant 0 : i32
    %c0_i32_2 = arith.constant 0 : i32
    return %c0_i32, %arg0, %c0_i32_0, %c0_i32_1 : i32, i32, i32, i32
  }
  func.func @transform_1(%arg0: i32) -> (i32, i32, i32) {
    %c0_i32 = arith.constant 0 : i32
    %c0_i32_0 = arith.constant 0 : i32
    %c0_i32_1 = arith.constant 0 : i32
    return %arg0, %c0_i32, %c0_i32_0 : i32, i32, i32
  }
  func.func @transform_2(%arg0: i32) -> (i32, i32, i32, i32) {
    %c0_i32 = arith.constant 0 : i32
    %c0_i32_0 = arith.constant 0 : i32
    %c0_i32_1 = arith.constant 0 : i32
    %c0_i32_2 = arith.constant 0 : i32
    return %c0_i32, %arg0, %c0_i32_0, %c0_i32_1 : i32, i32, i32, i32
  }
  func.func @transform_3(%arg0: i32) -> (i32, i32, i32) {
    %c0_i32 = arith.constant 0 : i32
    %c0_i32_0 = arith.constant 0 : i32
    %c0_i32_1 = arith.constant 0 : i32
    return %arg0, %c0_i32, %c0_i32_0 : i32, i32, i32
  }
}

module attributes {stable_mosaic.version = 14 : i64} {
  func.func @body(%arg0: i32, %arg1: memref<16x32x512xf32, #tpu.memory_space<vmem>>, %arg2: memref<3x512x512xbf16, #tpu.memory_space<vmem>>, %arg3: memref<1x512xf32, #tpu.memory_space<vmem>>, %arg4: memref<3x3x512x512xbf16, #tpu.memory_space<vmem>>, %arg5: memref<3x512xf32, #tpu.memory_space<vmem>>, %arg6: memref<3x512x512xbf16, #tpu.memory_space<vmem>>, %arg7: memref<3x512xf32, #tpu.memory_space<vmem>>, %arg8: memref<3x512x512xbf16, #tpu.memory_space<vmem>>, %arg9: memref<1x512xf32, #tpu.memory_space<vmem>>, %arg10: memref<16x32x1024xf32, #tpu.memory_space<vmem>>, %arg11: memref<546x512xbf16, #tpu.memory_space<vmem>>, %arg12: memref<818x512xf32, #tpu.memory_space<vmem>>) attributes {dimension_semantics = [#tpu.dimension_semantics<parallel>], iteration_bounds = array<i64: 2>, scalar_prefetch = 0 : i64, scratch_operands = 2 : i64, tpu.core_type = #tpu.core_type<tc>, window_params = [{transform_indices = @transform_0, window_bounds = array<i64: 16, 32, 512>}, {pipeline_mode = #tpu.pipeline_mode<synchronous>, transform_indices = @transform_1, window_bounds = array<i64: 3, 512, 512>}, {pipeline_mode = #tpu.pipeline_mode<synchronous>, transform_indices = @transform_2, window_bounds = array<i64: 1, 512>}, {pipeline_mode = #tpu.pipeline_mode<synchronous>, transform_indices = @transform_3, window_bounds = array<i64: 3, 3, 512, 512>}, {pipeline_mode = #tpu.pipeline_mode<synchronous>, transform_indices = @transform_4, window_bounds = array<i64: 3, 512>}, {pipeline_mode = #tpu.pipeline_mode<synchronous>, transform_indices = @transform_5, window_bounds = array<i64: 3, 512, 512>}, {pipeline_mode = #tpu.pipeline_mode<synchronous>, transform_indices = @transform_6, window_bounds = array<i64: 3, 512>}, {pipeline_mode = #tpu.pipeline_mode<synchronous>, transform_indices = @transform_7, window_bounds = array<i64: 3, 512, 512>}, {pipeline_mode = #tpu.pipeline_mode<synchronous>, transform_indices = @transform_8, window_bounds = array<i64: 1, 512>}, {transform_indices = @transform_9, window_bounds = array<i64: 16, 32, 1024>}]} {
    %broadcast_in_dim3A = arith.constant 0.000000e+00 : f32
    %broadcast_in_dim3A_0 = vector.broadcast %broadcast_in_dim3A : f32 to vector<818x512xf32>
    %swap3A = arith.constant 0 : index
    %swap3A_1 = arith.constant 0 : index
    %swap3A_2 = vector.load %arg12[%swap3A, %swap3A_1] : memref<818x512xf32, #tpu.memory_space<vmem>>, vector<818x512xf32>
    tpu.vector_store %arg12[%swap3A, %swap3A_1], %broadcast_in_dim3A_0 {strides = array<i32>} : memref<818x512xf32, #tpu.memory_space<vmem>>, vector<818x512xf32>,
    %broadcast_in_dim3A_3 = arith.constant 0.000000e+00 : bf16
    %broadcast_in_dim3A_4 = vector.broadcast %broadcast_in_dim3A_3 : bf16 to vector<546x512xbf16>
    %swap3A_5 = arith.constant 0 : index
    %swap3A_6 = arith.constant 0 : index
    %swap3A_7 = vector.load %arg11[%swap3A_5, %swap3A_6] : memref<546x512xbf16, #tpu.memory_space<vmem>>, vector<546x512xbf16>
    tpu.vector_store %arg11[%swap3A_5, %swap3A_6], %broadcast_in_dim3A_4 {strides = array<i32>} : memref<546x512xbf16, #tpu.memory_space<vmem>>, vector<546x512xbf16>,
    %get3A = arith.constant 0 : index
    %get3A_8 = arith.constant 0 : index
    %get3A_9 = arith.constant 0 : index
    %get3A_10 = vector.load %arg1[%get3A, %get3A_8, %get3A_9] : memref<16x32x512xf32, #tpu.memory_space<vmem>>, vector<1x32x512xf32>
    %get3A_11 = vector.shape_cast %get3A_10 : vector<1x32x512xf32> to vector<32x512xf32>
    %convert_element_type3A = arith.truncf %get3A_11 : vector<32x512xf32> to vector<32x512xbf16>
    %swap3A_12 = arith.constant 1 : index
    %swap3A_13 = arith.constant 0 : index
    %swap3A_14 = vector.load %arg11[%swap3A_12, %swap3A_13] : memref<546x512xbf16, #tpu.memory_space<vmem>>, vector<32x512xbf16>
    tpu.vector_store %arg11[%swap3A_12, %swap3A_13], %convert_element_type3A {strides = array<i32>} : memref<546x512xbf16, #tpu.memory_space<vmem>>, vector<32x512xbf16>,
    %get3A_15 = arith.constant 1 : index
    %get3A_16 = arith.constant 0 : index
    %get3A_17 = arith.constant 0 : index
    %get3A_18 = vector.load %arg1[%get3A_15, %get3A_16, %get3A_17] : memref<16x32x512xf32, #tpu.memory_space<vmem>>, vector<1x32x512xf32>
    %get3A_19 = vector.shape_cast %get3A_18 : vector<1x32x512xf32> to vector<32x512xf32>
    %convert_element_type3A_20 = arith.truncf %get3A_19 : vector<32x512xf32> to vector<32x512xbf16>
    %swap3A_21 = arith.constant 35 : index
    %swap3A_22 = arith.constant 0 : index
    %swap3A_23 = vector.load %arg11[%swap3A_21, %swap3A_22] : memref<546x512xbf16, #tpu.memory_space<vmem>>, vector<32x512xbf16>
    tpu.vector_store %arg11[%swap3A_21, %swap3A_22], %convert_element_type3A_20 {strides = array<i32>} : memref<546x512xbf16, #tpu.memory_space<vmem>>, vector<32x512xbf16>,
    %get3A_24 = arith.constant 2 : index
    %get3A_25 = arith.constant 0 : index
    %get3A_26 = arith.constant 0 : index
    %get3A_27 = vector.load %arg1[%get3A_24, %get3A_25, %get3A_26] : memref<16x32x512xf32, #tpu.memory_space<vmem>>, vector<1x32x512xf32>
    %get3A_28 = vector.shape_cast %get3A_27 : vector<1x32x512xf32> to vector<32x512xf32>
    %convert_element_type3A_29 = arith.truncf %get3A_28 : vector<32x512xf32> to vector<32x512xbf16>
    %swap3A_30 = arith.constant 69 : index
    %swap3A_31 = arith.constant 0 : index
    %swap3A_32 = vector.load %arg11[%swap3A_30, %swap3A_31] : memref<546x512xbf16, #tpu.memory_space<vmem>>, vector<32x512xbf16>
    tpu.vector_store %arg11[%swap3A_30, %swap3A_31], %convert_element_type3A_29 {strides = array<i32>} : memref<546x512xbf16, #tpu.memory_space<vmem>>, vector<32x512xbf16>,
    %get3A_33 = arith.constant 3 : index
    %get3A_34 = arith.constant 0 : index
    %get3A_35 = arith.constant 0 : index
    %get3A_36 = vector.load %arg1[%get3A_33, %get3A_34, %get3A_35] : memref<16x32x512xf32, #tpu.memory_space<vmem>>, vector<1x32x512xf32>
    %get3A_37 = vector.shape_cast %get3A_36 : vector<1x32x512xf32> to vector<32x512xf32>
    %convert_element_type3A_38 = arith.truncf %get3A_37 : vector<32x512xf32> to vector<32x512xbf16>
    %swap3A_39 = arith.constant 103 : index
    %swap3A_40 = arith.constant 0 : index
    %swap3A_41 = vector.load %arg11[%swap3A_39, %swap3A_40] : memref<546x512xbf16, #tpu.memory_space<vmem>>, vector<32x512xbf16>
    tpu.vector_store %arg11[%swap3A_39, %swap3A_40], %convert_element_type3A_38 {strides = array<i32>} : memref<546x512xbf16, #tpu.memory_space<vmem>>, vector<32x512xbf16>,
    %get3A_42 = arith.constant 4 : index
    %get3A_43 = arith.constant 0 : index
    %get3A_44 = arith.constant 0 : index
    %get3A_45 = vector.load %arg1[%get3A_42, %get3A_43, %get3A_44] : memref<16x32x512xf32, #tpu.memory_space<vmem>>, vector<1x32x512xf32>
    %get3A_46 = vector.shape_cast %get3A_45 : vector<1x32x512xf32> to vector<32x512xf32>
    %convert_element_type3A_47 = arith.truncf %get3A_46 : vector<32x512xf32> to vector<32x512xbf16>
    %swap3A_48 = arith.constant 137 : index
    %swap3A_49 = arith.constant 0 : index
    %swap3A_50 = vector.load %arg11[%swap3A_48, %swap3A_49] : memref<546x512xbf16, #tpu.memory_space<vmem>>, vector<32x512xbf16>
    tpu.vector_store %arg11[%swap3A_48, %swap3A_49], %convert_element_type3A_47 {strides = array<i32>} : memref<546x512xbf16, #tpu.memory_space<vmem>>, vector<32x512xbf16>,
    %get3A_51 = arith.constant 5 : index
    %get3A_52 = arith.constant 0 : index
    %get3A_53 = arith.constant 0 : index
    %get3A_54 = vector.load %arg1[%get3A_51, %get3A_52, %get3A_53] : memref<16x32x512xf32, #tpu.memory_space<vmem>>, vector<1x32x512xf32>
    %get3A_55 = vector.shape_cast %get3A_54 : vector<1x32x512xf32> to vector<32x512xf32>
    %convert_element_type3A_56 = arith.truncf %get3A_55 : vector<32x512xf32> to vector<32x512xbf16>
    %swap3A_57 = arith.constant 171 : index
    %swap3A_58 = arith.constant 0 : index
    %swap3A_59 = vector.load %arg11[%swap3A_57, %swap3A_58] : memref<546x512xbf16, #tpu.memory_space<vmem>>, vector<32x512xbf16>
    tpu.vector_store %arg11[%swap3A_57, %swap3A_58], %convert_element_type3A_56 {strides = array<i32>} : memref<546x512xbf16, #tpu.memory_space<vmem>>, vector<32x512xbf16>,
    %get3A_60 = arith.constant 6 : index
    %get3A_61 = arith.constant 0 : index
    %get3A_62 = arith.constant 0 : index
    %get3A_63 = vector.load %arg1[%get3A_60, %get3A_61, %get3A_62] : memref<16x32x512xf32, #tpu.memory_space<vmem>>, vector<1x32x512xf32>
    %get3A_64 = vector.shape_cast %get3A_63 : vector<1x32x512xf32> to vector<32x512xf32>
    %convert_element_type3A_65 = arith.truncf %get3A_64 : vector<32x512xf32> to vector<32x512xbf16>
    %swap3A_66 = arith.constant 205 : index
    %swap3A_67 = arith.constant 0 : index
    %swap3A_68 = vector.load %arg11[%swap3A_66, %swap3A_67] : memref<546x512xbf16, #tpu.memory_space<vmem>>, vector<32x512xbf16>
    tpu.vector_store %arg11[%swap3A_66, %swap3A_67], %convert_element_type3A_65 {strides = array<i32>} : memref<546x512xbf16, #tpu.memory_space<vmem>>, vector<32x512xbf16>,
    %get3A_69 = arith.constant 7 : index
    %get3A_70 = arith.constant 0 : index
    %get3A_71 = arith.constant 0 : index
    %get3A_72 = vector.load %arg1[%get3A_69, %get3A_70, %get3A_71] : memref<16x32x512xf32, #tpu.memory_space<vmem>>, vector<1x32x512xf32>
    %get3A_73 = vector.shape_cast %get3A_72 : vector<1x32x512xf32> to vector<32x512xf32>
    %convert_element_type3A_74 = arith.truncf %get3A_73 : vector<32x512xf32> to vector<32x512xbf16>
    %swap3A_75 = arith.constant 239 : index
    %swap3A_76 = arith.constant 0 : index
    %swap3A_77 = vector.load %arg11[%swap3A_75, %swap3A_76] : memref<546x512xbf16, #tpu.memory_space<vmem>>, vector<32x512xbf16>
    tpu.vector_store %arg11[%swap3A_75, %swap3A_76], %convert_element_type3A_74 {strides = array<i32>} : memref<546x512xbf16, #tpu.memory_space<vmem>>, vector<32x512xbf16>,
    %get3A_78 = arith.constant 8 : index
    %get3A_79 = arith.constant 0 : index
    %get3A_80 = arith.constant 0 : index
    %get3A_81 = vector.load %arg1[%get3A_78, %get3A_79, %get3A_80] : memref<16x32x512xf32, #tpu.memory_space<vmem>>, vector<1x32x512xf32>
    %get3A_82 = vector.shape_cast %get3A_81 : vector<1x32x512xf32> to vector<32x512xf32>
    %convert_element_type3A_83 = arith.truncf %get3A_82 : vector<32x512xf32> to vector<32x512xbf16>
    %swap3A_84 = arith.constant 273 : index
    %swap3A_85 = arith.constant 0 : index
    %swap3A_86 = vector.load %arg11[%swap3A_84, %swap3A_85] : memref<546x512xbf16, #tpu.memory_space<vmem>>, vector<32x512xbf16>
    tpu.vector_store %arg11[%swap3A_84, %swap3A_85], %convert_element_type3A_83 {strides = array<i32>} : memref<546x512xbf16, #tpu.memory_space<vmem>>, vector<32x512xbf16>,
    %get3A_87 = arith.constant 9 : index
    %get3A_88 = arith.constant 0 : index
    %get3A_89 = arith.constant 0 : index
    %get3A_90 = vector.load %arg1[%get3A_87, %get3A_88, %get3A_89] : memref<16x32x512xf32, #tpu.memory_space<vmem>>, vector<1x32x512xf32>
    %get3A_91 = vector.shape_cast %get3A_90 : vector<1x32x512xf32> to vector<32x512xf32>
    %convert_element_type3A_92 = arith.truncf %get3A_91 : vector<32x512xf32> to vector<32x512xbf16>
    %swap3A_93 = arith.constant 307 : index
    %swap3A_94 = arith.constant 0 : index
    %swap3A_95 = vector.load %arg11[%swap3A_93, %swap3A_94] : memref<546x512xbf16, #tpu.memory_space<vmem>>, vector<32x512xbf16>
    tpu.vector_store %arg11[%swap3A_93, %swap3A_94], %convert_element_type3A_92 {strides = array<i32>} : memref<546x512xbf16, #tpu.memory_space<vmem>>, vector<32x512xbf16>,
    %get3A_96 = arith.constant 10 : index
    %get3A_97 = arith.constant 0 : index
    %get3A_98 = arith.constant 0 : index
    %get3A_99 = vector.load %arg1[%get3A_96, %get3A_97, %get3A_98] : memref<16x32x512xf32, #tpu.memory_space<vmem>>, vector<1x32x512xf32>
    %get3A_100 = vector.shape_cast %get3A_99 : vector<1x32x512xf32> to vector<32x512xf32>
    %convert_element_type3A_101 = arith.truncf %get3A_100 : vector<32x512xf32> to vector<32x512xbf16>
    %swap3A_102 = arith.constant 341 : index
    %swap3A_103 = arith.constant 0 : index
    %swap3A_104 = vector.load %arg11[%swap3A_102, %swap3A_103] : memref<546x512xbf16, #tpu.memory_space<vmem>>, vector<32x512xbf16>
    tpu.vector_store %arg11[%swap3A_102, %swap3A_103], %convert_element_type3A_101 {strides = array<i32>} : memref<546x512xbf16, #tpu.memory_space<vmem>>, vector<32x512xbf16>,
    %get3A_105 = arith.constant 11 : index
    %get3A_106 = arith.constant 0 : index
    %get3A_107 = arith.constant 0 : index
    %get3A_108 = vector.load %arg1[%get3A_105, %get3A_106, %get3A_107] : memref<16x32x512xf32, #tpu.memory_space<vmem>>, vector<1x32x512xf32>
    %get3A_109 = vector.shape_cast %get3A_108 : vector<1x32x512xf32> to vector<32x512xf32>
    %convert_element_type3A_110 = arith.truncf %get3A_109 : vector<32x512xf32> to vector<32x512xbf16>
    %swap3A_111 = arith.constant 375 : index
    %swap3A_112 = arith.constant 0 : index
    %swap3A_113 = vector.load %arg11[%swap3A_111, %swap3A_112] : memref<546x512xbf16, #tpu.memory_space<vmem>>, vector<32x512xbf16>
    tpu.vector_store %arg11[%swap3A_111, %swap3A_112], %convert_element_type3A_110 {strides = array<i32>} : memref<546x512xbf16, #tpu.memory_space<vmem>>, vector<32x512xbf16>,
    %get3A_114 = arith.constant 12 : index
    %get3A_115 = arith.constant 0 : index
    %get3A_116 = arith.constant 0 : index
    %get3A_117 = vector.load %arg1[%get3A_114, %get3A_115, %get3A_116] : memref<16x32x512xf32, #tpu.memory_space<vmem>>, vector<1x32x512xf32>
    %get3A_118 = vector.shape_cast %get3A_117 : vector<1x32x512xf32> to vector<32x512xf32>
    %convert_element_type3A_119 = arith.truncf %get3A_118 : vector<32x512xf32> to vector<32x512xbf16>
    %swap3A_120 = arith.constant 409 : index
    %swap3A_121 = arith.constant 0 : index
    %swap3A_122 = vector.load %arg11[%swap3A_120, %swap3A_121] : memref<546x512xbf16, #tpu.memory_space<vmem>>, vector<32x512xbf16>
    tpu.vector_store %arg11[%swap3A_120, %swap3A_121], %convert_element_type3A_119 {strides = array<i32>} : memref<546x512xbf16, #tpu.memory_space<vmem>>, vector<32x512xbf16>,
    %get3A_123 = arith.constant 13 : index
    %get3A_124 = arith.constant 0 : index
    %get3A_125 = arith.constant 0 : index
    %get3A_126 = vector.load %arg1[%get3A_123, %get3A_124, %get3A_125] : memref<16x32x512xf32, #tpu.memory_space<vmem>>, vector<1x32x512xf32>
    %get3A_127 = vector.shape_cast %get3A_126 : vector<1x32x512xf32> to vector<32x512xf32>
    %convert_element_type3A_128 = arith.truncf %get3A_127 : vector<32x512xf32> to vector<32x512xbf16>
    %swap3A_129 = arith.constant 443 : index
    %swap3A_130 = arith.constant 0 : index
    %swap3A_131 = vector.load %arg11[%swap3A_129, %swap3A_130] : memref<546x512xbf16, #tpu.memory_space<vmem>>, vector<32x512xbf16>
    tpu.vector_store %arg11[%swap3A_129, %swap3A_130], %convert_element_type3A_128 {strides = array<i32>} : memref<546x512xbf16, #tpu.memory_space<vmem>>, vector<32x512xbf16>,
    %get3A_132 = arith.constant 14 : index
    %get3A_133 = arith.constant 0 : index
    %get3A_134 = arith.constant 0 : index
    %get3A_135 = vector.load %arg1[%get3A_132, %get3A_133, %get3A_134] : memref<16x32x512xf32, #tpu.memory_space<vmem>>, vector<1x32x512xf32>
    %get3A_136 = vector.shape_cast %get3A_135 : vector<1x32x512xf32> to vector<32x512xf32>
    %convert_element_type3A_137 = arith.truncf %get3A_136 : vector<32x512xf32> to vector<32x512xbf16>
    %swap3A_138 = arith.constant 477 : index
    %swap3A_139 = arith.constant 0 : index
    %swap3A_140 = vector.load %arg11[%swap3A_138, %swap3A_139] : memref<546x512xbf16, #tpu.memory_space<vmem>>, vector<32x512xbf16>
    tpu.vector_store %arg11[%swap3A_138, %swap3A_139], %convert_element_type3A_137 {strides = array<i32>} : memref<546x512xbf16, #tpu.memory_space<vmem>>, vector<32x512xbf16>,
    %get3A_141 = arith.constant 15 : index
    %get3A_142 = arith.constant 0 : index
    %get3A_143 = arith.constant 0 : index
    %get3A_144 = vector.load %arg1[%get3A_141, %get3A_142, %get3A_143] : memref<16x32x512xf32, #tpu.memory_space<vmem>>, vector<1x32x512xf32>
    %get3A_145 = vector.shape_cast %get3A_144 : vector<1x32x512xf32> to vector<32x512xf32>
    %convert_element_type3A_146 = arith.truncf %get3A_145 : vector<32x512xf32> to vector<32x512xbf16>
    %swap3A_147 = arith.constant 511 : index
    %swap3A_148 = arith.constant 0 : index
    %swap3A_149 = vector.load %arg11[%swap3A_147, %swap3A_148] : memref<546x512xbf16, #tpu.memory_space<vmem>>, vector<32x512xbf16>
    tpu.vector_store %arg11[%swap3A_147, %swap3A_148], %convert_element_type3A_146 {strides = array<i32>} : memref<546x512xbf16, #tpu.memory_space<vmem>>, vector<32x512xbf16>,
    %get3A_150 = arith.constant 0 : index
    %get3A_151 = arith.constant 0 : index
    %get3A_152 = vector.load %arg3[%get3A_150, %get3A_151] : memref<1x512xf32, #tpu.memory_space<vmem>>, vector<1x512xf32>
    %get3A_153 = arith.constant 0 : index
    %get3A_154 = arith.constant 0 : index
    %get3A_155 = vector.load %arg11[%get3A_153, %get3A_154] : memref<546x512xbf16, #tpu.memory_space<vmem>>, vector<544x512xbf16>
    %get3A_156 = arith.constant 0 : index
    %get3A_157 = arith.constant 0 : index
    %get3A_158 = arith.constant 0 : index
    %get3A_159 = vector.load %arg2[%get3A_156, %get3A_157, %get3A_158] : memref<3x512x512xbf16, #tpu.memory_space<vmem>>, vector<1x512x512xbf16>
    %get3A_160 = vector.shape_cast %get3A_159 : vector<1x512x512xbf16> to vector<512x512xbf16>
    %dot_general3A = arith.constant dense<0.000000e+00> : vector<544x512xf32>
    %dot_general3A_161 = tpu.matmul %get3A_155, %get3A_160, %dot_general3A {dimension_numbers = #tpu.dot_dimension_numbers<[1], [0], [0], [1], [0, 0, 1, 1], [], []>, transpose_lhs_hint = false} : vector<544x512xbf16>, vector<512x512xbf16>, vector<544x512xf32> -> vector<544x512xf32>
    %add3A = vector.broadcast %get3A_152 : vector<1x512xf32> to vector<544x512xf32>
    %add3A_162 = arith.addf %add3A, %dot_general3A_161 : vector<544x512xf32>
    %get3A_163 = arith.constant 1 : index
    %get3A_164 = arith.constant 0 : index
    %get3A_165 = vector.load %arg11[%get3A_163, %get3A_164] : memref<546x512xbf16, #tpu.memory_space<vmem>>, vector<544x512xbf16>
    %get3A_166 = arith.constant 1 : index
    %get3A_167 = arith.constant 0 : index
    %get3A_168 = arith.constant 0 : index
    %get3A_169 = vector.load %arg2[%get3A_166, %get3A_167, %get3A_168] : memref<3x512x512xbf16, #tpu.memory_space<vmem>>, vector<1x512x512xbf16>
    %get3A_170 = vector.shape_cast %get3A_169 : vector<1x512x512xbf16> to vector<512x512xbf16>
    %dot_general3A_171 = arith.constant dense<0.000000e+00> : vector<544x512xf32>
    %dot_general3A_172 = tpu.matmul %get3A_165, %get3A_170, %dot_general3A_171 {dimension_numbers = #tpu.dot_dimension_numbers<[1], [0], [0], [1], [0, 0, 1, 1], [], []>, transpose_lhs_hint = false} : vector<544x512xbf16>, vector<512x512xbf16>, vector<544x512xf32> -> vector<544x512xf32>
    %add3A_173 = arith.addf %add3A_162, %dot_general3A_172 : vector<544x512xf32>
    %get3A_174 = arith.constant 2 : index
    %get3A_175 = arith.constant 0 : index
    %get3A_176 = vector.load %arg11[%get3A_174, %get3A_175] : memref<546x512xbf16, #tpu.memory_space<vmem>>, vector<544x512xbf16>
    %get3A_177 = arith.constant 2 : index
    %get3A_178 = arith.constant 0 : index
    %get3A_179 = arith.constant 0 : index
    %get3A_180 = vector.load %arg2[%get3A_177, %get3A_178, %get3A_179] : memref<3x512x512xbf16, #tpu.memory_space<vmem>>, vector<1x512x512xbf16>
    %get3A_181 = vector.shape_cast %get3A_180 : vector<1x512x512xbf16> to vector<512x512xbf16>
    %dot_general3A_182 = arith.constant dense<0.000000e+00> : vector<544x512xf32>
    %dot_general3A_183 = tpu.matmul %get3A_176, %get3A_181, %dot_general3A_182 {dimension_numbers = #tpu.dot_dimension_numbers<[1], [0], [0], [1], [0, 0, 1, 1], [], []>, transpose_lhs_hint = false} : vector<544x512xbf16>, vector<512x512xbf16>, vector<544x512xf32> -> vector<544x512xf32>
    %add3A_184 = arith.addf %add3A_173, %dot_general3A_183 : vector<544x512xf32>
    %max3A = arith.constant 0.000000e+00 : f32
    %max3A_185 = vector.broadcast %max3A : f32 to vector<544x512xf32>
    %max3A_186 = arith.maximumf %add3A_184, %max3A_185 : vector<544x512xf32>
    %slice3A = vector.extract_strided_slice %max3A_186 {offsets = [0, 0], sizes = [32, 512], strides = [1, 1]} : vector<544x512xf32> to vector<32x512xf32>
    %swap3A_187 = arith.constant 9 : index
    %swap3A_188 = arith.constant 0 : index
    %swap3A_189 = vector.load %arg12[%swap3A_187, %swap3A_188] : memref<818x512xf32, #tpu.memory_space<vmem>>, vector<32x512xf32>
    tpu.vector_store %arg12[%swap3A_187, %swap3A_188], %slice3A {strides = array<i32>} : memref<818x512xf32, #tpu.memory_space<vmem>>, vector<32x512xf32>,
    %slice3A_190 = vector.extract_strided_slice %max3A_186 {offsets = [34, 0], sizes = [32, 512], strides = [1, 1]} : vector<544x512xf32> to vector<32x512xf32>
    %swap3A_191 = arith.constant 59 : index
    %swap3A_192 = arith.constant 0 : index
    %swap3A_193 = vector.load %arg12[%swap3A_191, %swap3A_192] : memref<818x512xf32, #tpu.memory_space<vmem>>, vector<32x512xf32>
    tpu.vector_store %arg12[%swap3A_191, %swap3A_192], %slice3A_190 {strides = array<i32>} : memref<818x512xf32, #tpu.memory_space<vmem>>, vector<32x512xf32>,
    %slice3A_194 = vector.extract_strided_slice %max3A_186 {offsets = [68, 0], sizes = [32, 512], strides = [1, 1]} : vector<544x512xf32> to vector<32x512xf32>
    %swap3A_195 = arith.constant 109 : index
    %swap3A_196 = arith.constant 0 : index
    %swap3A_197 = vector.load %arg12[%swap3A_195, %swap3A_196] : memref<818x512xf32, #tpu.memory_space<vmem>>, vector<32x512xf32>
    tpu.vector_store %arg12[%swap3A_195, %swap3A_196], %slice3A_194 {strides = array<i32>} : memref<818x512xf32, #tpu.memory_space<vmem>>, vector<32x512xf32>,
    %slice3A_198 = vector.extract_strided_slice %max3A_186 {offsets = [102, 0], sizes = [32, 512], strides = [1, 1]} : vector<544x512xf32> to vector<32x512xf32>
    %swap3A_199 = arith.constant 159 : index
    %swap3A_200 = arith.constant 0 : index
    %swap3A_201 = vector.load %arg12[%swap3A_199, %swap3A_200] : memref<818x512xf32, #tpu.memory_space<vmem>>, vector<32x512xf32>
    tpu.vector_store %arg12[%swap3A_199, %swap3A_200], %slice3A_198 {strides = array<i32>} : memref<818x512xf32, #tpu.memory_space<vmem>>, vector<32x512xf32>,
    %slice3A_202 = vector.extract_strided_slice %max3A_186 {offsets = [136, 0], sizes = [32, 512], strides = [1, 1]} : vector<544x512xf32> to vector<32x512xf32>
    %swap3A_203 = arith.constant 209 : index
    %swap3A_204 = arith.constant 0 : index
    %swap3A_205 = vector.load %arg12[%swap3A_203, %swap3A_204] : memref<818x512xf32, #tpu.memory_space<vmem>>, vector<32x512xf32>
    tpu.vector_store %arg12[%swap3A_203, %swap3A_204], %slice3A_202 {strides = array<i32>} : memref<818x512xf32, #tpu.memory_space<vmem>>, vector<32x512xf32>,
    %slice3A_206 = vector.extract_strided_slice %max3A_186 {offsets = [170, 0], sizes = [32, 512], strides = [1, 1]} : vector<544x512xf32> to vector<32x512xf32>
    %swap3A_207 = arith.constant 259 : index
    %swap3A_208 = arith.constant 0 : index
    %swap3A_209 = vector.load %arg12[%swap3A_207, %swap3A_208] : memref<818x512xf32, #tpu.memory_space<vmem>>, vector<32x512xf32>
    tpu.vector_store %arg12[%swap3A_207, %swap3A_208], %slice3A_206 {strides = array<i32>} : memref<818x512xf32, #tpu.memory_space<vmem>>, vector<32x512xf32>,
    %slice3A_210 = vector.extract_strided_slice %max3A_186 {offsets = [204, 0], sizes = [32, 512], strides = [1, 1]} : vector<544x512xf32> to vector<32x512xf32>
    %swap3A_211 = arith.constant 309 : index
    %swap3A_212 = arith.constant 0 : index
    %swap3A_213 = vector.load %arg12[%swap3A_211, %swap3A_212] : memref<818x512xf32, #tpu.memory_space<vmem>>, vector<32x512xf32>
    tpu.vector_store %arg12[%swap3A_211, %swap3A_212], %slice3A_210 {strides = array<i32>} : memref<818x512xf32, #tpu.memory_space<vmem>>, vector<32x512xf32>,
    %slice3A_214 = vector.extract_strided_slice %max3A_186 {offsets = [238, 0], sizes = [32, 512], strides = [1, 1]} : vector<544x512xf32> to vector<32x512xf32>
    %swap3A_215 = arith.constant 359 : index
    %swap3A_216 = arith.constant 0 : index
    %swap3A_217 = vector.load %arg12[%swap3A_215, %swap3A_216] : memref<818x512xf32, #tpu.memory_space<vmem>>, vector<32x512xf32>
    tpu.vector_store %arg12[%swap3A_215, %swap3A_216], %slice3A_214 {strides = array<i32>} : memref<818x512xf32, #tpu.memory_space<vmem>>, vector<32x512xf32>,
    %slice3A_218 = vector.extract_strided_slice %max3A_186 {offsets = [272, 0], sizes = [32, 512], strides = [1, 1]} : vector<544x512xf32> to vector<32x512xf32>
    %swap3A_219 = arith.constant 409 : index
    %swap3A_220 = arith.constant 0 : index
    %swap3A_221 = vector.load %arg12[%swap3A_219, %swap3A_220] : memref<818x512xf32, #tpu.memory_space<vmem>>, vector<32x512xf32>
    tpu.vector_store %arg12[%swap3A_219, %swap3A_220], %slice3A_218 {strides = array<i32>} : memref<818x512xf32, #tpu.memory_space<vmem>>, vector<32x512xf32>,
    %slice3A_222 = vector.extract_strided_slice %max3A_186 {offsets = [306, 0], sizes = [32, 512], strides = [1, 1]} : vector<544x512xf32> to vector<32x512xf32>
    %swap3A_223 = arith.constant 459 : index
    %swap3A_224 = arith.constant 0 : index
    %swap3A_225 = vector.load %arg12[%swap3A_223, %swap3A_224] : memref<818x512xf32, #tpu.memory_space<vmem>>, vector<32x512xf32>
    tpu.vector_store %arg12[%swap3A_223, %swap3A_224], %slice3A_222 {strides = array<i32>} : memref<818x512xf32, #tpu.memory_space<vmem>>, vector<32x512xf32>,
    %slice3A_226 = vector.extract_strided_slice %max3A_186 {offsets = [340, 0], sizes = [32, 512], strides = [1, 1]} : vector<544x512xf32> to vector<32x512xf32>
    %swap3A_227 = arith.constant 509 : index
    %swap3A_228 = arith.constant 0 : index
    %swap3A_229 = vector.load %arg12[%swap3A_227, %swap3A_228] : memref<818x512xf32, #tpu.memory_space<vmem>>, vector<32x512xf32>
    tpu.vector_store %arg12[%swap3A_227, %swap3A_228], %slice3A_226 {strides = array<i32>} : memref<818x512xf32, #tpu.memory_space<vmem>>, vector<32x512xf32>,
    %slice3A_230 = vector.extract_strided_slice %max3A_186 {offsets = [374, 0], sizes = [32, 512], strides = [1, 1]} : vector<544x512xf32> to vector<32x512xf32>
    %swap3A_231 = arith.constant 559 : index
    %swap3A_232 = arith.constant 0 : index
    %swap3A_233 = vector.load %arg12[%swap3A_231, %swap3A_232] : memref<818x512xf32, #tpu.memory_space<vmem>>, vector<32x512xf32>
    tpu.vector_store %arg12[%swap3A_231, %swap3A_232], %slice3A_230 {strides = array<i32>} : memref<818x512xf32, #tpu.memory_space<vmem>>, vector<32x512xf32>,
    %slice3A_234 = vector.extract_strided_slice %max3A_186 {offsets = [408, 0], sizes = [32, 512], strides = [1, 1]} : vector<544x512xf32> to vector<32x512xf32>
    %swap3A_235 = arith.constant 609 : index
    %swap3A_236 = arith.constant 0 : index
    %swap3A_237 = vector.load %arg12[%swap3A_235, %swap3A_236] : memref<818x512xf32, #tpu.memory_space<vmem>>, vector<32x512xf32>
    tpu.vector_store %arg12[%swap3A_235, %swap3A_236], %slice3A_234 {strides = array<i32>} : memref<818x512xf32, #tpu.memory_space<vmem>>, vector<32x512xf32>,
    %slice3A_238 = vector.extract_strided_slice %max3A_186 {offsets = [442, 0], sizes = [32, 512], strides = [1, 1]} : vector<544x512xf32> to vector<32x512xf32>
    %swap3A_239 = arith.constant 659 : index
    %swap3A_240 = arith.constant 0 : index
    %swap3A_241 = vector.load %arg12[%swap3A_239, %swap3A_240] : memref<818x512xf32, #tpu.memory_space<vmem>>, vector<32x512xf32>
    tpu.vector_store %arg12[%swap3A_239, %swap3A_240], %slice3A_238 {strides = array<i32>} : memref<818x512xf32, #tpu.memory_space<vmem>>, vector<32x512xf32>,
    %slice3A_242 = vector.extract_strided_slice %max3A_186 {offsets = [476, 0], sizes = [32, 512], strides = [1, 1]} : vector<544x512xf32> to vector<32x512xf32>
    %swap3A_243 = arith.constant 709 : index
    %swap3A_244 = arith.constant 0 : index
    %swap3A_245 = vector.load %arg12[%swap3A_243, %swap3A_244] : memref<818x512xf32, #tpu.memory_space<vmem>>, vector<32x512xf32>
    tpu.vector_store %arg12[%swap3A_243, %swap3A_244], %slice3A_242 {strides = array<i32>} : memref<818x512xf32, #tpu.memory_space<vmem>>, vector<32x512xf32>,
    %slice3A_246 = vector.extract_strided_slice %max3A_186 {offsets = [510, 0], sizes = [32, 512], strides = [1, 1]} : vector<544x512xf32> to vector<32x512xf32>
    %swap3A_247 = arith.constant 759 : index
    %swap3A_248 = arith.constant 0 : index
    %swap3A_249 = vector.load %arg12[%swap3A_247, %swap3A_248] : memref<818x512xf32, #tpu.memory_space<vmem>>, vector<32x512xf32>
    tpu.vector_store %arg12[%swap3A_247, %swap3A_248], %slice3A_246 {strides = array<i32>} : memref<818x512xf32, #tpu.memory_space<vmem>>, vector<32x512xf32>,
    %iota3A = tpu.iota {dimensions = array<i32: 0>} : vector<800x1xi32>
    %rem3A = arith.constant 50 : i32
    %rem3A_250 = vector.broadcast %rem3A : i32 to vector<800x1xi32>
    %rem3A_251 = arith.remsi %iota3A, %rem3A_250 : vector<800x1xi32>
    %lt3A = arith.constant 32 : i32
    %lt3A_252 = vector.broadcast %lt3A : i32 to vector<800x1xi32>
    %lt3A_253 = arith.cmpi slt, %rem3A_251, %lt3A_252 : vector<800x1xi32>
    %get3A_254 = arith.constant 0 : index
    %get3A_255 = arith.constant 0 : index
    %get3A_256 = vector.load %arg5[%get3A_254, %get3A_255] : memref<3x512xf32, #tpu.memory_space<vmem>>, vector<1x512xf32>
    %get3A_257 = arith.constant 0 : index
    %get3A_258 = arith.constant 0 : index
    %get3A_259 = vector.load %arg7[%get3A_257, %get3A_258] : memref<3x512xf32, #tpu.memory_space<vmem>>, vector<1x512xf32>
    %get3A_260 = arith.constant 0 : index
    %get3A_261 = arith.constant 0 : index
    %get3A_262 = vector.load %arg12[%get3A_260, %get3A_261] : memref<818x512xf32, #tpu.memory_space<vmem>>, vector<818x512xf32>
    %max3A_263 = arith.constant 0.000000e+00 : f32
    %max3A_264 = vector.broadcast %max3A_263 : f32 to vector<818x512xf32>
    %max3A_265 = arith.maximumf %get3A_262, %max3A_264 : vector<818x512xf32>
    %convert_element_type3A_266 = arith.truncf %max3A_265 : vector<818x512xf32> to vector<818x512xbf16>
    %slice3A_267 = vector.extract_strided_slice %convert_element_type3A_266 {offsets = [0, 0], sizes = [800, 512], strides = [1, 1]} : vector<818x512xbf16> to vector<800x512xbf16>
    %get3A_268 = arith.constant 0 : index
    %get3A_269 = arith.constant 0 : index
    %get3A_270 = arith.constant 0 : index
    %get3A_271 = arith.constant 0 : index
    %get3A_272 = vector.load %arg4[%get3A_268, %get3A_269, %get3A_270, %get3A_271] : memref<3x3x512x512xbf16, #tpu.memory_space<vmem>>, vector<1x1x512x512xbf16>
    %get3A_273 = vector.shape_cast %get3A_272 : vector<1x1x512x512xbf16> to vector<512x512xbf16>
    %dot_general3A_274 = arith.constant dense<0.000000e+00> : vector<800x512xf32>
    %dot_general3A_275 = tpu.matmul %slice3A_267, %get3A_273, %dot_general3A_274 {dimension_numbers = #tpu.dot_dimension_numbers<[1], [0], [0], [1], [0, 0, 1, 1], [], []>, transpose_lhs_hint = false} : vector<800x512xbf16>, vector<512x512xbf16>, vector<800x512xf32> -> vector<800x512xf32>
    %add3A_276 = vector.broadcast %get3A_256 : vector<1x512xf32> to vector<800x512xf32>
    %add3A_277 = arith.addf %add3A_276, %dot_general3A_275 : vector<800x512xf32>
    %slice3A_278 = vector.extract_strided_slice %convert_element_type3A_266 {offsets = [9, 0], sizes = [800, 512], strides = [1, 1]} : vector<818x512xbf16> to vector<800x512xbf16>
    %get3A_279 = arith.constant 0 : index
    %get3A_280 = arith.constant 1 : index
    %get3A_281 = arith.constant 0 : index
    %get3A_282 = arith.constant 0 : index
    %get3A_283 = vector.load %arg4[%get3A_279, %get3A_280, %get3A_281, %get3A_282] : memref<3x3x512x512xbf16, #tpu.memory_space<vmem>>, vector<1x1x512x512xbf16>
    %get3A_284 = vector.shape_cast %get3A_283 : vector<1x1x512x512xbf16> to vector<512x512xbf16>
    %dot_general3A_285 = arith.constant dense<0.000000e+00> : vector<800x512xf32>
    %dot_general3A_286 = tpu.matmul %slice3A_278, %get3A_284, %dot_general3A_285 {dimension_numbers = #tpu.dot_dimension_numbers<[1], [0], [0], [1], [0, 0, 1, 1], [], []>, transpose_lhs_hint = false} : vector<800x512xbf16>, vector<512x512xbf16>, vector<800x512xf32> -> vector<800x512xf32>
    %add3A_287 = arith.addf %add3A_277, %dot_general3A_286 : vector<800x512xf32>
    %slice3A_288 = vector.extract_strided_slice %convert_element_type3A_266 {offsets = [18, 0], sizes = [800, 512], strides = [1, 1]} : vector<818x512xbf16> to vector<800x512xbf16>
    %get3A_289 = arith.constant 0 : index
    %get3A_290 = arith.constant 2 : index
    %get3A_291 = arith.constant 0 : index
    %get3A_292 = arith.constant 0 : index
    %get3A_293 = vector.load %arg4[%get3A_289, %get3A_290, %get3A_291, %get3A_292] : memref<3x3x512x512xbf16, #tpu.memory_space<vmem>>, vector<1x1x512x512xbf16>
    %get3A_294 = vector.shape_cast %get3A_293 : vector<1x1x512x512xbf16> to vector<512x512xbf16>
    %dot_general3A_295 = arith.constant dense<0.000000e+00> : vector<800x512xf32>
    %dot_general3A_296 = tpu.matmul %slice3A_288, %get3A_294, %dot_general3A_295 {dimension_numbers = #tpu.dot_dimension_numbers<[1], [0], [0], [1], [0, 0, 1, 1], [], []>, transpose_lhs_hint = false} : vector<800x512xbf16>, vector<512x512xbf16>, vector<800x512xf32> -> vector<800x512xf32>
    %add3A_297 = arith.addf %add3A_287, %dot_general3A_296 : vector<800x512xf32>
    %max3A_298 = arith.constant 0.000000e+00 : f32
    %max3A_299 = vector.broadcast %max3A_298 : f32 to vector<800x512xf32>
    %max3A_300 = arith.maximumf %add3A_297, %max3A_299 : vector<800x512xf32>
    %convert_element_type3A_301 = arith.truncf %max3A_300 : vector<800x512xf32> to vector<800x512xbf16>
    %get3A_302 = arith.constant 9 : index
    %get3A_303 = arith.constant 0 : index
    %get3A_304 = vector.load %arg12[%get3A_302, %get3A_303] : memref<818x512xf32, #tpu.memory_space<vmem>>, vector<800x512xf32>
    %add3A_305 = vector.broadcast %get3A_259 : vector<1x512xf32> to vector<800x512xf32>
    %add3A_306 = arith.addf %get3A_304, %add3A_305 : vector<800x512xf32>
    %get3A_307 = arith.constant 0 : index
    %get3A_308 = arith.constant 0 : index
    %get3A_309 = arith.constant 0 : index
    %get3A_310 = vector.load %arg6[%get3A_307, %get3A_308, %get3A_309] : memref<3x512x512xbf16, #tpu.memory_space<vmem>>, vector<1x512x512xbf16>
    %get3A_311 = vector.shape_cast %get3A_310 : vector<1x512x512xbf16> to vector<512x512xbf16>
    %dot_general3A_312 = arith.constant dense<0.000000e+00> : vector<800x512xf32>
    %dot_general3A_313 = tpu.matmul %convert_element_type3A_301, %get3A_311, %dot_general3A_312 {dimension_numbers = #tpu.dot_dimension_numbers<[1], [0], [0], [1], [0, 0, 1, 1], [], []>, transpose_lhs_hint = false} : vector<800x512xbf16>, vector<512x512xbf16>, vector<800x512xf32> -> vector<800x512xf32>
    %add3A_314 = arith.addf %add3A_306, %dot_general3A_313 : vector<800x512xf32>
    %jit3A = arith.constant 0.000000e+00 : f32
    %broadcast_in_dim3A_315 = vector.shape_cast %lt3A_253 : vector<800x1xi1> to vector<800x1xi1>
    %broadcast_in_dim3A_316 = vector.broadcast %broadcast_in_dim3A_315 : vector<800x1xi1> to vector<800x512xi1>
    %broadcast_in_dim3A_317 = vector.broadcast %jit3A : f32 to vector<800x512xf32>
    %select_n3A = arith.select %broadcast_in_dim3A_316, %add3A_314, %broadcast_in_dim3A_317 : vector<800x512xi1>, vector<800x512xf32>
    %swap3A_318 = arith.constant 9 : index
    %swap3A_319 = arith.constant 0 : index
    %swap3A_320 = vector.load %arg12[%swap3A_318, %swap3A_319] : memref<818x512xf32, #tpu.memory_space<vmem>>, vector<800x512xf32>
    tpu.vector_store %arg12[%swap3A_318, %swap3A_319], %select_n3A {strides = array<i32>} : memref<818x512xf32, #tpu.memory_space<vmem>>, vector<800x512xf32>,
    %get3A_321 = arith.constant 1 : index
    %get3A_322 = arith.constant 0 : index
    %get3A_323 = vector.load %arg5[%get3A_321, %get3A_322] : memref<3x512xf32, #tpu.memory_space<vmem>>, vector<1x512xf32>
    %get3A_324 = arith.constant 1 : index
    %get3A_325 = arith.constant 0 : index
    %get3A_326 = vector.load %arg7[%get3A_324, %get3A_325] : memref<3x512xf32, #tpu.memory_space<vmem>>, vector<1x512xf32>
    %get3A_327 = arith.constant 0 : index
    %get3A_328 = arith.constant 0 : index
    %get3A_329 = vector.load %arg12[%get3A_327, %get3A_328] : memref<818x512xf32, #tpu.memory_space<vmem>>, vector<818x512xf32>
    %max3A_330 = arith.constant 0.000000e+00 : f32
    %max3A_331 = vector.broadcast %max3A_330 : f32 to vector<818x512xf32>
    %max3A_332 = arith.maximumf %get3A_329, %max3A_331 : vector<818x512xf32>
    %convert_element_type3A_333 = arith.truncf %max3A_332 : vector<818x512xf32> to vector<818x512xbf16>
    %slice3A_334 = vector.extract_strided_slice %convert_element_type3A_333 {offsets = [6, 0], sizes = [800, 512], strides = [1, 1]} : vector<818x512xbf16> to vector<800x512xbf16>
    %get3A_335 = arith.constant 1 : index
    %get3A_336 = arith.constant 0 : index
    %get3A_337 = arith.constant 0 : index
    %get3A_338 = arith.constant 0 : index
    %get3A_339 = vector.load %arg4[%get3A_335, %get3A_336, %get3A_337, %get3A_338] : memref<3x3x512x512xbf16, #tpu.memory_space<vmem>>, vector<1x1x512x512xbf16>
    %get3A_340 = vector.shape_cast %get3A_339 : vector<1x1x512x512xbf16> to vector<512x512xbf16>
    %dot_general3A_341 = arith.constant dense<0.000000e+00> : vector<800x512xf32>
    %dot_general3A_342 = tpu.matmul %slice3A_334, %get3A_340, %dot_general3A_341 {dimension_numbers = #tpu.dot_dimension_numbers<[1], [0], [0], [1], [0, 0, 1, 1], [], []>, transpose_lhs_hint = false} : vector<800x512xbf16>, vector<512x512xbf16>, vector<800x512xf32> -> vector<800x512xf32>
    %add3A_343 = vector.broadcast %get3A_323 : vector<1x512xf32> to vector<800x512xf32>
    %add3A_344 = arith.addf %add3A_343, %dot_general3A_342 : vector<800x512xf32>
    %slice3A_345 = vector.extract_strided_slice %convert_element_type3A_333 {offsets = [9, 0], sizes = [800, 512], strides = [1, 1]} : vector<818x512xbf16> to vector<800x512xbf16>
    %get3A_346 = arith.constant 1 : index
    %get3A_347 = arith.constant 1 : index
    %get3A_348 = arith.constant 0 : index
    %get3A_349 = arith.constant 0 : index
    %get3A_350 = vector.load %arg4[%get3A_346, %get3A_347, %get3A_348, %get3A_349] : memref<3x3x512x512xbf16, #tpu.memory_space<vmem>>, vector<1x1x512x512xbf16>
    %get3A_351 = vector.shape_cast %get3A_350 : vector<1x1x512x512xbf16> to vector<512x512xbf16>
    %dot_general3A_352 = arith.constant dense<0.000000e+00> : vector<800x512xf32>
    %dot_general3A_353 = tpu.matmul %slice3A_345, %get3A_351, %dot_general3A_352 {dimension_numbers = #tpu.dot_dimension_numbers<[1], [0], [0], [1], [0, 0, 1, 1], [], []>, transpose_lhs_hint = false} : vector<800x512xbf16>, vector<512x512xbf16>, vector<800x512xf32> -> vector<800x512xf32>
    %add3A_354 = arith.addf %add3A_344, %dot_general3A_353 : vector<800x512xf32>
    %slice3A_355 = vector.extract_strided_slice %convert_element_type3A_333 {offsets = [12, 0], sizes = [800, 512], strides = [1, 1]} : vector<818x512xbf16> to vector<800x512xbf16>
    %get3A_356 = arith.constant 1 : index
    %get3A_357 = arith.constant 2 : index
    %get3A_358 = arith.constant 0 : index
    %get3A_359 = arith.constant 0 : index
    %get3A_360 = vector.load %arg4[%get3A_356, %get3A_357, %get3A_358, %get3A_359] : memref<3x3x512x512xbf16, #tpu.memory_space<vmem>>, vector<1x1x512x512xbf16>
    %get3A_361 = vector.shape_cast %get3A_360 : vector<1x1x512x512xbf16> to vector<512x512xbf16>
    %dot_general3A_362 = arith.constant dense<0.000000e+00> : vector<800x512xf32>
    %dot_general3A_363 = tpu.matmul %slice3A_355, %get3A_361, %dot_general3A_362 {dimension_numbers = #tpu.dot_dimension_numbers<[1], [0], [0], [1], [0, 0, 1, 1], [], []>, transpose_lhs_hint = false} : vector<800x512xbf16>, vector<512x512xbf16>, vector<800x512xf32> -> vector<800x512xf32>
    %add3A_364 = arith.addf %add3A_354, %dot_general3A_363 : vector<800x512xf32>
    %max3A_365 = arith.constant 0.000000e+00 : f32
    %max3A_366 = vector.broadcast %max3A_365 : f32 to vector<800x512xf32>
    %max3A_367 = arith.maximumf %add3A_364, %max3A_366 : vector<800x512xf32>
    %convert_element_type3A_368 = arith.truncf %max3A_367 : vector<800x512xf32> to vector<800x512xbf16>
    %get3A_369 = arith.constant 9 : index
    %get3A_370 = arith.constant 0 : index
    %get3A_371 = vector.load %arg12[%get3A_369, %get3A_370] : memref<818x512xf32, #tpu.memory_space<vmem>>, vector<800x512xf32>
    %add3A_372 = vector.broadcast %get3A_326 : vector<1x512xf32> to vector<800x512xf32>
    %add3A_373 = arith.addf %get3A_371, %add3A_372 : vector<800x512xf32>
    %get3A_374 = arith.constant 1 : index
    %get3A_375 = arith.constant 0 : index
    %get3A_376 = arith.constant 0 : index
    %get3A_377 = vector.load %arg6[%get3A_374, %get3A_375, %get3A_376] : memref<3x512x512xbf16, #tpu.memory_space<vmem>>, vector<1x512x512xbf16>
    %get3A_378 = vector.shape_cast %get3A_377 : vector<1x512x512xbf16> to vector<512x512xbf16>
    %dot_general3A_379 = arith.constant dense<0.000000e+00> : vector<800x512xf32>
    %dot_general3A_380 = tpu.matmul %convert_element_type3A_368, %get3A_378, %dot_general3A_379 {dimension_numbers = #tpu.dot_dimension_numbers<[1], [0], [0], [1], [0, 0, 1, 1], [], []>, transpose_lhs_hint = false} : vector<800x512xbf16>, vector<512x512xbf16>, vector<800x512xf32> -> vector<800x512xf32>
    %add3A_381 = arith.addf %add3A_373, %dot_general3A_380 : vector<800x512xf32>
    %jit3A_382 = arith.constant 0.000000e+00 : f32
    %broadcast_in_dim3A_383 = vector.shape_cast %lt3A_253 : vector<800x1xi1> to vector<800x1xi1>
    %broadcast_in_dim3A_384 = vector.broadcast %broadcast_in_dim3A_383 : vector<800x1xi1> to vector<800x512xi1>
    %broadcast_in_dim3A_385 = vector.broadcast %jit3A_382 : f32 to vector<800x512xf32>
    %select_n3A_386 = arith.select %broadcast_in_dim3A_384, %add3A_381, %broadcast_in_dim3A_385 : vector<800x512xi1>, vector<800x512xf32>
    %swap3A_387 = arith.constant 9 : index
    %swap3A_388 = arith.constant 0 : index
    %swap3A_389 = vector.load %arg12[%swap3A_387, %swap3A_388] : memref<818x512xf32, #tpu.memory_space<vmem>>, vector<800x512xf32>
    tpu.vector_store %arg12[%swap3A_387, %swap3A_388], %select_n3A_386 {strides = array<i32>} : memref<818x512xf32, #tpu.memory_space<vmem>>, vector<800x512xf32>,
    %get3A_390 = arith.constant 2 : index
    %get3A_391 = arith.constant 0 : index
    %get3A_392 = vector.load %arg5[%get3A_390, %get3A_391] : memref<3x512xf32, #tpu.memory_space<vmem>>, vector<1x512xf32>
    %get3A_393 = arith.constant 2 : index
    %get3A_394 = arith.constant 0 : index
    %get3A_395 = vector.load %arg7[%get3A_393, %get3A_394] : memref<3x512xf32, #tpu.memory_space<vmem>>, vector<1x512xf32>
    %get3A_396 = arith.constant 0 : index
    %get3A_397 = arith.constant 0 : index
    %get3A_398 = vector.load %arg12[%get3A_396, %get3A_397] : memref<818x512xf32, #tpu.memory_space<vmem>>, vector<818x512xf32>
    %max3A_399 = arith.constant 0.000000e+00 : f32
    %max3A_400 = vector.broadcast %max3A_399 : f32 to vector<818x512xf32>
    %max3A_401 = arith.maximumf %get3A_398, %max3A_400 : vector<818x512xf32>
    %convert_element_type3A_402 = arith.truncf %max3A_401 : vector<818x512xf32> to vector<818x512xbf16>
    %slice3A_403 = vector.extract_strided_slice %convert_element_type3A_402 {offsets = [8, 0], sizes = [800, 512], strides = [1, 1]} : vector<818x512xbf16> to vector<800x512xbf16>
    %get3A_404 = arith.constant 2 : index
    %get3A_405 = arith.constant 0 : index
    %get3A_406 = arith.constant 0 : index
    %get3A_407 = arith.constant 0 : index
    %get3A_408 = vector.load %arg4[%get3A_404, %get3A_405, %get3A_406, %get3A_407] : memref<3x3x512x512xbf16, #tpu.memory_space<vmem>>, vector<1x1x512x512xbf16>
    %get3A_409 = vector.shape_cast %get3A_408 : vector<1x1x512x512xbf16> to vector<512x512xbf16>
    %dot_general3A_410 = arith.constant dense<0.000000e+00> : vector<800x512xf32>
    %dot_general3A_411 = tpu.matmul %slice3A_403, %get3A_409, %dot_general3A_410 {dimension_numbers = #tpu.dot_dimension_numbers<[1], [0], [0], [1], [0, 0, 1, 1], [], []>, transpose_lhs_hint = false} : vector<800x512xbf16>, vector<512x512xbf16>, vector<800x512xf32> -> vector<800x512xf32>
    %add3A_412 = vector.broadcast %get3A_392 : vector<1x512xf32> to vector<800x512xf32>
    %add3A_413 = arith.addf %add3A_412, %dot_general3A_411 : vector<800x512xf32>
    %slice3A_414 = vector.extract_strided_slice %convert_element_type3A_402 {offsets = [9, 0], sizes = [800, 512], strides = [1, 1]} : vector<818x512xbf16> to vector<800x512xbf16>
    %get3A_415 = arith.constant 2 : index
    %get3A_416 = arith.constant 1 : index
    %get3A_417 = arith.constant 0 : index
    %get3A_418 = arith.constant 0 : index
    %get3A_419 = vector.load %arg4[%get3A_415, %get3A_416, %get3A_417, %get3A_418] : memref<3x3x512x512xbf16, #tpu.memory_space<vmem>>, vector<1x1x512x512xbf16>
    %get3A_420 = vector.shape_cast %get3A_419 : vector<1x1x512x512xbf16> to vector<512x512xbf16>
    %dot_general3A_421 = arith.constant dense<0.000000e+00> : vector<800x512xf32>
    %dot_general3A_422 = tpu.matmul %slice3A_414, %get3A_420, %dot_general3A_421 {dimension_numbers = #tpu.dot_dimension_numbers<[1], [0], [0], [1], [0, 0, 1, 1], [], []>, transpose_lhs_hint = false} : vector<800x512xbf16>, vector<512x512xbf16>, vector<800x512xf32> -> vector<800x512xf32>
    %add3A_423 = arith.addf %add3A_413, %dot_general3A_422 : vector<800x512xf32>
    %slice3A_424 = vector.extract_strided_slice %convert_element_type3A_402 {offsets = [10, 0], sizes = [800, 512], strides = [1, 1]} : vector<818x512xbf16> to vector<800x512xbf16>
    %get3A_425 = arith.constant 2 : index
    %get3A_426 = arith.constant 2 : index
    %get3A_427 = arith.constant 0 : index
    %get3A_428 = arith.constant 0 : index
    %get3A_429 = vector.load %arg4[%get3A_425, %get3A_426, %get3A_427, %get3A_428] : memref<3x3x512x512xbf16, #tpu.memory_space<vmem>>, vector<1x1x512x512xbf16>
    %get3A_430 = vector.shape_cast %get3A_429 : vector<1x1x512x512xbf16> to vector<512x512xbf16>
    %dot_general3A_431 = arith.constant dense<0.000000e+00> : vector<800x512xf32>
    %dot_general3A_432 = tpu.matmul %slice3A_424, %get3A_430, %dot_general3A_431 {dimension_numbers = #tpu.dot_dimension_numbers<[1], [0], [0], [1], [0, 0, 1, 1], [], []>, transpose_lhs_hint = false} : vector<800x512xbf16>, vector<512x512xbf16>, vector<800x512xf32> -> vector<800x512xf32>
    %add3A_433 = arith.addf %add3A_423, %dot_general3A_432 : vector<800x512xf32>
    %max3A_434 = arith.constant 0.000000e+00 : f32
    %max3A_435 = vector.broadcast %max3A_434 : f32 to vector<800x512xf32>
    %max3A_436 = arith.maximumf %add3A_433, %max3A_435 : vector<800x512xf32>
    %convert_element_type3A_437 = arith.truncf %max3A_436 : vector<800x512xf32> to vector<800x512xbf16>
    %get3A_438 = arith.constant 9 : index
    %get3A_439 = arith.constant 0 : index
    %get3A_440 = vector.load %arg12[%get3A_438, %get3A_439] : memref<818x512xf32, #tpu.memory_space<vmem>>, vector<800x512xf32>
    %add3A_441 = vector.broadcast %get3A_395 : vector<1x512xf32> to vector<800x512xf32>
    %add3A_442 = arith.addf %get3A_440, %add3A_441 : vector<800x512xf32>
    %get3A_443 = arith.constant 2 : index
    %get3A_444 = arith.constant 0 : index
    %get3A_445 = arith.constant 0 : index
    %get3A_446 = vector.load %arg6[%get3A_443, %get3A_444, %get3A_445] : memref<3x512x512xbf16, #tpu.memory_space<vmem>>, vector<1x512x512xbf16>
    %get3A_447 = vector.shape_cast %get3A_446 : vector<1x512x512xbf16> to vector<512x512xbf16>
    %dot_general3A_448 = arith.constant dense<0.000000e+00> : vector<800x512xf32>
    %dot_general3A_449 = tpu.matmul %convert_element_type3A_437, %get3A_447, %dot_general3A_448 {dimension_numbers = #tpu.dot_dimension_numbers<[1], [0], [0], [1], [0, 0, 1, 1], [], []>, transpose_lhs_hint = false} : vector<800x512xbf16>, vector<512x512xbf16>, vector<800x512xf32> -> vector<800x512xf32>
    %add3A_450 = arith.addf %add3A_442, %dot_general3A_449 : vector<800x512xf32>
    %jit3A_451 = arith.constant 0.000000e+00 : f32
    %broadcast_in_dim3A_452 = vector.shape_cast %lt3A_253 : vector<800x1xi1> to vector<800x1xi1>
    %broadcast_in_dim3A_453 = vector.broadcast %broadcast_in_dim3A_452 : vector<800x1xi1> to vector<800x512xi1>
    %broadcast_in_dim3A_454 = vector.broadcast %jit3A_451 : f32 to vector<800x512xf32>
    %select_n3A_455 = arith.select %broadcast_in_dim3A_453, %add3A_450, %broadcast_in_dim3A_454 : vector<800x512xi1>, vector<800x512xf32>
    %swap3A_456 = arith.constant 9 : index
    %swap3A_457 = arith.constant 0 : index
    %swap3A_458 = vector.load %arg12[%swap3A_456, %swap3A_457] : memref<818x512xf32, #tpu.memory_space<vmem>>, vector<800x512xf32>
    tpu.vector_store %arg12[%swap3A_456, %swap3A_457], %select_n3A_455 {strides = array<i32>} : memref<818x512xf32, #tpu.memory_space<vmem>>, vector<800x512xf32>,
    %get3A_459 = arith.constant 0 : index
    %get3A_460 = arith.constant 0 : index
    %get3A_461 = vector.load %arg12[%get3A_459, %get3A_460] : memref<818x512xf32, #tpu.memory_space<vmem>>, vector<818x512xf32>
    %convert_element_type3A_462 = arith.truncf %get3A_461 : vector<818x512xf32> to vector<818x512xbf16>
    %slice3A_463 = vector.extract_strided_slice %convert_element_type3A_462 {offsets = [8, 0], sizes = [800, 512], strides = [1, 1]} : vector<818x512xbf16> to vector<800x512xbf16>
    %slice3A_464 = vector.extract_strided_slice %convert_element_type3A_462 {offsets = [9, 0], sizes = [800, 512], strides = [1, 1]} : vector<818x512xbf16> to vector<800x512xbf16>
    %slice3A_465 = vector.extract_strided_slice %convert_element_type3A_462 {offsets = [10, 0], sizes = [800, 512], strides = [1, 1]} : vector<818x512xbf16> to vector<800x512xbf16>
    %get3A_466 = arith.constant 0 : index
    %get3A_467 = arith.constant 0 : index
    %get3A_468 = vector.load %arg9[%get3A_466, %get3A_467] : memref<1x512xf32, #tpu.memory_space<vmem>>, vector<1x512xf32>
    %get3A_469 = arith.constant 0 : index
    %get3A_470 = arith.constant 0 : index
    %get3A_471 = arith.constant 0 : index
    %get3A_472 = vector.load %arg8[%get3A_469, %get3A_470, %get3A_471] : memref<3x512x512xbf16, #tpu.memory_space<vmem>>, vector<1x512x512xbf16>
    %get3A_473 = vector.shape_cast %get3A_472 : vector<1x512x512xbf16> to vector<512x512xbf16>
    %dot_general3A_474 = arith.constant dense<0.000000e+00> : vector<800x512xf32>
    %dot_general3A_475 = tpu.matmul %slice3A_463, %get3A_473, %dot_general3A_474 {dimension_numbers = #tpu.dot_dimension_numbers<[1], [0], [0], [1], [0, 0, 1, 1], [], []>, transpose_lhs_hint = false} : vector<800x512xbf16>, vector<512x512xbf16>, vector<800x512xf32> -> vector<800x512xf32>
    %add3A_476 = vector.broadcast %get3A_468 : vector<1x512xf32> to vector<800x512xf32>
    %add3A_477 = arith.addf %add3A_476, %dot_general3A_475 : vector<800x512xf32>
    %get3A_478 = arith.constant 1 : index
    %get3A_479 = arith.constant 0 : index
    %get3A_480 = arith.constant 0 : index
    %get3A_481 = vector.load %arg8[%get3A_478, %get3A_479, %get3A_480] : memref<3x512x512xbf16, #tpu.memory_space<vmem>>, vector<1x512x512xbf16>
    %get3A_482 = vector.shape_cast %get3A_481 : vector<1x512x512xbf16> to vector<512x512xbf16>
    %dot_general3A_483 = arith.constant dense<0.000000e+00> : vector<800x512xf32>
    %dot_general3A_484 = tpu.matmul %slice3A_464, %get3A_482, %dot_general3A_483 {dimension_numbers = #tpu.dot_dimension_numbers<[1], [0], [0], [1], [0, 0, 1, 1], [], []>, transpose_lhs_hint = false} : vector<800x512xbf16>, vector<512x512xbf16>, vector<800x512xf32> -> vector<800x512xf32>
    %add3A_485 = arith.addf %add3A_477, %dot_general3A_484 : vector<800x512xf32>
    %get3A_486 = arith.constant 2 : index
    %get3A_487 = arith.constant 0 : index
    %get3A_488 = arith.constant 0 : index
    %get3A_489 = vector.load %arg8[%get3A_486, %get3A_487, %get3A_488] : memref<3x512x512xbf16, #tpu.memory_space<vmem>>, vector<1x512x512xbf16>
    %get3A_490 = vector.shape_cast %get3A_489 : vector<1x512x512xbf16> to vector<512x512xbf16>
    %dot_general3A_491 = arith.constant dense<0.000000e+00> : vector<800x512xf32>
    %dot_general3A_492 = tpu.matmul %slice3A_464, %get3A_490, %dot_general3A_491 {dimension_numbers = #tpu.dot_dimension_numbers<[1], [0], [0], [1], [0, 0, 1, 1], [], []>, transpose_lhs_hint = false} : vector<800x512xbf16>, vector<512x512xbf16>, vector<800x512xf32> -> vector<800x512xf32>
    %add3A_493 = arith.addf %add3A_485, %dot_general3A_492 : vector<800x512xf32>
    %get3A_494 = arith.constant 0 : index
    %get3A_495 = arith.constant 0 : index
    %get3A_496 = vector.load %arg9[%get3A_494, %get3A_495] : memref<1x512xf32, #tpu.memory_space<vmem>>, vector<1x512xf32>
    %get3A_497 = arith.constant 0 : index
    %get3A_498 = arith.constant 0 : index
    %get3A_499 = arith.constant 0 : index
    %get3A_500 = vector.load %arg8[%get3A_497, %get3A_498, %get3A_499] : memref<3x512x512xbf16, #tpu.memory_space<vmem>>, vector<1x512x512xbf16>
    %get3A_501 = vector.shape_cast %get3A_500 : vector<1x512x512xbf16> to vector<512x512xbf16>
    %dot_general3A_502 = arith.constant dense<0.000000e+00> : vector<800x512xf32>
    %dot_general3A_503 = tpu.matmul %slice3A_464, %get3A_501, %dot_general3A_502 {dimension_numbers = #tpu.dot_dimension_numbers<[1], [0], [0], [1], [0, 0, 1, 1], [], []>, transpose_lhs_hint = false} : vector<800x512xbf16>, vector<512x512xbf16>, vector<800x512xf32> -> vector<800x512xf32>
    %add3A_504 = vector.broadcast %get3A_496 : vector<1x512xf32> to vector<800x512xf32>
    %add3A_505 = arith.addf %add3A_504, %dot_general3A_503 : vector<800x512xf32>
    %get3A_506 = arith.constant 1 : index
    %get3A_507 = arith.constant 0 : index
    %get3A_508 = arith.constant 0 : index
    %get3A_509 = vector.load %arg8[%get3A_506, %get3A_507, %get3A_508] : memref<3x512x512xbf16, #tpu.memory_space<vmem>>, vector<1x512x512xbf16>
    %get3A_510 = vector.shape_cast %get3A_509 : vector<1x512x512xbf16> to vector<512x512xbf16>
    %dot_general3A_511 = arith.constant dense<0.000000e+00> : vector<800x512xf32>
    %dot_general3A_512 = tpu.matmul %slice3A_464, %get3A_510, %dot_general3A_511 {dimension_numbers = #tpu.dot_dimension_numbers<[1], [0], [0], [1], [0, 0, 1, 1], [], []>, transpose_lhs_hint = false} : vector<800x512xbf16>, vector<512x512xbf16>, vector<800x512xf32> -> vector<800x512xf32>
    %add3A_513 = arith.addf %add3A_505, %dot_general3A_512 : vector<800x512xf32>
    %get3A_514 = arith.constant 2 : index
    %get3A_515 = arith.constant 0 : index
    %get3A_516 = arith.constant 0 : index
    %get3A_517 = vector.load %arg8[%get3A_514, %get3A_515, %get3A_516] : memref<3x512x512xbf16, #tpu.memory_space<vmem>>, vector<1x512x512xbf16>
    %get3A_518 = vector.shape_cast %get3A_517 : vector<1x512x512xbf16> to vector<512x512xbf16>
    %dot_general3A_519 = arith.constant dense<0.000000e+00> : vector<800x512xf32>
    %dot_general3A_520 = tpu.matmul %slice3A_465, %get3A_518, %dot_general3A_519 {dimension_numbers = #tpu.dot_dimension_numbers<[1], [0], [0], [1], [0, 0, 1, 1], [], []>, transpose_lhs_hint = false} : vector<800x512xbf16>, vector<512x512xbf16>, vector<800x512xf32> -> vector<800x512xf32>
    %add3A_521 = arith.addf %add3A_513, %dot_general3A_520 : vector<800x512xf32>
    %concatenate3A = tpu.concatenate %add3A_493, %add3A_521 in 1 : vector<800x512xf32>, vector<800x512xf32> -> vector<800x1024xf32>
    %slice3A_522 = vector.extract_strided_slice %concatenate3A {offsets = [0, 0], sizes = [32, 1024], strides = [1, 1]} : vector<800x1024xf32> to vector<32x1024xf32>
    %swap3A_523 = arith.constant 0 : index
    %swap3A_524 = arith.constant 0 : index
    %swap3A_525 = arith.constant 0 : index
    %swap3A_526 = vector.load %arg10[%swap3A_523, %swap3A_524, %swap3A_525] : memref<16x32x1024xf32, #tpu.memory_space<vmem>>, vector<1x32x1024xf32>
    %swap3A_527 = vector.shape_cast %swap3A_526 : vector<1x32x1024xf32> to vector<32x1024xf32>
    %swap3A_528 = vector.shape_cast %slice3A_522 : vector<32x1024xf32> to vector<1x32x1024xf32>
    tpu.vector_store %arg10[%swap3A_523, %swap3A_524, %swap3A_525], %swap3A_528 {strides = array<i32>} : memref<16x32x1024xf32, #tpu.memory_space<vmem>>, vector<1x32x1024xf32>,
    %slice3A_529 = vector.extract_strided_slice %concatenate3A {offsets = [50, 0], sizes = [32, 1024], strides = [1, 1]} : vector<800x1024xf32> to vector<32x1024xf32>
    %swap3A_530 = arith.constant 1 : index
    %swap3A_531 = arith.constant 0 : index
    %swap3A_532 = arith.constant 0 : index
    %swap3A_533 = vector.load %arg10[%swap3A_530, %swap3A_531, %swap3A_532] : memref<16x32x1024xf32, #tpu.memory_space<vmem>>, vector<1x32x1024xf32>
    %swap3A_534 = vector.shape_cast %swap3A_533 : vector<1x32x1024xf32> to vector<32x1024xf32>
    %swap3A_535 = vector.shape_cast %slice3A_529 : vector<32x1024xf32> to vector<1x32x1024xf32>
    tpu.vector_store %arg10[%swap3A_530, %swap3A_531, %swap3A_532], %swap3A_535 {strides = array<i32>} : memref<16x32x1024xf32, #tpu.memory_space<vmem>>, vector<1x32x1024xf32>,
    %slice3A_536 = vector.extract_strided_slice %concatenate3A {offsets = [100, 0], sizes = [32, 1024], strides = [1, 1]} : vector<800x1024xf32> to vector<32x1024xf32>
    %swap3A_537 = arith.constant 2 : index
    %swap3A_538 = arith.constant 0 : index
    %swap3A_539 = arith.constant 0 : index
    %swap3A_540 = vector.load %arg10[%swap3A_537, %swap3A_538, %swap3A_539] : memref<16x32x1024xf32, #tpu.memory_space<vmem>>, vector<1x32x1024xf32>
    %swap3A_541 = vector.shape_cast %swap3A_540 : vector<1x32x1024xf32> to vector<32x1024xf32>
    %swap3A_542 = vector.shape_cast %slice3A_536 : vector<32x1024xf32> to vector<1x32x1024xf32>
    tpu.vector_store %arg10[%swap3A_537, %swap3A_538, %swap3A_539], %swap3A_542 {strides = array<i32>} : memref<16x32x1024xf32, #tpu.memory_space<vmem>>, vector<1x32x1024xf32>,
    %slice3A_543 = vector.extract_strided_slice %concatenate3A {offsets = [150, 0], sizes = [32, 1024], strides = [1, 1]} : vector<800x1024xf32> to vector<32x1024xf32>
    %swap3A_544 = arith.constant 3 : index
    %swap3A_545 = arith.constant 0 : index
    %swap3A_546 = arith.constant 0 : index
    %swap3A_547 = vector.load %arg10[%swap3A_544, %swap3A_545, %swap3A_546] : memref<16x32x1024xf32, #tpu.memory_space<vmem>>, vector<1x32x1024xf32>
    %swap3A_548 = vector.shape_cast %swap3A_547 : vector<1x32x1024xf32> to vector<32x1024xf32>
    %swap3A_549 = vector.shape_cast %slice3A_543 : vector<32x1024xf32> to vector<1x32x1024xf32>
    tpu.vector_store %arg10[%swap3A_544, %swap3A_545, %swap3A_546], %swap3A_549 {strides = array<i32>} : memref<16x32x1024xf32, #tpu.memory_space<vmem>>, vector<1x32x1024xf32>,
    %slice3A_550 = vector.extract_strided_slice %concatenate3A {offsets = [200, 0], sizes = [32, 1024], strides = [1, 1]} : vector<800x1024xf32> to vector<32x1024xf32>
    %swap3A_551 = arith.constant 4 : index
    %swap3A_552 = arith.constant 0 : index
    %swap3A_553 = arith.constant 0 : index
    %swap3A_554 = vector.load %arg10[%swap3A_551, %swap3A_552, %swap3A_553] : memref<16x32x1024xf32, #tpu.memory_space<vmem>>, vector<1x32x1024xf32>
    %swap3A_555 = vector.shape_cast %swap3A_554 : vector<1x32x1024xf32> to vector<32x1024xf32>
    %swap3A_556 = vector.shape_cast %slice3A_550 : vector<32x1024xf32> to vector<1x32x1024xf32>
    tpu.vector_store %arg10[%swap3A_551, %swap3A_552, %swap3A_553], %swap3A_556 {strides = array<i32>} : memref<16x32x1024xf32, #tpu.memory_space<vmem>>, vector<1x32x1024xf32>,
    %slice3A_557 = vector.extract_strided_slice %concatenate3A {offsets = [250, 0], sizes = [32, 1024], strides = [1, 1]} : vector<800x1024xf32> to vector<32x1024xf32>
    %swap3A_558 = arith.constant 5 : index
    %swap3A_559 = arith.constant 0 : index
    %swap3A_560 = arith.constant 0 : index
    %swap3A_561 = vector.load %arg10[%swap3A_558, %swap3A_559, %swap3A_560] : memref<16x32x1024xf32, #tpu.memory_space<vmem>>, vector<1x32x1024xf32>
    %swap3A_562 = vector.shape_cast %swap3A_561 : vector<1x32x1024xf32> to vector<32x1024xf32>
    %swap3A_563 = vector.shape_cast %slice3A_557 : vector<32x1024xf32> to vector<1x32x1024xf32>
    tpu.vector_store %arg10[%swap3A_558, %swap3A_559, %swap3A_560], %swap3A_563 {strides = array<i32>} : memref<16x32x1024xf32, #tpu.memory_space<vmem>>, vector<1x32x1024xf32>,
    %slice3A_564 = vector.extract_strided_slice %concatenate3A {offsets = [300, 0], sizes = [32, 1024], strides = [1, 1]} : vector<800x1024xf32> to vector<32x1024xf32>
    %swap3A_565 = arith.constant 6 : index
    %swap3A_566 = arith.constant 0 : index
    %swap3A_567 = arith.constant 0 : index
    %swap3A_568 = vector.load %arg10[%swap3A_565, %swap3A_566, %swap3A_567] : memref<16x32x1024xf32, #tpu.memory_space<vmem>>, vector<1x32x1024xf32>
    %swap3A_569 = vector.shape_cast %swap3A_568 : vector<1x32x1024xf32> to vector<32x1024xf32>
    %swap3A_570 = vector.shape_cast %slice3A_564 : vector<32x1024xf32> to vector<1x32x1024xf32>
    tpu.vector_store %arg10[%swap3A_565, %swap3A_566, %swap3A_567], %swap3A_570 {strides = array<i32>} : memref<16x32x1024xf32, #tpu.memory_space<vmem>>, vector<1x32x1024xf32>,
    %slice3A_571 = vector.extract_strided_slice %concatenate3A {offsets = [350, 0], sizes = [32, 1024], strides = [1, 1]} : vector<800x1024xf32> to vector<32x1024xf32>
    %swap3A_572 = arith.constant 7 : index
    %swap3A_573 = arith.constant 0 : index
    %swap3A_574 = arith.constant 0 : index
    %swap3A_575 = vector.load %arg10[%swap3A_572, %swap3A_573, %swap3A_574] : memref<16x32x1024xf32, #tpu.memory_space<vmem>>, vector<1x32x1024xf32>
    %swap3A_576 = vector.shape_cast %swap3A_575 : vector<1x32x1024xf32> to vector<32x1024xf32>
    %swap3A_577 = vector.shape_cast %slice3A_571 : vector<32x1024xf32> to vector<1x32x1024xf32>
    tpu.vector_store %arg10[%swap3A_572, %swap3A_573, %swap3A_574], %swap3A_577 {strides = array<i32>} : memref<16x32x1024xf32, #tpu.memory_space<vmem>>, vector<1x32x1024xf32>,
    %slice3A_578 = vector.extract_strided_slice %concatenate3A {offsets = [400, 0], sizes = [32, 1024], strides = [1, 1]} : vector<800x1024xf32> to vector<32x1024xf32>
    %swap3A_579 = arith.constant 8 : index
    %swap3A_580 = arith.constant 0 : index
    %swap3A_581 = arith.constant 0 : index
    %swap3A_582 = vector.load %arg10[%swap3A_579, %swap3A_580, %swap3A_581] : memref<16x32x1024xf32, #tpu.memory_space<vmem>>, vector<1x32x1024xf32>
    %swap3A_583 = vector.shape_cast %swap3A_582 : vector<1x32x1024xf32> to vector<32x1024xf32>
    %swap3A_584 = vector.shape_cast %slice3A_578 : vector<32x1024xf32> to vector<1x32x1024xf32>
    tpu.vector_store %arg10[%swap3A_579, %swap3A_580, %swap3A_581], %swap3A_584 {strides = array<i32>} : memref<16x32x1024xf32, #tpu.memory_space<vmem>>, vector<1x32x1024xf32>,
    %slice3A_585 = vector.extract_strided_slice %concatenate3A {offsets = [450, 0], sizes = [32, 1024], strides = [1, 1]} : vector<800x1024xf32> to vector<32x1024xf32>
    %swap3A_586 = arith.constant 9 : index
    %swap3A_587 = arith.constant 0 : index
    %swap3A_588 = arith.constant 0 : index
    %swap3A_589 = vector.load %arg10[%swap3A_586, %swap3A_587, %swap3A_588] : memref<16x32x1024xf32, #tpu.memory_space<vmem>>, vector<1x32x1024xf32>
    %swap3A_590 = vector.shape_cast %swap3A_589 : vector<1x32x1024xf32> to vector<32x1024xf32>
    %swap3A_591 = vector.shape_cast %slice3A_585 : vector<32x1024xf32> to vector<1x32x1024xf32>
    tpu.vector_store %arg10[%swap3A_586, %swap3A_587, %swap3A_588], %swap3A_591 {strides = array<i32>} : memref<16x32x1024xf32, #tpu.memory_space<vmem>>, vector<1x32x1024xf32>,
    %slice3A_592 = vector.extract_strided_slice %concatenate3A {offsets = [500, 0], sizes = [32, 1024], strides = [1, 1]} : vector<800x1024xf32> to vector<32x1024xf32>
    %swap3A_593 = arith.constant 10 : index
    %swap3A_594 = arith.constant 0 : index
    %swap3A_595 = arith.constant 0 : index
    %swap3A_596 = vector.load %arg10[%swap3A_593, %swap3A_594, %swap3A_595] : memref<16x32x1024xf32, #tpu.memory_space<vmem>>, vector<1x32x1024xf32>
    %swap3A_597 = vector.shape_cast %swap3A_596 : vector<1x32x1024xf32> to vector<32x1024xf32>
    %swap3A_598 = vector.shape_cast %slice3A_592 : vector<32x1024xf32> to vector<1x32x1024xf32>
    tpu.vector_store %arg10[%swap3A_593, %swap3A_594, %swap3A_595], %swap3A_598 {strides = array<i32>} : memref<16x32x1024xf32, #tpu.memory_space<vmem>>, vector<1x32x1024xf32>,
    %slice3A_599 = vector.extract_strided_slice %concatenate3A {offsets = [550, 0], sizes = [32, 1024], strides = [1, 1]} : vector<800x1024xf32> to vector<32x1024xf32>
    %swap3A_600 = arith.constant 11 : index
    %swap3A_601 = arith.constant 0 : index
    %swap3A_602 = arith.constant 0 : index
    %swap3A_603 = vector.load %arg10[%swap3A_600, %swap3A_601, %swap3A_602] : memref<16x32x1024xf32, #tpu.memory_space<vmem>>, vector<1x32x1024xf32>
    %swap3A_604 = vector.shape_cast %swap3A_603 : vector<1x32x1024xf32> to vector<32x1024xf32>
    %swap3A_605 = vector.shape_cast %slice3A_599 : vector<32x1024xf32> to vector<1x32x1024xf32>
    tpu.vector_store %arg10[%swap3A_600, %swap3A_601, %swap3A_602], %swap3A_605 {strides = array<i32>} : memref<16x32x1024xf32, #tpu.memory_space<vmem>>, vector<1x32x1024xf32>,
    %slice3A_606 = vector.extract_strided_slice %concatenate3A {offsets = [600, 0], sizes = [32, 1024], strides = [1, 1]} : vector<800x1024xf32> to vector<32x1024xf32>
    %swap3A_607 = arith.constant 12 : index
    %swap3A_608 = arith.constant 0 : index
    %swap3A_609 = arith.constant 0 : index
    %swap3A_610 = vector.load %arg10[%swap3A_607, %swap3A_608, %swap3A_609] : memref<16x32x1024xf32, #tpu.memory_space<vmem>>, vector<1x32x1024xf32>
    %swap3A_611 = vector.shape_cast %swap3A_610 : vector<1x32x1024xf32> to vector<32x1024xf32>
    %swap3A_612 = vector.shape_cast %slice3A_606 : vector<32x1024xf32> to vector<1x32x1024xf32>
    tpu.vector_store %arg10[%swap3A_607, %swap3A_608, %swap3A_609], %swap3A_612 {strides = array<i32>} : memref<16x32x1024xf32, #tpu.memory_space<vmem>>, vector<1x32x1024xf32>,
    %slice3A_613 = vector.extract_strided_slice %concatenate3A {offsets = [650, 0], sizes = [32, 1024], strides = [1, 1]} : vector<800x1024xf32> to vector<32x1024xf32>
    %swap3A_614 = arith.constant 13 : index
    %swap3A_615 = arith.constant 0 : index
    %swap3A_616 = arith.constant 0 : index
    %swap3A_617 = vector.load %arg10[%swap3A_614, %swap3A_615, %swap3A_616] : memref<16x32x1024xf32, #tpu.memory_space<vmem>>, vector<1x32x1024xf32>
    %swap3A_618 = vector.shape_cast %swap3A_617 : vector<1x32x1024xf32> to vector<32x1024xf32>
    %swap3A_619 = vector.shape_cast %slice3A_613 : vector<32x1024xf32> to vector<1x32x1024xf32>
    tpu.vector_store %arg10[%swap3A_614, %swap3A_615, %swap3A_616], %swap3A_619 {strides = array<i32>} : memref<16x32x1024xf32, #tpu.memory_space<vmem>>, vector<1x32x1024xf32>,
    %slice3A_620 = vector.extract_strided_slice %concatenate3A {offsets = [700, 0], sizes = [32, 1024], strides = [1, 1]} : vector<800x1024xf32> to vector<32x1024xf32>
    %swap3A_621 = arith.constant 14 : index
    %swap3A_622 = arith.constant 0 : index
    %swap3A_623 = arith.constant 0 : index
    %swap3A_624 = vector.load %arg10[%swap3A_621, %swap3A_622, %swap3A_623] : memref<16x32x1024xf32, #tpu.memory_space<vmem>>, vector<1x32x1024xf32>
    %swap3A_625 = vector.shape_cast %swap3A_624 : vector<1x32x1024xf32> to vector<32x1024xf32>
    %swap3A_626 = vector.shape_cast %slice3A_620 : vector<32x1024xf32> to vector<1x32x1024xf32>
    tpu.vector_store %arg10[%swap3A_621, %swap3A_622, %swap3A_623], %swap3A_626 {strides = array<i32>} : memref<16x32x1024xf32, #tpu.memory_space<vmem>>, vector<1x32x1024xf32>,
    %slice3A_627 = vector.extract_strided_slice %concatenate3A {offsets = [750, 0], sizes = [32, 1024], strides = [1, 1]} : vector<800x1024xf32> to vector<32x1024xf32>
    %swap3A_628 = arith.constant 15 : index
    %swap3A_629 = arith.constant 0 : index
    %swap3A_630 = arith.constant 0 : index
    %swap3A_631 = vector.load %arg10[%swap3A_628, %swap3A_629, %swap3A_630] : memref<16x32x1024xf32, #tpu.memory_space<vmem>>, vector<1x32x1024xf32>
    %swap3A_632 = vector.shape_cast %swap3A_631 : vector<1x32x1024xf32> to vector<32x1024xf32>
    %swap3A_633 = vector.shape_cast %slice3A_627 : vector<32x1024xf32> to vector<1x32x1024xf32>
    tpu.vector_store %arg10[%swap3A_628, %swap3A_629, %swap3A_630], %swap3A_633 {strides = array<i32>} : memref<16x32x1024xf32, #tpu.memory_space<vmem>>, vector<1x32x1024xf32>,
    return
  }
  func.func @transform_0(%arg0: i32) -> (i32, i32, i32) {
    %c0_i32 = arith.constant 0 : i32
    %c0_i32_0 = arith.constant 0 : i32
    %c0_i32_1 = arith.constant 0 : i32
    return %arg0, %c0_i32, %c0_i32_0 : i32, i32, i32
  }
  func.func @transform_1(%arg0: i32) -> (i32, i32, i32) {
    %c0_i32 = arith.constant 0 : i32
    %c0_i32_0 = arith.constant 0 : i32
    %c0_i32_1 = arith.constant 0 : i32
    %c0_i32_2 = arith.constant 0 : i32
    return %c0_i32, %c0_i32_0, %c0_i32_1 : i32, i32, i32
  }
  func.func @transform_2(%arg0: i32) -> (i32, i32) {
    %c0_i32 = arith.constant 0 : i32
    %c0_i32_0 = arith.constant 0 : i32
    %c0_i32_1 = arith.constant 0 : i32
    return %c0_i32, %c0_i32_0 : i32, i32
  }
  func.func @transform_3(%arg0: i32) -> (i32, i32, i32, i32) {
    %c0_i32 = arith.constant 0 : i32
    %c0_i32_0 = arith.constant 0 : i32
    %c0_i32_1 = arith.constant 0 : i32
    %c0_i32_2 = arith.constant 0 : i32
    %c0_i32_3 = arith.constant 0 : i32
    return %c0_i32, %c0_i32_0, %c0_i32_1, %c0_i32_2 : i32, i32, i32, i32
  }
  func.func @transform_4(%arg0: i32) -> (i32, i32) {
    %c0_i32 = arith.constant 0 : i32
    %c0_i32_0 = arith.constant 0 : i32
    %c0_i32_1 = arith.constant 0 : i32
    return %c0_i32, %c0_i32_0 : i32, i32
  }
  func.func @transform_5(%arg0: i32) -> (i32, i32, i32) {
    %c0_i32 = arith.constant 0 : i32
    %c0_i32_0 = arith.constant 0 : i32
    %c0_i32_1 = arith.constant 0 : i32
    %c0_i32_2 = arith.constant 0 : i32
    return %c0_i32, %c0_i32_0, %c0_i32_1 : i32, i32, i32
  }
  func.func @transform_6(%arg0: i32) -> (i32, i32) {
    %c0_i32 = arith.constant 0 : i32
    %c0_i32_0 = arith.constant 0 : i32
    %c0_i32_1 = arith.constant 0 : i32
    return %c0_i32, %c0_i32_0 : i32, i32
  }
  func.func @transform_7(%arg0: i32) -> (i32, i32, i32) {
    %c0_i32 = arith.constant 0 : i32
    %c0_i32_0 = arith.constant 0 : i32
    %c0_i32_1 = arith.constant 0 : i32
    %c0_i32_2 = arith.constant 0 : i32
    return %c0_i32, %c0_i32_0, %c0_i32_1 : i32, i32, i32
  }
  func.func @transform_8(%arg0: i32) -> (i32, i32) {
    %c0_i32 = arith.constant 0 : i32
    %c0_i32_0 = arith.constant 0 : i32
    %c0_i32_1 = arith.constant 0 : i32
    return %c0_i32, %c0_i32_0 : i32, i32
  }
  func.func @transform_9(%arg0: i32) -> (i32, i32, i32) {
    %c0_i32 = arith.constant 0 : i32
    %c0_i32_0 = arith.constant 0 : i32
    %c0_i32_1 = arith.constant 0 : i32
    return %arg0, %c0_i32, %c0_i32_0 : i32, i32, i32
  }
}

module attributes {stable_mosaic.version = 14 : i64} {
  func.func @body(%arg0: i32, %arg1: memref<16x64x512xf32, #tpu.memory_space<vmem>>, %arg2: memref<3x3x512x512xbf16, #tpu.memory_space<vmem>>, %arg3: memref<3x512xf32, #tpu.memory_space<vmem>>, %arg4: memref<3x512x512xbf16, #tpu.memory_space<vmem>>, %arg5: memref<3x512xf32, #tpu.memory_space<vmem>>, %arg6: memref<3x512x512xbf16, #tpu.memory_space<vmem>>, %arg7: memref<1x512xf32, #tpu.memory_space<vmem>>, %arg8: memref<16x64x1024xf32, #tpu.memory_space<vmem>>, %arg9: memref<1330x512xf32, #tpu.memory_space<vmem>>) attributes {dimension_semantics = [#tpu.dimension_semantics<parallel>], iteration_bounds = array<i64: 2>, scalar_prefetch = 0 : i64, scratch_operands = 1 : i64, tpu.core_type = #tpu.core_type<tc>, window_params = [{transform_indices = @transform_0, window_bounds = array<i64: 16, 64, 512>}, {pipeline_mode = #tpu.pipeline_mode<synchronous>, transform_indices = @transform_1, window_bounds = array<i64: 3, 3, 512, 512>}, {pipeline_mode = #tpu.pipeline_mode<synchronous>, transform_indices = @transform_2, window_bounds = array<i64: 3, 512>}, {pipeline_mode = #tpu.pipeline_mode<synchronous>, transform_indices = @transform_3, window_bounds = array<i64: 3, 512, 512>}, {pipeline_mode = #tpu.pipeline_mode<synchronous>, transform_indices = @transform_4, window_bounds = array<i64: 3, 512>}, {pipeline_mode = #tpu.pipeline_mode<synchronous>, transform_indices = @transform_5, window_bounds = array<i64: 3, 512, 512>}, {pipeline_mode = #tpu.pipeline_mode<synchronous>, transform_indices = @transform_6, window_bounds = array<i64: 1, 512>}, {transform_indices = @transform_7, window_bounds = array<i64: 16, 64, 1024>}]} {
    %broadcast_in_dim3A = arith.constant 0.000000e+00 : f32
    %broadcast_in_dim3A_0 = vector.broadcast %broadcast_in_dim3A : f32 to vector<1330x512xf32>
    %swap3A = arith.constant 0 : index
    %swap3A_1 = arith.constant 0 : index
    %swap3A_2 = vector.load %arg9[%swap3A, %swap3A_1] : memref<1330x512xf32, #tpu.memory_space<vmem>>, vector<1330x512xf32>
    tpu.vector_store %arg9[%swap3A, %swap3A_1], %broadcast_in_dim3A_0 {strides = array<i32>} : memref<1330x512xf32, #tpu.memory_space<vmem>>, vector<1330x512xf32>,
    %get3A = arith.constant 0 : index
    %get3A_3 = arith.constant 0 : index
    %get3A_4 = arith.constant 0 : index
    %get3A_5 = vector.load %arg1[%get3A, %get3A_3, %get3A_4] : memref<16x64x512xf32, #tpu.memory_space<vmem>>, vector<1x64x512xf32>
    %get3A_6 = vector.shape_cast %get3A_5 : vector<1x64x512xf32> to vector<64x512xf32>
    %swap3A_7 = arith.constant 9 : index
    %swap3A_8 = arith.constant 0 : index
    %swap3A_9 = vector.load %arg9[%swap3A_7, %swap3A_8] : memref<1330x512xf32, #tpu.memory_space<vmem>>, vector<64x512xf32>
    tpu.vector_store %arg9[%swap3A_7, %swap3A_8], %get3A_6 {strides = array<i32>} : memref<1330x512xf32, #tpu.memory_space<vmem>>, vector<64x512xf32>,
    %get3A_10 = arith.constant 1 : index
    %get3A_11 = arith.constant 0 : index
    %get3A_12 = arith.constant 0 : index
    %get3A_13 = vector.load %arg1[%get3A_10, %get3A_11, %get3A_12] : memref<16x64x512xf32, #tpu.memory_space<vmem>>, vector<1x64x512xf32>
    %get3A_14 = vector.shape_cast %get3A_13 : vector<1x64x512xf32> to vector<64x512xf32>
    %swap3A_15 = arith.constant 91 : index
    %swap3A_16 = arith.constant 0 : index
    %swap3A_17 = vector.load %arg9[%swap3A_15, %swap3A_16] : memref<1330x512xf32, #tpu.memory_space<vmem>>, vector<64x512xf32>
    tpu.vector_store %arg9[%swap3A_15, %swap3A_16], %get3A_14 {strides = array<i32>} : memref<1330x512xf32, #tpu.memory_space<vmem>>, vector<64x512xf32>,
    %get3A_18 = arith.constant 2 : index
    %get3A_19 = arith.constant 0 : index
    %get3A_20 = arith.constant 0 : index
    %get3A_21 = vector.load %arg1[%get3A_18, %get3A_19, %get3A_20] : memref<16x64x512xf32, #tpu.memory_space<vmem>>, vector<1x64x512xf32>
    %get3A_22 = vector.shape_cast %get3A_21 : vector<1x64x512xf32> to vector<64x512xf32>
    %swap3A_23 = arith.constant 173 : index
    %swap3A_24 = arith.constant 0 : index
    %swap3A_25 = vector.load %arg9[%swap3A_23, %swap3A_24] : memref<1330x512xf32, #tpu.memory_space<vmem>>, vector<64x512xf32>
    tpu.vector_store %arg9[%swap3A_23, %swap3A_24], %get3A_22 {strides = array<i32>} : memref<1330x512xf32, #tpu.memory_space<vmem>>, vector<64x512xf32>,
    %get3A_26 = arith.constant 3 : index
    %get3A_27 = arith.constant 0 : index
    %get3A_28 = arith.constant 0 : index
    %get3A_29 = vector.load %arg1[%get3A_26, %get3A_27, %get3A_28] : memref<16x64x512xf32, #tpu.memory_space<vmem>>, vector<1x64x512xf32>
    %get3A_30 = vector.shape_cast %get3A_29 : vector<1x64x512xf32> to vector<64x512xf32>
    %swap3A_31 = arith.constant 255 : index
    %swap3A_32 = arith.constant 0 : index
    %swap3A_33 = vector.load %arg9[%swap3A_31, %swap3A_32] : memref<1330x512xf32, #tpu.memory_space<vmem>>, vector<64x512xf32>
    tpu.vector_store %arg9[%swap3A_31, %swap3A_32], %get3A_30 {strides = array<i32>} : memref<1330x512xf32, #tpu.memory_space<vmem>>, vector<64x512xf32>,
    %get3A_34 = arith.constant 4 : index
    %get3A_35 = arith.constant 0 : index
    %get3A_36 = arith.constant 0 : index
    %get3A_37 = vector.load %arg1[%get3A_34, %get3A_35, %get3A_36] : memref<16x64x512xf32, #tpu.memory_space<vmem>>, vector<1x64x512xf32>
    %get3A_38 = vector.shape_cast %get3A_37 : vector<1x64x512xf32> to vector<64x512xf32>
    %swap3A_39 = arith.constant 337 : index
    %swap3A_40 = arith.constant 0 : index
    %swap3A_41 = vector.load %arg9[%swap3A_39, %swap3A_40] : memref<1330x512xf32, #tpu.memory_space<vmem>>, vector<64x512xf32>
    tpu.vector_store %arg9[%swap3A_39, %swap3A_40], %get3A_38 {strides = array<i32>} : memref<1330x512xf32, #tpu.memory_space<vmem>>, vector<64x512xf32>,
    %get3A_42 = arith.constant 5 : index
    %get3A_43 = arith.constant 0 : index
    %get3A_44 = arith.constant 0 : index
    %get3A_45 = vector.load %arg1[%get3A_42, %get3A_43, %get3A_44] : memref<16x64x512xf32, #tpu.memory_space<vmem>>, vector<1x64x512xf32>
    %get3A_46 = vector.shape_cast %get3A_45 : vector<1x64x512xf32> to vector<64x512xf32>
    %swap3A_47 = arith.constant 419 : index
    %swap3A_48 = arith.constant 0 : index
    %swap3A_49 = vector.load %arg9[%swap3A_47, %swap3A_48] : memref<1330x512xf32, #tpu.memory_space<vmem>>, vector<64x512xf32>
    tpu.vector_store %arg9[%swap3A_47, %swap3A_48], %get3A_46 {strides = array<i32>} : memref<1330x512xf32, #tpu.memory_space<vmem>>, vector<64x512xf32>,
    %get3A_50 = arith.constant 6 : index
    %get3A_51 = arith.constant 0 : index
    %get3A_52 = arith.constant 0 : index
    %get3A_53 = vector.load %arg1[%get3A_50, %get3A_51, %get3A_52] : memref<16x64x512xf32, #tpu.memory_space<vmem>>, vector<1x64x512xf32>
    %get3A_54 = vector.shape_cast %get3A_53 : vector<1x64x512xf32> to vector<64x512xf32>
    %swap3A_55 = arith.constant 501 : index
    %swap3A_56 = arith.constant 0 : index
    %swap3A_57 = vector.load %arg9[%swap3A_55, %swap3A_56] : memref<1330x512xf32, #tpu.memory_space<vmem>>, vector<64x512xf32>
    tpu.vector_store %arg9[%swap3A_55, %swap3A_56], %get3A_54 {strides = array<i32>} : memref<1330x512xf32, #tpu.memory_space<vmem>>, vector<64x512xf32>,
    %get3A_58 = arith.constant 7 : index
    %get3A_59 = arith.constant 0 : index
    %get3A_60 = arith.constant 0 : index
    %get3A_61 = vector.load %arg1[%get3A_58, %get3A_59, %get3A_60] : memref<16x64x512xf32, #tpu.memory_space<vmem>>, vector<1x64x512xf32>
    %get3A_62 = vector.shape_cast %get3A_61 : vector<1x64x512xf32> to vector<64x512xf32>
    %swap3A_63 = arith.constant 583 : index
    %swap3A_64 = arith.constant 0 : index
    %swap3A_65 = vector.load %arg9[%swap3A_63, %swap3A_64] : memref<1330x512xf32, #tpu.memory_space<vmem>>, vector<64x512xf32>
    tpu.vector_store %arg9[%swap3A_63, %swap3A_64], %get3A_62 {strides = array<i32>} : memref<1330x512xf32, #tpu.memory_space<vmem>>, vector<64x512xf32>,
    %get3A_66 = arith.constant 8 : index
    %get3A_67 = arith.constant 0 : index
    %get3A_68 = arith.constant 0 : index
    %get3A_69 = vector.load %arg1[%get3A_66, %get3A_67, %get3A_68] : memref<16x64x512xf32, #tpu.memory_space<vmem>>, vector<1x64x512xf32>
    %get3A_70 = vector.shape_cast %get3A_69 : vector<1x64x512xf32> to vector<64x512xf32>
    %swap3A_71 = arith.constant 665 : index
    %swap3A_72 = arith.constant 0 : index
    %swap3A_73 = vector.load %arg9[%swap3A_71, %swap3A_72] : memref<1330x512xf32, #tpu.memory_space<vmem>>, vector<64x512xf32>
    tpu.vector_store %arg9[%swap3A_71, %swap3A_72], %get3A_70 {strides = array<i32>} : memref<1330x512xf32, #tpu.memory_space<vmem>>, vector<64x512xf32>,
    %get3A_74 = arith.constant 9 : index
    %get3A_75 = arith.constant 0 : index
    %get3A_76 = arith.constant 0 : index
    %get3A_77 = vector.load %arg1[%get3A_74, %get3A_75, %get3A_76] : memref<16x64x512xf32, #tpu.memory_space<vmem>>, vector<1x64x512xf32>
    %get3A_78 = vector.shape_cast %get3A_77 : vector<1x64x512xf32> to vector<64x512xf32>
    %swap3A_79 = arith.constant 747 : index
    %swap3A_80 = arith.constant 0 : index
    %swap3A_81 = vector.load %arg9[%swap3A_79, %swap3A_80] : memref<1330x512xf32, #tpu.memory_space<vmem>>, vector<64x512xf32>
    tpu.vector_store %arg9[%swap3A_79, %swap3A_80], %get3A_78 {strides = array<i32>} : memref<1330x512xf32, #tpu.memory_space<vmem>>, vector<64x512xf32>,
    %get3A_82 = arith.constant 10 : index
    %get3A_83 = arith.constant 0 : index
    %get3A_84 = arith.constant 0 : index
    %get3A_85 = vector.load %arg1[%get3A_82, %get3A_83, %get3A_84] : memref<16x64x512xf32, #tpu.memory_space<vmem>>, vector<1x64x512xf32>
    %get3A_86 = vector.shape_cast %get3A_85 : vector<1x64x512xf32> to vector<64x512xf32>
    %swap3A_87 = arith.constant 829 : index
    %swap3A_88 = arith.constant 0 : index
    %swap3A_89 = vector.load %arg9[%swap3A_87, %swap3A_88] : memref<1330x512xf32, #tpu.memory_space<vmem>>, vector<64x512xf32>
    tpu.vector_store %arg9[%swap3A_87, %swap3A_88], %get3A_86 {strides = array<i32>} : memref<1330x512xf32, #tpu.memory_space<vmem>>, vector<64x512xf32>,
    %get3A_90 = arith.constant 11 : index
    %get3A_91 = arith.constant 0 : index
    %get3A_92 = arith.constant 0 : index
    %get3A_93 = vector.load %arg1[%get3A_90, %get3A_91, %get3A_92] : memref<16x64x512xf32, #tpu.memory_space<vmem>>, vector<1x64x512xf32>
    %get3A_94 = vector.shape_cast %get3A_93 : vector<1x64x512xf32> to vector<64x512xf32>
    %swap3A_95 = arith.constant 911 : index
    %swap3A_96 = arith.constant 0 : index
    %swap3A_97 = vector.load %arg9[%swap3A_95, %swap3A_96] : memref<1330x512xf32, #tpu.memory_space<vmem>>, vector<64x512xf32>
    tpu.vector_store %arg9[%swap3A_95, %swap3A_96], %get3A_94 {strides = array<i32>} : memref<1330x512xf32, #tpu.memory_space<vmem>>, vector<64x512xf32>,
    %get3A_98 = arith.constant 12 : index
    %get3A_99 = arith.constant 0 : index
    %get3A_100 = arith.constant 0 : index
    %get3A_101 = vector.load %arg1[%get3A_98, %get3A_99, %get3A_100] : memref<16x64x512xf32, #tpu.memory_space<vmem>>, vector<1x64x512xf32>
    %get3A_102 = vector.shape_cast %get3A_101 : vector<1x64x512xf32> to vector<64x512xf32>
    %swap3A_103 = arith.constant 993 : index
    %swap3A_104 = arith.constant 0 : index
    %swap3A_105 = vector.load %arg9[%swap3A_103, %swap3A_104] : memref<1330x512xf32, #tpu.memory_space<vmem>>, vector<64x512xf32>
    tpu.vector_store %arg9[%swap3A_103, %swap3A_104], %get3A_102 {strides = array<i32>} : memref<1330x512xf32, #tpu.memory_space<vmem>>, vector<64x512xf32>,
    %get3A_106 = arith.constant 13 : index
    %get3A_107 = arith.constant 0 : index
    %get3A_108 = arith.constant 0 : index
    %get3A_109 = vector.load %arg1[%get3A_106, %get3A_107, %get3A_108] : memref<16x64x512xf32, #tpu.memory_space<vmem>>, vector<1x64x512xf32>
    %get3A_110 = vector.shape_cast %get3A_109 : vector<1x64x512xf32> to vector<64x512xf32>
    %swap3A_111 = arith.constant 1075 : index
    %swap3A_112 = arith.constant 0 : index
    %swap3A_113 = vector.load %arg9[%swap3A_111, %swap3A_112] : memref<1330x512xf32, #tpu.memory_space<vmem>>, vector<64x512xf32>
    tpu.vector_store %arg9[%swap3A_111, %swap3A_112], %get3A_110 {strides = array<i32>} : memref<1330x512xf32, #tpu.memory_space<vmem>>, vector<64x512xf32>,
    %get3A_114 = arith.constant 14 : index
    %get3A_115 = arith.constant 0 : index
    %get3A_116 = arith.constant 0 : index
    %get3A_117 = vector.load %arg1[%get3A_114, %get3A_115, %get3A_116] : memref<16x64x512xf32, #tpu.memory_space<vmem>>, vector<1x64x512xf32>
    %get3A_118 = vector.shape_cast %get3A_117 : vector<1x64x512xf32> to vector<64x512xf32>
    %swap3A_119 = arith.constant 1157 : index
    %swap3A_120 = arith.constant 0 : index
    %swap3A_121 = vector.load %arg9[%swap3A_119, %swap3A_120] : memref<1330x512xf32, #tpu.memory_space<vmem>>, vector<64x512xf32>
    tpu.vector_store %arg9[%swap3A_119, %swap3A_120], %get3A_118 {strides = array<i32>} : memref<1330x512xf32, #tpu.memory_space<vmem>>, vector<64x512xf32>,
    %get3A_122 = arith.constant 15 : index
    %get3A_123 = arith.constant 0 : index
    %get3A_124 = arith.constant 0 : index
    %get3A_125 = vector.load %arg1[%get3A_122, %get3A_123, %get3A_124] : memref<16x64x512xf32, #tpu.memory_space<vmem>>, vector<1x64x512xf32>
    %get3A_126 = vector.shape_cast %get3A_125 : vector<1x64x512xf32> to vector<64x512xf32>
    %swap3A_127 = arith.constant 1239 : index
    %swap3A_128 = arith.constant 0 : index
    %swap3A_129 = vector.load %arg9[%swap3A_127, %swap3A_128] : memref<1330x512xf32, #tpu.memory_space<vmem>>, vector<64x512xf32>
    tpu.vector_store %arg9[%swap3A_127, %swap3A_128], %get3A_126 {strides = array<i32>} : memref<1330x512xf32, #tpu.memory_space<vmem>>, vector<64x512xf32>,
    %iota3A = tpu.iota {dimensions = array<i32: 0>} : vector<1312x1xi32>
    %rem3A = arith.constant 82 : i32
    %rem3A_130 = vector.broadcast %rem3A : i32 to vector<1312x1xi32>
    %rem3A_131 = arith.remsi %iota3A, %rem3A_130 : vector<1312x1xi32>
    %lt3A = arith.constant 64 : i32
    %lt3A_132 = vector.broadcast %lt3A : i32 to vector<1312x1xi32>
    %lt3A_133 = arith.cmpi slt, %rem3A_131, %lt3A_132 : vector<1312x1xi32>
    %get3A_134 = arith.constant 0 : index
    %get3A_135 = arith.constant 0 : index
    %get3A_136 = vector.load %arg3[%get3A_134, %get3A_135] : memref<3x512xf32, #tpu.memory_space<vmem>>, vector<1x512xf32>
    %get3A_137 = arith.constant 0 : index
    %get3A_138 = arith.constant 0 : index
    %get3A_139 = vector.load %arg5[%get3A_137, %get3A_138] : memref<3x512xf32, #tpu.memory_space<vmem>>, vector<1x512xf32>
    %get3A_140 = arith.constant 0 : index
    %get3A_141 = arith.constant 0 : index
    %get3A_142 = vector.load %arg9[%get3A_140, %get3A_141] : memref<1330x512xf32, #tpu.memory_space<vmem>>, vector<1330x512xf32>
    %max3A = arith.constant 0.000000e+00 : f32
    %max3A_143 = vector.broadcast %max3A : f32 to vector<1330x512xf32>
    %max3A_144 = arith.maximumf %get3A_142, %max3A_143 : vector<1330x512xf32>
    %convert_element_type3A = arith.truncf %max3A_144 : vector<1330x512xf32> to vector<1330x512xbf16>
    %slice3A = vector.extract_strided_slice %convert_element_type3A {offsets = [0, 0], sizes = [1312, 512], strides = [1, 1]} : vector<1330x512xbf16> to vector<1312x512xbf16>
    %get3A_145 = arith.constant 0 : index
    %get3A_146 = arith.constant 0 : index
    %get3A_147 = arith.constant 0 : index
    %get3A_148 = arith.constant 0 : index
    %get3A_149 = vector.load %arg2[%get3A_145, %get3A_146, %get3A_147, %get3A_148] : memref<3x3x512x512xbf16, #tpu.memory_space<vmem>>, vector<1x1x512x512xbf16>
    %get3A_150 = vector.shape_cast %get3A_149 : vector<1x1x512x512xbf16> to vector<512x512xbf16>
    %dot_general3A = arith.constant dense<0.000000e+00> : vector<1312x512xf32>
    %dot_general3A_151 = tpu.matmul %slice3A, %get3A_150, %dot_general3A {dimension_numbers = #tpu.dot_dimension_numbers<[1], [0], [0], [1], [0, 0, 1, 1], [], []>, transpose_lhs_hint = false} : vector<1312x512xbf16>, vector<512x512xbf16>, vector<1312x512xf32> -> vector<1312x512xf32>
    %add3A = vector.broadcast %get3A_136 : vector<1x512xf32> to vector<1312x512xf32>
    %add3A_152 = arith.addf %add3A, %dot_general3A_151 : vector<1312x512xf32>
    %slice3A_153 = vector.extract_strided_slice %convert_element_type3A {offsets = [9, 0], sizes = [1312, 512], strides = [1, 1]} : vector<1330x512xbf16> to vector<1312x512xbf16>
    %get3A_154 = arith.constant 0 : index
    %get3A_155 = arith.constant 1 : index
    %get3A_156 = arith.constant 0 : index
    %get3A_157 = arith.constant 0 : index
    %get3A_158 = vector.load %arg2[%get3A_154, %get3A_155, %get3A_156, %get3A_157] : memref<3x3x512x512xbf16, #tpu.memory_space<vmem>>, vector<1x1x512x512xbf16>
    %get3A_159 = vector.shape_cast %get3A_158 : vector<1x1x512x512xbf16> to vector<512x512xbf16>
    %dot_general3A_160 = arith.constant dense<0.000000e+00> : vector<1312x512xf32>
    %dot_general3A_161 = tpu.matmul %slice3A_153, %get3A_159, %dot_general3A_160 {dimension_numbers = #tpu.dot_dimension_numbers<[1], [0], [0], [1], [0, 0, 1, 1], [], []>, transpose_lhs_hint = false} : vector<1312x512xbf16>, vector<512x512xbf16>, vector<1312x512xf32> -> vector<1312x512xf32>
    %add3A_162 = arith.addf %add3A_152, %dot_general3A_161 : vector<1312x512xf32>
    %slice3A_163 = vector.extract_strided_slice %convert_element_type3A {offsets = [18, 0], sizes = [1312, 512], strides = [1, 1]} : vector<1330x512xbf16> to vector<1312x512xbf16>
    %get3A_164 = arith.constant 0 : index
    %get3A_165 = arith.constant 2 : index
    %get3A_166 = arith.constant 0 : index
    %get3A_167 = arith.constant 0 : index
    %get3A_168 = vector.load %arg2[%get3A_164, %get3A_165, %get3A_166, %get3A_167] : memref<3x3x512x512xbf16, #tpu.memory_space<vmem>>, vector<1x1x512x512xbf16>
    %get3A_169 = vector.shape_cast %get3A_168 : vector<1x1x512x512xbf16> to vector<512x512xbf16>
    %dot_general3A_170 = arith.constant dense<0.000000e+00> : vector<1312x512xf32>
    %dot_general3A_171 = tpu.matmul %slice3A_163, %get3A_169, %dot_general3A_170 {dimension_numbers = #tpu.dot_dimension_numbers<[1], [0], [0], [1], [0, 0, 1, 1], [], []>, transpose_lhs_hint = false} : vector<1312x512xbf16>, vector<512x512xbf16>, vector<1312x512xf32> -> vector<1312x512xf32>
    %add3A_172 = arith.addf %add3A_162, %dot_general3A_171 : vector<1312x512xf32>
    %max3A_173 = arith.constant 0.000000e+00 : f32
    %max3A_174 = vector.broadcast %max3A_173 : f32 to vector<1312x512xf32>
    %max3A_175 = arith.maximumf %add3A_172, %max3A_174 : vector<1312x512xf32>
    %convert_element_type3A_176 = arith.truncf %max3A_175 : vector<1312x512xf32> to vector<1312x512xbf16>
    %get3A_177 = arith.constant 9 : index
    %get3A_178 = arith.constant 0 : index
    %get3A_179 = vector.load %arg9[%get3A_177, %get3A_178] : memref<1330x512xf32, #tpu.memory_space<vmem>>, vector<1312x512xf32>
    %add3A_180 = vector.broadcast %get3A_139 : vector<1x512xf32> to vector<1312x512xf32>
    %add3A_181 = arith.addf %get3A_179, %add3A_180 : vector<1312x512xf32>
    %get3A_182 = arith.constant 0 : index
    %get3A_183 = arith.constant 0 : index
    %get3A_184 = arith.constant 0 : index
    %get3A_185 = vector.load %arg4[%get3A_182, %get3A_183, %get3A_184] : memref<3x512x512xbf16, #tpu.memory_space<vmem>>, vector<1x512x512xbf16>
    %get3A_186 = vector.shape_cast %get3A_185 : vector<1x512x512xbf16> to vector<512x512xbf16>
    %dot_general3A_187 = arith.constant dense<0.000000e+00> : vector<1312x512xf32>
    %dot_general3A_188 = tpu.matmul %convert_element_type3A_176, %get3A_186, %dot_general3A_187 {dimension_numbers = #tpu.dot_dimension_numbers<[1], [0], [0], [1], [0, 0, 1, 1], [], []>, transpose_lhs_hint = false} : vector<1312x512xbf16>, vector<512x512xbf16>, vector<1312x512xf32> -> vector<1312x512xf32>
    %add3A_189 = arith.addf %add3A_181, %dot_general3A_188 : vector<1312x512xf32>
    %jit3A = arith.constant 0.000000e+00 : f32
    %broadcast_in_dim3A_190 = vector.shape_cast %lt3A_133 : vector<1312x1xi1> to vector<1312x1xi1>
    %broadcast_in_dim3A_191 = vector.broadcast %broadcast_in_dim3A_190 : vector<1312x1xi1> to vector<1312x512xi1>
    %broadcast_in_dim3A_192 = vector.broadcast %jit3A : f32 to vector<1312x512xf32>
    %select_n3A = arith.select %broadcast_in_dim3A_191, %add3A_189, %broadcast_in_dim3A_192 : vector<1312x512xi1>, vector<1312x512xf32>
    %swap3A_193 = arith.constant 9 : index
    %swap3A_194 = arith.constant 0 : index
    %swap3A_195 = vector.load %arg9[%swap3A_193, %swap3A_194] : memref<1330x512xf32, #tpu.memory_space<vmem>>, vector<1312x512xf32>
    tpu.vector_store %arg9[%swap3A_193, %swap3A_194], %select_n3A {strides = array<i32>} : memref<1330x512xf32, #tpu.memory_space<vmem>>, vector<1312x512xf32>,
    %get3A_196 = arith.constant 1 : index
    %get3A_197 = arith.constant 0 : index
    %get3A_198 = vector.load %arg3[%get3A_196, %get3A_197] : memref<3x512xf32, #tpu.memory_space<vmem>>, vector<1x512xf32>
    %get3A_199 = arith.constant 1 : index
    %get3A_200 = arith.constant 0 : index
    %get3A_201 = vector.load %arg5[%get3A_199, %get3A_200] : memref<3x512xf32, #tpu.memory_space<vmem>>, vector<1x512xf32>
    %get3A_202 = arith.constant 0 : index
    %get3A_203 = arith.constant 0 : index
    %get3A_204 = vector.load %arg9[%get3A_202, %get3A_203] : memref<1330x512xf32, #tpu.memory_space<vmem>>, vector<1330x512xf32>
    %max3A_205 = arith.constant 0.000000e+00 : f32
    %max3A_206 = vector.broadcast %max3A_205 : f32 to vector<1330x512xf32>
    %max3A_207 = arith.maximumf %get3A_204, %max3A_206 : vector<1330x512xf32>
    %convert_element_type3A_208 = arith.truncf %max3A_207 : vector<1330x512xf32> to vector<1330x512xbf16>
    %slice3A_209 = vector.extract_strided_slice %convert_element_type3A_208 {offsets = [6, 0], sizes = [1312, 512], strides = [1, 1]} : vector<1330x512xbf16> to vector<1312x512xbf16>
    %get3A_210 = arith.constant 1 : index
    %get3A_211 = arith.constant 0 : index
    %get3A_212 = arith.constant 0 : index
    %get3A_213 = arith.constant 0 : index
    %get3A_214 = vector.load %arg2[%get3A_210, %get3A_211, %get3A_212, %get3A_213] : memref<3x3x512x512xbf16, #tpu.memory_space<vmem>>, vector<1x1x512x512xbf16>
    %get3A_215 = vector.shape_cast %get3A_214 : vector<1x1x512x512xbf16> to vector<512x512xbf16>
    %dot_general3A_216 = arith.constant dense<0.000000e+00> : vector<1312x512xf32>
    %dot_general3A_217 = tpu.matmul %slice3A_209, %get3A_215, %dot_general3A_216 {dimension_numbers = #tpu.dot_dimension_numbers<[1], [0], [0], [1], [0, 0, 1, 1], [], []>, transpose_lhs_hint = false} : vector<1312x512xbf16>, vector<512x512xbf16>, vector<1312x512xf32> -> vector<1312x512xf32>
    %add3A_218 = vector.broadcast %get3A_198 : vector<1x512xf32> to vector<1312x512xf32>
    %add3A_219 = arith.addf %add3A_218, %dot_general3A_217 : vector<1312x512xf32>
    %slice3A_220 = vector.extract_strided_slice %convert_element_type3A_208 {offsets = [9, 0], sizes = [1312, 512], strides = [1, 1]} : vector<1330x512xbf16> to vector<1312x512xbf16>
    %get3A_221 = arith.constant 1 : index
    %get3A_222 = arith.constant 1 : index
    %get3A_223 = arith.constant 0 : index
    %get3A_224 = arith.constant 0 : index
    %get3A_225 = vector.load %arg2[%get3A_221, %get3A_222, %get3A_223, %get3A_224] : memref<3x3x512x512xbf16, #tpu.memory_space<vmem>>, vector<1x1x512x512xbf16>
    %get3A_226 = vector.shape_cast %get3A_225 : vector<1x1x512x512xbf16> to vector<512x512xbf16>
    %dot_general3A_227 = arith.constant dense<0.000000e+00> : vector<1312x512xf32>
    %dot_general3A_228 = tpu.matmul %slice3A_220, %get3A_226, %dot_general3A_227 {dimension_numbers = #tpu.dot_dimension_numbers<[1], [0], [0], [1], [0, 0, 1, 1], [], []>, transpose_lhs_hint = false} : vector<1312x512xbf16>, vector<512x512xbf16>, vector<1312x512xf32> -> vector<1312x512xf32>
    %add3A_229 = arith.addf %add3A_219, %dot_general3A_228 : vector<1312x512xf32>
    %slice3A_230 = vector.extract_strided_slice %convert_element_type3A_208 {offsets = [12, 0], sizes = [1312, 512], strides = [1, 1]} : vector<1330x512xbf16> to vector<1312x512xbf16>
    %get3A_231 = arith.constant 1 : index
    %get3A_232 = arith.constant 2 : index
    %get3A_233 = arith.constant 0 : index
    %get3A_234 = arith.constant 0 : index
    %get3A_235 = vector.load %arg2[%get3A_231, %get3A_232, %get3A_233, %get3A_234] : memref<3x3x512x512xbf16, #tpu.memory_space<vmem>>, vector<1x1x512x512xbf16>
    %get3A_236 = vector.shape_cast %get3A_235 : vector<1x1x512x512xbf16> to vector<512x512xbf16>
    %dot_general3A_237 = arith.constant dense<0.000000e+00> : vector<1312x512xf32>
    %dot_general3A_238 = tpu.matmul %slice3A_230, %get3A_236, %dot_general3A_237 {dimension_numbers = #tpu.dot_dimension_numbers<[1], [0], [0], [1], [0, 0, 1, 1], [], []>, transpose_lhs_hint = false} : vector<1312x512xbf16>, vector<512x512xbf16>, vector<1312x512xf32> -> vector<1312x512xf32>
    %add3A_239 = arith.addf %add3A_229, %dot_general3A_238 : vector<1312x512xf32>
    %max3A_240 = arith.constant 0.000000e+00 : f32
    %max3A_241 = vector.broadcast %max3A_240 : f32 to vector<1312x512xf32>
    %max3A_242 = arith.maximumf %add3A_239, %max3A_241 : vector<1312x512xf32>
    %convert_element_type3A_243 = arith.truncf %max3A_242 : vector<1312x512xf32> to vector<1312x512xbf16>
    %get3A_244 = arith.constant 9 : index
    %get3A_245 = arith.constant 0 : index
    %get3A_246 = vector.load %arg9[%get3A_244, %get3A_245] : memref<1330x512xf32, #tpu.memory_space<vmem>>, vector<1312x512xf32>
    %add3A_247 = vector.broadcast %get3A_201 : vector<1x512xf32> to vector<1312x512xf32>
    %add3A_248 = arith.addf %get3A_246, %add3A_247 : vector<1312x512xf32>
    %get3A_249 = arith.constant 1 : index
    %get3A_250 = arith.constant 0 : index
    %get3A_251 = arith.constant 0 : index
    %get3A_252 = vector.load %arg4[%get3A_249, %get3A_250, %get3A_251] : memref<3x512x512xbf16, #tpu.memory_space<vmem>>, vector<1x512x512xbf16>
    %get3A_253 = vector.shape_cast %get3A_252 : vector<1x512x512xbf16> to vector<512x512xbf16>
    %dot_general3A_254 = arith.constant dense<0.000000e+00> : vector<1312x512xf32>
    %dot_general3A_255 = tpu.matmul %convert_element_type3A_243, %get3A_253, %dot_general3A_254 {dimension_numbers = #tpu.dot_dimension_numbers<[1], [0], [0], [1], [0, 0, 1, 1], [], []>, transpose_lhs_hint = false} : vector<1312x512xbf16>, vector<512x512xbf16>, vector<1312x512xf32> -> vector<1312x512xf32>
    %add3A_256 = arith.addf %add3A_248, %dot_general3A_255 : vector<1312x512xf32>
    %jit3A_257 = arith.constant 0.000000e+00 : f32
    %broadcast_in_dim3A_258 = vector.shape_cast %lt3A_133 : vector<1312x1xi1> to vector<1312x1xi1>
    %broadcast_in_dim3A_259 = vector.broadcast %broadcast_in_dim3A_258 : vector<1312x1xi1> to vector<1312x512xi1>
    %broadcast_in_dim3A_260 = vector.broadcast %jit3A_257 : f32 to vector<1312x512xf32>
    %select_n3A_261 = arith.select %broadcast_in_dim3A_259, %add3A_256, %broadcast_in_dim3A_260 : vector<1312x512xi1>, vector<1312x512xf32>
    %swap3A_262 = arith.constant 9 : index
    %swap3A_263 = arith.constant 0 : index
    %swap3A_264 = vector.load %arg9[%swap3A_262, %swap3A_263] : memref<1330x512xf32, #tpu.memory_space<vmem>>, vector<1312x512xf32>
    tpu.vector_store %arg9[%swap3A_262, %swap3A_263], %select_n3A_261 {strides = array<i32>} : memref<1330x512xf32, #tpu.memory_space<vmem>>, vector<1312x512xf32>,
    %get3A_265 = arith.constant 2 : index
    %get3A_266 = arith.constant 0 : index
    %get3A_267 = vector.load %arg3[%get3A_265, %get3A_266] : memref<3x512xf32, #tpu.memory_space<vmem>>, vector<1x512xf32>
    %get3A_268 = arith.constant 2 : index
    %get3A_269 = arith.constant 0 : index
    %get3A_270 = vector.load %arg5[%get3A_268, %get3A_269] : memref<3x512xf32, #tpu.memory_space<vmem>>, vector<1x512xf32>
    %get3A_271 = arith.constant 0 : index
    %get3A_272 = arith.constant 0 : index
    %get3A_273 = vector.load %arg9[%get3A_271, %get3A_272] : memref<1330x512xf32, #tpu.memory_space<vmem>>, vector<1330x512xf32>
    %max3A_274 = arith.constant 0.000000e+00 : f32
    %max3A_275 = vector.broadcast %max3A_274 : f32 to vector<1330x512xf32>
    %max3A_276 = arith.maximumf %get3A_273, %max3A_275 : vector<1330x512xf32>
    %convert_element_type3A_277 = arith.truncf %max3A_276 : vector<1330x512xf32> to vector<1330x512xbf16>
    %slice3A_278 = vector.extract_strided_slice %convert_element_type3A_277 {offsets = [8, 0], sizes = [1312, 512], strides = [1, 1]} : vector<1330x512xbf16> to vector<1312x512xbf16>
    %get3A_279 = arith.constant 2 : index
    %get3A_280 = arith.constant 0 : index
    %get3A_281 = arith.constant 0 : index
    %get3A_282 = arith.constant 0 : index
    %get3A_283 = vector.load %arg2[%get3A_279, %get3A_280, %get3A_281, %get3A_282] : memref<3x3x512x512xbf16, #tpu.memory_space<vmem>>, vector<1x1x512x512xbf16>
    %get3A_284 = vector.shape_cast %get3A_283 : vector<1x1x512x512xbf16> to vector<512x512xbf16>
    %dot_general3A_285 = arith.constant dense<0.000000e+00> : vector<1312x512xf32>
    %dot_general3A_286 = tpu.matmul %slice3A_278, %get3A_284, %dot_general3A_285 {dimension_numbers = #tpu.dot_dimension_numbers<[1], [0], [0], [1], [0, 0, 1, 1], [], []>, transpose_lhs_hint = false} : vector<1312x512xbf16>, vector<512x512xbf16>, vector<1312x512xf32> -> vector<1312x512xf32>
    %add3A_287 = vector.broadcast %get3A_267 : vector<1x512xf32> to vector<1312x512xf32>
    %add3A_288 = arith.addf %add3A_287, %dot_general3A_286 : vector<1312x512xf32>
    %slice3A_289 = vector.extract_strided_slice %convert_element_type3A_277 {offsets = [9, 0], sizes = [1312, 512], strides = [1, 1]} : vector<1330x512xbf16> to vector<1312x512xbf16>
    %get3A_290 = arith.constant 2 : index
    %get3A_291 = arith.constant 1 : index
    %get3A_292 = arith.constant 0 : index
    %get3A_293 = arith.constant 0 : index
    %get3A_294 = vector.load %arg2[%get3A_290, %get3A_291, %get3A_292, %get3A_293] : memref<3x3x512x512xbf16, #tpu.memory_space<vmem>>, vector<1x1x512x512xbf16>
    %get3A_295 = vector.shape_cast %get3A_294 : vector<1x1x512x512xbf16> to vector<512x512xbf16>
    %dot_general3A_296 = arith.constant dense<0.000000e+00> : vector<1312x512xf32>
    %dot_general3A_297 = tpu.matmul %slice3A_289, %get3A_295, %dot_general3A_296 {dimension_numbers = #tpu.dot_dimension_numbers<[1], [0], [0], [1], [0, 0, 1, 1], [], []>, transpose_lhs_hint = false} : vector<1312x512xbf16>, vector<512x512xbf16>, vector<1312x512xf32> -> vector<1312x512xf32>
    %add3A_298 = arith.addf %add3A_288, %dot_general3A_297 : vector<1312x512xf32>
    %slice3A_299 = vector.extract_strided_slice %convert_element_type3A_277 {offsets = [10, 0], sizes = [1312, 512], strides = [1, 1]} : vector<1330x512xbf16> to vector<1312x512xbf16>
    %get3A_300 = arith.constant 2 : index
    %get3A_301 = arith.constant 2 : index
    %get3A_302 = arith.constant 0 : index
    %get3A_303 = arith.constant 0 : index
    %get3A_304 = vector.load %arg2[%get3A_300, %get3A_301, %get3A_302, %get3A_303] : memref<3x3x512x512xbf16, #tpu.memory_space<vmem>>, vector<1x1x512x512xbf16>
    %get3A_305 = vector.shape_cast %get3A_304 : vector<1x1x512x512xbf16> to vector<512x512xbf16>
    %dot_general3A_306 = arith.constant dense<0.000000e+00> : vector<1312x512xf32>
    %dot_general3A_307 = tpu.matmul %slice3A_299, %get3A_305, %dot_general3A_306 {dimension_numbers = #tpu.dot_dimension_numbers<[1], [0], [0], [1], [0, 0, 1, 1], [], []>, transpose_lhs_hint = false} : vector<1312x512xbf16>, vector<512x512xbf16>, vector<1312x512xf32> -> vector<1312x512xf32>
    %add3A_308 = arith.addf %add3A_298, %dot_general3A_307 : vector<1312x512xf32>
    %max3A_309 = arith.constant 0.000000e+00 : f32
    %max3A_310 = vector.broadcast %max3A_309 : f32 to vector<1312x512xf32>
    %max3A_311 = arith.maximumf %add3A_308, %max3A_310 : vector<1312x512xf32>
    %convert_element_type3A_312 = arith.truncf %max3A_311 : vector<1312x512xf32> to vector<1312x512xbf16>
    %get3A_313 = arith.constant 9 : index
    %get3A_314 = arith.constant 0 : index
    %get3A_315 = vector.load %arg9[%get3A_313, %get3A_314] : memref<1330x512xf32, #tpu.memory_space<vmem>>, vector<1312x512xf32>
    %add3A_316 = vector.broadcast %get3A_270 : vector<1x512xf32> to vector<1312x512xf32>
    %add3A_317 = arith.addf %get3A_315, %add3A_316 : vector<1312x512xf32>
    %get3A_318 = arith.constant 2 : index
    %get3A_319 = arith.constant 0 : index
    %get3A_320 = arith.constant 0 : index
    %get3A_321 = vector.load %arg4[%get3A_318, %get3A_319, %get3A_320] : memref<3x512x512xbf16, #tpu.memory_space<vmem>>, vector<1x512x512xbf16>
    %get3A_322 = vector.shape_cast %get3A_321 : vector<1x512x512xbf16> to vector<512x512xbf16>
    %dot_general3A_323 = arith.constant dense<0.000000e+00> : vector<1312x512xf32>
    %dot_general3A_324 = tpu.matmul %convert_element_type3A_312, %get3A_322, %dot_general3A_323 {dimension_numbers = #tpu.dot_dimension_numbers<[1], [0], [0], [1], [0, 0, 1, 1], [], []>, transpose_lhs_hint = false} : vector<1312x512xbf16>, vector<512x512xbf16>, vector<1312x512xf32> -> vector<1312x512xf32>
    %add3A_325 = arith.addf %add3A_317, %dot_general3A_324 : vector<1312x512xf32>
    %jit3A_326 = arith.constant 0.000000e+00 : f32
    %broadcast_in_dim3A_327 = vector.shape_cast %lt3A_133 : vector<1312x1xi1> to vector<1312x1xi1>
    %broadcast_in_dim3A_328 = vector.broadcast %broadcast_in_dim3A_327 : vector<1312x1xi1> to vector<1312x512xi1>
    %broadcast_in_dim3A_329 = vector.broadcast %jit3A_326 : f32 to vector<1312x512xf32>
    %select_n3A_330 = arith.select %broadcast_in_dim3A_328, %add3A_325, %broadcast_in_dim3A_329 : vector<1312x512xi1>, vector<1312x512xf32>
    %swap3A_331 = arith.constant 9 : index
    %swap3A_332 = arith.constant 0 : index
    %swap3A_333 = vector.load %arg9[%swap3A_331, %swap3A_332] : memref<1330x512xf32, #tpu.memory_space<vmem>>, vector<1312x512xf32>
    tpu.vector_store %arg9[%swap3A_331, %swap3A_332], %select_n3A_330 {strides = array<i32>} : memref<1330x512xf32, #tpu.memory_space<vmem>>, vector<1312x512xf32>,
    %get3A_334 = arith.constant 0 : index
    %get3A_335 = arith.constant 0 : index
    %get3A_336 = vector.load %arg9[%get3A_334, %get3A_335] : memref<1330x512xf32, #tpu.memory_space<vmem>>, vector<1330x512xf32>
    %convert_element_type3A_337 = arith.truncf %get3A_336 : vector<1330x512xf32> to vector<1330x512xbf16>
    %slice3A_338 = vector.extract_strided_slice %convert_element_type3A_337 {offsets = [8, 0], sizes = [1312, 512], strides = [1, 1]} : vector<1330x512xbf16> to vector<1312x512xbf16>
    %slice3A_339 = vector.extract_strided_slice %convert_element_type3A_337 {offsets = [9, 0], sizes = [1312, 512], strides = [1, 1]} : vector<1330x512xbf16> to vector<1312x512xbf16>
    %slice3A_340 = vector.extract_strided_slice %convert_element_type3A_337 {offsets = [10, 0], sizes = [1312, 512], strides = [1, 1]} : vector<1330x512xbf16> to vector<1312x512xbf16>
    %get3A_341 = arith.constant 0 : index
    %get3A_342 = arith.constant 0 : index
    %get3A_343 = vector.load %arg7[%get3A_341, %get3A_342] : memref<1x512xf32, #tpu.memory_space<vmem>>, vector<1x512xf32>
    %get3A_344 = arith.constant 0 : index
    %get3A_345 = arith.constant 0 : index
    %get3A_346 = arith.constant 0 : index
    %get3A_347 = vector.load %arg6[%get3A_344, %get3A_345, %get3A_346] : memref<3x512x512xbf16, #tpu.memory_space<vmem>>, vector<1x512x512xbf16>
    %get3A_348 = vector.shape_cast %get3A_347 : vector<1x512x512xbf16> to vector<512x512xbf16>
    %dot_general3A_349 = arith.constant dense<0.000000e+00> : vector<1312x512xf32>
    %dot_general3A_350 = tpu.matmul %slice3A_338, %get3A_348, %dot_general3A_349 {dimension_numbers = #tpu.dot_dimension_numbers<[1], [0], [0], [1], [0, 0, 1, 1], [], []>, transpose_lhs_hint = false} : vector<1312x512xbf16>, vector<512x512xbf16>, vector<1312x512xf32> -> vector<1312x512xf32>
    %add3A_351 = vector.broadcast %get3A_343 : vector<1x512xf32> to vector<1312x512xf32>
    %add3A_352 = arith.addf %add3A_351, %dot_general3A_350 : vector<1312x512xf32>
    %get3A_353 = arith.constant 1 : index
    %get3A_354 = arith.constant 0 : index
    %get3A_355 = arith.constant 0 : index
    %get3A_356 = vector.load %arg6[%get3A_353, %get3A_354, %get3A_355] : memref<3x512x512xbf16, #tpu.memory_space<vmem>>, vector<1x512x512xbf16>
    %get3A_357 = vector.shape_cast %get3A_356 : vector<1x512x512xbf16> to vector<512x512xbf16>
    %dot_general3A_358 = arith.constant dense<0.000000e+00> : vector<1312x512xf32>
    %dot_general3A_359 = tpu.matmul %slice3A_339, %get3A_357, %dot_general3A_358 {dimension_numbers = #tpu.dot_dimension_numbers<[1], [0], [0], [1], [0, 0, 1, 1], [], []>, transpose_lhs_hint = false} : vector<1312x512xbf16>, vector<512x512xbf16>, vector<1312x512xf32> -> vector<1312x512xf32>
    %add3A_360 = arith.addf %add3A_352, %dot_general3A_359 : vector<1312x512xf32>
    %get3A_361 = arith.constant 2 : index
    %get3A_362 = arith.constant 0 : index
    %get3A_363 = arith.constant 0 : index
    %get3A_364 = vector.load %arg6[%get3A_361, %get3A_362, %get3A_363] : memref<3x512x512xbf16, #tpu.memory_space<vmem>>, vector<1x512x512xbf16>
    %get3A_365 = vector.shape_cast %get3A_364 : vector<1x512x512xbf16> to vector<512x512xbf16>
    %dot_general3A_366 = arith.constant dense<0.000000e+00> : vector<1312x512xf32>
    %dot_general3A_367 = tpu.matmul %slice3A_339, %get3A_365, %dot_general3A_366 {dimension_numbers = #tpu.dot_dimension_numbers<[1], [0], [0], [1], [0, 0, 1, 1], [], []>, transpose_lhs_hint = false} : vector<1312x512xbf16>, vector<512x512xbf16>, vector<1312x512xf32> -> vector<1312x512xf32>
    %add3A_368 = arith.addf %add3A_360, %dot_general3A_367 : vector<1312x512xf32>
    %get3A_369 = arith.constant 0 : index
    %get3A_370 = arith.constant 0 : index
    %get3A_371 = vector.load %arg7[%get3A_369, %get3A_370] : memref<1x512xf32, #tpu.memory_space<vmem>>, vector<1x512xf32>
    %get3A_372 = arith.constant 0 : index
    %get3A_373 = arith.constant 0 : index
    %get3A_374 = arith.constant 0 : index
    %get3A_375 = vector.load %arg6[%get3A_372, %get3A_373, %get3A_374] : memref<3x512x512xbf16, #tpu.memory_space<vmem>>, vector<1x512x512xbf16>
    %get3A_376 = vector.shape_cast %get3A_375 : vector<1x512x512xbf16> to vector<512x512xbf16>
    %dot_general3A_377 = arith.constant dense<0.000000e+00> : vector<1312x512xf32>
    %dot_general3A_378 = tpu.matmul %slice3A_339, %get3A_376, %dot_general3A_377 {dimension_numbers = #tpu.dot_dimension_numbers<[1], [0], [0], [1], [0, 0, 1, 1], [], []>, transpose_lhs_hint = false} : vector<1312x512xbf16>, vector<512x512xbf16>, vector<1312x512xf32> -> vector<1312x512xf32>
    %add3A_379 = vector.broadcast %get3A_371 : vector<1x512xf32> to vector<1312x512xf32>
    %add3A_380 = arith.addf %add3A_379, %dot_general3A_378 : vector<1312x512xf32>
    %get3A_381 = arith.constant 1 : index
    %get3A_382 = arith.constant 0 : index
    %get3A_383 = arith.constant 0 : index
    %get3A_384 = vector.load %arg6[%get3A_381, %get3A_382, %get3A_383] : memref<3x512x512xbf16, #tpu.memory_space<vmem>>, vector<1x512x512xbf16>
    %get3A_385 = vector.shape_cast %get3A_384 : vector<1x512x512xbf16> to vector<512x512xbf16>
    %dot_general3A_386 = arith.constant dense<0.000000e+00> : vector<1312x512xf32>
    %dot_general3A_387 = tpu.matmul %slice3A_339, %get3A_385, %dot_general3A_386 {dimension_numbers = #tpu.dot_dimension_numbers<[1], [0], [0], [1], [0, 0, 1, 1], [], []>, transpose_lhs_hint = false} : vector<1312x512xbf16>, vector<512x512xbf16>, vector<1312x512xf32> -> vector<1312x512xf32>
    %add3A_388 = arith.addf %add3A_380, %dot_general3A_387 : vector<1312x512xf32>
    %get3A_389 = arith.constant 2 : index
    %get3A_390 = arith.constant 0 : index
    %get3A_391 = arith.constant 0 : index
    %get3A_392 = vector.load %arg6[%get3A_389, %get3A_390, %get3A_391] : memref<3x512x512xbf16, #tpu.memory_space<vmem>>, vector<1x512x512xbf16>
    %get3A_393 = vector.shape_cast %get3A_392 : vector<1x512x512xbf16> to vector<512x512xbf16>
    %dot_general3A_394 = arith.constant dense<0.000000e+00> : vector<1312x512xf32>
    %dot_general3A_395 = tpu.matmul %slice3A_340, %get3A_393, %dot_general3A_394 {dimension_numbers = #tpu.dot_dimension_numbers<[1], [0], [0], [1], [0, 0, 1, 1], [], []>, transpose_lhs_hint = false} : vector<1312x512xbf16>, vector<512x512xbf16>, vector<1312x512xf32> -> vector<1312x512xf32>
    %add3A_396 = arith.addf %add3A_388, %dot_general3A_395 : vector<1312x512xf32>
    %concatenate3A = tpu.concatenate %add3A_368, %add3A_396 in 1 : vector<1312x512xf32>, vector<1312x512xf32> -> vector<1312x1024xf32>
    %slice3A_397 = vector.extract_strided_slice %concatenate3A {offsets = [0, 0], sizes = [64, 1024], strides = [1, 1]} : vector<1312x1024xf32> to vector<64x1024xf32>
    %swap3A_398 = arith.constant 0 : index
    %swap3A_399 = arith.constant 0 : index
    %swap3A_400 = arith.constant 0 : index
    %swap3A_401 = vector.load %arg8[%swap3A_398, %swap3A_399, %swap3A_400] : memref<16x64x1024xf32, #tpu.memory_space<vmem>>, vector<1x64x1024xf32>
    %swap3A_402 = vector.shape_cast %swap3A_401 : vector<1x64x1024xf32> to vector<64x1024xf32>
    %swap3A_403 = vector.shape_cast %slice3A_397 : vector<64x1024xf32> to vector<1x64x1024xf32>
    tpu.vector_store %arg8[%swap3A_398, %swap3A_399, %swap3A_400], %swap3A_403 {strides = array<i32>} : memref<16x64x1024xf32, #tpu.memory_space<vmem>>, vector<1x64x1024xf32>,
    %slice3A_404 = vector.extract_strided_slice %concatenate3A {offsets = [82, 0], sizes = [64, 1024], strides = [1, 1]} : vector<1312x1024xf32> to vector<64x1024xf32>
    %swap3A_405 = arith.constant 1 : index
    %swap3A_406 = arith.constant 0 : index
    %swap3A_407 = arith.constant 0 : index
    %swap3A_408 = vector.load %arg8[%swap3A_405, %swap3A_406, %swap3A_407] : memref<16x64x1024xf32, #tpu.memory_space<vmem>>, vector<1x64x1024xf32>
    %swap3A_409 = vector.shape_cast %swap3A_408 : vector<1x64x1024xf32> to vector<64x1024xf32>
    %swap3A_410 = vector.shape_cast %slice3A_404 : vector<64x1024xf32> to vector<1x64x1024xf32>
    tpu.vector_store %arg8[%swap3A_405, %swap3A_406, %swap3A_407], %swap3A_410 {strides = array<i32>} : memref<16x64x1024xf32, #tpu.memory_space<vmem>>, vector<1x64x1024xf32>,
    %slice3A_411 = vector.extract_strided_slice %concatenate3A {offsets = [164, 0], sizes = [64, 1024], strides = [1, 1]} : vector<1312x1024xf32> to vector<64x1024xf32>
    %swap3A_412 = arith.constant 2 : index
    %swap3A_413 = arith.constant 0 : index
    %swap3A_414 = arith.constant 0 : index
    %swap3A_415 = vector.load %arg8[%swap3A_412, %swap3A_413, %swap3A_414] : memref<16x64x1024xf32, #tpu.memory_space<vmem>>, vector<1x64x1024xf32>
    %swap3A_416 = vector.shape_cast %swap3A_415 : vector<1x64x1024xf32> to vector<64x1024xf32>
    %swap3A_417 = vector.shape_cast %slice3A_411 : vector<64x1024xf32> to vector<1x64x1024xf32>
    tpu.vector_store %arg8[%swap3A_412, %swap3A_413, %swap3A_414], %swap3A_417 {strides = array<i32>} : memref<16x64x1024xf32, #tpu.memory_space<vmem>>, vector<1x64x1024xf32>,
    %slice3A_418 = vector.extract_strided_slice %concatenate3A {offsets = [246, 0], sizes = [64, 1024], strides = [1, 1]} : vector<1312x1024xf32> to vector<64x1024xf32>
    %swap3A_419 = arith.constant 3 : index
    %swap3A_420 = arith.constant 0 : index
    %swap3A_421 = arith.constant 0 : index
    %swap3A_422 = vector.load %arg8[%swap3A_419, %swap3A_420, %swap3A_421] : memref<16x64x1024xf32, #tpu.memory_space<vmem>>, vector<1x64x1024xf32>
    %swap3A_423 = vector.shape_cast %swap3A_422 : vector<1x64x1024xf32> to vector<64x1024xf32>
    %swap3A_424 = vector.shape_cast %slice3A_418 : vector<64x1024xf32> to vector<1x64x1024xf32>
    tpu.vector_store %arg8[%swap3A_419, %swap3A_420, %swap3A_421], %swap3A_424 {strides = array<i32>} : memref<16x64x1024xf32, #tpu.memory_space<vmem>>, vector<1x64x1024xf32>,
    %slice3A_425 = vector.extract_strided_slice %concatenate3A {offsets = [328, 0], sizes = [64, 1024], strides = [1, 1]} : vector<1312x1024xf32> to vector<64x1024xf32>
    %swap3A_426 = arith.constant 4 : index
    %swap3A_427 = arith.constant 0 : index
    %swap3A_428 = arith.constant 0 : index
    %swap3A_429 = vector.load %arg8[%swap3A_426, %swap3A_427, %swap3A_428] : memref<16x64x1024xf32, #tpu.memory_space<vmem>>, vector<1x64x1024xf32>
    %swap3A_430 = vector.shape_cast %swap3A_429 : vector<1x64x1024xf32> to vector<64x1024xf32>
    %swap3A_431 = vector.shape_cast %slice3A_425 : vector<64x1024xf32> to vector<1x64x1024xf32>
    tpu.vector_store %arg8[%swap3A_426, %swap3A_427, %swap3A_428], %swap3A_431 {strides = array<i32>} : memref<16x64x1024xf32, #tpu.memory_space<vmem>>, vector<1x64x1024xf32>,
    %slice3A_432 = vector.extract_strided_slice %concatenate3A {offsets = [410, 0], sizes = [64, 1024], strides = [1, 1]} : vector<1312x1024xf32> to vector<64x1024xf32>
    %swap3A_433 = arith.constant 5 : index
    %swap3A_434 = arith.constant 0 : index
    %swap3A_435 = arith.constant 0 : index
    %swap3A_436 = vector.load %arg8[%swap3A_433, %swap3A_434, %swap3A_435] : memref<16x64x1024xf32, #tpu.memory_space<vmem>>, vector<1x64x1024xf32>
    %swap3A_437 = vector.shape_cast %swap3A_436 : vector<1x64x1024xf32> to vector<64x1024xf32>
    %swap3A_438 = vector.shape_cast %slice3A_432 : vector<64x1024xf32> to vector<1x64x1024xf32>
    tpu.vector_store %arg8[%swap3A_433, %swap3A_434, %swap3A_435], %swap3A_438 {strides = array<i32>} : memref<16x64x1024xf32, #tpu.memory_space<vmem>>, vector<1x64x1024xf32>,
    %slice3A_439 = vector.extract_strided_slice %concatenate3A {offsets = [492, 0], sizes = [64, 1024], strides = [1, 1]} : vector<1312x1024xf32> to vector<64x1024xf32>
    %swap3A_440 = arith.constant 6 : index
    %swap3A_441 = arith.constant 0 : index
    %swap3A_442 = arith.constant 0 : index
    %swap3A_443 = vector.load %arg8[%swap3A_440, %swap3A_441, %swap3A_442] : memref<16x64x1024xf32, #tpu.memory_space<vmem>>, vector<1x64x1024xf32>
    %swap3A_444 = vector.shape_cast %swap3A_443 : vector<1x64x1024xf32> to vector<64x1024xf32>
    %swap3A_445 = vector.shape_cast %slice3A_439 : vector<64x1024xf32> to vector<1x64x1024xf32>
    tpu.vector_store %arg8[%swap3A_440, %swap3A_441, %swap3A_442], %swap3A_445 {strides = array<i32>} : memref<16x64x1024xf32, #tpu.memory_space<vmem>>, vector<1x64x1024xf32>,
    %slice3A_446 = vector.extract_strided_slice %concatenate3A {offsets = [574, 0], sizes = [64, 1024], strides = [1, 1]} : vector<1312x1024xf32> to vector<64x1024xf32>
    %swap3A_447 = arith.constant 7 : index
    %swap3A_448 = arith.constant 0 : index
    %swap3A_449 = arith.constant 0 : index
    %swap3A_450 = vector.load %arg8[%swap3A_447, %swap3A_448, %swap3A_449] : memref<16x64x1024xf32, #tpu.memory_space<vmem>>, vector<1x64x1024xf32>
    %swap3A_451 = vector.shape_cast %swap3A_450 : vector<1x64x1024xf32> to vector<64x1024xf32>
    %swap3A_452 = vector.shape_cast %slice3A_446 : vector<64x1024xf32> to vector<1x64x1024xf32>
    tpu.vector_store %arg8[%swap3A_447, %swap3A_448, %swap3A_449], %swap3A_452 {strides = array<i32>} : memref<16x64x1024xf32, #tpu.memory_space<vmem>>, vector<1x64x1024xf32>,
    %slice3A_453 = vector.extract_strided_slice %concatenate3A {offsets = [656, 0], sizes = [64, 1024], strides = [1, 1]} : vector<1312x1024xf32> to vector<64x1024xf32>
    %swap3A_454 = arith.constant 8 : index
    %swap3A_455 = arith.constant 0 : index
    %swap3A_456 = arith.constant 0 : index
    %swap3A_457 = vector.load %arg8[%swap3A_454, %swap3A_455, %swap3A_456] : memref<16x64x1024xf32, #tpu.memory_space<vmem>>, vector<1x64x1024xf32>
    %swap3A_458 = vector.shape_cast %swap3A_457 : vector<1x64x1024xf32> to vector<64x1024xf32>
    %swap3A_459 = vector.shape_cast %slice3A_453 : vector<64x1024xf32> to vector<1x64x1024xf32>
    tpu.vector_store %arg8[%swap3A_454, %swap3A_455, %swap3A_456], %swap3A_459 {strides = array<i32>} : memref<16x64x1024xf32, #tpu.memory_space<vmem>>, vector<1x64x1024xf32>,
    %slice3A_460 = vector.extract_strided_slice %concatenate3A {offsets = [738, 0], sizes = [64, 1024], strides = [1, 1]} : vector<1312x1024xf32> to vector<64x1024xf32>
    %swap3A_461 = arith.constant 9 : index
    %swap3A_462 = arith.constant 0 : index
    %swap3A_463 = arith.constant 0 : index
    %swap3A_464 = vector.load %arg8[%swap3A_461, %swap3A_462, %swap3A_463] : memref<16x64x1024xf32, #tpu.memory_space<vmem>>, vector<1x64x1024xf32>
    %swap3A_465 = vector.shape_cast %swap3A_464 : vector<1x64x1024xf32> to vector<64x1024xf32>
    %swap3A_466 = vector.shape_cast %slice3A_460 : vector<64x1024xf32> to vector<1x64x1024xf32>
    tpu.vector_store %arg8[%swap3A_461, %swap3A_462, %swap3A_463], %swap3A_466 {strides = array<i32>} : memref<16x64x1024xf32, #tpu.memory_space<vmem>>, vector<1x64x1024xf32>,
    %slice3A_467 = vector.extract_strided_slice %concatenate3A {offsets = [820, 0], sizes = [64, 1024], strides = [1, 1]} : vector<1312x1024xf32> to vector<64x1024xf32>
    %swap3A_468 = arith.constant 10 : index
    %swap3A_469 = arith.constant 0 : index
    %swap3A_470 = arith.constant 0 : index
    %swap3A_471 = vector.load %arg8[%swap3A_468, %swap3A_469, %swap3A_470] : memref<16x64x1024xf32, #tpu.memory_space<vmem>>, vector<1x64x1024xf32>
    %swap3A_472 = vector.shape_cast %swap3A_471 : vector<1x64x1024xf32> to vector<64x1024xf32>
    %swap3A_473 = vector.shape_cast %slice3A_467 : vector<64x1024xf32> to vector<1x64x1024xf32>
    tpu.vector_store %arg8[%swap3A_468, %swap3A_469, %swap3A_470], %swap3A_473 {strides = array<i32>} : memref<16x64x1024xf32, #tpu.memory_space<vmem>>, vector<1x64x1024xf32>,
    %slice3A_474 = vector.extract_strided_slice %concatenate3A {offsets = [902, 0], sizes = [64, 1024], strides = [1, 1]} : vector<1312x1024xf32> to vector<64x1024xf32>
    %swap3A_475 = arith.constant 11 : index
    %swap3A_476 = arith.constant 0 : index
    %swap3A_477 = arith.constant 0 : index
    %swap3A_478 = vector.load %arg8[%swap3A_475, %swap3A_476, %swap3A_477] : memref<16x64x1024xf32, #tpu.memory_space<vmem>>, vector<1x64x1024xf32>
    %swap3A_479 = vector.shape_cast %swap3A_478 : vector<1x64x1024xf32> to vector<64x1024xf32>
    %swap3A_480 = vector.shape_cast %slice3A_474 : vector<64x1024xf32> to vector<1x64x1024xf32>
    tpu.vector_store %arg8[%swap3A_475, %swap3A_476, %swap3A_477], %swap3A_480 {strides = array<i32>} : memref<16x64x1024xf32, #tpu.memory_space<vmem>>, vector<1x64x1024xf32>,
    %slice3A_481 = vector.extract_strided_slice %concatenate3A {offsets = [984, 0], sizes = [64, 1024], strides = [1, 1]} : vector<1312x1024xf32> to vector<64x1024xf32>
    %swap3A_482 = arith.constant 12 : index
    %swap3A_483 = arith.constant 0 : index
    %swap3A_484 = arith.constant 0 : index
    %swap3A_485 = vector.load %arg8[%swap3A_482, %swap3A_483, %swap3A_484] : memref<16x64x1024xf32, #tpu.memory_space<vmem>>, vector<1x64x1024xf32>
    %swap3A_486 = vector.shape_cast %swap3A_485 : vector<1x64x1024xf32> to vector<64x1024xf32>
    %swap3A_487 = vector.shape_cast %slice3A_481 : vector<64x1024xf32> to vector<1x64x1024xf32>
    tpu.vector_store %arg8[%swap3A_482, %swap3A_483, %swap3A_484], %swap3A_487 {strides = array<i32>} : memref<16x64x1024xf32, #tpu.memory_space<vmem>>, vector<1x64x1024xf32>,
    %slice3A_488 = vector.extract_strided_slice %concatenate3A {offsets = [1066, 0], sizes = [64, 1024], strides = [1, 1]} : vector<1312x1024xf32> to vector<64x1024xf32>
    %swap3A_489 = arith.constant 13 : index
    %swap3A_490 = arith.constant 0 : index
    %swap3A_491 = arith.constant 0 : index
    %swap3A_492 = vector.load %arg8[%swap3A_489, %swap3A_490, %swap3A_491] : memref<16x64x1024xf32, #tpu.memory_space<vmem>>, vector<1x64x1024xf32>
    %swap3A_493 = vector.shape_cast %swap3A_492 : vector<1x64x1024xf32> to vector<64x1024xf32>
    %swap3A_494 = vector.shape_cast %slice3A_488 : vector<64x1024xf32> to vector<1x64x1024xf32>
    tpu.vector_store %arg8[%swap3A_489, %swap3A_490, %swap3A_491], %swap3A_494 {strides = array<i32>} : memref<16x64x1024xf32, #tpu.memory_space<vmem>>, vector<1x64x1024xf32>,
    %slice3A_495 = vector.extract_strided_slice %concatenate3A {offsets = [1148, 0], sizes = [64, 1024], strides = [1, 1]} : vector<1312x1024xf32> to vector<64x1024xf32>
    %swap3A_496 = arith.constant 14 : index
    %swap3A_497 = arith.constant 0 : index
    %swap3A_498 = arith.constant 0 : index
    %swap3A_499 = vector.load %arg8[%swap3A_496, %swap3A_497, %swap3A_498] : memref<16x64x1024xf32, #tpu.memory_space<vmem>>, vector<1x64x1024xf32>
    %swap3A_500 = vector.shape_cast %swap3A_499 : vector<1x64x1024xf32> to vector<64x1024xf32>
    %swap3A_501 = vector.shape_cast %slice3A_495 : vector<64x1024xf32> to vector<1x64x1024xf32>
    tpu.vector_store %arg8[%swap3A_496, %swap3A_497, %swap3A_498], %swap3A_501 {strides = array<i32>} : memref<16x64x1024xf32, #tpu.memory_space<vmem>>, vector<1x64x1024xf32>,
    %slice3A_502 = vector.extract_strided_slice %concatenate3A {offsets = [1230, 0], sizes = [64, 1024], strides = [1, 1]} : vector<1312x1024xf32> to vector<64x1024xf32>
    %swap3A_503 = arith.constant 15 : index
    %swap3A_504 = arith.constant 0 : index
    %swap3A_505 = arith.constant 0 : index
    %swap3A_506 = vector.load %arg8[%swap3A_503, %swap3A_504, %swap3A_505] : memref<16x64x1024xf32, #tpu.memory_space<vmem>>, vector<1x64x1024xf32>
    %swap3A_507 = vector.shape_cast %swap3A_506 : vector<1x64x1024xf32> to vector<64x1024xf32>
    %swap3A_508 = vector.shape_cast %slice3A_502 : vector<64x1024xf32> to vector<1x64x1024xf32>
    tpu.vector_store %arg8[%swap3A_503, %swap3A_504, %swap3A_505], %swap3A_508 {strides = array<i32>} : memref<16x64x1024xf32, #tpu.memory_space<vmem>>, vector<1x64x1024xf32>,
    return
  }
  func.func @transform_0(%arg0: i32) -> (i32, i32, i32) {
    %c0_i32 = arith.constant 0 : i32
    %c0_i32_0 = arith.constant 0 : i32
    %c0_i32_1 = arith.constant 0 : i32
    return %arg0, %c0_i32, %c0_i32_0 : i32, i32, i32
  }
  func.func @transform_1(%arg0: i32) -> (i32, i32, i32, i32) {
    %c0_i32 = arith.constant 0 : i32
    %c0_i32_0 = arith.constant 0 : i32
    %c0_i32_1 = arith.constant 0 : i32
    %c0_i32_2 = arith.constant 0 : i32
    %c0_i32_3 = arith.constant 0 : i32
    return %c0_i32, %c0_i32_0, %c0_i32_1, %c0_i32_2 : i32, i32, i32, i32
  }
  func.func @transform_2(%arg0: i32) -> (i32, i32) {
    %c0_i32 = arith.constant 0 : i32
    %c0_i32_0 = arith.constant 0 : i32
    %c0_i32_1 = arith.constant 0 : i32
    return %c0_i32, %c0_i32_0 : i32, i32
  }
  func.func @transform_3(%arg0: i32) -> (i32, i32, i32) {
    %c0_i32 = arith.constant 0 : i32
    %c0_i32_0 = arith.constant 0 : i32
    %c0_i32_1 = arith.constant 0 : i32
    %c0_i32_2 = arith.constant 0 : i32
    return %c0_i32, %c0_i32_0, %c0_i32_1 : i32, i32, i32
  }
  func.func @transform_4(%arg0: i32) -> (i32, i32) {
    %c0_i32 = arith.constant 0 : i32
    %c0_i32_0 = arith.constant 0 : i32
    %c0_i32_1 = arith.constant 0 : i32
    return %c0_i32, %c0_i32_0 : i32, i32
  }
  func.func @transform_5(%arg0: i32) -> (i32, i32, i32) {
    %c0_i32 = arith.constant 0 : i32
    %c0_i32_0 = arith.constant 0 : i32
    %c0_i32_1 = arith.constant 0 : i32
    %c0_i32_2 = arith.constant 0 : i32
    return %c0_i32, %c0_i32_0, %c0_i32_1 : i32, i32, i32
  }
  func.func @transform_6(%arg0: i32) -> (i32, i32) {
    %c0_i32 = arith.constant 0 : i32
    %c0_i32_0 = arith.constant 0 : i32
    %c0_i32_1 = arith.constant 0 : i32
    return %c0_i32, %c0_i32_0 : i32, i32
  }
  func.func @transform_7(%arg0: i32) -> (i32, i32, i32) {
    %c0_i32 = arith.constant 0 : i32
    %c0_i32_0 = arith.constant 0 : i32
    %c0_i32_1 = arith.constant 0 : i32
    return %arg0, %c0_i32, %c0_i32_0 : i32, i32, i32
  }
}

module attributes {stable_mosaic.version = 14 : i64} {
  func.func @body(%arg0: i32, %arg1: memref<8x128x512xf32, #tpu.memory_space<vmem>>, %arg2: memref<3x3x512x512xbf16, #tpu.memory_space<vmem>>, %arg3: memref<3x512xf32, #tpu.memory_space<vmem>>, %arg4: memref<3x512x512xbf16, #tpu.memory_space<vmem>>, %arg5: memref<3x512xf32, #tpu.memory_space<vmem>>, %arg6: memref<3x512x512xbf16, #tpu.memory_space<vmem>>, %arg7: memref<1x512xf32, #tpu.memory_space<vmem>>, %arg8: memref<8x128x1024xf32, #tpu.memory_space<vmem>>, %arg9: memref<1186x512xf32, #tpu.memory_space<vmem>>) attributes {dimension_semantics = [#tpu.dimension_semantics<parallel>], iteration_bounds = array<i64: 4>, scalar_prefetch = 0 : i64, scratch_operands = 1 : i64, tpu.core_type = #tpu.core_type<tc>, window_params = [{transform_indices = @transform_0, window_bounds = array<i64: 8, 128, 512>}, {pipeline_mode = #tpu.pipeline_mode<synchronous>, transform_indices = @transform_1, window_bounds = array<i64: 3, 3, 512, 512>}, {pipeline_mode = #tpu.pipeline_mode<synchronous>, transform_indices = @transform_2, window_bounds = array<i64: 3, 512>}, {pipeline_mode = #tpu.pipeline_mode<synchronous>, transform_indices = @transform_3, window_bounds = array<i64: 3, 512, 512>}, {pipeline_mode = #tpu.pipeline_mode<synchronous>, transform_indices = @transform_4, window_bounds = array<i64: 3, 512>}, {pipeline_mode = #tpu.pipeline_mode<synchronous>, transform_indices = @transform_5, window_bounds = array<i64: 3, 512, 512>}, {pipeline_mode = #tpu.pipeline_mode<synchronous>, transform_indices = @transform_6, window_bounds = array<i64: 1, 512>}, {transform_indices = @transform_7, window_bounds = array<i64: 8, 128, 1024>}]} {
    %broadcast_in_dim3A = arith.constant 0.000000e+00 : f32
    %broadcast_in_dim3A_0 = vector.broadcast %broadcast_in_dim3A : f32 to vector<1186x512xf32>
    %swap3A = arith.constant 0 : index
    %swap3A_1 = arith.constant 0 : index
    %swap3A_2 = vector.load %arg9[%swap3A, %swap3A_1] : memref<1186x512xf32, #tpu.memory_space<vmem>>, vector<1186x512xf32>
    tpu.vector_store %arg9[%swap3A, %swap3A_1], %broadcast_in_dim3A_0 {strides = array<i32>} : memref<1186x512xf32, #tpu.memory_space<vmem>>, vector<1186x512xf32>,
    %get3A = arith.constant 0 : index
    %get3A_3 = arith.constant 0 : index
    %get3A_4 = arith.constant 0 : index
    %get3A_5 = vector.load %arg1[%get3A, %get3A_3, %get3A_4] : memref<8x128x512xf32, #tpu.memory_space<vmem>>, vector<1x128x512xf32>
    %get3A_6 = vector.shape_cast %get3A_5 : vector<1x128x512xf32> to vector<128x512xf32>
    %swap3A_7 = arith.constant 9 : index
    %swap3A_8 = arith.constant 0 : index
    %swap3A_9 = vector.load %arg9[%swap3A_7, %swap3A_8] : memref<1186x512xf32, #tpu.memory_space<vmem>>, vector<128x512xf32>
    tpu.vector_store %arg9[%swap3A_7, %swap3A_8], %get3A_6 {strides = array<i32>} : memref<1186x512xf32, #tpu.memory_space<vmem>>, vector<128x512xf32>,
    %get3A_10 = arith.constant 1 : index
    %get3A_11 = arith.constant 0 : index
    %get3A_12 = arith.constant 0 : index
    %get3A_13 = vector.load %arg1[%get3A_10, %get3A_11, %get3A_12] : memref<8x128x512xf32, #tpu.memory_space<vmem>>, vector<1x128x512xf32>
    %get3A_14 = vector.shape_cast %get3A_13 : vector<1x128x512xf32> to vector<128x512xf32>
    %swap3A_15 = arith.constant 155 : index
    %swap3A_16 = arith.constant 0 : index
    %swap3A_17 = vector.load %arg9[%swap3A_15, %swap3A_16] : memref<1186x512xf32, #tpu.memory_space<vmem>>, vector<128x512xf32>
    tpu.vector_store %arg9[%swap3A_15, %swap3A_16], %get3A_14 {strides = array<i32>} : memref<1186x512xf32, #tpu.memory_space<vmem>>, vector<128x512xf32>,
    %get3A_18 = arith.constant 2 : index
    %get3A_19 = arith.constant 0 : index
    %get3A_20 = arith.constant 0 : index
    %get3A_21 = vector.load %arg1[%get3A_18, %get3A_19, %get3A_20] : memref<8x128x512xf32, #tpu.memory_space<vmem>>, vector<1x128x512xf32>
    %get3A_22 = vector.shape_cast %get3A_21 : vector<1x128x512xf32> to vector<128x512xf32>
    %swap3A_23 = arith.constant 301 : index
    %swap3A_24 = arith.constant 0 : index
    %swap3A_25 = vector.load %arg9[%swap3A_23, %swap3A_24] : memref<1186x512xf32, #tpu.memory_space<vmem>>, vector<128x512xf32>
    tpu.vector_store %arg9[%swap3A_23, %swap3A_24], %get3A_22 {strides = array<i32>} : memref<1186x512xf32, #tpu.memory_space<vmem>>, vector<128x512xf32>,
    %get3A_26 = arith.constant 3 : index
    %get3A_27 = arith.constant 0 : index
    %get3A_28 = arith.constant 0 : index
    %get3A_29 = vector.load %arg1[%get3A_26, %get3A_27, %get3A_28] : memref<8x128x512xf32, #tpu.memory_space<vmem>>, vector<1x128x512xf32>
    %get3A_30 = vector.shape_cast %get3A_29 : vector<1x128x512xf32> to vector<128x512xf32>
    %swap3A_31 = arith.constant 447 : index
    %swap3A_32 = arith.constant 0 : index
    %swap3A_33 = vector.load %arg9[%swap3A_31, %swap3A_32] : memref<1186x512xf32, #tpu.memory_space<vmem>>, vector<128x512xf32>
    tpu.vector_store %arg9[%swap3A_31, %swap3A_32], %get3A_30 {strides = array<i32>} : memref<1186x512xf32, #tpu.memory_space<vmem>>, vector<128x512xf32>,
    %get3A_34 = arith.constant 4 : index
    %get3A_35 = arith.constant 0 : index
    %get3A_36 = arith.constant 0 : index
    %get3A_37 = vector.load %arg1[%get3A_34, %get3A_35, %get3A_36] : memref<8x128x512xf32, #tpu.memory_space<vmem>>, vector<1x128x512xf32>
    %get3A_38 = vector.shape_cast %get3A_37 : vector<1x128x512xf32> to vector<128x512xf32>
    %swap3A_39 = arith.constant 593 : index
    %swap3A_40 = arith.constant 0 : index
    %swap3A_41 = vector.load %arg9[%swap3A_39, %swap3A_40] : memref<1186x512xf32, #tpu.memory_space<vmem>>, vector<128x512xf32>
    tpu.vector_store %arg9[%swap3A_39, %swap3A_40], %get3A_38 {strides = array<i32>} : memref<1186x512xf32, #tpu.memory_space<vmem>>, vector<128x512xf32>,
    %get3A_42 = arith.constant 5 : index
    %get3A_43 = arith.constant 0 : index
    %get3A_44 = arith.constant 0 : index
    %get3A_45 = vector.load %arg1[%get3A_42, %get3A_43, %get3A_44] : memref<8x128x512xf32, #tpu.memory_space<vmem>>, vector<1x128x512xf32>
    %get3A_46 = vector.shape_cast %get3A_45 : vector<1x128x512xf32> to vector<128x512xf32>
    %swap3A_47 = arith.constant 739 : index
    %swap3A_48 = arith.constant 0 : index
    %swap3A_49 = vector.load %arg9[%swap3A_47, %swap3A_48] : memref<1186x512xf32, #tpu.memory_space<vmem>>, vector<128x512xf32>
    tpu.vector_store %arg9[%swap3A_47, %swap3A_48], %get3A_46 {strides = array<i32>} : memref<1186x512xf32, #tpu.memory_space<vmem>>, vector<128x512xf32>,
    %get3A_50 = arith.constant 6 : index
    %get3A_51 = arith.constant 0 : index
    %get3A_52 = arith.constant 0 : index
    %get3A_53 = vector.load %arg1[%get3A_50, %get3A_51, %get3A_52] : memref<8x128x512xf32, #tpu.memory_space<vmem>>, vector<1x128x512xf32>
    %get3A_54 = vector.shape_cast %get3A_53 : vector<1x128x512xf32> to vector<128x512xf32>
    %swap3A_55 = arith.constant 885 : index
    %swap3A_56 = arith.constant 0 : index
    %swap3A_57 = vector.load %arg9[%swap3A_55, %swap3A_56] : memref<1186x512xf32, #tpu.memory_space<vmem>>, vector<128x512xf32>
    tpu.vector_store %arg9[%swap3A_55, %swap3A_56], %get3A_54 {strides = array<i32>} : memref<1186x512xf32, #tpu.memory_space<vmem>>, vector<128x512xf32>,
    %get3A_58 = arith.constant 7 : index
    %get3A_59 = arith.constant 0 : index
    %get3A_60 = arith.constant 0 : index
    %get3A_61 = vector.load %arg1[%get3A_58, %get3A_59, %get3A_60] : memref<8x128x512xf32, #tpu.memory_space<vmem>>, vector<1x128x512xf32>
    %get3A_62 = vector.shape_cast %get3A_61 : vector<1x128x512xf32> to vector<128x512xf32>
    %swap3A_63 = arith.constant 1031 : index
    %swap3A_64 = arith.constant 0 : index
    %swap3A_65 = vector.load %arg9[%swap3A_63, %swap3A_64] : memref<1186x512xf32, #tpu.memory_space<vmem>>, vector<128x512xf32>
    tpu.vector_store %arg9[%swap3A_63, %swap3A_64], %get3A_62 {strides = array<i32>} : memref<1186x512xf32, #tpu.memory_space<vmem>>, vector<128x512xf32>,
    %iota3A = tpu.iota {dimensions = array<i32: 0>} : vector<1168x1xi32>
    %rem3A = arith.constant 146 : i32
    %rem3A_66 = vector.broadcast %rem3A : i32 to vector<1168x1xi32>
    %rem3A_67 = arith.remsi %iota3A, %rem3A_66 : vector<1168x1xi32>
    %lt3A = arith.constant 128 : i32
    %lt3A_68 = vector.broadcast %lt3A : i32 to vector<1168x1xi32>
    %lt3A_69 = arith.cmpi slt, %rem3A_67, %lt3A_68 : vector<1168x1xi32>
    %get3A_70 = arith.constant 0 : index
    %get3A_71 = arith.constant 0 : index
    %get3A_72 = vector.load %arg3[%get3A_70, %get3A_71] : memref<3x512xf32, #tpu.memory_space<vmem>>, vector<1x512xf32>
    %get3A_73 = arith.constant 0 : index
    %get3A_74 = arith.constant 0 : index
    %get3A_75 = vector.load %arg5[%get3A_73, %get3A_74] : memref<3x512xf32, #tpu.memory_space<vmem>>, vector<1x512xf32>
    %get3A_76 = arith.constant 0 : index
    %get3A_77 = arith.constant 0 : index
    %get3A_78 = vector.load %arg9[%get3A_76, %get3A_77] : memref<1186x512xf32, #tpu.memory_space<vmem>>, vector<1186x512xf32>
    %max3A = arith.constant 0.000000e+00 : f32
    %max3A_79 = vector.broadcast %max3A : f32 to vector<1186x512xf32>
    %max3A_80 = arith.maximumf %get3A_78, %max3A_79 : vector<1186x512xf32>
    %convert_element_type3A = arith.truncf %max3A_80 : vector<1186x512xf32> to vector<1186x512xbf16>
    %slice3A = vector.extract_strided_slice %convert_element_type3A {offsets = [0, 0], sizes = [1168, 512], strides = [1, 1]} : vector<1186x512xbf16> to vector<1168x512xbf16>
    %get3A_81 = arith.constant 0 : index
    %get3A_82 = arith.constant 0 : index
    %get3A_83 = arith.constant 0 : index
    %get3A_84 = arith.constant 0 : index
    %get3A_85 = vector.load %arg2[%get3A_81, %get3A_82, %get3A_83, %get3A_84] : memref<3x3x512x512xbf16, #tpu.memory_space<vmem>>, vector<1x1x512x512xbf16>
    %get3A_86 = vector.shape_cast %get3A_85 : vector<1x1x512x512xbf16> to vector<512x512xbf16>
    %dot_general3A = arith.constant dense<0.000000e+00> : vector<1168x512xf32>
    %dot_general3A_87 = tpu.matmul %slice3A, %get3A_86, %dot_general3A {dimension_numbers = #tpu.dot_dimension_numbers<[1], [0], [0], [1], [0, 0, 1, 1], [], []>, transpose_lhs_hint = false} : vector<1168x512xbf16>, vector<512x512xbf16>, vector<1168x512xf32> -> vector<1168x512xf32>
    %add3A = vector.broadcast %get3A_72 : vector<1x512xf32> to vector<1168x512xf32>
    %add3A_88 = arith.addf %add3A, %dot_general3A_87 : vector<1168x512xf32>
    %slice3A_89 = vector.extract_strided_slice %convert_element_type3A {offsets = [9, 0], sizes = [1168, 512], strides = [1, 1]} : vector<1186x512xbf16> to vector<1168x512xbf16>
    %get3A_90 = arith.constant 0 : index
    %get3A_91 = arith.constant 1 : index
    %get3A_92 = arith.constant 0 : index
    %get3A_93 = arith.constant 0 : index
    %get3A_94 = vector.load %arg2[%get3A_90, %get3A_91, %get3A_92, %get3A_93] : memref<3x3x512x512xbf16, #tpu.memory_space<vmem>>, vector<1x1x512x512xbf16>
    %get3A_95 = vector.shape_cast %get3A_94 : vector<1x1x512x512xbf16> to vector<512x512xbf16>
    %dot_general3A_96 = arith.constant dense<0.000000e+00> : vector<1168x512xf32>
    %dot_general3A_97 = tpu.matmul %slice3A_89, %get3A_95, %dot_general3A_96 {dimension_numbers = #tpu.dot_dimension_numbers<[1], [0], [0], [1], [0, 0, 1, 1], [], []>, transpose_lhs_hint = false} : vector<1168x512xbf16>, vector<512x512xbf16>, vector<1168x512xf32> -> vector<1168x512xf32>
    %add3A_98 = arith.addf %add3A_88, %dot_general3A_97 : vector<1168x512xf32>
    %slice3A_99 = vector.extract_strided_slice %convert_element_type3A {offsets = [18, 0], sizes = [1168, 512], strides = [1, 1]} : vector<1186x512xbf16> to vector<1168x512xbf16>
    %get3A_100 = arith.constant 0 : index
    %get3A_101 = arith.constant 2 : index
    %get3A_102 = arith.constant 0 : index
    %get3A_103 = arith.constant 0 : index
    %get3A_104 = vector.load %arg2[%get3A_100, %get3A_101, %get3A_102, %get3A_103] : memref<3x3x512x512xbf16, #tpu.memory_space<vmem>>, vector<1x1x512x512xbf16>
    %get3A_105 = vector.shape_cast %get3A_104 : vector<1x1x512x512xbf16> to vector<512x512xbf16>
    %dot_general3A_106 = arith.constant dense<0.000000e+00> : vector<1168x512xf32>
    %dot_general3A_107 = tpu.matmul %slice3A_99, %get3A_105, %dot_general3A_106 {dimension_numbers = #tpu.dot_dimension_numbers<[1], [0], [0], [1], [0, 0, 1, 1], [], []>, transpose_lhs_hint = false} : vector<1168x512xbf16>, vector<512x512xbf16>, vector<1168x512xf32> -> vector<1168x512xf32>
    %add3A_108 = arith.addf %add3A_98, %dot_general3A_107 : vector<1168x512xf32>
    %max3A_109 = arith.constant 0.000000e+00 : f32
    %max3A_110 = vector.broadcast %max3A_109 : f32 to vector<1168x512xf32>
    %max3A_111 = arith.maximumf %add3A_108, %max3A_110 : vector<1168x512xf32>
    %convert_element_type3A_112 = arith.truncf %max3A_111 : vector<1168x512xf32> to vector<1168x512xbf16>
    %get3A_113 = arith.constant 9 : index
    %get3A_114 = arith.constant 0 : index
    %get3A_115 = vector.load %arg9[%get3A_113, %get3A_114] : memref<1186x512xf32, #tpu.memory_space<vmem>>, vector<1168x512xf32>
    %add3A_116 = vector.broadcast %get3A_75 : vector<1x512xf32> to vector<1168x512xf32>
    %add3A_117 = arith.addf %get3A_115, %add3A_116 : vector<1168x512xf32>
    %get3A_118 = arith.constant 0 : index
    %get3A_119 = arith.constant 0 : index
    %get3A_120 = arith.constant 0 : index
    %get3A_121 = vector.load %arg4[%get3A_118, %get3A_119, %get3A_120] : memref<3x512x512xbf16, #tpu.memory_space<vmem>>, vector<1x512x512xbf16>
    %get3A_122 = vector.shape_cast %get3A_121 : vector<1x512x512xbf16> to vector<512x512xbf16>
    %dot_general3A_123 = arith.constant dense<0.000000e+00> : vector<1168x512xf32>
    %dot_general3A_124 = tpu.matmul %convert_element_type3A_112, %get3A_122, %dot_general3A_123 {dimension_numbers = #tpu.dot_dimension_numbers<[1], [0], [0], [1], [0, 0, 1, 1], [], []>, transpose_lhs_hint = false} : vector<1168x512xbf16>, vector<512x512xbf16>, vector<1168x512xf32> -> vector<1168x512xf32>
    %add3A_125 = arith.addf %add3A_117, %dot_general3A_124 : vector<1168x512xf32>
    %jit3A = arith.constant 0.000000e+00 : f32
    %broadcast_in_dim3A_126 = vector.shape_cast %lt3A_69 : vector<1168x1xi1> to vector<1168x1xi1>
    %broadcast_in_dim3A_127 = vector.broadcast %broadcast_in_dim3A_126 : vector<1168x1xi1> to vector<1168x512xi1>
    %broadcast_in_dim3A_128 = vector.broadcast %jit3A : f32 to vector<1168x512xf32>
    %select_n3A = arith.select %broadcast_in_dim3A_127, %add3A_125, %broadcast_in_dim3A_128 : vector<1168x512xi1>, vector<1168x512xf32>
    %swap3A_129 = arith.constant 9 : index
    %swap3A_130 = arith.constant 0 : index
    %swap3A_131 = vector.load %arg9[%swap3A_129, %swap3A_130] : memref<1186x512xf32, #tpu.memory_space<vmem>>, vector<1168x512xf32>
    tpu.vector_store %arg9[%swap3A_129, %swap3A_130], %select_n3A {strides = array<i32>} : memref<1186x512xf32, #tpu.memory_space<vmem>>, vector<1168x512xf32>,
    %get3A_132 = arith.constant 1 : index
    %get3A_133 = arith.constant 0 : index
    %get3A_134 = vector.load %arg3[%get3A_132, %get3A_133] : memref<3x512xf32, #tpu.memory_space<vmem>>, vector<1x512xf32>
    %get3A_135 = arith.constant 1 : index
    %get3A_136 = arith.constant 0 : index
    %get3A_137 = vector.load %arg5[%get3A_135, %get3A_136] : memref<3x512xf32, #tpu.memory_space<vmem>>, vector<1x512xf32>
    %get3A_138 = arith.constant 0 : index
    %get3A_139 = arith.constant 0 : index
    %get3A_140 = vector.load %arg9[%get3A_138, %get3A_139] : memref<1186x512xf32, #tpu.memory_space<vmem>>, vector<1186x512xf32>
    %max3A_141 = arith.constant 0.000000e+00 : f32
    %max3A_142 = vector.broadcast %max3A_141 : f32 to vector<1186x512xf32>
    %max3A_143 = arith.maximumf %get3A_140, %max3A_142 : vector<1186x512xf32>
    %convert_element_type3A_144 = arith.truncf %max3A_143 : vector<1186x512xf32> to vector<1186x512xbf16>
    %slice3A_145 = vector.extract_strided_slice %convert_element_type3A_144 {offsets = [6, 0], sizes = [1168, 512], strides = [1, 1]} : vector<1186x512xbf16> to vector<1168x512xbf16>
    %get3A_146 = arith.constant 1 : index
    %get3A_147 = arith.constant 0 : index
    %get3A_148 = arith.constant 0 : index
    %get3A_149 = arith.constant 0 : index
    %get3A_150 = vector.load %arg2[%get3A_146, %get3A_147, %get3A_148, %get3A_149] : memref<3x3x512x512xbf16, #tpu.memory_space<vmem>>, vector<1x1x512x512xbf16>
    %get3A_151 = vector.shape_cast %get3A_150 : vector<1x1x512x512xbf16> to vector<512x512xbf16>
    %dot_general3A_152 = arith.constant dense<0.000000e+00> : vector<1168x512xf32>
    %dot_general3A_153 = tpu.matmul %slice3A_145, %get3A_151, %dot_general3A_152 {dimension_numbers = #tpu.dot_dimension_numbers<[1], [0], [0], [1], [0, 0, 1, 1], [], []>, transpose_lhs_hint = false} : vector<1168x512xbf16>, vector<512x512xbf16>, vector<1168x512xf32> -> vector<1168x512xf32>
    %add3A_154 = vector.broadcast %get3A_134 : vector<1x512xf32> to vector<1168x512xf32>
    %add3A_155 = arith.addf %add3A_154, %dot_general3A_153 : vector<1168x512xf32>
    %slice3A_156 = vector.extract_strided_slice %convert_element_type3A_144 {offsets = [9, 0], sizes = [1168, 512], strides = [1, 1]} : vector<1186x512xbf16> to vector<1168x512xbf16>
    %get3A_157 = arith.constant 1 : index
    %get3A_158 = arith.constant 1 : index
    %get3A_159 = arith.constant 0 : index
    %get3A_160 = arith.constant 0 : index
    %get3A_161 = vector.load %arg2[%get3A_157, %get3A_158, %get3A_159, %get3A_160] : memref<3x3x512x512xbf16, #tpu.memory_space<vmem>>, vector<1x1x512x512xbf16>
    %get3A_162 = vector.shape_cast %get3A_161 : vector<1x1x512x512xbf16> to vector<512x512xbf16>
    %dot_general3A_163 = arith.constant dense<0.000000e+00> : vector<1168x512xf32>
    %dot_general3A_164 = tpu.matmul %slice3A_156, %get3A_162, %dot_general3A_163 {dimension_numbers = #tpu.dot_dimension_numbers<[1], [0], [0], [1], [0, 0, 1, 1], [], []>, transpose_lhs_hint = false} : vector<1168x512xbf16>, vector<512x512xbf16>, vector<1168x512xf32> -> vector<1168x512xf32>
    %add3A_165 = arith.addf %add3A_155, %dot_general3A_164 : vector<1168x512xf32>
    %slice3A_166 = vector.extract_strided_slice %convert_element_type3A_144 {offsets = [12, 0], sizes = [1168, 512], strides = [1, 1]} : vector<1186x512xbf16> to vector<1168x512xbf16>
    %get3A_167 = arith.constant 1 : index
    %get3A_168 = arith.constant 2 : index
    %get3A_169 = arith.constant 0 : index
    %get3A_170 = arith.constant 0 : index
    %get3A_171 = vector.load %arg2[%get3A_167, %get3A_168, %get3A_169, %get3A_170] : memref<3x3x512x512xbf16, #tpu.memory_space<vmem>>, vector<1x1x512x512xbf16>
    %get3A_172 = vector.shape_cast %get3A_171 : vector<1x1x512x512xbf16> to vector<512x512xbf16>
    %dot_general3A_173 = arith.constant dense<0.000000e+00> : vector<1168x512xf32>
    %dot_general3A_174 = tpu.matmul %slice3A_166, %get3A_172, %dot_general3A_173 {dimension_numbers = #tpu.dot_dimension_numbers<[1], [0], [0], [1], [0, 0, 1, 1], [], []>, transpose_lhs_hint = false} : vector<1168x512xbf16>, vector<512x512xbf16>, vector<1168x512xf32> -> vector<1168x512xf32>
    %add3A_175 = arith.addf %add3A_165, %dot_general3A_174 : vector<1168x512xf32>
    %max3A_176 = arith.constant 0.000000e+00 : f32
    %max3A_177 = vector.broadcast %max3A_176 : f32 to vector<1168x512xf32>
    %max3A_178 = arith.maximumf %add3A_175, %max3A_177 : vector<1168x512xf32>
    %convert_element_type3A_179 = arith.truncf %max3A_178 : vector<1168x512xf32> to vector<1168x512xbf16>
    %get3A_180 = arith.constant 9 : index
    %get3A_181 = arith.constant 0 : index
    %get3A_182 = vector.load %arg9[%get3A_180, %get3A_181] : memref<1186x512xf32, #tpu.memory_space<vmem>>, vector<1168x512xf32>
    %add3A_183 = vector.broadcast %get3A_137 : vector<1x512xf32> to vector<1168x512xf32>
    %add3A_184 = arith.addf %get3A_182, %add3A_183 : vector<1168x512xf32>
    %get3A_185 = arith.constant 1 : index
    %get3A_186 = arith.constant 0 : index
    %get3A_187 = arith.constant 0 : index
    %get3A_188 = vector.load %arg4[%get3A_185, %get3A_186, %get3A_187] : memref<3x512x512xbf16, #tpu.memory_space<vmem>>, vector<1x512x512xbf16>
    %get3A_189 = vector.shape_cast %get3A_188 : vector<1x512x512xbf16> to vector<512x512xbf16>
    %dot_general3A_190 = arith.constant dense<0.000000e+00> : vector<1168x512xf32>
    %dot_general3A_191 = tpu.matmul %convert_element_type3A_179, %get3A_189, %dot_general3A_190 {dimension_numbers = #tpu.dot_dimension_numbers<[1], [0], [0], [1], [0, 0, 1, 1], [], []>, transpose_lhs_hint = false} : vector<1168x512xbf16>, vector<512x512xbf16>, vector<1168x512xf32> -> vector<1168x512xf32>
    %add3A_192 = arith.addf %add3A_184, %dot_general3A_191 : vector<1168x512xf32>
    %jit3A_193 = arith.constant 0.000000e+00 : f32
    %broadcast_in_dim3A_194 = vector.shape_cast %lt3A_69 : vector<1168x1xi1> to vector<1168x1xi1>
    %broadcast_in_dim3A_195 = vector.broadcast %broadcast_in_dim3A_194 : vector<1168x1xi1> to vector<1168x512xi1>
    %broadcast_in_dim3A_196 = vector.broadcast %jit3A_193 : f32 to vector<1168x512xf32>
    %select_n3A_197 = arith.select %broadcast_in_dim3A_195, %add3A_192, %broadcast_in_dim3A_196 : vector<1168x512xi1>, vector<1168x512xf32>
    %swap3A_198 = arith.constant 9 : index
    %swap3A_199 = arith.constant 0 : index
    %swap3A_200 = vector.load %arg9[%swap3A_198, %swap3A_199] : memref<1186x512xf32, #tpu.memory_space<vmem>>, vector<1168x512xf32>
    tpu.vector_store %arg9[%swap3A_198, %swap3A_199], %select_n3A_197 {strides = array<i32>} : memref<1186x512xf32, #tpu.memory_space<vmem>>, vector<1168x512xf32>,
    %get3A_201 = arith.constant 2 : index
    %get3A_202 = arith.constant 0 : index
    %get3A_203 = vector.load %arg3[%get3A_201, %get3A_202] : memref<3x512xf32, #tpu.memory_space<vmem>>, vector<1x512xf32>
    %get3A_204 = arith.constant 2 : index
    %get3A_205 = arith.constant 0 : index
    %get3A_206 = vector.load %arg5[%get3A_204, %get3A_205] : memref<3x512xf32, #tpu.memory_space<vmem>>, vector<1x512xf32>
    %get3A_207 = arith.constant 0 : index
    %get3A_208 = arith.constant 0 : index
    %get3A_209 = vector.load %arg9[%get3A_207, %get3A_208] : memref<1186x512xf32, #tpu.memory_space<vmem>>, vector<1186x512xf32>
    %max3A_210 = arith.constant 0.000000e+00 : f32
    %max3A_211 = vector.broadcast %max3A_210 : f32 to vector<1186x512xf32>
    %max3A_212 = arith.maximumf %get3A_209, %max3A_211 : vector<1186x512xf32>
    %convert_element_type3A_213 = arith.truncf %max3A_212 : vector<1186x512xf32> to vector<1186x512xbf16>
    %slice3A_214 = vector.extract_strided_slice %convert_element_type3A_213 {offsets = [8, 0], sizes = [1168, 512], strides = [1, 1]} : vector<1186x512xbf16> to vector<1168x512xbf16>
    %get3A_215 = arith.constant 2 : index
    %get3A_216 = arith.constant 0 : index
    %get3A_217 = arith.constant 0 : index
    %get3A_218 = arith.constant 0 : index
    %get3A_219 = vector.load %arg2[%get3A_215, %get3A_216, %get3A_217, %get3A_218] : memref<3x3x512x512xbf16, #tpu.memory_space<vmem>>, vector<1x1x512x512xbf16>
    %get3A_220 = vector.shape_cast %get3A_219 : vector<1x1x512x512xbf16> to vector<512x512xbf16>
    %dot_general3A_221 = arith.constant dense<0.000000e+00> : vector<1168x512xf32>
    %dot_general3A_222 = tpu.matmul %slice3A_214, %get3A_220, %dot_general3A_221 {dimension_numbers = #tpu.dot_dimension_numbers<[1], [0], [0], [1], [0, 0, 1, 1], [], []>, transpose_lhs_hint = false} : vector<1168x512xbf16>, vector<512x512xbf16>, vector<1168x512xf32> -> vector<1168x512xf32>
    %add3A_223 = vector.broadcast %get3A_203 : vector<1x512xf32> to vector<1168x512xf32>
    %add3A_224 = arith.addf %add3A_223, %dot_general3A_222 : vector<1168x512xf32>
    %slice3A_225 = vector.extract_strided_slice %convert_element_type3A_213 {offsets = [9, 0], sizes = [1168, 512], strides = [1, 1]} : vector<1186x512xbf16> to vector<1168x512xbf16>
    %get3A_226 = arith.constant 2 : index
    %get3A_227 = arith.constant 1 : index
    %get3A_228 = arith.constant 0 : index
    %get3A_229 = arith.constant 0 : index
    %get3A_230 = vector.load %arg2[%get3A_226, %get3A_227, %get3A_228, %get3A_229] : memref<3x3x512x512xbf16, #tpu.memory_space<vmem>>, vector<1x1x512x512xbf16>
    %get3A_231 = vector.shape_cast %get3A_230 : vector<1x1x512x512xbf16> to vector<512x512xbf16>
    %dot_general3A_232 = arith.constant dense<0.000000e+00> : vector<1168x512xf32>
    %dot_general3A_233 = tpu.matmul %slice3A_225, %get3A_231, %dot_general3A_232 {dimension_numbers = #tpu.dot_dimension_numbers<[1], [0], [0], [1], [0, 0, 1, 1], [], []>, transpose_lhs_hint = false} : vector<1168x512xbf16>, vector<512x512xbf16>, vector<1168x512xf32> -> vector<1168x512xf32>
    %add3A_234 = arith.addf %add3A_224, %dot_general3A_233 : vector<1168x512xf32>
    %slice3A_235 = vector.extract_strided_slice %convert_element_type3A_213 {offsets = [10, 0], sizes = [1168, 512], strides = [1, 1]} : vector<1186x512xbf16> to vector<1168x512xbf16>
    %get3A_236 = arith.constant 2 : index
    %get3A_237 = arith.constant 2 : index
    %get3A_238 = arith.constant 0 : index
    %get3A_239 = arith.constant 0 : index
    %get3A_240 = vector.load %arg2[%get3A_236, %get3A_237, %get3A_238, %get3A_239] : memref<3x3x512x512xbf16, #tpu.memory_space<vmem>>, vector<1x1x512x512xbf16>
    %get3A_241 = vector.shape_cast %get3A_240 : vector<1x1x512x512xbf16> to vector<512x512xbf16>
    %dot_general3A_242 = arith.constant dense<0.000000e+00> : vector<1168x512xf32>
    %dot_general3A_243 = tpu.matmul %slice3A_235, %get3A_241, %dot_general3A_242 {dimension_numbers = #tpu.dot_dimension_numbers<[1], [0], [0], [1], [0, 0, 1, 1], [], []>, transpose_lhs_hint = false} : vector<1168x512xbf16>, vector<512x512xbf16>, vector<1168x512xf32> -> vector<1168x512xf32>
    %add3A_244 = arith.addf %add3A_234, %dot_general3A_243 : vector<1168x512xf32>
    %max3A_245 = arith.constant 0.000000e+00 : f32
    %max3A_246 = vector.broadcast %max3A_245 : f32 to vector<1168x512xf32>
    %max3A_247 = arith.maximumf %add3A_244, %max3A_246 : vector<1168x512xf32>
    %convert_element_type3A_248 = arith.truncf %max3A_247 : vector<1168x512xf32> to vector<1168x512xbf16>
    %get3A_249 = arith.constant 9 : index
    %get3A_250 = arith.constant 0 : index
    %get3A_251 = vector.load %arg9[%get3A_249, %get3A_250] : memref<1186x512xf32, #tpu.memory_space<vmem>>, vector<1168x512xf32>
    %add3A_252 = vector.broadcast %get3A_206 : vector<1x512xf32> to vector<1168x512xf32>
    %add3A_253 = arith.addf %get3A_251, %add3A_252 : vector<1168x512xf32>
    %get3A_254 = arith.constant 2 : index
    %get3A_255 = arith.constant 0 : index
    %get3A_256 = arith.constant 0 : index
    %get3A_257 = vector.load %arg4[%get3A_254, %get3A_255, %get3A_256] : memref<3x512x512xbf16, #tpu.memory_space<vmem>>, vector<1x512x512xbf16>
    %get3A_258 = vector.shape_cast %get3A_257 : vector<1x512x512xbf16> to vector<512x512xbf16>
    %dot_general3A_259 = arith.constant dense<0.000000e+00> : vector<1168x512xf32>
    %dot_general3A_260 = tpu.matmul %convert_element_type3A_248, %get3A_258, %dot_general3A_259 {dimension_numbers = #tpu.dot_dimension_numbers<[1], [0], [0], [1], [0, 0, 1, 1], [], []>, transpose_lhs_hint = false} : vector<1168x512xbf16>, vector<512x512xbf16>, vector<1168x512xf32> -> vector<1168x512xf32>
    %add3A_261 = arith.addf %add3A_253, %dot_general3A_260 : vector<1168x512xf32>
    %jit3A_262 = arith.constant 0.000000e+00 : f32
    %broadcast_in_dim3A_263 = vector.shape_cast %lt3A_69 : vector<1168x1xi1> to vector<1168x1xi1>
    %broadcast_in_dim3A_264 = vector.broadcast %broadcast_in_dim3A_263 : vector<1168x1xi1> to vector<1168x512xi1>
    %broadcast_in_dim3A_265 = vector.broadcast %jit3A_262 : f32 to vector<1168x512xf32>
    %select_n3A_266 = arith.select %broadcast_in_dim3A_264, %add3A_261, %broadcast_in_dim3A_265 : vector<1168x512xi1>, vector<1168x512xf32>
    %swap3A_267 = arith.constant 9 : index
    %swap3A_268 = arith.constant 0 : index
    %swap3A_269 = vector.load %arg9[%swap3A_267, %swap3A_268] : memref<1186x512xf32, #tpu.memory_space<vmem>>, vector<1168x512xf32>
    tpu.vector_store %arg9[%swap3A_267, %swap3A_268], %select_n3A_266 {strides = array<i32>} : memref<1186x512xf32, #tpu.memory_space<vmem>>, vector<1168x512xf32>,
    %get3A_270 = arith.constant 0 : index
    %get3A_271 = arith.constant 0 : index
    %get3A_272 = vector.load %arg9[%get3A_270, %get3A_271] : memref<1186x512xf32, #tpu.memory_space<vmem>>, vector<1186x512xf32>
    %convert_element_type3A_273 = arith.truncf %get3A_272 : vector<1186x512xf32> to vector<1186x512xbf16>
    %slice3A_274 = vector.extract_strided_slice %convert_element_type3A_273 {offsets = [8, 0], sizes = [1168, 512], strides = [1, 1]} : vector<1186x512xbf16> to vector<1168x512xbf16>
    %slice3A_275 = vector.extract_strided_slice %convert_element_type3A_273 {offsets = [9, 0], sizes = [1168, 512], strides = [1, 1]} : vector<1186x512xbf16> to vector<1168x512xbf16>
    %slice3A_276 = vector.extract_strided_slice %convert_element_type3A_273 {offsets = [10, 0], sizes = [1168, 512], strides = [1, 1]} : vector<1186x512xbf16> to vector<1168x512xbf16>
    %get3A_277 = arith.constant 0 : index
    %get3A_278 = arith.constant 0 : index
    %get3A_279 = vector.load %arg7[%get3A_277, %get3A_278] : memref<1x512xf32, #tpu.memory_space<vmem>>, vector<1x512xf32>
    %get3A_280 = arith.constant 0 : index
    %get3A_281 = arith.constant 0 : index
    %get3A_282 = arith.constant 0 : index
    %get3A_283 = vector.load %arg6[%get3A_280, %get3A_281, %get3A_282] : memref<3x512x512xbf16, #tpu.memory_space<vmem>>, vector<1x512x512xbf16>
    %get3A_284 = vector.shape_cast %get3A_283 : vector<1x512x512xbf16> to vector<512x512xbf16>
    %dot_general3A_285 = arith.constant dense<0.000000e+00> : vector<1168x512xf32>
    %dot_general3A_286 = tpu.matmul %slice3A_274, %get3A_284, %dot_general3A_285 {dimension_numbers = #tpu.dot_dimension_numbers<[1], [0], [0], [1], [0, 0, 1, 1], [], []>, transpose_lhs_hint = false} : vector<1168x512xbf16>, vector<512x512xbf16>, vector<1168x512xf32> -> vector<1168x512xf32>
    %add3A_287 = vector.broadcast %get3A_279 : vector<1x512xf32> to vector<1168x512xf32>
    %add3A_288 = arith.addf %add3A_287, %dot_general3A_286 : vector<1168x512xf32>
    %get3A_289 = arith.constant 1 : index
    %get3A_290 = arith.constant 0 : index
    %get3A_291 = arith.constant 0 : index
    %get3A_292 = vector.load %arg6[%get3A_289, %get3A_290, %get3A_291] : memref<3x512x512xbf16, #tpu.memory_space<vmem>>, vector<1x512x512xbf16>
    %get3A_293 = vector.shape_cast %get3A_292 : vector<1x512x512xbf16> to vector<512x512xbf16>
    %dot_general3A_294 = arith.constant dense<0.000000e+00> : vector<1168x512xf32>
    %dot_general3A_295 = tpu.matmul %slice3A_275, %get3A_293, %dot_general3A_294 {dimension_numbers = #tpu.dot_dimension_numbers<[1], [0], [0], [1], [0, 0, 1, 1], [], []>, transpose_lhs_hint = false} : vector<1168x512xbf16>, vector<512x512xbf16>, vector<1168x512xf32> -> vector<1168x512xf32>
    %add3A_296 = arith.addf %add3A_288, %dot_general3A_295 : vector<1168x512xf32>
    %get3A_297 = arith.constant 2 : index
    %get3A_298 = arith.constant 0 : index
    %get3A_299 = arith.constant 0 : index
    %get3A_300 = vector.load %arg6[%get3A_297, %get3A_298, %get3A_299] : memref<3x512x512xbf16, #tpu.memory_space<vmem>>, vector<1x512x512xbf16>
    %get3A_301 = vector.shape_cast %get3A_300 : vector<1x512x512xbf16> to vector<512x512xbf16>
    %dot_general3A_302 = arith.constant dense<0.000000e+00> : vector<1168x512xf32>
    %dot_general3A_303 = tpu.matmul %slice3A_275, %get3A_301, %dot_general3A_302 {dimension_numbers = #tpu.dot_dimension_numbers<[1], [0], [0], [1], [0, 0, 1, 1], [], []>, transpose_lhs_hint = false} : vector<1168x512xbf16>, vector<512x512xbf16>, vector<1168x512xf32> -> vector<1168x512xf32>
    %add3A_304 = arith.addf %add3A_296, %dot_general3A_303 : vector<1168x512xf32>
    %get3A_305 = arith.constant 0 : index
    %get3A_306 = arith.constant 0 : index
    %get3A_307 = vector.load %arg7[%get3A_305, %get3A_306] : memref<1x512xf32, #tpu.memory_space<vmem>>, vector<1x512xf32>
    %get3A_308 = arith.constant 0 : index
    %get3A_309 = arith.constant 0 : index
    %get3A_310 = arith.constant 0 : index
    %get3A_311 = vector.load %arg6[%get3A_308, %get3A_309, %get3A_310] : memref<3x512x512xbf16, #tpu.memory_space<vmem>>, vector<1x512x512xbf16>
    %get3A_312 = vector.shape_cast %get3A_311 : vector<1x512x512xbf16> to vector<512x512xbf16>
    %dot_general3A_313 = arith.constant dense<0.000000e+00> : vector<1168x512xf32>
    %dot_general3A_314 = tpu.matmul %slice3A_275, %get3A_312, %dot_general3A_313 {dimension_numbers = #tpu.dot_dimension_numbers<[1], [0], [0], [1], [0, 0, 1, 1], [], []>, transpose_lhs_hint = false} : vector<1168x512xbf16>, vector<512x512xbf16>, vector<1168x512xf32> -> vector<1168x512xf32>
    %add3A_315 = vector.broadcast %get3A_307 : vector<1x512xf32> to vector<1168x512xf32>
    %add3A_316 = arith.addf %add3A_315, %dot_general3A_314 : vector<1168x512xf32>
    %get3A_317 = arith.constant 1 : index
    %get3A_318 = arith.constant 0 : index
    %get3A_319 = arith.constant 0 : index
    %get3A_320 = vector.load %arg6[%get3A_317, %get3A_318, %get3A_319] : memref<3x512x512xbf16, #tpu.memory_space<vmem>>, vector<1x512x512xbf16>
    %get3A_321 = vector.shape_cast %get3A_320 : vector<1x512x512xbf16> to vector<512x512xbf16>
    %dot_general3A_322 = arith.constant dense<0.000000e+00> : vector<1168x512xf32>
    %dot_general3A_323 = tpu.matmul %slice3A_275, %get3A_321, %dot_general3A_322 {dimension_numbers = #tpu.dot_dimension_numbers<[1], [0], [0], [1], [0, 0, 1, 1], [], []>, transpose_lhs_hint = false} : vector<1168x512xbf16>, vector<512x512xbf16>, vector<1168x512xf32> -> vector<1168x512xf32>
    %add3A_324 = arith.addf %add3A_316, %dot_general3A_323 : vector<1168x512xf32>
    %get3A_325 = arith.constant 2 : index
    %get3A_326 = arith.constant 0 : index
    %get3A_327 = arith.constant 0 : index
    %get3A_328 = vector.load %arg6[%get3A_325, %get3A_326, %get3A_327] : memref<3x512x512xbf16, #tpu.memory_space<vmem>>, vector<1x512x512xbf16>
    %get3A_329 = vector.shape_cast %get3A_328 : vector<1x512x512xbf16> to vector<512x512xbf16>
    %dot_general3A_330 = arith.constant dense<0.000000e+00> : vector<1168x512xf32>
    %dot_general3A_331 = tpu.matmul %slice3A_276, %get3A_329, %dot_general3A_330 {dimension_numbers = #tpu.dot_dimension_numbers<[1], [0], [0], [1], [0, 0, 1, 1], [], []>, transpose_lhs_hint = false} : vector<1168x512xbf16>, vector<512x512xbf16>, vector<1168x512xf32> -> vector<1168x512xf32>
    %add3A_332 = arith.addf %add3A_324, %dot_general3A_331 : vector<1168x512xf32>
    %concatenate3A = tpu.concatenate %add3A_304, %add3A_332 in 1 : vector<1168x512xf32>, vector<1168x512xf32> -> vector<1168x1024xf32>
    %slice3A_333 = vector.extract_strided_slice %concatenate3A {offsets = [0, 0], sizes = [128, 1024], strides = [1, 1]} : vector<1168x1024xf32> to vector<128x1024xf32>
    %swap3A_334 = arith.constant 0 : index
    %swap3A_335 = arith.constant 0 : index
    %swap3A_336 = arith.constant 0 : index
    %swap3A_337 = vector.load %arg8[%swap3A_334, %swap3A_335, %swap3A_336] : memref<8x128x1024xf32, #tpu.memory_space<vmem>>, vector<1x128x1024xf32>
    %swap3A_338 = vector.shape_cast %swap3A_337 : vector<1x128x1024xf32> to vector<128x1024xf32>
    %swap3A_339 = vector.shape_cast %slice3A_333 : vector<128x1024xf32> to vector<1x128x1024xf32>
    tpu.vector_store %arg8[%swap3A_334, %swap3A_335, %swap3A_336], %swap3A_339 {strides = array<i32>} : memref<8x128x1024xf32, #tpu.memory_space<vmem>>, vector<1x128x1024xf32>,
    %slice3A_340 = vector.extract_strided_slice %concatenate3A {offsets = [146, 0], sizes = [128, 1024], strides = [1, 1]} : vector<1168x1024xf32> to vector<128x1024xf32>
    %swap3A_341 = arith.constant 1 : index
    %swap3A_342 = arith.constant 0 : index
    %swap3A_343 = arith.constant 0 : index
    %swap3A_344 = vector.load %arg8[%swap3A_341, %swap3A_342, %swap3A_343] : memref<8x128x1024xf32, #tpu.memory_space<vmem>>, vector<1x128x1024xf32>
    %swap3A_345 = vector.shape_cast %swap3A_344 : vector<1x128x1024xf32> to vector<128x1024xf32>
    %swap3A_346 = vector.shape_cast %slice3A_340 : vector<128x1024xf32> to vector<1x128x1024xf32>
    tpu.vector_store %arg8[%swap3A_341, %swap3A_342, %swap3A_343], %swap3A_346 {strides = array<i32>} : memref<8x128x1024xf32, #tpu.memory_space<vmem>>, vector<1x128x1024xf32>,
    %slice3A_347 = vector.extract_strided_slice %concatenate3A {offsets = [292, 0], sizes = [128, 1024], strides = [1, 1]} : vector<1168x1024xf32> to vector<128x1024xf32>
    %swap3A_348 = arith.constant 2 : index
    %swap3A_349 = arith.constant 0 : index
    %swap3A_350 = arith.constant 0 : index
    %swap3A_351 = vector.load %arg8[%swap3A_348, %swap3A_349, %swap3A_350] : memref<8x128x1024xf32, #tpu.memory_space<vmem>>, vector<1x128x1024xf32>
    %swap3A_352 = vector.shape_cast %swap3A_351 : vector<1x128x1024xf32> to vector<128x1024xf32>
    %swap3A_353 = vector.shape_cast %slice3A_347 : vector<128x1024xf32> to vector<1x128x1024xf32>
    tpu.vector_store %arg8[%swap3A_348, %swap3A_349, %swap3A_350], %swap3A_353 {strides = array<i32>} : memref<8x128x1024xf32, #tpu.memory_space<vmem>>, vector<1x128x1024xf32>,
    %slice3A_354 = vector.extract_strided_slice %concatenate3A {offsets = [438, 0], sizes = [128, 1024], strides = [1, 1]} : vector<1168x1024xf32> to vector<128x1024xf32>
    %swap3A_355 = arith.constant 3 : index
    %swap3A_356 = arith.constant 0 : index
    %swap3A_357 = arith.constant 0 : index
    %swap3A_358 = vector.load %arg8[%swap3A_355, %swap3A_356, %swap3A_357] : memref<8x128x1024xf32, #tpu.memory_space<vmem>>, vector<1x128x1024xf32>
    %swap3A_359 = vector.shape_cast %swap3A_358 : vector<1x128x1024xf32> to vector<128x1024xf32>
    %swap3A_360 = vector.shape_cast %slice3A_354 : vector<128x1024xf32> to vector<1x128x1024xf32>
    tpu.vector_store %arg8[%swap3A_355, %swap3A_356, %swap3A_357], %swap3A_360 {strides = array<i32>} : memref<8x128x1024xf32, #tpu.memory_space<vmem>>, vector<1x128x1024xf32>,
    %slice3A_361 = vector.extract_strided_slice %concatenate3A {offsets = [584, 0], sizes = [128, 1024], strides = [1, 1]} : vector<1168x1024xf32> to vector<128x1024xf32>
    %swap3A_362 = arith.constant 4 : index
    %swap3A_363 = arith.constant 0 : index
    %swap3A_364 = arith.constant 0 : index
    %swap3A_365 = vector.load %arg8[%swap3A_362, %swap3A_363, %swap3A_364] : memref<8x128x1024xf32, #tpu.memory_space<vmem>>, vector<1x128x1024xf32>
    %swap3A_366 = vector.shape_cast %swap3A_365 : vector<1x128x1024xf32> to vector<128x1024xf32>
    %swap3A_367 = vector.shape_cast %slice3A_361 : vector<128x1024xf32> to vector<1x128x1024xf32>
    tpu.vector_store %arg8[%swap3A_362, %swap3A_363, %swap3A_364], %swap3A_367 {strides = array<i32>} : memref<8x128x1024xf32, #tpu.memory_space<vmem>>, vector<1x128x1024xf32>,
    %slice3A_368 = vector.extract_strided_slice %concatenate3A {offsets = [730, 0], sizes = [128, 1024], strides = [1, 1]} : vector<1168x1024xf32> to vector<128x1024xf32>
    %swap3A_369 = arith.constant 5 : index
    %swap3A_370 = arith.constant 0 : index
    %swap3A_371 = arith.constant 0 : index
    %swap3A_372 = vector.load %arg8[%swap3A_369, %swap3A_370, %swap3A_371] : memref<8x128x1024xf32, #tpu.memory_space<vmem>>, vector<1x128x1024xf32>
    %swap3A_373 = vector.shape_cast %swap3A_372 : vector<1x128x1024xf32> to vector<128x1024xf32>
    %swap3A_374 = vector.shape_cast %slice3A_368 : vector<128x1024xf32> to vector<1x128x1024xf32>
    tpu.vector_store %arg8[%swap3A_369, %swap3A_370, %swap3A_371], %swap3A_374 {strides = array<i32>} : memref<8x128x1024xf32, #tpu.memory_space<vmem>>, vector<1x128x1024xf32>,
    %slice3A_375 = vector.extract_strided_slice %concatenate3A {offsets = [876, 0], sizes = [128, 1024], strides = [1, 1]} : vector<1168x1024xf32> to vector<128x1024xf32>
    %swap3A_376 = arith.constant 6 : index
    %swap3A_377 = arith.constant 0 : index
    %swap3A_378 = arith.constant 0 : index
    %swap3A_379 = vector.load %arg8[%swap3A_376, %swap3A_377, %swap3A_378] : memref<8x128x1024xf32, #tpu.memory_space<vmem>>, vector<1x128x1024xf32>
    %swap3A_380 = vector.shape_cast %swap3A_379 : vector<1x128x1024xf32> to vector<128x1024xf32>
    %swap3A_381 = vector.shape_cast %slice3A_375 : vector<128x1024xf32> to vector<1x128x1024xf32>
    tpu.vector_store %arg8[%swap3A_376, %swap3A_377, %swap3A_378], %swap3A_381 {strides = array<i32>} : memref<8x128x1024xf32, #tpu.memory_space<vmem>>, vector<1x128x1024xf32>,
    %slice3A_382 = vector.extract_strided_slice %concatenate3A {offsets = [1022, 0], sizes = [128, 1024], strides = [1, 1]} : vector<1168x1024xf32> to vector<128x1024xf32>
    %swap3A_383 = arith.constant 7 : index
    %swap3A_384 = arith.constant 0 : index
    %swap3A_385 = arith.constant 0 : index
    %swap3A_386 = vector.load %arg8[%swap3A_383, %swap3A_384, %swap3A_385] : memref<8x128x1024xf32, #tpu.memory_space<vmem>>, vector<1x128x1024xf32>
    %swap3A_387 = vector.shape_cast %swap3A_386 : vector<1x128x1024xf32> to vector<128x1024xf32>
    %swap3A_388 = vector.shape_cast %slice3A_382 : vector<128x1024xf32> to vector<1x128x1024xf32>
    tpu.vector_store %arg8[%swap3A_383, %swap3A_384, %swap3A_385], %swap3A_388 {strides = array<i32>} : memref<8x128x1024xf32, #tpu.memory_space<vmem>>, vector<1x128x1024xf32>,
    return
  }
  func.func @transform_0(%arg0: i32) -> (i32, i32, i32) {
    %c0_i32 = arith.constant 0 : i32
    %c0_i32_0 = arith.constant 0 : i32
    %c0_i32_1 = arith.constant 0 : i32
    return %arg0, %c0_i32, %c0_i32_0 : i32, i32, i32
  }
  func.func @transform_1(%arg0: i32) -> (i32, i32, i32, i32) {
    %c0_i32 = arith.constant 0 : i32
    %c0_i32_0 = arith.constant 0 : i32
    %c0_i32_1 = arith.constant 0 : i32
    %c0_i32_2 = arith.constant 0 : i32
    %c0_i32_3 = arith.constant 0 : i32
    return %c0_i32, %c0_i32_0, %c0_i32_1, %c0_i32_2 : i32, i32, i32, i32
  }
  func.func @transform_2(%arg0: i32) -> (i32, i32) {
    %c0_i32 = arith.constant 0 : i32
    %c0_i32_0 = arith.constant 0 : i32
    %c0_i32_1 = arith.constant 0 : i32
    return %c0_i32, %c0_i32_0 : i32, i32
  }
  func.func @transform_3(%arg0: i32) -> (i32, i32, i32) {
    %c0_i32 = arith.constant 0 : i32
    %c0_i32_0 = arith.constant 0 : i32
    %c0_i32_1 = arith.constant 0 : i32
    %c0_i32_2 = arith.constant 0 : i32
    return %c0_i32, %c0_i32_0, %c0_i32_1 : i32, i32, i32
  }
  func.func @transform_4(%arg0: i32) -> (i32, i32) {
    %c0_i32 = arith.constant 0 : i32
    %c0_i32_0 = arith.constant 0 : i32
    %c0_i32_1 = arith.constant 0 : i32
    return %c0_i32, %c0_i32_0 : i32, i32
  }
  func.func @transform_5(%arg0: i32) -> (i32, i32, i32) {
    %c0_i32 = arith.constant 0 : i32
    %c0_i32_0 = arith.constant 0 : i32
    %c0_i32_1 = arith.constant 0 : i32
    %c0_i32_2 = arith.constant 0 : i32
    return %c0_i32, %c0_i32_0, %c0_i32_1 : i32, i32, i32
  }
  func.func @transform_6(%arg0: i32) -> (i32, i32) {
    %c0_i32 = arith.constant 0 : i32
    %c0_i32_0 = arith.constant 0 : i32
    %c0_i32_1 = arith.constant 0 : i32
    return %c0_i32, %c0_i32_0 : i32, i32
  }
  func.func @transform_7(%arg0: i32) -> (i32, i32, i32) {
    %c0_i32 = arith.constant 0 : i32
    %c0_i32_0 = arith.constant 0 : i32
    %c0_i32_1 = arith.constant 0 : i32
    return %arg0, %c0_i32, %c0_i32_0 : i32, i32, i32
  }
}

module attributes {stable_mosaic.version = 14 : i64} {
  func.func @body(%arg0: i32, %arg1: memref<8x256x512xf32, #tpu.memory_space<vmem>>, %arg2: memref<3x512x512xbf16, #tpu.memory_space<vmem>>, %arg3: memref<1x512xf32, #tpu.memory_space<vmem>>, %arg4: memref<3x512x263xbf16, #tpu.memory_space<vmem>>, %arg5: memref<1x263xf32, #tpu.memory_space<vmem>>, %arg6: memref<8x256x263xf32, #tpu.memory_space<vmem>>, %arg7: memref<2066x512xbf16, #tpu.memory_space<vmem>>, %arg8: memref<2066x512xbf16, #tpu.memory_space<vmem>>) attributes {dimension_semantics = [#tpu.dimension_semantics<parallel>], iteration_bounds = array<i64: 4>, scalar_prefetch = 0 : i64, scratch_operands = 2 : i64, tpu.core_type = #tpu.core_type<tc>, window_params = [{transform_indices = @transform_0, window_bounds = array<i64: 8, 256, 512>}, {pipeline_mode = #tpu.pipeline_mode<synchronous>, transform_indices = @transform_1, window_bounds = array<i64: 3, 512, 512>}, {pipeline_mode = #tpu.pipeline_mode<synchronous>, transform_indices = @transform_2, window_bounds = array<i64: 1, 512>}, {pipeline_mode = #tpu.pipeline_mode<synchronous>, transform_indices = @transform_3, window_bounds = array<i64: 3, 512, 263>}, {pipeline_mode = #tpu.pipeline_mode<synchronous>, transform_indices = @transform_4, window_bounds = array<i64: 1, 263>}, {transform_indices = @transform_5, window_bounds = array<i64: 8, 256, 263>}]} {
    %broadcast_in_dim3A = arith.constant 0.000000e+00 : bf16
    %broadcast_in_dim3A_0 = vector.broadcast %broadcast_in_dim3A : bf16 to vector<2066x512xbf16>
    %swap3A = arith.constant 0 : index
    %swap3A_1 = arith.constant 0 : index
    %swap3A_2 = vector.load %arg7[%swap3A, %swap3A_1] : memref<2066x512xbf16, #tpu.memory_space<vmem>>, vector<2066x512xbf16>
    tpu.vector_store %arg7[%swap3A, %swap3A_1], %broadcast_in_dim3A_0 {strides = array<i32>} : memref<2066x512xbf16, #tpu.memory_space<vmem>>, vector<2066x512xbf16>,
    %get3A = arith.constant 0 : index
    %get3A_3 = arith.constant 0 : index
    %get3A_4 = arith.constant 0 : index
    %get3A_5 = vector.load %arg1[%get3A, %get3A_3, %get3A_4] : memref<8x256x512xf32, #tpu.memory_space<vmem>>, vector<1x256x512xf32>
    %get3A_6 = vector.shape_cast %get3A_5 : vector<1x256x512xf32> to vector<256x512xf32>
    %convert_element_type3A = arith.truncf %get3A_6 : vector<256x512xf32> to vector<256x512xbf16>
    %swap3A_7 = arith.constant 1 : index
    %swap3A_8 = arith.constant 0 : index
    %swap3A_9 = vector.load %arg7[%swap3A_7, %swap3A_8] : memref<2066x512xbf16, #tpu.memory_space<vmem>>, vector<256x512xbf16>
    tpu.vector_store %arg7[%swap3A_7, %swap3A_8], %convert_element_type3A {strides = array<i32>} : memref<2066x512xbf16, #tpu.memory_space<vmem>>, vector<256x512xbf16>,
    %get3A_10 = arith.constant 1 : index
    %get3A_11 = arith.constant 0 : index
    %get3A_12 = arith.constant 0 : index
    %get3A_13 = vector.load %arg1[%get3A_10, %get3A_11, %get3A_12] : memref<8x256x512xf32, #tpu.memory_space<vmem>>, vector<1x256x512xf32>
    %get3A_14 = vector.shape_cast %get3A_13 : vector<1x256x512xf32> to vector<256x512xf32>
    %convert_element_type3A_15 = arith.truncf %get3A_14 : vector<256x512xf32> to vector<256x512xbf16>
    %swap3A_16 = arith.constant 259 : index
    %swap3A_17 = arith.constant 0 : index
    %swap3A_18 = vector.load %arg7[%swap3A_16, %swap3A_17] : memref<2066x512xbf16, #tpu.memory_space<vmem>>, vector<256x512xbf16>
    tpu.vector_store %arg7[%swap3A_16, %swap3A_17], %convert_element_type3A_15 {strides = array<i32>} : memref<2066x512xbf16, #tpu.memory_space<vmem>>, vector<256x512xbf16>,
    %get3A_19 = arith.constant 2 : index
    %get3A_20 = arith.constant 0 : index
    %get3A_21 = arith.constant 0 : index
    %get3A_22 = vector.load %arg1[%get3A_19, %get3A_20, %get3A_21] : memref<8x256x512xf32, #tpu.memory_space<vmem>>, vector<1x256x512xf32>
    %get3A_23 = vector.shape_cast %get3A_22 : vector<1x256x512xf32> to vector<256x512xf32>
    %convert_element_type3A_24 = arith.truncf %get3A_23 : vector<256x512xf32> to vector<256x512xbf16>
    %swap3A_25 = arith.constant 517 : index
    %swap3A_26 = arith.constant 0 : index
    %swap3A_27 = vector.load %arg7[%swap3A_25, %swap3A_26] : memref<2066x512xbf16, #tpu.memory_space<vmem>>, vector<256x512xbf16>
    tpu.vector_store %arg7[%swap3A_25, %swap3A_26], %convert_element_type3A_24 {strides = array<i32>} : memref<2066x512xbf16, #tpu.memory_space<vmem>>, vector<256x512xbf16>,
    %get3A_28 = arith.constant 3 : index
    %get3A_29 = arith.constant 0 : index
    %get3A_30 = arith.constant 0 : index
    %get3A_31 = vector.load %arg1[%get3A_28, %get3A_29, %get3A_30] : memref<8x256x512xf32, #tpu.memory_space<vmem>>, vector<1x256x512xf32>
    %get3A_32 = vector.shape_cast %get3A_31 : vector<1x256x512xf32> to vector<256x512xf32>
    %convert_element_type3A_33 = arith.truncf %get3A_32 : vector<256x512xf32> to vector<256x512xbf16>
    %swap3A_34 = arith.constant 775 : index
    %swap3A_35 = arith.constant 0 : index
    %swap3A_36 = vector.load %arg7[%swap3A_34, %swap3A_35] : memref<2066x512xbf16, #tpu.memory_space<vmem>>, vector<256x512xbf16>
    tpu.vector_store %arg7[%swap3A_34, %swap3A_35], %convert_element_type3A_33 {strides = array<i32>} : memref<2066x512xbf16, #tpu.memory_space<vmem>>, vector<256x512xbf16>,
    %get3A_37 = arith.constant 4 : index
    %get3A_38 = arith.constant 0 : index
    %get3A_39 = arith.constant 0 : index
    %get3A_40 = vector.load %arg1[%get3A_37, %get3A_38, %get3A_39] : memref<8x256x512xf32, #tpu.memory_space<vmem>>, vector<1x256x512xf32>
    %get3A_41 = vector.shape_cast %get3A_40 : vector<1x256x512xf32> to vector<256x512xf32>
    %convert_element_type3A_42 = arith.truncf %get3A_41 : vector<256x512xf32> to vector<256x512xbf16>
    %swap3A_43 = arith.constant 1033 : index
    %swap3A_44 = arith.constant 0 : index
    %swap3A_45 = vector.load %arg7[%swap3A_43, %swap3A_44] : memref<2066x512xbf16, #tpu.memory_space<vmem>>, vector<256x512xbf16>
    tpu.vector_store %arg7[%swap3A_43, %swap3A_44], %convert_element_type3A_42 {strides = array<i32>} : memref<2066x512xbf16, #tpu.memory_space<vmem>>, vector<256x512xbf16>,
    %get3A_46 = arith.constant 5 : index
    %get3A_47 = arith.constant 0 : index
    %get3A_48 = arith.constant 0 : index
    %get3A_49 = vector.load %arg1[%get3A_46, %get3A_47, %get3A_48] : memref<8x256x512xf32, #tpu.memory_space<vmem>>, vector<1x256x512xf32>
    %get3A_50 = vector.shape_cast %get3A_49 : vector<1x256x512xf32> to vector<256x512xf32>
    %convert_element_type3A_51 = arith.truncf %get3A_50 : vector<256x512xf32> to vector<256x512xbf16>
    %swap3A_52 = arith.constant 1291 : index
    %swap3A_53 = arith.constant 0 : index
    %swap3A_54 = vector.load %arg7[%swap3A_52, %swap3A_53] : memref<2066x512xbf16, #tpu.memory_space<vmem>>, vector<256x512xbf16>
    tpu.vector_store %arg7[%swap3A_52, %swap3A_53], %convert_element_type3A_51 {strides = array<i32>} : memref<2066x512xbf16, #tpu.memory_space<vmem>>, vector<256x512xbf16>,
    %get3A_55 = arith.constant 6 : index
    %get3A_56 = arith.constant 0 : index
    %get3A_57 = arith.constant 0 : index
    %get3A_58 = vector.load %arg1[%get3A_55, %get3A_56, %get3A_57] : memref<8x256x512xf32, #tpu.memory_space<vmem>>, vector<1x256x512xf32>
    %get3A_59 = vector.shape_cast %get3A_58 : vector<1x256x512xf32> to vector<256x512xf32>
    %convert_element_type3A_60 = arith.truncf %get3A_59 : vector<256x512xf32> to vector<256x512xbf16>
    %swap3A_61 = arith.constant 1549 : index
    %swap3A_62 = arith.constant 0 : index
    %swap3A_63 = vector.load %arg7[%swap3A_61, %swap3A_62] : memref<2066x512xbf16, #tpu.memory_space<vmem>>, vector<256x512xbf16>
    tpu.vector_store %arg7[%swap3A_61, %swap3A_62], %convert_element_type3A_60 {strides = array<i32>} : memref<2066x512xbf16, #tpu.memory_space<vmem>>, vector<256x512xbf16>,
    %get3A_64 = arith.constant 7 : index
    %get3A_65 = arith.constant 0 : index
    %get3A_66 = arith.constant 0 : index
    %get3A_67 = vector.load %arg1[%get3A_64, %get3A_65, %get3A_66] : memref<8x256x512xf32, #tpu.memory_space<vmem>>, vector<1x256x512xf32>
    %get3A_68 = vector.shape_cast %get3A_67 : vector<1x256x512xf32> to vector<256x512xf32>
    %convert_element_type3A_69 = arith.truncf %get3A_68 : vector<256x512xf32> to vector<256x512xbf16>
    %swap3A_70 = arith.constant 1807 : index
    %swap3A_71 = arith.constant 0 : index
    %swap3A_72 = vector.load %arg7[%swap3A_70, %swap3A_71] : memref<2066x512xbf16, #tpu.memory_space<vmem>>, vector<256x512xbf16>
    tpu.vector_store %arg7[%swap3A_70, %swap3A_71], %convert_element_type3A_69 {strides = array<i32>} : memref<2066x512xbf16, #tpu.memory_space<vmem>>, vector<256x512xbf16>,
    %get3A_73 = arith.constant 0 : index
    %get3A_74 = arith.constant 0 : index
    %get3A_75 = vector.load %arg3[%get3A_73, %get3A_74] : memref<1x512xf32, #tpu.memory_space<vmem>>, vector<1x512xf32>
    %get3A_76 = arith.constant 0 : index
    %get3A_77 = arith.constant 0 : index
    %get3A_78 = vector.load %arg7[%get3A_76, %get3A_77] : memref<2066x512xbf16, #tpu.memory_space<vmem>>, vector<2064x512xbf16>
    %get3A_79 = arith.constant 0 : index
    %get3A_80 = arith.constant 0 : index
    %get3A_81 = arith.constant 0 : index
    %get3A_82 = vector.load %arg2[%get3A_79, %get3A_80, %get3A_81] : memref<3x512x512xbf16, #tpu.memory_space<vmem>>, vector<1x512x512xbf16>
    %get3A_83 = vector.shape_cast %get3A_82 : vector<1x512x512xbf16> to vector<512x512xbf16>
    %dot_general3A = arith.constant dense<0.000000e+00> : vector<2064x512xf32>
    %dot_general3A_84 = tpu.matmul %get3A_78, %get3A_83, %dot_general3A {dimension_numbers = #tpu.dot_dimension_numbers<[1], [0], [0], [1], [0, 0, 1, 1], [], []>, transpose_lhs_hint = false} : vector<2064x512xbf16>, vector<512x512xbf16>, vector<2064x512xf32> -> vector<2064x512xf32>
    %add3A = vector.broadcast %get3A_75 : vector<1x512xf32> to vector<2064x512xf32>
    %add3A_85 = arith.addf %add3A, %dot_general3A_84 : vector<2064x512xf32>
    %get3A_86 = arith.constant 1 : index
    %get3A_87 = arith.constant 0 : index
    %get3A_88 = vector.load %arg7[%get3A_86, %get3A_87] : memref<2066x512xbf16, #tpu.memory_space<vmem>>, vector<2064x512xbf16>
    %get3A_89 = arith.constant 1 : index
    %get3A_90 = arith.constant 0 : index
    %get3A_91 = arith.constant 0 : index
    %get3A_92 = vector.load %arg2[%get3A_89, %get3A_90, %get3A_91] : memref<3x512x512xbf16, #tpu.memory_space<vmem>>, vector<1x512x512xbf16>
    %get3A_93 = vector.shape_cast %get3A_92 : vector<1x512x512xbf16> to vector<512x512xbf16>
    %dot_general3A_94 = arith.constant dense<0.000000e+00> : vector<2064x512xf32>
    %dot_general3A_95 = tpu.matmul %get3A_88, %get3A_93, %dot_general3A_94 {dimension_numbers = #tpu.dot_dimension_numbers<[1], [0], [0], [1], [0, 0, 1, 1], [], []>, transpose_lhs_hint = false} : vector<2064x512xbf16>, vector<512x512xbf16>, vector<2064x512xf32> -> vector<2064x512xf32>
    %add3A_96 = arith.addf %add3A_85, %dot_general3A_95 : vector<2064x512xf32>
    %get3A_97 = arith.constant 2 : index
    %get3A_98 = arith.constant 0 : index
    %get3A_99 = vector.load %arg7[%get3A_97, %get3A_98] : memref<2066x512xbf16, #tpu.memory_space<vmem>>, vector<2064x512xbf16>
    %get3A_100 = arith.constant 2 : index
    %get3A_101 = arith.constant 0 : index
    %get3A_102 = arith.constant 0 : index
    %get3A_103 = vector.load %arg2[%get3A_100, %get3A_101, %get3A_102] : memref<3x512x512xbf16, #tpu.memory_space<vmem>>, vector<1x512x512xbf16>
    %get3A_104 = vector.shape_cast %get3A_103 : vector<1x512x512xbf16> to vector<512x512xbf16>
    %dot_general3A_105 = arith.constant dense<0.000000e+00> : vector<2064x512xf32>
    %dot_general3A_106 = tpu.matmul %get3A_99, %get3A_104, %dot_general3A_105 {dimension_numbers = #tpu.dot_dimension_numbers<[1], [0], [0], [1], [0, 0, 1, 1], [], []>, transpose_lhs_hint = false} : vector<2064x512xbf16>, vector<512x512xbf16>, vector<2064x512xf32> -> vector<2064x512xf32>
    %add3A_107 = arith.addf %add3A_96, %dot_general3A_106 : vector<2064x512xf32>
    %max3A = arith.constant 0.000000e+00 : f32
    %max3A_108 = vector.broadcast %max3A : f32 to vector<2064x512xf32>
    %max3A_109 = arith.maximumf %add3A_107, %max3A_108 : vector<2064x512xf32>
    %convert_element_type3A_110 = arith.truncf %max3A_109 : vector<2064x512xf32> to vector<2064x512xbf16>
    %iota3A = tpu.iota {dimensions = array<i32: 0>} : vector<2064x1xi32>
    %rem3A = arith.constant 258 : i32
    %rem3A_111 = vector.broadcast %rem3A : i32 to vector<2064x1xi32>
    %rem3A_112 = arith.remsi %iota3A, %rem3A_111 : vector<2064x1xi32>
    %lt3A = arith.constant 256 : i32
    %lt3A_113 = vector.broadcast %lt3A : i32 to vector<2064x1xi32>
    %lt3A_114 = arith.cmpi slt, %rem3A_112, %lt3A_113 : vector<2064x1xi32>
    %broadcast_in_dim3A_115 = arith.constant 0.000000e+00 : bf16
    %broadcast_in_dim3A_116 = vector.broadcast %broadcast_in_dim3A_115 : bf16 to vector<2066x512xbf16>
    %swap3A_117 = arith.constant 0 : index
    %swap3A_118 = arith.constant 0 : index
    %swap3A_119 = vector.load %arg8[%swap3A_117, %swap3A_118] : memref<2066x512xbf16, #tpu.memory_space<vmem>>, vector<2066x512xbf16>
    tpu.vector_store %arg8[%swap3A_117, %swap3A_118], %broadcast_in_dim3A_116 {strides = array<i32>} : memref<2066x512xbf16, #tpu.memory_space<vmem>>, vector<2066x512xbf16>,
    %jit3A = arith.constant 0.000000e+00 : bf16
    %broadcast_in_dim3A_120 = vector.shape_cast %lt3A_114 : vector<2064x1xi1> to vector<2064x1xi1>
    %broadcast_in_dim3A_121 = vector.broadcast %broadcast_in_dim3A_120 : vector<2064x1xi1> to vector<2064x512xi1>
    %broadcast_in_dim3A_122 = vector.broadcast %jit3A : bf16 to vector<2064x512xbf16>
    %select_n3A = arith.select %broadcast_in_dim3A_121, %convert_element_type3A_110, %broadcast_in_dim3A_122 : vector<2064x512xi1>, vector<2064x512xbf16>
    %swap3A_123 = arith.constant 1 : index
    %swap3A_124 = arith.constant 0 : index
    %swap3A_125 = vector.load %arg8[%swap3A_123, %swap3A_124] : memref<2066x512xbf16, #tpu.memory_space<vmem>>, vector<2064x512xbf16>
    tpu.vector_store %arg8[%swap3A_123, %swap3A_124], %select_n3A {strides = array<i32>} : memref<2066x512xbf16, #tpu.memory_space<vmem>>, vector<2064x512xbf16>,
    %get3A_126 = arith.constant 0 : index
    %get3A_127 = arith.constant 0 : index
    %get3A_128 = vector.load %arg5[%get3A_126, %get3A_127] : memref<1x263xf32, #tpu.memory_space<vmem>>, vector<1x263xf32>
    %get3A_129 = arith.constant 0 : index
    %get3A_130 = arith.constant 0 : index
    %get3A_131 = vector.load %arg8[%get3A_129, %get3A_130] : memref<2066x512xbf16, #tpu.memory_space<vmem>>, vector<2064x512xbf16>
    %get3A_132 = arith.constant 0 : index
    %get3A_133 = arith.constant 0 : index
    %get3A_134 = arith.constant 0 : index
    %get3A_135 = vector.load %arg4[%get3A_132, %get3A_133, %get3A_134] : memref<3x512x263xbf16, #tpu.memory_space<vmem>>, vector<1x512x263xbf16>
    %get3A_136 = vector.shape_cast %get3A_135 : vector<1x512x263xbf16> to vector<512x263xbf16>
    %dot_general3A_137 = arith.constant dense<0.000000e+00> : vector<2064x263xf32>
    %dot_general3A_138 = tpu.matmul %get3A_131, %get3A_136, %dot_general3A_137 {dimension_numbers = #tpu.dot_dimension_numbers<[1], [0], [0], [1], [0, 0, 1, 1], [], []>, transpose_lhs_hint = false} : vector<2064x512xbf16>, vector<512x263xbf16>, vector<2064x263xf32> -> vector<2064x263xf32>
    %add3A_139 = vector.broadcast %get3A_128 : vector<1x263xf32> to vector<2064x263xf32>
    %add3A_140 = arith.addf %add3A_139, %dot_general3A_138 : vector<2064x263xf32>
    %get3A_141 = arith.constant 1 : index
    %get3A_142 = arith.constant 0 : index
    %get3A_143 = vector.load %arg8[%get3A_141, %get3A_142] : memref<2066x512xbf16, #tpu.memory_space<vmem>>, vector<2064x512xbf16>
    %get3A_144 = arith.constant 1 : index
    %get3A_145 = arith.constant 0 : index
    %get3A_146 = arith.constant 0 : index
    %get3A_147 = vector.load %arg4[%get3A_144, %get3A_145, %get3A_146] : memref<3x512x263xbf16, #tpu.memory_space<vmem>>, vector<1x512x263xbf16>
    %get3A_148 = vector.shape_cast %get3A_147 : vector<1x512x263xbf16> to vector<512x263xbf16>
    %dot_general3A_149 = arith.constant dense<0.000000e+00> : vector<2064x263xf32>
    %dot_general3A_150 = tpu.matmul %get3A_143, %get3A_148, %dot_general3A_149 {dimension_numbers = #tpu.dot_dimension_numbers<[1], [0], [0], [1], [0, 0, 1, 1], [], []>, transpose_lhs_hint = false} : vector<2064x512xbf16>, vector<512x263xbf16>, vector<2064x263xf32> -> vector<2064x263xf32>
    %add3A_151 = arith.addf %add3A_140, %dot_general3A_150 : vector<2064x263xf32>
    %get3A_152 = arith.constant 2 : index
    %get3A_153 = arith.constant 0 : index
    %get3A_154 = vector.load %arg8[%get3A_152, %get3A_153] : memref<2066x512xbf16, #tpu.memory_space<vmem>>, vector<2064x512xbf16>
    %get3A_155 = arith.constant 2 : index
    %get3A_156 = arith.constant 0 : index
    %get3A_157 = arith.constant 0 : index
    %get3A_158 = vector.load %arg4[%get3A_155, %get3A_156, %get3A_157] : memref<3x512x263xbf16, #tpu.memory_space<vmem>>, vector<1x512x263xbf16>
    %get3A_159 = vector.shape_cast %get3A_158 : vector<1x512x263xbf16> to vector<512x263xbf16>
    %dot_general3A_160 = arith.constant dense<0.000000e+00> : vector<2064x263xf32>
    %dot_general3A_161 = tpu.matmul %get3A_154, %get3A_159, %dot_general3A_160 {dimension_numbers = #tpu.dot_dimension_numbers<[1], [0], [0], [1], [0, 0, 1, 1], [], []>, transpose_lhs_hint = false} : vector<2064x512xbf16>, vector<512x263xbf16>, vector<2064x263xf32> -> vector<2064x263xf32>
    %add3A_162 = arith.addf %add3A_151, %dot_general3A_161 : vector<2064x263xf32>
    %slice3A = vector.extract_strided_slice %add3A_162 {offsets = [0, 0], sizes = [256, 263], strides = [1, 1]} : vector<2064x263xf32> to vector<256x263xf32>
    %swap3A_163 = arith.constant 0 : index
    %swap3A_164 = arith.constant 0 : index
    %swap3A_165 = arith.constant 0 : index
    %swap3A_166 = vector.load %arg6[%swap3A_163, %swap3A_164, %swap3A_165] : memref<8x256x263xf32, #tpu.memory_space<vmem>>, vector<1x256x263xf32>
    %swap3A_167 = vector.shape_cast %swap3A_166 : vector<1x256x263xf32> to vector<256x263xf32>
    %swap3A_168 = vector.shape_cast %slice3A : vector<256x263xf32> to vector<1x256x263xf32>
    tpu.vector_store %arg6[%swap3A_163, %swap3A_164, %swap3A_165], %swap3A_168 {strides = array<i32>} : memref<8x256x263xf32, #tpu.memory_space<vmem>>, vector<1x256x263xf32>,
    %slice3A_169 = vector.extract_strided_slice %add3A_162 {offsets = [258, 0], sizes = [256, 263], strides = [1, 1]} : vector<2064x263xf32> to vector<256x263xf32>
    %swap3A_170 = arith.constant 1 : index
    %swap3A_171 = arith.constant 0 : index
    %swap3A_172 = arith.constant 0 : index
    %swap3A_173 = vector.load %arg6[%swap3A_170, %swap3A_171, %swap3A_172] : memref<8x256x263xf32, #tpu.memory_space<vmem>>, vector<1x256x263xf32>
    %swap3A_174 = vector.shape_cast %swap3A_173 : vector<1x256x263xf32> to vector<256x263xf32>
    %swap3A_175 = vector.shape_cast %slice3A_169 : vector<256x263xf32> to vector<1x256x263xf32>
    tpu.vector_store %arg6[%swap3A_170, %swap3A_171, %swap3A_172], %swap3A_175 {strides = array<i32>} : memref<8x256x263xf32, #tpu.memory_space<vmem>>, vector<1x256x263xf32>,
    %slice3A_176 = vector.extract_strided_slice %add3A_162 {offsets = [516, 0], sizes = [256, 263], strides = [1, 1]} : vector<2064x263xf32> to vector<256x263xf32>
    %swap3A_177 = arith.constant 2 : index
    %swap3A_178 = arith.constant 0 : index
    %swap3A_179 = arith.constant 0 : index
    %swap3A_180 = vector.load %arg6[%swap3A_177, %swap3A_178, %swap3A_179] : memref<8x256x263xf32, #tpu.memory_space<vmem>>, vector<1x256x263xf32>
    %swap3A_181 = vector.shape_cast %swap3A_180 : vector<1x256x263xf32> to vector<256x263xf32>
    %swap3A_182 = vector.shape_cast %slice3A_176 : vector<256x263xf32> to vector<1x256x263xf32>
    tpu.vector_store %arg6[%swap3A_177, %swap3A_178, %swap3A_179], %swap3A_182 {strides = array<i32>} : memref<8x256x263xf32, #tpu.memory_space<vmem>>, vector<1x256x263xf32>,
    %slice3A_183 = vector.extract_strided_slice %add3A_162 {offsets = [774, 0], sizes = [256, 263], strides = [1, 1]} : vector<2064x263xf32> to vector<256x263xf32>
    %swap3A_184 = arith.constant 3 : index
    %swap3A_185 = arith.constant 0 : index
    %swap3A_186 = arith.constant 0 : index
    %swap3A_187 = vector.load %arg6[%swap3A_184, %swap3A_185, %swap3A_186] : memref<8x256x263xf32, #tpu.memory_space<vmem>>, vector<1x256x263xf32>
    %swap3A_188 = vector.shape_cast %swap3A_187 : vector<1x256x263xf32> to vector<256x263xf32>
    %swap3A_189 = vector.shape_cast %slice3A_183 : vector<256x263xf32> to vector<1x256x263xf32>
    tpu.vector_store %arg6[%swap3A_184, %swap3A_185, %swap3A_186], %swap3A_189 {strides = array<i32>} : memref<8x256x263xf32, #tpu.memory_space<vmem>>, vector<1x256x263xf32>,
    %slice3A_190 = vector.extract_strided_slice %add3A_162 {offsets = [1032, 0], sizes = [256, 263], strides = [1, 1]} : vector<2064x263xf32> to vector<256x263xf32>
    %swap3A_191 = arith.constant 4 : index
    %swap3A_192 = arith.constant 0 : index
    %swap3A_193 = arith.constant 0 : index
    %swap3A_194 = vector.load %arg6[%swap3A_191, %swap3A_192, %swap3A_193] : memref<8x256x263xf32, #tpu.memory_space<vmem>>, vector<1x256x263xf32>
    %swap3A_195 = vector.shape_cast %swap3A_194 : vector<1x256x263xf32> to vector<256x263xf32>
    %swap3A_196 = vector.shape_cast %slice3A_190 : vector<256x263xf32> to vector<1x256x263xf32>
    tpu.vector_store %arg6[%swap3A_191, %swap3A_192, %swap3A_193], %swap3A_196 {strides = array<i32>} : memref<8x256x263xf32, #tpu.memory_space<vmem>>, vector<1x256x263xf32>,
    %slice3A_197 = vector.extract_strided_slice %add3A_162 {offsets = [1290, 0], sizes = [256, 263], strides = [1, 1]} : vector<2064x263xf32> to vector<256x263xf32>
    %swap3A_198 = arith.constant 5 : index
    %swap3A_199 = arith.constant 0 : index
    %swap3A_200 = arith.constant 0 : index
    %swap3A_201 = vector.load %arg6[%swap3A_198, %swap3A_199, %swap3A_200] : memref<8x256x263xf32, #tpu.memory_space<vmem>>, vector<1x256x263xf32>
    %swap3A_202 = vector.shape_cast %swap3A_201 : vector<1x256x263xf32> to vector<256x263xf32>
    %swap3A_203 = vector.shape_cast %slice3A_197 : vector<256x263xf32> to vector<1x256x263xf32>
    tpu.vector_store %arg6[%swap3A_198, %swap3A_199, %swap3A_200], %swap3A_203 {strides = array<i32>} : memref<8x256x263xf32, #tpu.memory_space<vmem>>, vector<1x256x263xf32>,
    %slice3A_204 = vector.extract_strided_slice %add3A_162 {offsets = [1548, 0], sizes = [256, 263], strides = [1, 1]} : vector<2064x263xf32> to vector<256x263xf32>
    %swap3A_205 = arith.constant 6 : index
    %swap3A_206 = arith.constant 0 : index
    %swap3A_207 = arith.constant 0 : index
    %swap3A_208 = vector.load %arg6[%swap3A_205, %swap3A_206, %swap3A_207] : memref<8x256x263xf32, #tpu.memory_space<vmem>>, vector<1x256x263xf32>
    %swap3A_209 = vector.shape_cast %swap3A_208 : vector<1x256x263xf32> to vector<256x263xf32>
    %swap3A_210 = vector.shape_cast %slice3A_204 : vector<256x263xf32> to vector<1x256x263xf32>
    tpu.vector_store %arg6[%swap3A_205, %swap3A_206, %swap3A_207], %swap3A_210 {strides = array<i32>} : memref<8x256x263xf32, #tpu.memory_space<vmem>>, vector<1x256x263xf32>,
    %slice3A_211 = vector.extract_strided_slice %add3A_162 {offsets = [1806, 0], sizes = [256, 263], strides = [1, 1]} : vector<2064x263xf32> to vector<256x263xf32>
    %swap3A_212 = arith.constant 7 : index
    %swap3A_213 = arith.constant 0 : index
    %swap3A_214 = arith.constant 0 : index
    %swap3A_215 = vector.load %arg6[%swap3A_212, %swap3A_213, %swap3A_214] : memref<8x256x263xf32, #tpu.memory_space<vmem>>, vector<1x256x263xf32>
    %swap3A_216 = vector.shape_cast %swap3A_215 : vector<1x256x263xf32> to vector<256x263xf32>
    %swap3A_217 = vector.shape_cast %slice3A_211 : vector<256x263xf32> to vector<1x256x263xf32>
    tpu.vector_store %arg6[%swap3A_212, %swap3A_213, %swap3A_214], %swap3A_217 {strides = array<i32>} : memref<8x256x263xf32, #tpu.memory_space<vmem>>, vector<1x256x263xf32>,
    return
  }
  func.func @transform_0(%arg0: i32) -> (i32, i32, i32) {
    %c0_i32 = arith.constant 0 : i32
    %c0_i32_0 = arith.constant 0 : i32
    %c0_i32_1 = arith.constant 0 : i32
    return %arg0, %c0_i32, %c0_i32_0 : i32, i32, i32
  }
  func.func @transform_1(%arg0: i32) -> (i32, i32, i32) {
    %c0_i32 = arith.constant 0 : i32
    %c0_i32_0 = arith.constant 0 : i32
    %c0_i32_1 = arith.constant 0 : i32
    %c0_i32_2 = arith.constant 0 : i32
    return %c0_i32, %c0_i32_0, %c0_i32_1 : i32, i32, i32
  }
  func.func @transform_2(%arg0: i32) -> (i32, i32) {
    %c0_i32 = arith.constant 0 : i32
    %c0_i32_0 = arith.constant 0 : i32
    %c0_i32_1 = arith.constant 0 : i32
    return %c0_i32, %c0_i32_0 : i32, i32
  }
  func.func @transform_3(%arg0: i32) -> (i32, i32, i32) {
    %c0_i32 = arith.constant 0 : i32
    %c0_i32_0 = arith.constant 0 : i32
    %c0_i32_1 = arith.constant 0 : i32
    %c0_i32_2 = arith.constant 0 : i32
    return %c0_i32, %c0_i32_0, %c0_i32_1 : i32, i32, i32
  }
  func.func @transform_4(%arg0: i32) -> (i32, i32) {
    %c0_i32 = arith.constant 0 : i32
    %c0_i32_0 = arith.constant 0 : i32
    %c0_i32_1 = arith.constant 0 : i32
    return %c0_i32, %c0_i32_0 : i32, i32
  }
  func.func @transform_5(%arg0: i32) -> (i32, i32, i32) {
    %c0_i32 = arith.constant 0 : i32
    %c0_i32_0 = arith.constant 0 : i32
    %c0_i32_1 = arith.constant 0 : i32
    return %arg0, %c0_i32, %c0_i32_0 : i32, i32, i32
  }
}

</mosaic_0001>

<sc_bundles>
// kernel: kernel.12.cloned.1.call-start
scs
__scs_entry_jumppad:
0x0: {  	(pc) =	sbr.rel $0x88, $3  }
0x1: {  	(tag) =	ssettag $0x0;
	lr =	simm.s32 $0x1  }
0x2: {  	[smem:$0x3F89] =	sst lr;
	_ =	strace $0xD0000000  }
0x3: {  	_ = 	snop  }
0x4: {  	_ = 	snop  }
0x5: {  	_ = 	snop  }
0x6: {  	_ = 	snop  }
0x7: {  	_ = 	snop  }
__scs_overlays_trampoline_lowered:
0x8: {  	[smem:$0x3F98] =	sst s0  }
0x9: {  	[smem:$0x3F99] =	sst s1  }
0xa: {  	[smem:$0x3F9A] =	sst s2  }
0xb: {  	[smem:$0x3F9B] =	sst s3  }
0xc: {  	[smem:$0x3F9C] =	sst s4  }
0xd: {  	[smem:$0x3F9D] =	sst s5  }
0xe: {  	[smem:$0x3F9E] =	sst s6  }
0xf: {  	[smem:$0x3F9F] =	sst s7  }
0x10: {  	[smem:$0x3FA0] =	sst s8  }
0x11: {  	[smem:$0x3FA1] =	sst s9;
	s0 =	simm.s32 @!p0 $0x0  }
0x12: {  	s1 =	sld [smem:$0x3F87];
	s0 =	simm.s32 @p0 $0x1  }
0x13: {  	[smem:$0x3FA2] =	sst s0;
	s0 =	simm.s32 @!p1 $0x0  }
0x14: {  	s2 =	sld [smem:$0x3F86];
	s0 =	simm.s32 @p1 $0x1  }
0x15: {  	[smem:$0x3FA3] =	sst s0;
	s0 =	simm.s32 @!p2 $0x0  }
0x16: {  	s3 =	sld [smem:$0x3FDB];
	s0 =	simm.s32 @p2 $0x1  }
0x17: {  	s4 =	simm.s32 $0x1BF5;
	[smem:$0x3FA5] =	sst s0  }
0x18: {  	s0 =	sld [smem:$0x3F88];
	_ =	swait.ge [sflag:s4], $0x0  }
0x19: {  	s7 =	sld [smem:$0x3F89]  }
0x1a: {  	s8 =	sadd.s32 $0xFFFFE003, lr  }
0x1b: {  	s9 =	sadd.s32 $0xFFFFFEF7, lr;
	s5 =	simm.s32 $0xFFFFFFFF;
	p2 =	slt.u32 s8, $0xFFFFF086  }
0x1c: {  	p1 =	slt.u32 s9, $0xF7A;
	s5 =	simm.s32 @!p2 $0x0  }
0x1d: {  	s5 =	simm.s32 @p1 $0x1;
	p0 =	seq.s32 s7, s2  }
0x1e: {  	s7 =	smul.u32 @!p0 $0xF7A, s2;
	p2 =	seq.s32 @!p0 s5, $0x0  }
0x1f: {  	s9 =	smul.u32 $0xF7A, s1;
	s8 =	simm.s32 @!p0 $0x1BF5;
	p2 =	por !p2, p0  }
0x20: {  	[sflag:s8] =	ssyncset.s32 @!p0 $0xFFFFF086;
	s6 =	sadd.s32 @!p0 s3, s7;
	s7 =	simm.s32 @!p0 $0x108  }
0x21: {  	s3 =	sadd.s32 s3, s9;
	s6 =	sadd.s32 @!p0 $0x88, s6;
	s7 =	simm.s32 @p2 $0x1082  }
0x22: {  	[simem:s7], [sflag:s8] =	dma.local @!p0 [hbm:s6], $0xF7A  }
0x23: {  	s9 =	sor.u32 $0xD0000000, s2;
	s6 =	simm.s32 $0x108;
	_ =	swait.ge @!p0 [sflag:s8], $0x0  }
0x24: {  	s3 =	sadd.s32 $0x88, s3;
	s6 =	simm.s32 @!p1 $0x1082;
	[sflag:s4] =	ssyncset.s32 $0xFFFFF086  }
0x25: {  	[simem:s6], [sflag:s4] =	dma.local [hbm:s3], $0xF7A  }
0x26: {  	[smem:$0x3F89] =	sst s1;
	(tag) =	ssettag s2;
	_ =	strace s9  }
0x27: {  	s1 =	sld [smem:$0x3F99]  }
0x28: {  	s2 =	sld [smem:$0x3F9A]  }
0x29: {  	s4 =	sld [smem:$0x3F9C]  }
0x2a: {  	p0 =	seq.s32 s5, $0x0;
	s5 =	sld [smem:$0x3F9D]  }
0x2b: {  	s6 =	sld [smem:$0x3F9E]  }
0x2c: {  	s7 =	sld [smem:$0x3F9F]  }
0x2d: {  	s3 =	simm.s32 $0x108;
	s8 =	sld [smem:$0x3FA0]  }
0x2e: {  	s3 =	simm.s32 @!p0 $0x1082;
	s9 =	sld [smem:$0x3FA1]  }
0x2f: {  	lr =	sadd.s32 s0, s3;
	s0 =	sld [smem:$0x3F98]  }
0x30: {  	s3 =	sld [smem:$0x3F9B]  }
0x31: {  	[smem:$0x3FA4] =	sst s10  }
0x32: {  	s10 =	sld [smem:$0x3FA2];
	_ =	sdelay $0x3  }
0x33: {  	p0 =	seq.s32 s10, $0x1;
	s10 =	sld [smem:$0x3FA4];
	_ =	sdelay $0x3  }
0x34: {  	[smem:$0x3FA4] =	sst s10  }
0x35: {  	s10 =	sld [smem:$0x3FA3];
	_ =	sdelay $0x3  }
0x36: {  	p1 =	seq.s32 s10, $0x1;
	s10 =	sld [smem:$0x3FA4];
	_ =	sdelay $0x3  }
0x37: {  	[smem:$0x3FA4] =	sst s10  }
0x38: {  	s10 =	sld [smem:$0x3FA5]  }
0x39: {  	_ = 	snop;
	(pc) =	sbr.ind lr, $3  }
0x3a: {  	_ = 	snop  }
0x3b: {  	_ = 	snop  }
0x3c: {  	p2 =	seq.s32 s10, $0x1;
	s10 =	sld [smem:$0x3FA4]  }
0x3d: {  	_ =	shalt  }
0x3e: {  	_ =	shalt  }
0x3f: {  	_ =	shalt  }
0x40: {  	_ =	shalt  }
0x41: {  	_ =	shalt  }
0x42: {  	_ =	shalt  }
0x43: {  	_ =	shalt  }
0x44: {  	_ =	shalt  }
0x45: {  	_ =	shalt  }
0x46: {  	_ =	shalt  }
0x47: {  	_ =	shalt  }
0x48: {  	_ =	shalt  }
0x49: {  	_ =	shalt  }
0x4a: {  	_ =	shalt  }
0x4b: {  	_ =	shalt  }
0x4c: {  	_ =	shalt  }
0x4d: {  	_ =	shalt  }
0x4e: {  	_ =	shalt  }
0x4f: {  	_ =	shalt  }
0x50: {  	_ =	shalt  }
0x51: {  	_ =	shalt  }
0x52: {  	_ =	shalt  }
0x53: {  	_ =	shalt  }
0x54: {  	_ =	shalt  }
0x55: {  	_ =	shalt  }
0x56: {  	_ =	shalt  }
0x57: {  	_ =	shalt  }
0x58: {  	_ =	shalt  }
0x59: {  	_ =	shalt  }
0x5a: {  	_ =	shalt  }
0x5b: {  	_ =	shalt  }
0x5c: {  	_ =	shalt  }
0x5d: {  	_ =	shalt  }
0x5e: {  	_ =	shalt  }
0x5f: {  	_ =	shalt  }
0x60: {  	_ =	shalt  }
0x61: {  	_ =	shalt  }
0x62: {  	_ =	shalt  }
0x63: {  	_ =	shalt  }
0x64: {  	_ =	shalt  }
0x65: {  	_ =	shalt  }
0x66: {  	_ =	shalt  }
0x67: {  	_ =	shalt  }
0x68: {  	_ =	shalt  }
0x69: {  	_ =	shalt  }
0x6a: {  	_ =	shalt  }
0x6b: {  	_ =	shalt  }
0x6c: {  	_ =	shalt  }
0x6d: {  	_ =	shalt  }
0x6e: {  	_ =	shalt  }
0x6f: {  	_ =	shalt  }
0x70: {  	_ =	shalt  }
0x71: {  	_ =	shalt  }
0x72: {  	_ =	shalt  }
0x73: {  	_ =	shalt  }
0x74: {  	_ =	shalt  }
0x75: {  	_ =	shalt  }
0x76: {  	_ =	shalt  }
0x77: {  	_ =	shalt  }
0x78: {  	_ =	shalt  }
0x79: {  	_ =	shalt  }
0x7a: {  	_ =	shalt  }
0x7b: {  	_ =	shalt  }
0x7c: {  	_ =	shalt  }
0x7d: {  	_ =	shalt  }
0x7e: {  	_ =	shalt  }
0x7f: {  	_ =	shalt  }
0x80: {  	_ =	shalt  }
0x81: {  	_ =	shalt  }
0x82: {  	_ =	shalt  }
0x83: {  	_ =	shalt  }
0x84: {  	_ =	shalt  }
0x85: {  	_ =	shalt  }
0x86: {  	_ =	shalt  }
0x87: {  	_ =	shalt  }
.Lfunc_end0:
.L_simem_size_0:
called_computation_lowered:
.L_overlay_start_0:
0x88: {  	s2 =	sld [smem:$0x3FD9]  }
0x89: {  	s3 =	sld [smem:$0x3FFE];
	_ =	sdelay $0x1  }
0x8a: {  	s1 =	srdreg.scid  }
0x8b: {  	s0 =	sand.u32 $0x1, s1  }
0x8c: {  	s14 =	sshll.u32 s0, $0xA;
	s2 =	sadd.s32 s3, s2  }
0x8d: {  	s2 =	sadd.s32 s2, s14  }
0x8e: {  	[smem:$0x3FB0] =	sst s2  }
0x8f: {  	_ = 	snop  }
0x90: {  	s2 =	sld [smem:$0x3FD0];
	_ =	sdelay $0x2  }
0x91: {  	s15 =	simm.s32 $0xA;
	s4 =	simm.s32 $0x10  }
0x92: {  	[smem:s4], [sflag:s15] =	dma.local [hbm:s2], $0x1  }
0x93: {  	_ =	swait.eq [sflag:s15], $0x1  }
0x94: {  	[sflag:s15] =	ssyncset.done $0x0  }
0x95: {  	[sflag:s15] =	ssyncadd.s32 $0xFFFFFFFF  }
0x96: {  	s16 =	sld [smem:$0x10];
	(tm) =	ssettm $0x1  }
0x97: {  	s17 =	sld [smem:$0x3FFB];
	_ =	sdelay $0x3  }
0x98: {  	_ =	strace s17  }
0x99: {  	s3 =	sld [smem:$0x3FFC];
	_ =	sdelay $0x3  }
0x9a: {  	_ =	strace s3  }
0x9b: {  	s3 =	sld [smem:$0x3FFD];
	_ =	sdelay $0x3  }
0x9c: {  	_ =	strace s3  }
0x9d: {  	_ =	strace $0x8FFFFFFF  }
0x9e: {  	s18 =	sld [smem:$0x3FDB];
	_ =	sdelay $0x1  }
0x9f: {  	s19 =	simm.s32 $_scs_section_size  }
0xa0: {  	s5 =	simm.s32 $_size__tile_overlayer_lowered;
	s6 =	simm.s32 $_tile_overlayer_lowered  }
0xa1: {  	s22 =	simm.s32 $0x1BFF;
	s21 =	sshll.u32 s6, $0x1;
	s3 =	sadd.s32 s19, s18  }
0xa2: {  	s7 =	simm.s32 $0x0;
	s20 =	sshll.u32 s5, $0x1;
	s5 =	sadd.s32 s21, s3  }
0xa3: {  	[timem:s7], [sflag:s22] =	dma.local [hbm:s5], s20  }
0xa4: {  	_ =	swait.ge [sflag:s22], s20  }
0xa5: {  	s4 =	ssub.s32 $0x0, s20;
	[sflag:s22] =	ssyncset.done $0x0  }
0xa6: {  	[sflag:s22] =	ssyncadd.s32 s4;
	_ =	sdelay $0x1  }
0xa7: {  	s23 =	simm.s32 $0x1B8B  }
0xa8: {  	_ =	swait.ge [sflag:s23], $0x1  }
0xa9: {  	[sflag:s23] =	ssyncset.done $0x0  }
0xaa: {  	s25 =	simm.s32 $0x1B8E;
	s24 =	sld [smem:$0x3FFE];
	[sflag:s23] =	ssyncadd.s32 $0xFFFFFFFF  }
0xab: {  	s26 =	simm.s32 $execute0_lowered;
	[smem:$0x3FD2] =	sst s25  }
0xac: {  	s5 =	sshll.u32 s26, $0x1;
	_ =	strace $0x80000046;
	[dreg:$0x1] =	wrdreg $0xFFFFFFFF  }
0xad: {  	s28 =	simm.s32 $_size_execute0_lowered;
	s3 =	sadd.s32 s3, s5;
	[dreg:$0x0] =	wrdreg $0x0  }
0xae: {  	s5 =	sshll.u32 s28, $0x1;
	[dreg:$0x2] =	wrdreg s3  }
0xaf: {  	[dreg:$0x3] =	wrdreg s5  }
0xb0: {  	[dreg:$0x4] =	wrdreg $0xC0  }
0xb1: {  	_ =	task [dreg:s7], $0x5FFFF  }
0xb2: {  	[dreg:$0x1] =	wrdreg $0xFFFFFFFF  }
0xb3: {  	[dreg:$0x0] =	wrdreg $0x60  }
0xb4: {  	[dreg:$0x2] =	wrdreg s16  }
0xb5: {  	[dreg:$0x3] =	wrdreg s24  }
0xb6: {  	[dreg:$0x4] =	wrdreg $0x9  }
0xb7: {  	_ =	task.clear_ibuf [dreg:s7], $0x5FFFF;
	_ =	strace $0x90000046  }
0xb8: {  	s29 =	simm.s32 $0x9;
	_ =	strace $0x80000048  }
0xb9: {  	_ =	swait.ge [sflag:s29], $0x1  }
0xba: {  	[sflag:s29] =	ssyncadd.s32 $0xFFFFFFFF  }
0xbb: {  	_ =	strace $0x90000048  }
0xbc: {  	_ =	sfence  }
0xbd: {  	s30 =	sld [smem:$0x0];
	_ =	sdelay $0x2  }
0xbe: {  	s31 =	sshll.u32 s1, $0xD;
	s1 =	sshrl.u32 s1, $0x2  }
0xbf: {  	s3 =	sand.u32 $0x4000, s31;
	s1 =	sadd.s32 s1, s30  }
0xc0: {  	s0 =	sor.u32 s3, s0;
	s1 =	sshll.u32 s1, $0x11  }
0xc1: {  	s0 =	sor.u32 s1, s0  }
0xc2: {  	s0 =	sadd.s32 $0x8F2B, s0  }
0xc3: {  	[sflag:s0] =	ssyncadd.remote.s32 $0x1  }
0xc4: {  	_ =	sfence.sel $0xFFFF  }
0xc5: {  	[dreg:$0x0] =	wrdreg $0xFFFFFFFF;
	(pc) =	sbr.abs _section_cstart, $3  }
0xc6: {  	[dreg:$0x1] =	wrdreg $0xFFFFFFFF  }
0xc7: {  	_ =	task.clear_ibuf [dreg:s7], $0x2FFFF;
	_ =	strace $0x9FFFFFFF  }
0xc8: {  	(tm) =	ssettm $0x7FFFFFFF  }
0xc9: {  	_ =	shalt  }
tec
execute0_lowered:
.L_overlay_start_1:
0x0: {  	(tag) =	ssettag $0x1  }
0x1: {  	s1 =	srdreg.scid  }
0x2: {  	s0 =	stileid.u32;
	s6 =	sand.u32 $0x1, s1  }
0x3: {  	s2 =	rddreg [dreg:$0x0];
	s30 =	sshll.u32 s0, $0x9;
	s3 =	sshll.u32 s6, $0x8  }
0x4: {  	s8 =	rddreg [dreg:$0x1];
	s7 =	simm.s32 $0x1;
	s9 =	sor.u32 s3, s30  }
0x5: {  	s1 =	rddreg [dreg:$0x2];
	s3 =	simm.s32 $0x0;
	s4 =	sshrl.u32 s9, $0x3  }
0x6: {  	s10 =	ssub.s32 $0x2, s6;
	[smem:$0x7FF] =	sst s3;
	s4 =	sadd.s32 s4, s8  }
0x7: {  	_ =	strace $0x80000047;
	s5 =	sadd.s32 $0x6800, s4;
	s4 =	simm.s32 $0x2  }
0x8: {  	[tilespmem:s3], [sflag:$0x2] =	stream.linear.gather [hbm4b:s5+s3], $0x100, $0x38;
	[tilespmem:$0x8100] =	vst v63  }
0x9: {  	s6 =	simm.s32 $0x100;
	s11 =	sshrl.u32 s10, $0x1;
	_ =	swait.ge [sflag:s4], $0x100  }
0xa: {  	s9 =	sshll.u32 s9, $0x4;
	s31 =	ssub.s32 s10, s11;
	[sflag:s4] =	ssyncset.done $0x0  }
0xb: {  	s8 =	sadd.s32 s9, s8;
	s9 =	smax.u32 s31, $0x1;
	[sflag:s4] =	ssyncadd.s32 $0xFFFFFF00  }
0xc: {  	[tilespmem:s6], [sflag:$0x1] =	stream.indirect.gather [hbm4b:s2+s6], $0x80, s3, s6, $0xb8;
	[tilespmem:$0x8100] =	vst v63  }
0xd: {  	p0 =	sne.s32 s9, $0x1;
	_ =	swait.ge [sflag:s7], $0x8000  }
.Ltmp0:
0xe: {  	[sflag:s7] =	ssyncset.done $0x0;
	(pc) =	sbr.rel @!p0 .LBB2_2-.Ltmp0, $4  }
0xf: {  	s8 =	sadd.s32 $0x6C00, s8;
	[sflag:s7] =	ssyncadd.s32 $0xFFFF8000  }
0x10: {  	[hbm4b:s8+s3] =	stream.linear.scatter [tilespmem:s6], [sflag:$0x2], $0x8000, $0x38;
	[tilespmem:$0x8100] =	vst v63  }
0x11: {  	_ =	swait.ge [sflag:s4], $0x8000  }
0x12: {  	s9 =	sadd.s32 $0xFFFFFFFF, s9;
	[sflag:s4] =	ssyncset.done $0x0  }
.LBB2_1:
0x13: {  	p0 =	sne.s32 s9, $0x1;
	s9 =	sadd.s32 $0xFFFFFFFF, s9;
	[sflag:s4] =	ssyncadd.s32 $0xFFFF8000  }
0x14: {  	[tilespmem:s3], [sflag:$0x2] =	stream.linear.gather [hbm4b:s5+s3], $0x100, $0x38;
	[tilespmem:$0x8100] =	vst v63  }
0x15: {  	_ =	swait.ge [sflag:s4], $0x100  }
0x16: {  	[sflag:s4] =	ssyncset.done $0x0  }
0x17: {  	[sflag:s4] =	ssyncadd.s32 $0xFFFFFF00  }
0x18: {  	[tilespmem:s6], [sflag:$0x1] =	stream.indirect.gather [hbm4b:s2+s6], $0x80, s3, s6, $0xb8;
	[tilespmem:$0x8100] =	vst v63  }
0x19: {  	_ =	swait.ge [sflag:s7], $0x8000  }
.Ltmp1:
0x1a: {  	[sflag:s7] =	ssyncset.done $0x0;
	(pc) =	sbr.rel @p0 .LBB2_1-.Ltmp1, $4  }
0x1b: {  	[sflag:s7] =	ssyncadd.s32 $0xFFFF8000  }
0x1c: {  	[hbm4b:s8+s3] =	stream.linear.scatter [tilespmem:s6], [sflag:$0x2], $0x8000, $0x38;
	[tilespmem:$0x8100] =	vst v63  }
0x1d: {  	_ =	swait.ge [sflag:s4], $0x8000  }
0x1e: {  	[sflag:s4] =	ssyncset.done $0x0  }
.LBB2_2:
0x1f: {  	[sflag:s4] =	ssyncadd.s32 $0xFFFF8000  }
0x20: {  	_ =	sfence.sel $0x180000  }
0x21: {  	[bflag:$0x0] =	sbarrier.arrive $0xFFFF  }
0x22: {  	p0 =	sne.s32 s0, $0x0;
	_ =	strace $0x90000047  }
0x23: {  	s0 =	sadd.s32 @!p0 $0x100000, s1;
	[bflag:$0x2] =	sbarrier.arrive $0xFFFF  }
0x24: {  	[sflag:s0] =	ssyncadd.tile.s32 @!p0 $0x1;
	_ =	shalt  }
.Lfunc_end2:
_tile_overlayer_lowered:
.L_overlay_start_2:
0x25: {  	(tag) =	ssettag $0x2  }
0x26: {  	s0 =	rddreg [dreg:$0x0];
	s2 =	stileid.u32  }
0x27: {  	s1 =	rddreg [dreg:$0x1];
	p0 =	sne.s32 s2, $0x0  }
0x28: {  	s3 =	rddreg [dreg:$0x2];
	[bflag:$0x3] =	sbarrier.arrive $0xFFFF;
	s2 =	simm.s32 @!p0 $0x1C02  }
0x29: {  	[timem:s3], [sflag:s2] =	dma.local @!p0 [hbm:s0], s1  }
0x2a: {  	s0 =	simm.s32 @!p0 $0x2  }
0x2b: {  	_ =	swait.ge @!p0 [sflag:s0], s1  }
0x2c: {  	s1 =	ssub.s32 @!p0 $0x0, s1;
	[sflag:s0] =	ssyncset.done @!p0 $0x0  }
0x2d: {  	[sflag:s0] =	ssyncadd.s32 @!p0 s1  }
0x2e: {  	[bflag:$0x3] =	sbarrier.arrive $0xFFFF  }
0x2f: {  	_ =	shalt  }

</sc_bundles>
